<compile_context>
chip_gen: v7x
topology: tpu7x:2x2x1
jax: 0.10.2.dev20260603
libtpu: 0.0.44.dev20260713+nightly
codegen_flags: <defaults>
</compile_context>

<pallas_src>
import functools

import jax
import jax.numpy as jnp
from jax import lax
from jax.experimental import pallas as pl
from jax.experimental.pallas import tpu as pltpu
from jax.experimental.pallas import tpu_sc as plsc

N = 10000
D = 128
E = 320000
NC = 2
NS = 16
NW = NC * NS
N_PAD = 10240
R_SUB = N_PAD // NS
CHUNK = 100
E_PER_S = E // NS
NCH = E_PER_S // CHUNK
MAIN = (NCH // 4) * 4 - 4

_mesh = plsc.VectorSubcoreMesh(core_axis_name="c", subcore_axis_name="s")



def _deg_body(ef0_hbm, ef1_hbm, out0_hbm, out1_hbm,
              idx_v, hist_v, red_v, red_sh, isem):
    c = lax.axis_index("c")
    s = lax.axis_index("s")

    def count(ef_hbm, out_hbm):
        src_slice = pl.ds(E + s * E_PER_S, E_PER_S)
        pltpu.async_copy(ef_hbm.at[src_slice], idx_v, isem)
        zeros16 = jnp.zeros((16,), jnp.float32)

        @pl.loop(0, N_PAD // 16)
        def _(i):
            hist_v[pl.ds(i * 16, 16)] = zeros16

        pltpu.make_async_copy(ef_hbm.at[src_slice], idx_v, isem).wait()
        ones16 = jnp.ones((16,), jnp.float32)

        @pl.loop(0, E_PER_S // 16)
        def _(i):
            iv = idx_v[pl.ds(i * 16, 16)]
            plsc.addupdate_scatter(hist_v, [iv], ones16)

        pltpu.sync_copy(hist_v, red_sh.at[pl.ds(s * N_PAD, N_PAD)])
        plsc.subcore_barrier()
        for r in range(NS):
            pltpu.async_copy(red_sh.at[pl.ds(r * N_PAD + s * R_SUB, R_SUB)],
                             red_v.at[pl.ds(r * R_SUB, R_SUB)], isem)
        for r in range(NS):
            pltpu.make_async_copy(red_sh.at[pl.ds(r * N_PAD + s * R_SUB, R_SUB)],
                                  red_v.at[pl.ds(r * R_SUB, R_SUB)], isem).wait()

        @pl.loop(0, R_SUB // 16)
        def _(l):
            v = red_v[pl.ds(l * 16, 16)]
            for r in range(1, NS):
                v = v + red_v[pl.ds(r * R_SUB + l * 16, 16)]
            hist_v[pl.ds(l * 16, 16)] = v

        pltpu.sync_copy(hist_v.at[pl.ds(0, R_SUB)],
                        out_hbm.at[pl.ds(s * R_SUB, R_SUB)])

    @pl.when(c == 0)
    def _():
        count(ef0_hbm, out0_hbm)

    @pl.when(c == 1)
    def _():
        count(ef1_hbm, out1_hbm)


def _deg_call(ef0, ef1):
    import dataclasses
    cp = pltpu.CompilerParams()
    if "needs_layout_passes" in pltpu.CompilerParams.__dataclass_fields__:
        cp = dataclasses.replace(cp, needs_layout_passes=False)
    out = jax.ShapeDtypeStruct((N_PAD,), jnp.float32)
    k = pl.kernel(
        _deg_body,
        out_type=(out, out),
        mesh=_mesh,
        scratch_types=[
            pltpu.VMEM((E_PER_S,), jnp.int32),
            pltpu.VMEM((N_PAD,), jnp.float32),
            pltpu.VMEM((NS * R_SUB,), jnp.float32),
            pltpu.VMEM_SHARED((NS * N_PAD,), jnp.float32),
            pltpu.SemaphoreType.DMA,
        ],
        compiler_params=cp,
    )
    return k(ef0, ef1)


SG = 8
NSTAGE = NCH // SG
NPAIR = NCH // 2


def _pay_body(y0_hbm, y1_hbm, e0R_hbm, e1R_hbm, zeros_hbm,
              out0_hbm, out1_hbm,
              srcA, dstA, srcB, dstB, rows0, rows1, sh,
              gsem0, gsem1, ssem0, ssem1, isem):
    c = lax.axis_index("c")
    s = lax.axis_index("s")

    def pipeline(y_hbm, eR_hbm, out_hbm):
        base = s * NCH
        pltpu.sync_copy(zeros_hbm, sh.at[pl.ds(s * R_SUB, R_SUB)])
        pltpu.sync_copy(eR_hbm.at[0, pl.ds(base, SG)], srcA)
        pltpu.sync_copy(eR_hbm.at[1, pl.ds(base, SG)], dstA)
        pltpu.async_copy(eR_hbm.at[0, pl.ds(base + SG, SG)], srcB, isem)
        pltpu.async_copy(eR_hbm.at[1, pl.ds(base + SG, SG)], dstB, isem)
        plsc.subcore_barrier()

        def g_start(srcI, r, rows, gsem):
            pltpu.async_copy(y_hbm.at[srcI.at[r]], rows, gsem)

        def g_wait(srcI, r, rows, gsem):
            pltpu.make_async_copy(y_hbm.at[srcI.at[r]], rows, gsem).wait()

        def s_fire(dstI, r, rows, ssem):
            pltpu.async_copy(rows, sh.at[dstI.at[r]], ssem, add=True)

        def s_drain(dstI, r, rows, ssem):
            pltpu.make_async_copy(rows, sh.at[dstI.at[r]], ssem).wait()

        def i_start(srcI, dstI, t):
            pltpu.async_copy(eR_hbm.at[0, pl.ds(base + t * SG, SG)], srcI, isem)
            pltpu.async_copy(eR_hbm.at[1, pl.ds(base + t * SG, SG)], dstI, isem)

        def i_wait(srcI, dstI, t):
            pltpu.make_async_copy(eR_hbm.at[0, pl.ds(base + t * SG, SG)],
                                  srcI, isem).wait()
            pltpu.make_async_copy(eR_hbm.at[1, pl.ds(base + t * SG, SG)],
                                  dstI, isem).wait()

        g_start(srcA, 0, rows0, gsem0)

        def pair_body(p, srcC, dstC, srcN, dstN):
            q = p % 4
            r0 = q * 2
            r1 = q * 2 + 1
            t = p // 4

            @pl.when(jnp.logical_and(p >= 1, q >= 1))
            def _():
                s_drain(dstC, r1 - 2, rows1, ssem1)

            @pl.when(jnp.logical_and(p >= 1, q == 0))
            def _():
                s_drain(dstN, SG - 1, rows1, ssem1)

            @pl.when(jnp.logical_and(q == 0, t + 1 <= NSTAGE - 1))
            def _():
                @pl.when(p >= 4)
                def _():
                    i_start(srcN, dstN, t + 1)

            g_start(srcC, r1, rows1, gsem1)
            g_wait(srcC, r0, rows0, gsem0)
            s_fire(dstC, r0, rows0, ssem0)
            s_drain(dstC, r0, rows0, ssem0)

            @pl.when(jnp.logical_and(q < 3, p < NPAIR - 1))
            def _():
                g_start(srcC, r0 + 2, rows0, gsem0)

            @pl.when(jnp.logical_and(q == 3, p < NPAIR - 1))
            def _():
                i_wait(srcN, dstN, t + 1)
                g_start(srcN, 0, rows0, gsem0)

            g_wait(srcC, r1, rows1, gsem1)
            s_fire(dstC, r1, rows1, ssem1)

        @pl.loop(0, NPAIR)
        def _(p):
            slot = (p // 4) % 2

            @pl.when(slot == 0)
            def _():
                pair_body(p, srcA, dstA, srcB, dstB)

            @pl.when(slot == 1)
            def _():
                pair_body(p, srcB, dstB, srcA, dstA)

        s_drain(dstA, SG - 1, rows1, ssem1)

        plsc.subcore_barrier()
        sl = pl.ds(s * R_SUB, R_SUB)
        pltpu.sync_copy(sh.at[sl], out_hbm.at[sl])

    @pl.when(c == 0)
    def _():
        pipeline(y0_hbm, e0R_hbm, out0_hbm)

    @pl.when(c == 1)
    def _():
        pipeline(y1_hbm, e1R_hbm, out1_hbm)


def _pay_call(y0, y1, e0R, e1R, zerosD):
    out = jax.ShapeDtypeStruct((N_PAD, D), jnp.float32)
    k = pl.kernel(
        _pay_body,
        out_type=(out, out),
        mesh=_mesh,
        scratch_types=[
            pltpu.VMEM((SG, CHUNK), jnp.int32),
            pltpu.VMEM((SG, CHUNK), jnp.int32),
            pltpu.VMEM((SG, CHUNK), jnp.int32),
            pltpu.VMEM((SG, CHUNK), jnp.int32),
            pltpu.VMEM((CHUNK, D), jnp.float32),
            pltpu.VMEM((CHUNK, D), jnp.float32),
            pltpu.VMEM_SHARED((N_PAD, D), jnp.float32),
            pltpu.SemaphoreType.DMA,
            pltpu.SemaphoreType.DMA,
            pltpu.SemaphoreType.DMA,
            pltpu.SemaphoreType.DMA,
            pltpu.SemaphoreType.DMA,
        ],
    )
    return k(y0, y1, e0R, e1R, zerosD)


BLK = 2000


def _prep_body(x0_ref, x1_ref, x2_ref, egoW_ref, egob_ref, W0_ref, W1_ref,
               d0_ref, d1_ref, hidden_ref, y0_ref, y1_ref):
    hidden_ref[...] = (
        jnp.dot(x0_ref[...], egoW_ref[...], preferred_element_type=jnp.float32)
        + egob_ref[...]
    )
    y0_ref[...] = lax.rsqrt(d0_ref[...] + 1.0) * jnp.dot(
        x1_ref[...], W0_ref[...], preferred_element_type=jnp.float32)
    y1_ref[...] = lax.rsqrt(d1_ref[...] + 1.0) * jnp.dot(
        x2_ref[...], W1_ref[...], preferred_element_type=jnp.float32)


def _final_body(hidden_ref, y0_ref, y1_ref, a0_ref, a1_ref,
                d0_ref, d1_ref, b0_ref, b1_ref, out_ref):
    dinv0 = lax.rsqrt(d0_ref[...] + 1.0)
    p0 = dinv0 * (a0_ref[...] + y0_ref[...]) + b0_ref[...]
    dinv1 = lax.rsqrt(d1_ref[...] + 1.0)
    p1 = dinv1 * (a1_ref[...] + y1_ref[...]) + b1_ref[...]
    out_ref[...] = (hidden_ref[...] + jnp.maximum(p0, 0.0) + jnp.maximum(p1, 0.0))


def _row_spec(w):
    return pl.BlockSpec((BLK, w), lambda i: (i, 0))


def _deg_spec():
    return pl.BlockSpec((BLK, 1), lambda i: (i, 0))


def _full_spec(h, w):
    return pl.BlockSpec((h, w), lambda i: (0, 0))


def _prep_call(x0, x1, x2, egoW, egob, W0, W1, d0, d1):
    outs = [jax.ShapeDtypeStruct((N, D), jnp.float32)] * 3
    return pl.pallas_call(
        _prep_body,
        grid=(N // BLK,),
        in_specs=[
            _row_spec(D), _row_spec(D), _row_spec(D),
            _full_spec(D, D), _full_spec(1, D), _full_spec(D, D), _full_spec(D, D),
            _deg_spec(), _deg_spec(),
        ],
        out_specs=[_row_spec(D)] * 3,
        out_shape=outs,
    )(x0, x1, x2, egoW, egob, W0, W1, d0, d1)


def _final_call(hidden, y0, y1, a0, a1, d0, d1, b0, b1):
    return pl.pallas_call(
        _final_body,
        grid=(N // BLK,),
        in_specs=[
            _row_spec(D), _row_spec(D), _row_spec(D),
            _row_spec(D), _row_spec(D),
            _deg_spec(), _deg_spec(),
            _full_spec(1, D), _full_spec(1, D),
        ],
        out_specs=_row_spec(D),
        out_shape=jax.ShapeDtypeStruct((N, D), jnp.float32),
    )(hidden, y0, y1, a0, a1, d0, d1, b0, b1)


def kernel(x0, x1, x2, ei0, ei1, ego_W, ego_b, W0, b0, W1, b1):
    e0R = ei0.reshape(2, E // CHUNK, CHUNK)
    e1R = ei1.reshape(2, E // CHUNK, CHUNK)
    onesD = jnp.ones((CHUNK, D), jnp.float32)
    zerosD = jnp.zeros((R_SUB, D), jnp.float32)

    deg0, deg1 = _deg_call(ei0.reshape(2 * E), ei1.reshape(2 * E))
    deg0 = deg0.reshape(N_PAD, 1)
    deg1 = deg1.reshape(N_PAD, 1)

    hidden, y0, y1 = _prep_call(x0, x1, x2, ego_W, ego_b.reshape(1, D), W0, W1,
                                deg0, deg1)

    acc0, acc1 = _pay_call(y0, y1, e0R, e1R, zerosD)

    return _final_call(hidden, y0, y1, acc0, acc1, deg0, deg1,
                       b0.reshape(1, D), b1.reshape(1, D))

# --- scband reference (transcript-rebuilt; emitter-appended) ---
"""Pipeline reference for scband-a-asyn-gcnlayer-70188355551845 (READ-ONLY COPY).

The authoritative reference and input builder live on the scoring server;
editing this copy changes nothing except your own understanding.
"""

import jax, jax.numpy as jnp
import numpy as np

N = 10000
D_IN = 128
D_OUT = 128
E = 320000
N_HOP = 2


def gcn_conv(x, edge_index, W, b):
    # PyG GCNConv: add self-loops, symmetric normalization, linear, scatter-add, bias
    src = edge_index[0]
    dst = edge_index[1]
    loop = jnp.arange(N, dtype=edge_index.dtype)
    src = jnp.concatenate([src, loop])
    dst = jnp.concatenate([dst, loop])
    xw = x @ W
    deg = jnp.zeros((N,), dtype=x.dtype).at[dst].add(1.0)
    dinv = jnp.where(deg > 0, jax.lax.rsqrt(deg), 0.0)
    norm = dinv[src] * dinv[dst]
    out = jnp.zeros((N, W.shape[1]), dtype=x.dtype).at[dst].add(norm[:, None] * xw[src])
    return out + b


def setup_inputs(seed: int = 0) -> dict:
    key = jax.random.key(seed)
    ks = jax.random.split(key, 12)
    x0 = jax.random.normal(ks[0], (N, D_IN), dtype=jnp.float32)
    x1 = jax.random.normal(ks[1], (N, D_IN), dtype=jnp.float32)
    x2 = jax.random.normal(ks[2], (N, D_IN), dtype=jnp.float32)
    ei0 = jax.random.randint(ks[3], (2, E), 0, N, dtype=jnp.int32)
    ei1 = jax.random.randint(ks[4], (2, E), 0, N, dtype=jnp.int32)
    s_in = 1.0 / np.sqrt(D_IN)
    ego_W = jax.random.uniform(ks[5], (D_IN, D_OUT), jnp.float32, -s_in, s_in)
    ego_b = jax.random.uniform(ks[6], (D_OUT,), jnp.float32, -s_in, s_in)
    W0 = jax.random.uniform(ks[7], (D_IN, D_OUT), jnp.float32, -s_in, s_in)
    b0 = jnp.zeros((D_OUT,), jnp.float32)
    W1 = jax.random.uniform(ks[8], (D_IN, D_OUT), jnp.float32, -s_in, s_in)
    b1 = jnp.zeros((D_OUT,), jnp.float32)
    return {"x0": x0, "x1": x1, "x2": x2, "ei0": ei0, "ei1": ei1,
            "ego_W": ego_W, "ego_b": ego_b, "W0": W0, "b0": b0, "W1": W1, "b1": b1}


def reference(x0, x1, x2, ei0, ei1, ego_W, ego_b, W0, b0, W1, b1):
    # eval mode: dropout is identity; norm=None -> identity norm layers
    hidden = x0 @ ego_W + ego_b
    prop0 = gcn_conv(x1, ei0, W0, b0)
    hidden = hidden + jax.nn.relu(prop0)
    prop1 = gcn_conv(x2, ei1, W1, b1)
    hidden = hidden + jax.nn.relu(prop1)
    return hidden

if __name__ == "__main__":
    import jax
    _d = setup_inputs()
    print(jax.jit(kernel)(*tuple(_d.values())))

</pallas_src>

<mosaic_0001>
#map = affine_map<(d0, d1) -> (0)>
module attributes {stable_mosaic.version = 14 : i64} {
  func.func @_deg_body(%arg0: i32, %arg1: i32, %arg2: memref<640000xi32, #tpu.memory_space<hbm>>, %arg3: memref<640000xi32, #tpu.memory_space<hbm>>, %arg4: memref<10240xf32, #tpu.memory_space<hbm>>, %arg5: memref<10240xf32, #tpu.memory_space<hbm>>, %arg6: memref<20000xi32, #tpu.memory_space<vmem>>, %arg7: memref<10240xf32, #tpu.memory_space<vmem>>, %arg8: memref<10240xf32, #tpu.memory_space<vmem>>, %arg9: memref<163840xf32, #tpu.memory_space<vmem_shared>>, %arg10: memref<!tpu.dma_semaphore, #tpu.memory_space<semaphore_mem>>) attributes {dimension_semantics = [#tpu.dimension_semantics<core_parallel>, #tpu.dimension_semantics<subcore_parallel>], iteration_bounds = array<i64: 2, 16>, scalar_prefetch = 0 : i64, scratch_operands = 5 : i64, tpu.core_type = #tpu.core_type<sc_vector_subcore>, window_params = [{transform_indices = #map}, {transform_indices = #map}, {transform_indices = #map}, {transform_indices = #map}]} {
    %eq3A = arith.constant 0 : i32
    %eq3A_0 = arith.cmpi eq, %arg0, %eq3A : i32
    %convert_element_type3A = arith.extui %eq3A_0 : i1 to i32
    %cond3A = arith.constant 0 : i32
    %cond3A_1 = arith.cmpi ne, %convert_element_type3A, %cond3A : i32
    scf.if %cond3A_1 {
      %mul3A = arith.constant 20000 : i32
      %mul3A_7 = arith.muli %arg1, %mul3A : i32
      %add3A = arith.constant 320000 : i32
      %add3A_8 = arith.addi %add3A, %mul3A_7 : i32
      %dma_start3A = tpu.memref_slice %arg2[%add3A_8] : memref<640000xi32, #tpu.memory_space<hbm>> -> memref<20000xi32, #tpu.memory_space<hbm>>
      %dma_start3A_9 = tpu.memref_slice %arg2[%add3A_8] : memref<640000xi32, #tpu.memory_space<hbm>> -> memref<20000xi32, #tpu.memory_space<hbm>>
      tpu.enqueue_dma source(%dma_start3A_9 : memref<20000xi32, #tpu.memory_space<hbm>>) target(%arg6 : memref<20000xi32, #tpu.memory_space<vmem>>) target_semaphore(%arg10 : memref<!tpu.dma_semaphore, #tpu.memory_space<semaphore_mem>>)
      %broadcast_in_dim3A = arith.constant 0.000000e+00 : f32
      %broadcast_in_dim3A_10 = vector.broadcast %broadcast_in_dim3A : f32 to vector<16xf32>
      %scan3A = arith.constant 0 : i32
      %scan3A_11 = arith.constant 640 : i32
      %scan3A_12 = arith.addi %scan3A, %scan3A_11 : i32
      %scan3A_13 = arith.constant 1 : i32
      scf.for %scan3A_352 = %scan3A to %scan3A_12 step %scan3A_13  : i32 {
        %mul3A_353 = arith.constant 1 : i32
        %mul3A_354 = arith.muli %scan3A_352, %mul3A_353 : i32
        %add3A_355 = arith.constant 0 : i32
        %add3A_356 = arith.addi %add3A_355, %mul3A_354 : i32
        %mul3A_357 = arith.constant 16 : i32
        %mul3A_358 = arith.muli %add3A_356, %mul3A_357 : i32
        %swap3A = arith.index_cast %mul3A_358 : i32 to index
        %swap3A_359 = tpu.vector_load %arg7[%swap3A] {strides = array<i32>} : memref<10240xf32, #tpu.memory_space<vmem>>, vector<16xf32>,
        tpu.vector_store %arg7[%swap3A], %broadcast_in_dim3A_10 {strides = array<i32>} : memref<10240xf32, #tpu.memory_space<vmem>>, vector<16xf32>,
      }
      %scan3A_14 = arith.constant 640 : i32
      %dma_wait3A = tpu.memref_slice %arg2[%add3A_8] : memref<640000xi32, #tpu.memory_space<hbm>> -> memref<20000xi32, #tpu.memory_space<hbm>>
      %dma_wait3A_15 = tpu.memref_slice %arg2[%add3A_8] : memref<640000xi32, #tpu.memory_space<hbm>> -> memref<20000xi32, #tpu.memory_space<hbm>>
      tpu.wait_dma2 semaphore(%arg10 : memref<!tpu.dma_semaphore, #tpu.memory_space<semaphore_mem>>) src(%dma_wait3A_15 : memref<20000xi32, #tpu.memory_space<hbm>>) dst(%arg6 : memref<20000xi32, #tpu.memory_space<vmem>>)
      %broadcast_in_dim3A_16 = arith.constant 1.000000e+00 : f32
      %broadcast_in_dim3A_17 = vector.broadcast %broadcast_in_dim3A_16 : f32 to vector<16xf32>
      %scan3A_18 = arith.constant 0 : i32
      %scan3A_19 = arith.constant 1250 : i32
      %scan3A_20 = arith.addi %scan3A_18, %scan3A_19 : i32
      %scan3A_21 = arith.constant 1 : i32
      scf.for %scan3A_352 = %scan3A_18 to %scan3A_20 step %scan3A_21  : i32 {
        %mul3A_353 = arith.constant 1 : i32
        %mul3A_354 = arith.muli %scan3A_352, %mul3A_353 : i32
        %add3A_355 = arith.constant 0 : i32
        %add3A_356 = arith.addi %add3A_355, %mul3A_354 : i32
        %mul3A_357 = arith.constant 16 : i32
        %mul3A_358 = arith.muli %add3A_356, %mul3A_357 : i32
        %get3A = arith.index_cast %mul3A_358 : i32 to index
        %get3A_359 = tpu.vector_load %arg6[%get3A] {strides = array<i32>} : memref<20000xi32, #tpu.memory_space<vmem>>, vector<16xi32>,
        tpu.vector_store_idx %arg7[%get3A_359], %broadcast_in_dim3A_17 {add = true} : memref<10240xf32, #tpu.memory_space<vmem>>[vector<16xi32>], vector<16xf32>,
      }
      %scan3A_22 = arith.constant 1250 : i32
      %mul3A_23 = arith.constant 10240 : i32
      %mul3A_24 = arith.muli %arg1, %mul3A_23 : i32
      "tpu.region"() ({
        %run_scoped3A = tpu.sem_alloc : memref<!tpu.dma_semaphore, #tpu.memory_space<semaphore_mem>>
        %dma_start3A_352 = tpu.memref_slice %arg9[%mul3A_24] : memref<163840xf32, #tpu.memory_space<vmem_shared>> -> memref<10240xf32, #tpu.memory_space<vmem_shared>>
        %dma_start3A_353 = tpu.memref_slice %arg9[%mul3A_24] : memref<163840xf32, #tpu.memory_space<vmem_shared>> -> memref<10240xf32, #tpu.memory_space<vmem_shared>>
        tpu.enqueue_dma source(%arg7 : memref<10240xf32, #tpu.memory_space<vmem>>) target(%dma_start3A_353 : memref<10240xf32, #tpu.memory_space<vmem_shared>>) target_semaphore(%run_scoped3A : memref<!tpu.dma_semaphore, #tpu.memory_space<semaphore_mem>>)
        %dma_wait3A_354 = tpu.memref_slice %arg9[%mul3A_24] : memref<163840xf32, #tpu.memory_space<vmem_shared>> -> memref<10240xf32, #tpu.memory_space<vmem_shared>>
        %dma_wait3A_355 = tpu.memref_slice %arg9[%mul3A_24] : memref<163840xf32, #tpu.memory_space<vmem_shared>> -> memref<10240xf32, #tpu.memory_space<vmem_shared>>
        tpu.wait_dma2 semaphore(%run_scoped3A : memref<!tpu.dma_semaphore, #tpu.memory_space<semaphore_mem>>) src(%arg7 : memref<10240xf32, #tpu.memory_space<vmem>>) dst(%dma_wait3A_355 : memref<10240xf32, #tpu.memory_space<vmem_shared>>)
        tpu.yield
      }) : () -> ()
      %barrier3A = arith.constant 0 : index
      tpu.barrier barrier_id(%barrier3A)
      %mul3A_25 = arith.constant 640 : i32
      %mul3A_26 = arith.muli %arg1, %mul3A_25 : i32
      %add3A_27 = arith.constant 0 : i32
      %add3A_28 = arith.addi %add3A_27, %mul3A_26 : i32
      %dma_start3A_29 = arith.constant 0 : i32
      %dma_start3A_30 = tpu.memref_slice %arg8[%dma_start3A_29] : memref<10240xf32, #tpu.memory_space<vmem>> -> memref<640xf32, #tpu.memory_space<vmem>>
      %dma_start3A_31 = tpu.memref_slice %arg9[%add3A_28] : memref<163840xf32, #tpu.memory_space<vmem_shared>> -> memref<640xf32, #tpu.memory_space<vmem_shared>>
      %dma_start3A_32 = arith.constant 0 : i32
      %dma_start3A_33 = tpu.memref_slice %arg8[%dma_start3A_32] : memref<10240xf32, #tpu.memory_space<vmem>> -> memref<640xf32, #tpu.memory_space<vmem>>
      %dma_start3A_34 = tpu.memref_slice %arg9[%add3A_28] : memref<163840xf32, #tpu.memory_space<vmem_shared>> -> memref<640xf32, #tpu.memory_space<vmem_shared>>
      tpu.enqueue_dma source(%dma_start3A_34 : memref<640xf32, #tpu.memory_space<vmem_shared>>) target(%dma_start3A_33 : memref<640xf32, #tpu.memory_space<vmem>>) target_semaphore(%arg10 : memref<!tpu.dma_semaphore, #tpu.memory_space<semaphore_mem>>)
      %mul3A_35 = arith.constant 640 : i32
      %mul3A_36 = arith.muli %arg1, %mul3A_35 : i32
      %add3A_37 = arith.constant 10240 : i32
      %add3A_38 = arith.addi %add3A_37, %mul3A_36 : i32
      %dma_start3A_39 = arith.constant 640 : i32
      %dma_start3A_40 = tpu.memref_slice %arg8[%dma_start3A_39] : memref<10240xf32, #tpu.memory_space<vmem>> -> memref<640xf32, #tpu.memory_space<vmem>>
      %dma_start3A_41 = tpu.memref_slice %arg9[%add3A_38] : memref<163840xf32, #tpu.memory_space<vmem_shared>> -> memref<640xf32, #tpu.memory_space<vmem_shared>>
      %dma_start3A_42 = arith.constant 640 : i32
      %dma_start3A_43 = tpu.memref_slice %arg8[%dma_start3A_42] : memref<10240xf32, #tpu.memory_space<vmem>> -> memref<640xf32, #tpu.memory_space<vmem>>
      %dma_start3A_44 = tpu.memref_slice %arg9[%add3A_38] : memref<163840xf32, #tpu.memory_space<vmem_shared>> -> memref<640xf32, #tpu.memory_space<vmem_shared>>
      tpu.enqueue_dma source(%dma_start3A_44 : memref<640xf32, #tpu.memory_space<vmem_shared>>) target(%dma_start3A_43 : memref<640xf32, #tpu.memory_space<vmem>>) target_semaphore(%arg10 : memref<!tpu.dma_semaphore, #tpu.memory_space<semaphore_mem>>)
      %mul3A_45 = arith.constant 640 : i32
      %mul3A_46 = arith.muli %arg1, %mul3A_45 : i32
      %add3A_47 = arith.constant 20480 : i32
      %add3A_48 = arith.addi %add3A_47, %mul3A_46 : i32
      %dma_start3A_49 = arith.constant 1280 : i32
      %dma_start3A_50 = tpu.memref_slice %arg8[%dma_start3A_49] : memref<10240xf32, #tpu.memory_space<vmem>> -> memref<640xf32, #tpu.memory_space<vmem>>
      %dma_start3A_51 = tpu.memref_slice %arg9[%add3A_48] : memref<163840xf32, #tpu.memory_space<vmem_shared>> -> memref<640xf32, #tpu.memory_space<vmem_shared>>
      %dma_start3A_52 = arith.constant 1280 : i32
      %dma_start3A_53 = tpu.memref_slice %arg8[%dma_start3A_52] : memref<10240xf32, #tpu.memory_space<vmem>> -> memref<640xf32, #tpu.memory_space<vmem>>
      %dma_start3A_54 = tpu.memref_slice %arg9[%add3A_48] : memref<163840xf32, #tpu.memory_space<vmem_shared>> -> memref<640xf32, #tpu.memory_space<vmem_shared>>
      tpu.enqueue_dma source(%dma_start3A_54 : memref<640xf32, #tpu.memory_space<vmem_shared>>) target(%dma_start3A_53 : memref<640xf32, #tpu.memory_space<vmem>>) target_semaphore(%arg10 : memref<!tpu.dma_semaphore, #tpu.memory_space<semaphore_mem>>)
      %mul3A_55 = arith.constant 640 : i32
      %mul3A_56 = arith.muli %arg1, %mul3A_55 : i32
      %add3A_57 = arith.constant 30720 : i32
      %add3A_58 = arith.addi %add3A_57, %mul3A_56 : i32
      %dma_start3A_59 = arith.constant 1920 : i32
      %dma_start3A_60 = tpu.memref_slice %arg8[%dma_start3A_59] : memref<10240xf32, #tpu.memory_space<vmem>> -> memref<640xf32, #tpu.memory_space<vmem>>
      %dma_start3A_61 = tpu.memref_slice %arg9[%add3A_58] : memref<163840xf32, #tpu.memory_space<vmem_shared>> -> memref<640xf32, #tpu.memory_space<vmem_shared>>
      %dma_start3A_62 = arith.constant 1920 : i32
      %dma_start3A_63 = tpu.memref_slice %arg8[%dma_start3A_62] : memref<10240xf32, #tpu.memory_space<vmem>> -> memref<640xf32, #tpu.memory_space<vmem>>
      %dma_start3A_64 = tpu.memref_slice %arg9[%add3A_58] : memref<163840xf32, #tpu.memory_space<vmem_shared>> -> memref<640xf32, #tpu.memory_space<vmem_shared>>
      tpu.enqueue_dma source(%dma_start3A_64 : memref<640xf32, #tpu.memory_space<vmem_shared>>) target(%dma_start3A_63 : memref<640xf32, #tpu.memory_space<vmem>>) target_semaphore(%arg10 : memref<!tpu.dma_semaphore, #tpu.memory_space<semaphore_mem>>)
      %mul3A_65 = arith.constant 640 : i32
      %mul3A_66 = arith.muli %arg1, %mul3A_65 : i32
      %add3A_67 = arith.constant 40960 : i32
      %add3A_68 = arith.addi %add3A_67, %mul3A_66 : i32
      %dma_start3A_69 = arith.constant 2560 : i32
      %dma_start3A_70 = tpu.memref_slice %arg8[%dma_start3A_69] : memref<10240xf32, #tpu.memory_space<vmem>> -> memref<640xf32, #tpu.memory_space<vmem>>
      %dma_start3A_71 = tpu.memref_slice %arg9[%add3A_68] : memref<163840xf32, #tpu.memory_space<vmem_shared>> -> memref<640xf32, #tpu.memory_space<vmem_shared>>
      %dma_start3A_72 = arith.constant 2560 : i32
      %dma_start3A_73 = tpu.memref_slice %arg8[%dma_start3A_72] : memref<10240xf32, #tpu.memory_space<vmem>> -> memref<640xf32, #tpu.memory_space<vmem>>
      %dma_start3A_74 = tpu.memref_slice %arg9[%add3A_68] : memref<163840xf32, #tpu.memory_space<vmem_shared>> -> memref<640xf32, #tpu.memory_space<vmem_shared>>
      tpu.enqueue_dma source(%dma_start3A_74 : memref<640xf32, #tpu.memory_space<vmem_shared>>) target(%dma_start3A_73 : memref<640xf32, #tpu.memory_space<vmem>>) target_semaphore(%arg10 : memref<!tpu.dma_semaphore, #tpu.memory_space<semaphore_mem>>)
      %mul3A_75 = arith.constant 640 : i32
      %mul3A_76 = arith.muli %arg1, %mul3A_75 : i32
      %add3A_77 = arith.constant 51200 : i32
      %add3A_78 = arith.addi %add3A_77, %mul3A_76 : i32
      %dma_start3A_79 = arith.constant 3200 : i32
      %dma_start3A_80 = tpu.memref_slice %arg8[%dma_start3A_79] : memref<10240xf32, #tpu.memory_space<vmem>> -> memref<640xf32, #tpu.memory_space<vmem>>
      %dma_start3A_81 = tpu.memref_slice %arg9[%add3A_78] : memref<163840xf32, #tpu.memory_space<vmem_shared>> -> memref<640xf32, #tpu.memory_space<vmem_shared>>
      %dma_start3A_82 = arith.constant 3200 : i32
      %dma_start3A_83 = tpu.memref_slice %arg8[%dma_start3A_82] : memref<10240xf32, #tpu.memory_space<vmem>> -> memref<640xf32, #tpu.memory_space<vmem>>
      %dma_start3A_84 = tpu.memref_slice %arg9[%add3A_78] : memref<163840xf32, #tpu.memory_space<vmem_shared>> -> memref<640xf32, #tpu.memory_space<vmem_shared>>
      tpu.enqueue_dma source(%dma_start3A_84 : memref<640xf32, #tpu.memory_space<vmem_shared>>) target(%dma_start3A_83 : memref<640xf32, #tpu.memory_space<vmem>>) target_semaphore(%arg10 : memref<!tpu.dma_semaphore, #tpu.memory_space<semaphore_mem>>)
      %mul3A_85 = arith.constant 640 : i32
      %mul3A_86 = arith.muli %arg1, %mul3A_85 : i32
      %add3A_87 = arith.constant 61440 : i32
      %add3A_88 = arith.addi %add3A_87, %mul3A_86 : i32
      %dma_start3A_89 = arith.constant 3840 : i32
      %dma_start3A_90 = tpu.memref_slice %arg8[%dma_start3A_89] : memref<10240xf32, #tpu.memory_space<vmem>> -> memref<640xf32, #tpu.memory_space<vmem>>
      %dma_start3A_91 = tpu.memref_slice %arg9[%add3A_88] : memref<163840xf32, #tpu.memory_space<vmem_shared>> -> memref<640xf32, #tpu.memory_space<vmem_shared>>
      %dma_start3A_92 = arith.constant 3840 : i32
      %dma_start3A_93 = tpu.memref_slice %arg8[%dma_start3A_92] : memref<10240xf32, #tpu.memory_space<vmem>> -> memref<640xf32, #tpu.memory_space<vmem>>
      %dma_start3A_94 = tpu.memref_slice %arg9[%add3A_88] : memref<163840xf32, #tpu.memory_space<vmem_shared>> -> memref<640xf32, #tpu.memory_space<vmem_shared>>
      tpu.enqueue_dma source(%dma_start3A_94 : memref<640xf32, #tpu.memory_space<vmem_shared>>) target(%dma_start3A_93 : memref<640xf32, #tpu.memory_space<vmem>>) target_semaphore(%arg10 : memref<!tpu.dma_semaphore, #tpu.memory_space<semaphore_mem>>)
      %mul3A_95 = arith.constant 640 : i32
      %mul3A_96 = arith.muli %arg1, %mul3A_95 : i32
      %add3A_97 = arith.constant 71680 : i32
      %add3A_98 = arith.addi %add3A_97, %mul3A_96 : i32
      %dma_start3A_99 = arith.constant 4480 : i32
      %dma_start3A_100 = tpu.memref_slice %arg8[%dma_start3A_99] : memref<10240xf32, #tpu.memory_space<vmem>> -> memref<640xf32, #tpu.memory_space<vmem>>
      %dma_start3A_101 = tpu.memref_slice %arg9[%add3A_98] : memref<163840xf32, #tpu.memory_space<vmem_shared>> -> memref<640xf32, #tpu.memory_space<vmem_shared>>
      %dma_start3A_102 = arith.constant 4480 : i32
      %dma_start3A_103 = tpu.memref_slice %arg8[%dma_start3A_102] : memref<10240xf32, #tpu.memory_space<vmem>> -> memref<640xf32, #tpu.memory_space<vmem>>
      %dma_start3A_104 = tpu.memref_slice %arg9[%add3A_98] : memref<163840xf32, #tpu.memory_space<vmem_shared>> -> memref<640xf32, #tpu.memory_space<vmem_shared>>
      tpu.enqueue_dma source(%dma_start3A_104 : memref<640xf32, #tpu.memory_space<vmem_shared>>) target(%dma_start3A_103 : memref<640xf32, #tpu.memory_space<vmem>>) target_semaphore(%arg10 : memref<!tpu.dma_semaphore, #tpu.memory_space<semaphore_mem>>)
      %mul3A_105 = arith.constant 640 : i32
      %mul3A_106 = arith.muli %arg1, %mul3A_105 : i32
      %add3A_107 = arith.constant 81920 : i32
      %add3A_108 = arith.addi %add3A_107, %mul3A_106 : i32
      %dma_start3A_109 = arith.constant 5120 : i32
      %dma_start3A_110 = tpu.memref_slice %arg8[%dma_start3A_109] : memref<10240xf32, #tpu.memory_space<vmem>> -> memref<640xf32, #tpu.memory_space<vmem>>
      %dma_start3A_111 = tpu.memref_slice %arg9[%add3A_108] : memref<163840xf32, #tpu.memory_space<vmem_shared>> -> memref<640xf32, #tpu.memory_space<vmem_shared>>
      %dma_start3A_112 = arith.constant 5120 : i32
      %dma_start3A_113 = tpu.memref_slice %arg8[%dma_start3A_112] : memref<10240xf32, #tpu.memory_space<vmem>> -> memref<640xf32, #tpu.memory_space<vmem>>
      %dma_start3A_114 = tpu.memref_slice %arg9[%add3A_108] : memref<163840xf32, #tpu.memory_space<vmem_shared>> -> memref<640xf32, #tpu.memory_space<vmem_shared>>
      tpu.enqueue_dma source(%dma_start3A_114 : memref<640xf32, #tpu.memory_space<vmem_shared>>) target(%dma_start3A_113 : memref<640xf32, #tpu.memory_space<vmem>>) target_semaphore(%arg10 : memref<!tpu.dma_semaphore, #tpu.memory_space<semaphore_mem>>)
      %mul3A_115 = arith.constant 640 : i32
      %mul3A_116 = arith.muli %arg1, %mul3A_115 : i32
      %add3A_117 = arith.constant 92160 : i32
      %add3A_118 = arith.addi %add3A_117, %mul3A_116 : i32
      %dma_start3A_119 = arith.constant 5760 : i32
      %dma_start3A_120 = tpu.memref_slice %arg8[%dma_start3A_119] : memref<10240xf32, #tpu.memory_space<vmem>> -> memref<640xf32, #tpu.memory_space<vmem>>
      %dma_start3A_121 = tpu.memref_slice %arg9[%add3A_118] : memref<163840xf32, #tpu.memory_space<vmem_shared>> -> memref<640xf32, #tpu.memory_space<vmem_shared>>
      %dma_start3A_122 = arith.constant 5760 : i32
      %dma_start3A_123 = tpu.memref_slice %arg8[%dma_start3A_122] : memref<10240xf32, #tpu.memory_space<vmem>> -> memref<640xf32, #tpu.memory_space<vmem>>
      %dma_start3A_124 = tpu.memref_slice %arg9[%add3A_118] : memref<163840xf32, #tpu.memory_space<vmem_shared>> -> memref<640xf32, #tpu.memory_space<vmem_shared>>
      tpu.enqueue_dma source(%dma_start3A_124 : memref<640xf32, #tpu.memory_space<vmem_shared>>) target(%dma_start3A_123 : memref<640xf32, #tpu.memory_space<vmem>>) target_semaphore(%arg10 : memref<!tpu.dma_semaphore, #tpu.memory_space<semaphore_mem>>)
      %mul3A_125 = arith.constant 640 : i32
      %mul3A_126 = arith.muli %arg1, %mul3A_125 : i32
      %add3A_127 = arith.constant 102400 : i32
      %add3A_128 = arith.addi %add3A_127, %mul3A_126 : i32
      %dma_start3A_129 = arith.constant 6400 : i32
      %dma_start3A_130 = tpu.memref_slice %arg8[%dma_start3A_129] : memref<10240xf32, #tpu.memory_space<vmem>> -> memref<640xf32, #tpu.memory_space<vmem>>
      %dma_start3A_131 = tpu.memref_slice %arg9[%add3A_128] : memref<163840xf32, #tpu.memory_space<vmem_shared>> -> memref<640xf32, #tpu.memory_space<vmem_shared>>
      %dma_start3A_132 = arith.constant 6400 : i32
      %dma_start3A_133 = tpu.memref_slice %arg8[%dma_start3A_132] : memref<10240xf32, #tpu.memory_space<vmem>> -> memref<640xf32, #tpu.memory_space<vmem>>
      %dma_start3A_134 = tpu.memref_slice %arg9[%add3A_128] : memref<163840xf32, #tpu.memory_space<vmem_shared>> -> memref<640xf32, #tpu.memory_space<vmem_shared>>
      tpu.enqueue_dma source(%dma_start3A_134 : memref<640xf32, #tpu.memory_space<vmem_shared>>) target(%dma_start3A_133 : memref<640xf32, #tpu.memory_space<vmem>>) target_semaphore(%arg10 : memref<!tpu.dma_semaphore, #tpu.memory_space<semaphore_mem>>)
      %mul3A_135 = arith.constant 640 : i32
      %mul3A_136 = arith.muli %arg1, %mul3A_135 : i32
      %add3A_137 = arith.constant 112640 : i32
      %add3A_138 = arith.addi %add3A_137, %mul3A_136 : i32
      %dma_start3A_139 = arith.constant 7040 : i32
      %dma_start3A_140 = tpu.memref_slice %arg8[%dma_start3A_139] : memref<10240xf32, #tpu.memory_space<vmem>> -> memref<640xf32, #tpu.memory_space<vmem>>
      %dma_start3A_141 = tpu.memref_slice %arg9[%add3A_138] : memref<163840xf32, #tpu.memory_space<vmem_shared>> -> memref<640xf32, #tpu.memory_space<vmem_shared>>
      %dma_start3A_142 = arith.constant 7040 : i32
      %dma_start3A_143 = tpu.memref_slice %arg8[%dma_start3A_142] : memref<10240xf32, #tpu.memory_space<vmem>> -> memref<640xf32, #tpu.memory_space<vmem>>
      %dma_start3A_144 = tpu.memref_slice %arg9[%add3A_138] : memref<163840xf32, #tpu.memory_space<vmem_shared>> -> memref<640xf32, #tpu.memory_space<vmem_shared>>
      tpu.enqueue_dma source(%dma_start3A_144 : memref<640xf32, #tpu.memory_space<vmem_shared>>) target(%dma_start3A_143 : memref<640xf32, #tpu.memory_space<vmem>>) target_semaphore(%arg10 : memref<!tpu.dma_semaphore, #tpu.memory_space<semaphore_mem>>)
      %mul3A_145 = arith.constant 640 : i32
      %mul3A_146 = arith.muli %arg1, %mul3A_145 : i32
      %add3A_147 = arith.constant 122880 : i32
      %add3A_148 = arith.addi %add3A_147, %mul3A_146 : i32
      %dma_start3A_149 = arith.constant 7680 : i32
      %dma_start3A_150 = tpu.memref_slice %arg8[%dma_start3A_149] : memref<10240xf32, #tpu.memory_space<vmem>> -> memref<640xf32, #tpu.memory_space<vmem>>
      %dma_start3A_151 = tpu.memref_slice %arg9[%add3A_148] : memref<163840xf32, #tpu.memory_space<vmem_shared>> -> memref<640xf32, #tpu.memory_space<vmem_shared>>
      %dma_start3A_152 = arith.constant 7680 : i32
      %dma_start3A_153 = tpu.memref_slice %arg8[%dma_start3A_152] : memref<10240xf32, #tpu.memory_space<vmem>> -> memref<640xf32, #tpu.memory_space<vmem>>
      %dma_start3A_154 = tpu.memref_slice %arg9[%add3A_148] : memref<163840xf32, #tpu.memory_space<vmem_shared>> -> memref<640xf32, #tpu.memory_space<vmem_shared>>
      tpu.enqueue_dma source(%dma_start3A_154 : memref<640xf32, #tpu.memory_space<vmem_shared>>) target(%dma_start3A_153 : memref<640xf32, #tpu.memory_space<vmem>>) target_semaphore(%arg10 : memref<!tpu.dma_semaphore, #tpu.memory_space<semaphore_mem>>)
      %mul3A_155 = arith.constant 640 : i32
      %mul3A_156 = arith.muli %arg1, %mul3A_155 : i32
      %add3A_157 = arith.constant 133120 : i32
      %add3A_158 = arith.addi %add3A_157, %mul3A_156 : i32
      %dma_start3A_159 = arith.constant 8320 : i32
      %dma_start3A_160 = tpu.memref_slice %arg8[%dma_start3A_159] : memref<10240xf32, #tpu.memory_space<vmem>> -> memref<640xf32, #tpu.memory_space<vmem>>
      %dma_start3A_161 = tpu.memref_slice %arg9[%add3A_158] : memref<163840xf32, #tpu.memory_space<vmem_shared>> -> memref<640xf32, #tpu.memory_space<vmem_shared>>
      %dma_start3A_162 = arith.constant 8320 : i32
      %dma_start3A_163 = tpu.memref_slice %arg8[%dma_start3A_162] : memref<10240xf32, #tpu.memory_space<vmem>> -> memref<640xf32, #tpu.memory_space<vmem>>
      %dma_start3A_164 = tpu.memref_slice %arg9[%add3A_158] : memref<163840xf32, #tpu.memory_space<vmem_shared>> -> memref<640xf32, #tpu.memory_space<vmem_shared>>
      tpu.enqueue_dma source(%dma_start3A_164 : memref<640xf32, #tpu.memory_space<vmem_shared>>) target(%dma_start3A_163 : memref<640xf32, #tpu.memory_space<vmem>>) target_semaphore(%arg10 : memref<!tpu.dma_semaphore, #tpu.memory_space<semaphore_mem>>)
      %mul3A_165 = arith.constant 640 : i32
      %mul3A_166 = arith.muli %arg1, %mul3A_165 : i32
      %add3A_167 = arith.constant 143360 : i32
      %add3A_168 = arith.addi %add3A_167, %mul3A_166 : i32
      %dma_start3A_169 = arith.constant 8960 : i32
      %dma_start3A_170 = tpu.memref_slice %arg8[%dma_start3A_169] : memref<10240xf32, #tpu.memory_space<vmem>> -> memref<640xf32, #tpu.memory_space<vmem>>
      %dma_start3A_171 = tpu.memref_slice %arg9[%add3A_168] : memref<163840xf32, #tpu.memory_space<vmem_shared>> -> memref<640xf32, #tpu.memory_space<vmem_shared>>
      %dma_start3A_172 = arith.constant 8960 : i32
      %dma_start3A_173 = tpu.memref_slice %arg8[%dma_start3A_172] : memref<10240xf32, #tpu.memory_space<vmem>> -> memref<640xf32, #tpu.memory_space<vmem>>
      %dma_start3A_174 = tpu.memref_slice %arg9[%add3A_168] : memref<163840xf32, #tpu.memory_space<vmem_shared>> -> memref<640xf32, #tpu.memory_space<vmem_shared>>
      tpu.enqueue_dma source(%dma_start3A_174 : memref<640xf32, #tpu.memory_space<vmem_shared>>) target(%dma_start3A_173 : memref<640xf32, #tpu.memory_space<vmem>>) target_semaphore(%arg10 : memref<!tpu.dma_semaphore, #tpu.memory_space<semaphore_mem>>)
      %mul3A_175 = arith.constant 640 : i32
      %mul3A_176 = arith.muli %arg1, %mul3A_175 : i32
      %add3A_177 = arith.constant 153600 : i32
      %add3A_178 = arith.addi %add3A_177, %mul3A_176 : i32
      %dma_start3A_179 = arith.constant 9600 : i32
      %dma_start3A_180 = tpu.memref_slice %arg8[%dma_start3A_179] : memref<10240xf32, #tpu.memory_space<vmem>> -> memref<640xf32, #tpu.memory_space<vmem>>
      %dma_start3A_181 = tpu.memref_slice %arg9[%add3A_178] : memref<163840xf32, #tpu.memory_space<vmem_shared>> -> memref<640xf32, #tpu.memory_space<vmem_shared>>
      %dma_start3A_182 = arith.constant 9600 : i32
      %dma_start3A_183 = tpu.memref_slice %arg8[%dma_start3A_182] : memref<10240xf32, #tpu.memory_space<vmem>> -> memref<640xf32, #tpu.memory_space<vmem>>
      %dma_start3A_184 = tpu.memref_slice %arg9[%add3A_178] : memref<163840xf32, #tpu.memory_space<vmem_shared>> -> memref<640xf32, #tpu.memory_space<vmem_shared>>
      tpu.enqueue_dma source(%dma_start3A_184 : memref<640xf32, #tpu.memory_space<vmem_shared>>) target(%dma_start3A_183 : memref<640xf32, #tpu.memory_space<vmem>>) target_semaphore(%arg10 : memref<!tpu.dma_semaphore, #tpu.memory_space<semaphore_mem>>)
      %mul3A_185 = arith.constant 640 : i32
      %mul3A_186 = arith.muli %arg1, %mul3A_185 : i32
      %add3A_187 = arith.constant 0 : i32
      %add3A_188 = arith.addi %add3A_187, %mul3A_186 : i32
      %dma_wait3A_189 = arith.constant 0 : i32
      %dma_wait3A_190 = tpu.memref_slice %arg8[%dma_wait3A_189] : memref<10240xf32, #tpu.memory_space<vmem>> -> memref<640xf32, #tpu.memory_space<vmem>>
      %dma_wait3A_191 = tpu.memref_slice %arg9[%add3A_188] : memref<163840xf32, #tpu.memory_space<vmem_shared>> -> memref<640xf32, #tpu.memory_space<vmem_shared>>
      %dma_wait3A_192 = arith.constant 0 : i32
      %dma_wait3A_193 = tpu.memref_slice %arg8[%dma_wait3A_192] : memref<10240xf32, #tpu.memory_space<vmem>> -> memref<640xf32, #tpu.memory_space<vmem>>
      %dma_wait3A_194 = tpu.memref_slice %arg9[%add3A_188] : memref<163840xf32, #tpu.memory_space<vmem_shared>> -> memref<640xf32, #tpu.memory_space<vmem_shared>>
      tpu.wait_dma2 semaphore(%arg10 : memref<!tpu.dma_semaphore, #tpu.memory_space<semaphore_mem>>) src(%dma_wait3A_194 : memref<640xf32, #tpu.memory_space<vmem_shared>>) dst(%dma_wait3A_193 : memref<640xf32, #tpu.memory_space<vmem>>)
      %mul3A_195 = arith.constant 640 : i32
      %mul3A_196 = arith.muli %arg1, %mul3A_195 : i32
      %add3A_197 = arith.constant 10240 : i32
      %add3A_198 = arith.addi %add3A_197, %mul3A_196 : i32
      %dma_wait3A_199 = arith.constant 640 : i32
      %dma_wait3A_200 = tpu.memref_slice %arg8[%dma_wait3A_199] : memref<10240xf32, #tpu.memory_space<vmem>> -> memref<640xf32, #tpu.memory_space<vmem>>
      %dma_wait3A_201 = tpu.memref_slice %arg9[%add3A_198] : memref<163840xf32, #tpu.memory_space<vmem_shared>> -> memref<640xf32, #tpu.memory_space<vmem_shared>>
      %dma_wait3A_202 = arith.constant 640 : i32
      %dma_wait3A_203 = tpu.memref_slice %arg8[%dma_wait3A_202] : memref<10240xf32, #tpu.memory_space<vmem>> -> memref<640xf32, #tpu.memory_space<vmem>>
      %dma_wait3A_204 = tpu.memref_slice %arg9[%add3A_198] : memref<163840xf32, #tpu.memory_space<vmem_shared>> -> memref<640xf32, #tpu.memory_space<vmem_shared>>
      tpu.wait_dma2 semaphore(%arg10 : memref<!tpu.dma_semaphore, #tpu.memory_space<semaphore_mem>>) src(%dma_wait3A_204 : memref<640xf32, #tpu.memory_space<vmem_shared>>) dst(%dma_wait3A_203 : memref<640xf32, #tpu.memory_space<vmem>>)
      %mul3A_205 = arith.constant 640 : i32
      %mul3A_206 = arith.muli %arg1, %mul3A_205 : i32
      %add3A_207 = arith.constant 20480 : i32
      %add3A_208 = arith.addi %add3A_207, %mul3A_206 : i32
      %dma_wait3A_209 = arith.constant 1280 : i32
      %dma_wait3A_210 = tpu.memref_slice %arg8[%dma_wait3A_209] : memref<10240xf32, #tpu.memory_space<vmem>> -> memref<640xf32, #tpu.memory_space<vmem>>
      %dma_wait3A_211 = tpu.memref_slice %arg9[%add3A_208] : memref<163840xf32, #tpu.memory_space<vmem_shared>> -> memref<640xf32, #tpu.memory_space<vmem_shared>>
      %dma_wait3A_212 = arith.constant 1280 : i32
      %dma_wait3A_213 = tpu.memref_slice %arg8[%dma_wait3A_212] : memref<10240xf32, #tpu.memory_space<vmem>> -> memref<640xf32, #tpu.memory_space<vmem>>
      %dma_wait3A_214 = tpu.memref_slice %arg9[%add3A_208] : memref<163840xf32, #tpu.memory_space<vmem_shared>> -> memref<640xf32, #tpu.memory_space<vmem_shared>>
      tpu.wait_dma2 semaphore(%arg10 : memref<!tpu.dma_semaphore, #tpu.memory_space<semaphore_mem>>) src(%dma_wait3A_214 : memref<640xf32, #tpu.memory_space<vmem_shared>>) dst(%dma_wait3A_213 : memref<640xf32, #tpu.memory_space<vmem>>)
      %mul3A_215 = arith.constant 640 : i32
      %mul3A_216 = arith.muli %arg1, %mul3A_215 : i32
      %add3A_217 = arith.constant 30720 : i32
      %add3A_218 = arith.addi %add3A_217, %mul3A_216 : i32
      %dma_wait3A_219 = arith.constant 1920 : i32
      %dma_wait3A_220 = tpu.memref_slice %arg8[%dma_wait3A_219] : memref<10240xf32, #tpu.memory_space<vmem>> -> memref<640xf32, #tpu.memory_space<vmem>>
      %dma_wait3A_221 = tpu.memref_slice %arg9[%add3A_218] : memref<163840xf32, #tpu.memory_space<vmem_shared>> -> memref<640xf32, #tpu.memory_space<vmem_shared>>
      %dma_wait3A_222 = arith.constant 1920 : i32
      %dma_wait3A_223 = tpu.memref_slice %arg8[%dma_wait3A_222] : memref<10240xf32, #tpu.memory_space<vmem>> -> memref<640xf32, #tpu.memory_space<vmem>>
      %dma_wait3A_224 = tpu.memref_slice %arg9[%add3A_218] : memref<163840xf32, #tpu.memory_space<vmem_shared>> -> memref<640xf32, #tpu.memory_space<vmem_shared>>
      tpu.wait_dma2 semaphore(%arg10 : memref<!tpu.dma_semaphore, #tpu.memory_space<semaphore_mem>>) src(%dma_wait3A_224 : memref<640xf32, #tpu.memory_space<vmem_shared>>) dst(%dma_wait3A_223 : memref<640xf32, #tpu.memory_space<vmem>>)
      %mul3A_225 = arith.constant 640 : i32
      %mul3A_226 = arith.muli %arg1, %mul3A_225 : i32
      %add3A_227 = arith.constant 40960 : i32
      %add3A_228 = arith.addi %add3A_227, %mul3A_226 : i32
      %dma_wait3A_229 = arith.constant 2560 : i32
      %dma_wait3A_230 = tpu.memref_slice %arg8[%dma_wait3A_229] : memref<10240xf32, #tpu.memory_space<vmem>> -> memref<640xf32, #tpu.memory_space<vmem>>
      %dma_wait3A_231 = tpu.memref_slice %arg9[%add3A_228] : memref<163840xf32, #tpu.memory_space<vmem_shared>> -> memref<640xf32, #tpu.memory_space<vmem_shared>>
      %dma_wait3A_232 = arith.constant 2560 : i32
      %dma_wait3A_233 = tpu.memref_slice %arg8[%dma_wait3A_232] : memref<10240xf32, #tpu.memory_space<vmem>> -> memref<640xf32, #tpu.memory_space<vmem>>
      %dma_wait3A_234 = tpu.memref_slice %arg9[%add3A_228] : memref<163840xf32, #tpu.memory_space<vmem_shared>> -> memref<640xf32, #tpu.memory_space<vmem_shared>>
      tpu.wait_dma2 semaphore(%arg10 : memref<!tpu.dma_semaphore, #tpu.memory_space<semaphore_mem>>) src(%dma_wait3A_234 : memref<640xf32, #tpu.memory_space<vmem_shared>>) dst(%dma_wait3A_233 : memref<640xf32, #tpu.memory_space<vmem>>)
      %mul3A_235 = arith.constant 640 : i32
      %mul3A_236 = arith.muli %arg1, %mul3A_235 : i32
      %add3A_237 = arith.constant 51200 : i32
      %add3A_238 = arith.addi %add3A_237, %mul3A_236 : i32
      %dma_wait3A_239 = arith.constant 3200 : i32
      %dma_wait3A_240 = tpu.memref_slice %arg8[%dma_wait3A_239] : memref<10240xf32, #tpu.memory_space<vmem>> -> memref<640xf32, #tpu.memory_space<vmem>>
      %dma_wait3A_241 = tpu.memref_slice %arg9[%add3A_238] : memref<163840xf32, #tpu.memory_space<vmem_shared>> -> memref<640xf32, #tpu.memory_space<vmem_shared>>
      %dma_wait3A_242 = arith.constant 3200 : i32
      %dma_wait3A_243 = tpu.memref_slice %arg8[%dma_wait3A_242] : memref<10240xf32, #tpu.memory_space<vmem>> -> memref<640xf32, #tpu.memory_space<vmem>>
      %dma_wait3A_244 = tpu.memref_slice %arg9[%add3A_238] : memref<163840xf32, #tpu.memory_space<vmem_shared>> -> memref<640xf32, #tpu.memory_space<vmem_shared>>
      tpu.wait_dma2 semaphore(%arg10 : memref<!tpu.dma_semaphore, #tpu.memory_space<semaphore_mem>>) src(%dma_wait3A_244 : memref<640xf32, #tpu.memory_space<vmem_shared>>) dst(%dma_wait3A_243 : memref<640xf32, #tpu.memory_space<vmem>>)
      %mul3A_245 = arith.constant 640 : i32
      %mul3A_246 = arith.muli %arg1, %mul3A_245 : i32
      %add3A_247 = arith.constant 61440 : i32
      %add3A_248 = arith.addi %add3A_247, %mul3A_246 : i32
      %dma_wait3A_249 = arith.constant 3840 : i32
      %dma_wait3A_250 = tpu.memref_slice %arg8[%dma_wait3A_249] : memref<10240xf32, #tpu.memory_space<vmem>> -> memref<640xf32, #tpu.memory_space<vmem>>
      %dma_wait3A_251 = tpu.memref_slice %arg9[%add3A_248] : memref<163840xf32, #tpu.memory_space<vmem_shared>> -> memref<640xf32, #tpu.memory_space<vmem_shared>>
      %dma_wait3A_252 = arith.constant 3840 : i32
      %dma_wait3A_253 = tpu.memref_slice %arg8[%dma_wait3A_252] : memref<10240xf32, #tpu.memory_space<vmem>> -> memref<640xf32, #tpu.memory_space<vmem>>
      %dma_wait3A_254 = tpu.memref_slice %arg9[%add3A_248] : memref<163840xf32, #tpu.memory_space<vmem_shared>> -> memref<640xf32, #tpu.memory_space<vmem_shared>>
      tpu.wait_dma2 semaphore(%arg10 : memref<!tpu.dma_semaphore, #tpu.memory_space<semaphore_mem>>) src(%dma_wait3A_254 : memref<640xf32, #tpu.memory_space<vmem_shared>>) dst(%dma_wait3A_253 : memref<640xf32, #tpu.memory_space<vmem>>)
      %mul3A_255 = arith.constant 640 : i32
      %mul3A_256 = arith.muli %arg1, %mul3A_255 : i32
      %add3A_257 = arith.constant 71680 : i32
      %add3A_258 = arith.addi %add3A_257, %mul3A_256 : i32
      %dma_wait3A_259 = arith.constant 4480 : i32
      %dma_wait3A_260 = tpu.memref_slice %arg8[%dma_wait3A_259] : memref<10240xf32, #tpu.memory_space<vmem>> -> memref<640xf32, #tpu.memory_space<vmem>>
      %dma_wait3A_261 = tpu.memref_slice %arg9[%add3A_258] : memref<163840xf32, #tpu.memory_space<vmem_shared>> -> memref<640xf32, #tpu.memory_space<vmem_shared>>
      %dma_wait3A_262 = arith.constant 4480 : i32
      %dma_wait3A_263 = tpu.memref_slice %arg8[%dma_wait3A_262] : memref<10240xf32, #tpu.memory_space<vmem>> -> memref<640xf32, #tpu.memory_space<vmem>>
      %dma_wait3A_264 = tpu.memref_slice %arg9[%add3A_258] : memref<163840xf32, #tpu.memory_space<vmem_shared>> -> memref<640xf32, #tpu.memory_space<vmem_shared>>
      tpu.wait_dma2 semaphore(%arg10 : memref<!tpu.dma_semaphore, #tpu.memory_space<semaphore_mem>>) src(%dma_wait3A_264 : memref<640xf32, #tpu.memory_space<vmem_shared>>) dst(%dma_wait3A_263 : memref<640xf32, #tpu.memory_space<vmem>>)
      %mul3A_265 = arith.constant 640 : i32
      %mul3A_266 = arith.muli %arg1, %mul3A_265 : i32
      %add3A_267 = arith.constant 81920 : i32
      %add3A_268 = arith.addi %add3A_267, %mul3A_266 : i32
      %dma_wait3A_269 = arith.constant 5120 : i32
      %dma_wait3A_270 = tpu.memref_slice %arg8[%dma_wait3A_269] : memref<10240xf32, #tpu.memory_space<vmem>> -> memref<640xf32, #tpu.memory_space<vmem>>
      %dma_wait3A_271 = tpu.memref_slice %arg9[%add3A_268] : memref<163840xf32, #tpu.memory_space<vmem_shared>> -> memref<640xf32, #tpu.memory_space<vmem_shared>>
      %dma_wait3A_272 = arith.constant 5120 : i32
      %dma_wait3A_273 = tpu.memref_slice %arg8[%dma_wait3A_272] : memref<10240xf32, #tpu.memory_space<vmem>> -> memref<640xf32, #tpu.memory_space<vmem>>
      %dma_wait3A_274 = tpu.memref_slice %arg9[%add3A_268] : memref<163840xf32, #tpu.memory_space<vmem_shared>> -> memref<640xf32, #tpu.memory_space<vmem_shared>>
      tpu.wait_dma2 semaphore(%arg10 : memref<!tpu.dma_semaphore, #tpu.memory_space<semaphore_mem>>) src(%dma_wait3A_274 : memref<640xf32, #tpu.memory_space<vmem_shared>>) dst(%dma_wait3A_273 : memref<640xf32, #tpu.memory_space<vmem>>)
      %mul3A_275 = arith.constant 640 : i32
      %mul3A_276 = arith.muli %arg1, %mul3A_275 : i32
      %add3A_277 = arith.constant 92160 : i32
      %add3A_278 = arith.addi %add3A_277, %mul3A_276 : i32
      %dma_wait3A_279 = arith.constant 5760 : i32
      %dma_wait3A_280 = tpu.memref_slice %arg8[%dma_wait3A_279] : memref<10240xf32, #tpu.memory_space<vmem>> -> memref<640xf32, #tpu.memory_space<vmem>>
      %dma_wait3A_281 = tpu.memref_slice %arg9[%add3A_278] : memref<163840xf32, #tpu.memory_space<vmem_shared>> -> memref<640xf32, #tpu.memory_space<vmem_shared>>
      %dma_wait3A_282 = arith.constant 5760 : i32
      %dma_wait3A_283 = tpu.memref_slice %arg8[%dma_wait3A_282] : memref<10240xf32, #tpu.memory_space<vmem>> -> memref<640xf32, #tpu.memory_space<vmem>>
      %dma_wait3A_284 = tpu.memref_slice %arg9[%add3A_278] : memref<163840xf32, #tpu.memory_space<vmem_shared>> -> memref<640xf32, #tpu.memory_space<vmem_shared>>
      tpu.wait_dma2 semaphore(%arg10 : memref<!tpu.dma_semaphore, #tpu.memory_space<semaphore_mem>>) src(%dma_wait3A_284 : memref<640xf32, #tpu.memory_space<vmem_shared>>) dst(%dma_wait3A_283 : memref<640xf32, #tpu.memory_space<vmem>>)
      %mul3A_285 = arith.constant 640 : i32
      %mul3A_286 = arith.muli %arg1, %mul3A_285 : i32
      %add3A_287 = arith.constant 102400 : i32
      %add3A_288 = arith.addi %add3A_287, %mul3A_286 : i32
      %dma_wait3A_289 = arith.constant 6400 : i32
      %dma_wait3A_290 = tpu.memref_slice %arg8[%dma_wait3A_289] : memref<10240xf32, #tpu.memory_space<vmem>> -> memref<640xf32, #tpu.memory_space<vmem>>
      %dma_wait3A_291 = tpu.memref_slice %arg9[%add3A_288] : memref<163840xf32, #tpu.memory_space<vmem_shared>> -> memref<640xf32, #tpu.memory_space<vmem_shared>>
      %dma_wait3A_292 = arith.constant 6400 : i32
      %dma_wait3A_293 = tpu.memref_slice %arg8[%dma_wait3A_292] : memref<10240xf32, #tpu.memory_space<vmem>> -> memref<640xf32, #tpu.memory_space<vmem>>
      %dma_wait3A_294 = tpu.memref_slice %arg9[%add3A_288] : memref<163840xf32, #tpu.memory_space<vmem_shared>> -> memref<640xf32, #tpu.memory_space<vmem_shared>>
      tpu.wait_dma2 semaphore(%arg10 : memref<!tpu.dma_semaphore, #tpu.memory_space<semaphore_mem>>) src(%dma_wait3A_294 : memref<640xf32, #tpu.memory_space<vmem_shared>>) dst(%dma_wait3A_293 : memref<640xf32, #tpu.memory_space<vmem>>)
      %mul3A_295 = arith.constant 640 : i32
      %mul3A_296 = arith.muli %arg1, %mul3A_295 : i32
      %add3A_297 = arith.constant 112640 : i32
      %add3A_298 = arith.addi %add3A_297, %mul3A_296 : i32
      %dma_wait3A_299 = arith.constant 7040 : i32
      %dma_wait3A_300 = tpu.memref_slice %arg8[%dma_wait3A_299] : memref<10240xf32, #tpu.memory_space<vmem>> -> memref<640xf32, #tpu.memory_space<vmem>>
      %dma_wait3A_301 = tpu.memref_slice %arg9[%add3A_298] : memref<163840xf32, #tpu.memory_space<vmem_shared>> -> memref<640xf32, #tpu.memory_space<vmem_shared>>
      %dma_wait3A_302 = arith.constant 7040 : i32
      %dma_wait3A_303 = tpu.memref_slice %arg8[%dma_wait3A_302] : memref<10240xf32, #tpu.memory_space<vmem>> -> memref<640xf32, #tpu.memory_space<vmem>>
      %dma_wait3A_304 = tpu.memref_slice %arg9[%add3A_298] : memref<163840xf32, #tpu.memory_space<vmem_shared>> -> memref<640xf32, #tpu.memory_space<vmem_shared>>
      tpu.wait_dma2 semaphore(%arg10 : memref<!tpu.dma_semaphore, #tpu.memory_space<semaphore_mem>>) src(%dma_wait3A_304 : memref<640xf32, #tpu.memory_space<vmem_shared>>) dst(%dma_wait3A_303 : memref<640xf32, #tpu.memory_space<vmem>>)
      %mul3A_305 = arith.constant 640 : i32
      %mul3A_306 = arith.muli %arg1, %mul3A_305 : i32
      %add3A_307 = arith.constant 122880 : i32
      %add3A_308 = arith.addi %add3A_307, %mul3A_306 : i32
      %dma_wait3A_309 = arith.constant 7680 : i32
      %dma_wait3A_310 = tpu.memref_slice %arg8[%dma_wait3A_309] : memref<10240xf32, #tpu.memory_space<vmem>> -> memref<640xf32, #tpu.memory_space<vmem>>
      %dma_wait3A_311 = tpu.memref_slice %arg9[%add3A_308] : memref<163840xf32, #tpu.memory_space<vmem_shared>> -> memref<640xf32, #tpu.memory_space<vmem_shared>>
      %dma_wait3A_312 = arith.constant 7680 : i32
      %dma_wait3A_313 = tpu.memref_slice %arg8[%dma_wait3A_312] : memref<10240xf32, #tpu.memory_space<vmem>> -> memref<640xf32, #tpu.memory_space<vmem>>
      %dma_wait3A_314 = tpu.memref_slice %arg9[%add3A_308] : memref<163840xf32, #tpu.memory_space<vmem_shared>> -> memref<640xf32, #tpu.memory_space<vmem_shared>>
      tpu.wait_dma2 semaphore(%arg10 : memref<!tpu.dma_semaphore, #tpu.memory_space<semaphore_mem>>) src(%dma_wait3A_314 : memref<640xf32, #tpu.memory_space<vmem_shared>>) dst(%dma_wait3A_313 : memref<640xf32, #tpu.memory_space<vmem>>)
      %mul3A_315 = arith.constant 640 : i32
      %mul3A_316 = arith.muli %arg1, %mul3A_315 : i32
      %add3A_317 = arith.constant 133120 : i32
      %add3A_318 = arith.addi %add3A_317, %mul3A_316 : i32
      %dma_wait3A_319 = arith.constant 8320 : i32
      %dma_wait3A_320 = tpu.memref_slice %arg8[%dma_wait3A_319] : memref<10240xf32, #tpu.memory_space<vmem>> -> memref<640xf32, #tpu.memory_space<vmem>>
      %dma_wait3A_321 = tpu.memref_slice %arg9[%add3A_318] : memref<163840xf32, #tpu.memory_space<vmem_shared>> -> memref<640xf32, #tpu.memory_space<vmem_shared>>
      %dma_wait3A_322 = arith.constant 8320 : i32
      %dma_wait3A_323 = tpu.memref_slice %arg8[%dma_wait3A_322] : memref<10240xf32, #tpu.memory_space<vmem>> -> memref<640xf32, #tpu.memory_space<vmem>>
      %dma_wait3A_324 = tpu.memref_slice %arg9[%add3A_318] : memref<163840xf32, #tpu.memory_space<vmem_shared>> -> memref<640xf32, #tpu.memory_space<vmem_shared>>
      tpu.wait_dma2 semaphore(%arg10 : memref<!tpu.dma_semaphore, #tpu.memory_space<semaphore_mem>>) src(%dma_wait3A_324 : memref<640xf32, #tpu.memory_space<vmem_shared>>) dst(%dma_wait3A_323 : memref<640xf32, #tpu.memory_space<vmem>>)
      %mul3A_325 = arith.constant 640 : i32
      %mul3A_326 = arith.muli %arg1, %mul3A_325 : i32
      %add3A_327 = arith.constant 143360 : i32
      %add3A_328 = arith.addi %add3A_327, %mul3A_326 : i32
      %dma_wait3A_329 = arith.constant 8960 : i32
      %dma_wait3A_330 = tpu.memref_slice %arg8[%dma_wait3A_329] : memref<10240xf32, #tpu.memory_space<vmem>> -> memref<640xf32, #tpu.memory_space<vmem>>
      %dma_wait3A_331 = tpu.memref_slice %arg9[%add3A_328] : memref<163840xf32, #tpu.memory_space<vmem_shared>> -> memref<640xf32, #tpu.memory_space<vmem_shared>>
      %dma_wait3A_332 = arith.constant 8960 : i32
      %dma_wait3A_333 = tpu.memref_slice %arg8[%dma_wait3A_332] : memref<10240xf32, #tpu.memory_space<vmem>> -> memref<640xf32, #tpu.memory_space<vmem>>
      %dma_wait3A_334 = tpu.memref_slice %arg9[%add3A_328] : memref<163840xf32, #tpu.memory_space<vmem_shared>> -> memref<640xf32, #tpu.memory_space<vmem_shared>>
      tpu.wait_dma2 semaphore(%arg10 : memref<!tpu.dma_semaphore, #tpu.memory_space<semaphore_mem>>) src(%dma_wait3A_334 : memref<640xf32, #tpu.memory_space<vmem_shared>>) dst(%dma_wait3A_333 : memref<640xf32, #tpu.memory_space<vmem>>)
      %mul3A_335 = arith.constant 640 : i32
      %mul3A_336 = arith.muli %arg1, %mul3A_335 : i32
      %add3A_337 = arith.constant 153600 : i32
      %add3A_338 = arith.addi %add3A_337, %mul3A_336 : i32
      %dma_wait3A_339 = arith.constant 9600 : i32
      %dma_wait3A_340 = tpu.memref_slice %arg8[%dma_wait3A_339] : memref<10240xf32, #tpu.memory_space<vmem>> -> memref<640xf32, #tpu.memory_space<vmem>>
      %dma_wait3A_341 = tpu.memref_slice %arg9[%add3A_338] : memref<163840xf32, #tpu.memory_space<vmem_shared>> -> memref<640xf32, #tpu.memory_space<vmem_shared>>
      %dma_wait3A_342 = arith.constant 9600 : i32
      %dma_wait3A_343 = tpu.memref_slice %arg8[%dma_wait3A_342] : memref<10240xf32, #tpu.memory_space<vmem>> -> memref<640xf32, #tpu.memory_space<vmem>>
      %dma_wait3A_344 = tpu.memref_slice %arg9[%add3A_338] : memref<163840xf32, #tpu.memory_space<vmem_shared>> -> memref<640xf32, #tpu.memory_space<vmem_shared>>
      tpu.wait_dma2 semaphore(%arg10 : memref<!tpu.dma_semaphore, #tpu.memory_space<semaphore_mem>>) src(%dma_wait3A_344 : memref<640xf32, #tpu.memory_space<vmem_shared>>) dst(%dma_wait3A_343 : memref<640xf32, #tpu.memory_space<vmem>>)
      %scan3A_345 = arith.constant 0 : i32
      %scan3A_346 = arith.constant 40 : i32
      %scan3A_347 = arith.addi %scan3A_345, %scan3A_346 : i32
      %scan3A_348 = arith.constant 1 : i32
      scf.for %scan3A_352 = %scan3A_345 to %scan3A_347 step %scan3A_348  : i32 {
        %mul3A_353 = arith.constant 1 : i32
        %mul3A_354 = arith.muli %scan3A_352, %mul3A_353 : i32
        %add3A_355 = arith.constant 0 : i32
        %add3A_356 = arith.addi %add3A_355, %mul3A_354 : i32
        %mul3A_357 = arith.constant 16 : i32
        %mul3A_358 = arith.muli %add3A_356, %mul3A_357 : i32
        %get3A = arith.index_cast %mul3A_358 : i32 to index
        %get3A_359 = tpu.vector_load %arg8[%get3A] {strides = array<i32>} : memref<10240xf32, #tpu.memory_space<vmem>>, vector<16xf32>,
        %mul3A_360 = arith.constant 16 : i32
        %mul3A_361 = arith.muli %add3A_356, %mul3A_360 : i32
        %add3A_362 = arith.constant 640 : i32
        %add3A_363 = arith.addi %add3A_362, %mul3A_361 : i32
        %get3A_364 = arith.index_cast %add3A_363 : i32 to index
        %get3A_365 = tpu.vector_load %arg8[%get3A_364] {strides = array<i32>} : memref<10240xf32, #tpu.memory_space<vmem>>, vector<16xf32>,
        %add3A_366 = arith.addf %get3A_359, %get3A_365 : vector<16xf32>
        %mul3A_367 = arith.constant 16 : i32
        %mul3A_368 = arith.muli %add3A_356, %mul3A_367 : i32
        %add3A_369 = arith.constant 1280 : i32
        %add3A_370 = arith.addi %add3A_369, %mul3A_368 : i32
        %get3A_371 = arith.index_cast %add3A_370 : i32 to index
        %get3A_372 = tpu.vector_load %arg8[%get3A_371] {strides = array<i32>} : memref<10240xf32, #tpu.memory_space<vmem>>, vector<16xf32>,
        %add3A_373 = arith.addf %add3A_366, %get3A_372 : vector<16xf32>
        %mul3A_374 = arith.constant 16 : i32
        %mul3A_375 = arith.muli %add3A_356, %mul3A_374 : i32
        %add3A_376 = arith.constant 1920 : i32
        %add3A_377 = arith.addi %add3A_376, %mul3A_375 : i32
        %get3A_378 = arith.index_cast %add3A_377 : i32 to index
        %get3A_379 = tpu.vector_load %arg8[%get3A_378] {strides = array<i32>} : memref<10240xf32, #tpu.memory_space<vmem>>, vector<16xf32>,
        %add3A_380 = arith.addf %add3A_373, %get3A_379 : vector<16xf32>
        %mul3A_381 = arith.constant 16 : i32
        %mul3A_382 = arith.muli %add3A_356, %mul3A_381 : i32
        %add3A_383 = arith.constant 2560 : i32
        %add3A_384 = arith.addi %add3A_383, %mul3A_382 : i32
        %get3A_385 = arith.index_cast %add3A_384 : i32 to index
        %get3A_386 = tpu.vector_load %arg8[%get3A_385] {strides = array<i32>} : memref<10240xf32, #tpu.memory_space<vmem>>, vector<16xf32>,
        %add3A_387 = arith.addf %add3A_380, %get3A_386 : vector<16xf32>
        %mul3A_388 = arith.constant 16 : i32
        %mul3A_389 = arith.muli %add3A_356, %mul3A_388 : i32
        %add3A_390 = arith.constant 3200 : i32
        %add3A_391 = arith.addi %add3A_390, %mul3A_389 : i32
        %get3A_392 = arith.index_cast %add3A_391 : i32 to index
        %get3A_393 = tpu.vector_load %arg8[%get3A_392] {strides = array<i32>} : memref<10240xf32, #tpu.memory_space<vmem>>, vector<16xf32>,
        %add3A_394 = arith.addf %add3A_387, %get3A_393 : vector<16xf32>
        %mul3A_395 = arith.constant 16 : i32
        %mul3A_396 = arith.muli %add3A_356, %mul3A_395 : i32
        %add3A_397 = arith.constant 3840 : i32
        %add3A_398 = arith.addi %add3A_397, %mul3A_396 : i32
        %get3A_399 = arith.index_cast %add3A_398 : i32 to index
        %get3A_400 = tpu.vector_load %arg8[%get3A_399] {strides = array<i32>} : memref<10240xf32, #tpu.memory_space<vmem>>, vector<16xf32>,
        %add3A_401 = arith.addf %add3A_394, %get3A_400 : vector<16xf32>
        %mul3A_402 = arith.constant 16 : i32
        %mul3A_403 = arith.muli %add3A_356, %mul3A_402 : i32
        %add3A_404 = arith.constant 4480 : i32
        %add3A_405 = arith.addi %add3A_404, %mul3A_403 : i32
        %get3A_406 = arith.index_cast %add3A_405 : i32 to index
        %get3A_407 = tpu.vector_load %arg8[%get3A_406] {strides = array<i32>} : memref<10240xf32, #tpu.memory_space<vmem>>, vector<16xf32>,
        %add3A_408 = arith.addf %add3A_401, %get3A_407 : vector<16xf32>
        %mul3A_409 = arith.constant 16 : i32
        %mul3A_410 = arith.muli %add3A_356, %mul3A_409 : i32
        %add3A_411 = arith.constant 5120 : i32
        %add3A_412 = arith.addi %add3A_411, %mul3A_410 : i32
        %get3A_413 = arith.index_cast %add3A_412 : i32 to index
        %get3A_414 = tpu.vector_load %arg8[%get3A_413] {strides = array<i32>} : memref<10240xf32, #tpu.memory_space<vmem>>, vector<16xf32>,
        %add3A_415 = arith.addf %add3A_408, %get3A_414 : vector<16xf32>
        %mul3A_416 = arith.constant 16 : i32
        %mul3A_417 = arith.muli %add3A_356, %mul3A_416 : i32
        %add3A_418 = arith.constant 5760 : i32
        %add3A_419 = arith.addi %add3A_418, %mul3A_417 : i32
        %get3A_420 = arith.index_cast %add3A_419 : i32 to index
        %get3A_421 = tpu.vector_load %arg8[%get3A_420] {strides = array<i32>} : memref<10240xf32, #tpu.memory_space<vmem>>, vector<16xf32>,
        %add3A_422 = arith.addf %add3A_415, %get3A_421 : vector<16xf32>
        %mul3A_423 = arith.constant 16 : i32
        %mul3A_424 = arith.muli %add3A_356, %mul3A_423 : i32
        %add3A_425 = arith.constant 6400 : i32
        %add3A_426 = arith.addi %add3A_425, %mul3A_424 : i32
        %get3A_427 = arith.index_cast %add3A_426 : i32 to index
        %get3A_428 = tpu.vector_load %arg8[%get3A_427] {strides = array<i32>} : memref<10240xf32, #tpu.memory_space<vmem>>, vector<16xf32>,
        %add3A_429 = arith.addf %add3A_422, %get3A_428 : vector<16xf32>
        %mul3A_430 = arith.constant 16 : i32
        %mul3A_431 = arith.muli %add3A_356, %mul3A_430 : i32
        %add3A_432 = arith.constant 7040 : i32
        %add3A_433 = arith.addi %add3A_432, %mul3A_431 : i32
        %get3A_434 = arith.index_cast %add3A_433 : i32 to index
        %get3A_435 = tpu.vector_load %arg8[%get3A_434] {strides = array<i32>} : memref<10240xf32, #tpu.memory_space<vmem>>, vector<16xf32>,
        %add3A_436 = arith.addf %add3A_429, %get3A_435 : vector<16xf32>
        %mul3A_437 = arith.constant 16 : i32
        %mul3A_438 = arith.muli %add3A_356, %mul3A_437 : i32
        %add3A_439 = arith.constant 7680 : i32
        %add3A_440 = arith.addi %add3A_439, %mul3A_438 : i32
        %get3A_441 = arith.index_cast %add3A_440 : i32 to index
        %get3A_442 = tpu.vector_load %arg8[%get3A_441] {strides = array<i32>} : memref<10240xf32, #tpu.memory_space<vmem>>, vector<16xf32>,
        %add3A_443 = arith.addf %add3A_436, %get3A_442 : vector<16xf32>
        %mul3A_444 = arith.constant 16 : i32
        %mul3A_445 = arith.muli %add3A_356, %mul3A_444 : i32
        %add3A_446 = arith.constant 8320 : i32
        %add3A_447 = arith.addi %add3A_446, %mul3A_445 : i32
        %get3A_448 = arith.index_cast %add3A_447 : i32 to index
        %get3A_449 = tpu.vector_load %arg8[%get3A_448] {strides = array<i32>} : memref<10240xf32, #tpu.memory_space<vmem>>, vector<16xf32>,
        %add3A_450 = arith.addf %add3A_443, %get3A_449 : vector<16xf32>
        %mul3A_451 = arith.constant 16 : i32
        %mul3A_452 = arith.muli %add3A_356, %mul3A_451 : i32
        %add3A_453 = arith.constant 8960 : i32
        %add3A_454 = arith.addi %add3A_453, %mul3A_452 : i32
        %get3A_455 = arith.index_cast %add3A_454 : i32 to index
        %get3A_456 = tpu.vector_load %arg8[%get3A_455] {strides = array<i32>} : memref<10240xf32, #tpu.memory_space<vmem>>, vector<16xf32>,
        %add3A_457 = arith.addf %add3A_450, %get3A_456 : vector<16xf32>
        %mul3A_458 = arith.constant 16 : i32
        %mul3A_459 = arith.muli %add3A_356, %mul3A_458 : i32
        %add3A_460 = arith.constant 9600 : i32
        %add3A_461 = arith.addi %add3A_460, %mul3A_459 : i32
        %get3A_462 = arith.index_cast %add3A_461 : i32 to index
        %get3A_463 = tpu.vector_load %arg8[%get3A_462] {strides = array<i32>} : memref<10240xf32, #tpu.memory_space<vmem>>, vector<16xf32>,
        %add3A_464 = arith.addf %add3A_457, %get3A_463 : vector<16xf32>
        %mul3A_465 = arith.constant 16 : i32
        %mul3A_466 = arith.muli %add3A_356, %mul3A_465 : i32
        %swap3A = arith.index_cast %mul3A_466 : i32 to index
        %swap3A_467 = tpu.vector_load %arg7[%swap3A] {strides = array<i32>} : memref<10240xf32, #tpu.memory_space<vmem>>, vector<16xf32>,
        tpu.vector_store %arg7[%swap3A], %add3A_464 {strides = array<i32>} : memref<10240xf32, #tpu.memory_space<vmem>>, vector<16xf32>,
      }
      %scan3A_349 = arith.constant 40 : i32
      %mul3A_350 = arith.constant 640 : i32
      %mul3A_351 = arith.muli %arg1, %mul3A_350 : i32
      "tpu.region"() ({
        %run_scoped3A = tpu.sem_alloc : memref<!tpu.dma_semaphore, #tpu.memory_space<semaphore_mem>>
        %dma_start3A_352 = arith.constant 0 : i32
        %dma_start3A_353 = tpu.memref_slice %arg7[%dma_start3A_352] : memref<10240xf32, #tpu.memory_space<vmem>> -> memref<640xf32, #tpu.memory_space<vmem>>
        %dma_start3A_354 = tpu.memref_slice %arg4[%mul3A_351] : memref<10240xf32, #tpu.memory_space<hbm>> -> memref<640xf32, #tpu.memory_space<hbm>>
        %dma_start3A_355 = tpu.memref_slice %arg4[%mul3A_351] : memref<10240xf32, #tpu.memory_space<hbm>> -> memref<640xf32, #tpu.memory_space<hbm>>
        %dma_start3A_356 = arith.constant 0 : i32
        %dma_start3A_357 = tpu.memref_slice %arg7[%dma_start3A_356] : memref<10240xf32, #tpu.memory_space<vmem>> -> memref<640xf32, #tpu.memory_space<vmem>>
        tpu.enqueue_dma source(%dma_start3A_357 : memref<640xf32, #tpu.memory_space<vmem>>) target(%dma_start3A_355 : memref<640xf32, #tpu.memory_space<hbm>>) target_semaphore(%run_scoped3A : memref<!tpu.dma_semaphore, #tpu.memory_space<semaphore_mem>>)
        %dma_wait3A_358 = arith.constant 0 : i32
        %dma_wait3A_359 = tpu.memref_slice %arg7[%dma_wait3A_358] : memref<10240xf32, #tpu.memory_space<vmem>> -> memref<640xf32, #tpu.memory_space<vmem>>
        %dma_wait3A_360 = tpu.memref_slice %arg4[%mul3A_351] : memref<10240xf32, #tpu.memory_space<hbm>> -> memref<640xf32, #tpu.memory_space<hbm>>
        %dma_wait3A_361 = tpu.memref_slice %arg4[%mul3A_351] : memref<10240xf32, #tpu.memory_space<hbm>> -> memref<640xf32, #tpu.memory_space<hbm>>
        %dma_wait3A_362 = arith.constant 0 : i32
        %dma_wait3A_363 = tpu.memref_slice %arg7[%dma_wait3A_362] : memref<10240xf32, #tpu.memory_space<vmem>> -> memref<640xf32, #tpu.memory_space<vmem>>
        tpu.wait_dma2 semaphore(%run_scoped3A : memref<!tpu.dma_semaphore, #tpu.memory_space<semaphore_mem>>) src(%dma_wait3A_363 : memref<640xf32, #tpu.memory_space<vmem>>) dst(%dma_wait3A_361 : memref<640xf32, #tpu.memory_space<hbm>>)
        tpu.yield
      }) : () -> ()
    } else {
    }
    %eq3A_2 = arith.constant 1 : i32
    %eq3A_3 = arith.cmpi eq, %arg0, %eq3A_2 : i32
    %convert_element_type3A_4 = arith.extui %eq3A_3 : i1 to i32
    %cond3A_5 = arith.constant 0 : i32
    %cond3A_6 = arith.cmpi ne, %convert_element_type3A_4, %cond3A_5 : i32
    scf.if %cond3A_6 {
      %mul3A = arith.constant 20000 : i32
      %mul3A_7 = arith.muli %arg1, %mul3A : i32
      %add3A = arith.constant 320000 : i32
      %add3A_8 = arith.addi %add3A, %mul3A_7 : i32
      %dma_start3A = tpu.memref_slice %arg3[%add3A_8] : memref<640000xi32, #tpu.memory_space<hbm>> -> memref<20000xi32, #tpu.memory_space<hbm>>
      %dma_start3A_9 = tpu.memref_slice %arg3[%add3A_8] : memref<640000xi32, #tpu.memory_space<hbm>> -> memref<20000xi32, #tpu.memory_space<hbm>>
      tpu.enqueue_dma source(%dma_start3A_9 : memref<20000xi32, #tpu.memory_space<hbm>>) target(%arg6 : memref<20000xi32, #tpu.memory_space<vmem>>) target_semaphore(%arg10 : memref<!tpu.dma_semaphore, #tpu.memory_space<semaphore_mem>>)
      %broadcast_in_dim3A = arith.constant 0.000000e+00 : f32
      %broadcast_in_dim3A_10 = vector.broadcast %broadcast_in_dim3A : f32 to vector<16xf32>
      %scan3A = arith.constant 0 : i32
      %scan3A_11 = arith.constant 640 : i32
      %scan3A_12 = arith.addi %scan3A, %scan3A_11 : i32
      %scan3A_13 = arith.constant 1 : i32
      scf.for %scan3A_352 = %scan3A to %scan3A_12 step %scan3A_13  : i32 {
        %mul3A_353 = arith.constant 1 : i32
        %mul3A_354 = arith.muli %scan3A_352, %mul3A_353 : i32
        %add3A_355 = arith.constant 0 : i32
        %add3A_356 = arith.addi %add3A_355, %mul3A_354 : i32
        %mul3A_357 = arith.constant 16 : i32
        %mul3A_358 = arith.muli %add3A_356, %mul3A_357 : i32
        %swap3A = arith.index_cast %mul3A_358 : i32 to index
        %swap3A_359 = tpu.vector_load %arg7[%swap3A] {strides = array<i32>} : memref<10240xf32, #tpu.memory_space<vmem>>, vector<16xf32>,
        tpu.vector_store %arg7[%swap3A], %broadcast_in_dim3A_10 {strides = array<i32>} : memref<10240xf32, #tpu.memory_space<vmem>>, vector<16xf32>,
      }
      %scan3A_14 = arith.constant 640 : i32
      %dma_wait3A = tpu.memref_slice %arg3[%add3A_8] : memref<640000xi32, #tpu.memory_space<hbm>> -> memref<20000xi32, #tpu.memory_space<hbm>>
      %dma_wait3A_15 = tpu.memref_slice %arg3[%add3A_8] : memref<640000xi32, #tpu.memory_space<hbm>> -> memref<20000xi32, #tpu.memory_space<hbm>>
      tpu.wait_dma2 semaphore(%arg10 : memref<!tpu.dma_semaphore, #tpu.memory_space<semaphore_mem>>) src(%dma_wait3A_15 : memref<20000xi32, #tpu.memory_space<hbm>>) dst(%arg6 : memref<20000xi32, #tpu.memory_space<vmem>>)
      %broadcast_in_dim3A_16 = arith.constant 1.000000e+00 : f32
      %broadcast_in_dim3A_17 = vector.broadcast %broadcast_in_dim3A_16 : f32 to vector<16xf32>
      %scan3A_18 = arith.constant 0 : i32
      %scan3A_19 = arith.constant 1250 : i32
      %scan3A_20 = arith.addi %scan3A_18, %scan3A_19 : i32
      %scan3A_21 = arith.constant 1 : i32
      scf.for %scan3A_352 = %scan3A_18 to %scan3A_20 step %scan3A_21  : i32 {
        %mul3A_353 = arith.constant 1 : i32
        %mul3A_354 = arith.muli %scan3A_352, %mul3A_353 : i32
        %add3A_355 = arith.constant 0 : i32
        %add3A_356 = arith.addi %add3A_355, %mul3A_354 : i32
        %mul3A_357 = arith.constant 16 : i32
        %mul3A_358 = arith.muli %add3A_356, %mul3A_357 : i32
        %get3A = arith.index_cast %mul3A_358 : i32 to index
        %get3A_359 = tpu.vector_load %arg6[%get3A] {strides = array<i32>} : memref<20000xi32, #tpu.memory_space<vmem>>, vector<16xi32>,
        tpu.vector_store_idx %arg7[%get3A_359], %broadcast_in_dim3A_17 {add = true} : memref<10240xf32, #tpu.memory_space<vmem>>[vector<16xi32>], vector<16xf32>,
      }
      %scan3A_22 = arith.constant 1250 : i32
      %mul3A_23 = arith.constant 10240 : i32
      %mul3A_24 = arith.muli %arg1, %mul3A_23 : i32
      "tpu.region"() ({
        %run_scoped3A = tpu.sem_alloc : memref<!tpu.dma_semaphore, #tpu.memory_space<semaphore_mem>>
        %dma_start3A_352 = tpu.memref_slice %arg9[%mul3A_24] : memref<163840xf32, #tpu.memory_space<vmem_shared>> -> memref<10240xf32, #tpu.memory_space<vmem_shared>>
        %dma_start3A_353 = tpu.memref_slice %arg9[%mul3A_24] : memref<163840xf32, #tpu.memory_space<vmem_shared>> -> memref<10240xf32, #tpu.memory_space<vmem_shared>>
        tpu.enqueue_dma source(%arg7 : memref<10240xf32, #tpu.memory_space<vmem>>) target(%dma_start3A_353 : memref<10240xf32, #tpu.memory_space<vmem_shared>>) target_semaphore(%run_scoped3A : memref<!tpu.dma_semaphore, #tpu.memory_space<semaphore_mem>>)
        %dma_wait3A_354 = tpu.memref_slice %arg9[%mul3A_24] : memref<163840xf32, #tpu.memory_space<vmem_shared>> -> memref<10240xf32, #tpu.memory_space<vmem_shared>>
        %dma_wait3A_355 = tpu.memref_slice %arg9[%mul3A_24] : memref<163840xf32, #tpu.memory_space<vmem_shared>> -> memref<10240xf32, #tpu.memory_space<vmem_shared>>
        tpu.wait_dma2 semaphore(%run_scoped3A : memref<!tpu.dma_semaphore, #tpu.memory_space<semaphore_mem>>) src(%arg7 : memref<10240xf32, #tpu.memory_space<vmem>>) dst(%dma_wait3A_355 : memref<10240xf32, #tpu.memory_space<vmem_shared>>)
        tpu.yield
      }) : () -> ()
      %barrier3A = arith.constant 0 : index
      tpu.barrier barrier_id(%barrier3A)
      %mul3A_25 = arith.constant 640 : i32
      %mul3A_26 = arith.muli %arg1, %mul3A_25 : i32
      %add3A_27 = arith.constant 0 : i32
      %add3A_28 = arith.addi %add3A_27, %mul3A_26 : i32
      %dma_start3A_29 = arith.constant 0 : i32
      %dma_start3A_30 = tpu.memref_slice %arg8[%dma_start3A_29] : memref<10240xf32, #tpu.memory_space<vmem>> -> memref<640xf32, #tpu.memory_space<vmem>>
      %dma_start3A_31 = tpu.memref_slice %arg9[%add3A_28] : memref<163840xf32, #tpu.memory_space<vmem_shared>> -> memref<640xf32, #tpu.memory_space<vmem_shared>>
      %dma_start3A_32 = arith.constant 0 : i32
      %dma_start3A_33 = tpu.memref_slice %arg8[%dma_start3A_32] : memref<10240xf32, #tpu.memory_space<vmem>> -> memref<640xf32, #tpu.memory_space<vmem>>
      %dma_start3A_34 = tpu.memref_slice %arg9[%add3A_28] : memref<163840xf32, #tpu.memory_space<vmem_shared>> -> memref<640xf32, #tpu.memory_space<vmem_shared>>
      tpu.enqueue_dma source(%dma_start3A_34 : memref<640xf32, #tpu.memory_space<vmem_shared>>) target(%dma_start3A_33 : memref<640xf32, #tpu.memory_space<vmem>>) target_semaphore(%arg10 : memref<!tpu.dma_semaphore, #tpu.memory_space<semaphore_mem>>)
      %mul3A_35 = arith.constant 640 : i32
      %mul3A_36 = arith.muli %arg1, %mul3A_35 : i32
      %add3A_37 = arith.constant 10240 : i32
      %add3A_38 = arith.addi %add3A_37, %mul3A_36 : i32
      %dma_start3A_39 = arith.constant 640 : i32
      %dma_start3A_40 = tpu.memref_slice %arg8[%dma_start3A_39] : memref<10240xf32, #tpu.memory_space<vmem>> -> memref<640xf32, #tpu.memory_space<vmem>>
      %dma_start3A_41 = tpu.memref_slice %arg9[%add3A_38] : memref<163840xf32, #tpu.memory_space<vmem_shared>> -> memref<640xf32, #tpu.memory_space<vmem_shared>>
      %dma_start3A_42 = arith.constant 640 : i32
      %dma_start3A_43 = tpu.memref_slice %arg8[%dma_start3A_42] : memref<10240xf32, #tpu.memory_space<vmem>> -> memref<640xf32, #tpu.memory_space<vmem>>
      %dma_start3A_44 = tpu.memref_slice %arg9[%add3A_38] : memref<163840xf32, #tpu.memory_space<vmem_shared>> -> memref<640xf32, #tpu.memory_space<vmem_shared>>
      tpu.enqueue_dma source(%dma_start3A_44 : memref<640xf32, #tpu.memory_space<vmem_shared>>) target(%dma_start3A_43 : memref<640xf32, #tpu.memory_space<vmem>>) target_semaphore(%arg10 : memref<!tpu.dma_semaphore, #tpu.memory_space<semaphore_mem>>)
      %mul3A_45 = arith.constant 640 : i32
      %mul3A_46 = arith.muli %arg1, %mul3A_45 : i32
      %add3A_47 = arith.constant 20480 : i32
      %add3A_48 = arith.addi %add3A_47, %mul3A_46 : i32
      %dma_start3A_49 = arith.constant 1280 : i32
      %dma_start3A_50 = tpu.memref_slice %arg8[%dma_start3A_49] : memref<10240xf32, #tpu.memory_space<vmem>> -> memref<640xf32, #tpu.memory_space<vmem>>
      %dma_start3A_51 = tpu.memref_slice %arg9[%add3A_48] : memref<163840xf32, #tpu.memory_space<vmem_shared>> -> memref<640xf32, #tpu.memory_space<vmem_shared>>
      %dma_start3A_52 = arith.constant 1280 : i32
      %dma_start3A_53 = tpu.memref_slice %arg8[%dma_start3A_52] : memref<10240xf32, #tpu.memory_space<vmem>> -> memref<640xf32, #tpu.memory_space<vmem>>
      %dma_start3A_54 = tpu.memref_slice %arg9[%add3A_48] : memref<163840xf32, #tpu.memory_space<vmem_shared>> -> memref<640xf32, #tpu.memory_space<vmem_shared>>
      tpu.enqueue_dma source(%dma_start3A_54 : memref<640xf32, #tpu.memory_space<vmem_shared>>) target(%dma_start3A_53 : memref<640xf32, #tpu.memory_space<vmem>>) target_semaphore(%arg10 : memref<!tpu.dma_semaphore, #tpu.memory_space<semaphore_mem>>)
      %mul3A_55 = arith.constant 640 : i32
      %mul3A_56 = arith.muli %arg1, %mul3A_55 : i32
      %add3A_57 = arith.constant 30720 : i32
      %add3A_58 = arith.addi %add3A_57, %mul3A_56 : i32
      %dma_start3A_59 = arith.constant 1920 : i32
      %dma_start3A_60 = tpu.memref_slice %arg8[%dma_start3A_59] : memref<10240xf32, #tpu.memory_space<vmem>> -> memref<640xf32, #tpu.memory_space<vmem>>
      %dma_start3A_61 = tpu.memref_slice %arg9[%add3A_58] : memref<163840xf32, #tpu.memory_space<vmem_shared>> -> memref<640xf32, #tpu.memory_space<vmem_shared>>
      %dma_start3A_62 = arith.constant 1920 : i32
      %dma_start3A_63 = tpu.memref_slice %arg8[%dma_start3A_62] : memref<10240xf32, #tpu.memory_space<vmem>> -> memref<640xf32, #tpu.memory_space<vmem>>
      %dma_start3A_64 = tpu.memref_slice %arg9[%add3A_58] : memref<163840xf32, #tpu.memory_space<vmem_shared>> -> memref<640xf32, #tpu.memory_space<vmem_shared>>
      tpu.enqueue_dma source(%dma_start3A_64 : memref<640xf32, #tpu.memory_space<vmem_shared>>) target(%dma_start3A_63 : memref<640xf32, #tpu.memory_space<vmem>>) target_semaphore(%arg10 : memref<!tpu.dma_semaphore, #tpu.memory_space<semaphore_mem>>)
      %mul3A_65 = arith.constant 640 : i32
      %mul3A_66 = arith.muli %arg1, %mul3A_65 : i32
      %add3A_67 = arith.constant 40960 : i32
      %add3A_68 = arith.addi %add3A_67, %mul3A_66 : i32
      %dma_start3A_69 = arith.constant 2560 : i32
      %dma_start3A_70 = tpu.memref_slice %arg8[%dma_start3A_69] : memref<10240xf32, #tpu.memory_space<vmem>> -> memref<640xf32, #tpu.memory_space<vmem>>
      %dma_start3A_71 = tpu.memref_slice %arg9[%add3A_68] : memref<163840xf32, #tpu.memory_space<vmem_shared>> -> memref<640xf32, #tpu.memory_space<vmem_shared>>
      %dma_start3A_72 = arith.constant 2560 : i32
      %dma_start3A_73 = tpu.memref_slice %arg8[%dma_start3A_72] : memref<10240xf32, #tpu.memory_space<vmem>> -> memref<640xf32, #tpu.memory_space<vmem>>
      %dma_start3A_74 = tpu.memref_slice %arg9[%add3A_68] : memref<163840xf32, #tpu.memory_space<vmem_shared>> -> memref<640xf32, #tpu.memory_space<vmem_shared>>
      tpu.enqueue_dma source(%dma_start3A_74 : memref<640xf32, #tpu.memory_space<vmem_shared>>) target(%dma_start3A_73 : memref<640xf32, #tpu.memory_space<vmem>>) target_semaphore(%arg10 : memref<!tpu.dma_semaphore, #tpu.memory_space<semaphore_mem>>)
      %mul3A_75 = arith.constant 640 : i32
      %mul3A_76 = arith.muli %arg1, %mul3A_75 : i32
      %add3A_77 = arith.constant 51200 : i32
      %add3A_78 = arith.addi %add3A_77, %mul3A_76 : i32
      %dma_start3A_79 = arith.constant 3200 : i32
      %dma_start3A_80 = tpu.memref_slice %arg8[%dma_start3A_79] : memref<10240xf32, #tpu.memory_space<vmem>> -> memref<640xf32, #tpu.memory_space<vmem>>
      %dma_start3A_81 = tpu.memref_slice %arg9[%add3A_78] : memref<163840xf32, #tpu.memory_space<vmem_shared>> -> memref<640xf32, #tpu.memory_space<vmem_shared>>
      %dma_start3A_82 = arith.constant 3200 : i32
      %dma_start3A_83 = tpu.memref_slice %arg8[%dma_start3A_82] : memref<10240xf32, #tpu.memory_space<vmem>> -> memref<640xf32, #tpu.memory_space<vmem>>
      %dma_start3A_84 = tpu.memref_slice %arg9[%add3A_78] : memref<163840xf32, #tpu.memory_space<vmem_shared>> -> memref<640xf32, #tpu.memory_space<vmem_shared>>
      tpu.enqueue_dma source(%dma_start3A_84 : memref<640xf32, #tpu.memory_space<vmem_shared>>) target(%dma_start3A_83 : memref<640xf32, #tpu.memory_space<vmem>>) target_semaphore(%arg10 : memref<!tpu.dma_semaphore, #tpu.memory_space<semaphore_mem>>)
      %mul3A_85 = arith.constant 640 : i32
      %mul3A_86 = arith.muli %arg1, %mul3A_85 : i32
      %add3A_87 = arith.constant 61440 : i32
      %add3A_88 = arith.addi %add3A_87, %mul3A_86 : i32
      %dma_start3A_89 = arith.constant 3840 : i32
      %dma_start3A_90 = tpu.memref_slice %arg8[%dma_start3A_89] : memref<10240xf32, #tpu.memory_space<vmem>> -> memref<640xf32, #tpu.memory_space<vmem>>
      %dma_start3A_91 = tpu.memref_slice %arg9[%add3A_88] : memref<163840xf32, #tpu.memory_space<vmem_shared>> -> memref<640xf32, #tpu.memory_space<vmem_shared>>
      %dma_start3A_92 = arith.constant 3840 : i32
      %dma_start3A_93 = tpu.memref_slice %arg8[%dma_start3A_92] : memref<10240xf32, #tpu.memory_space<vmem>> -> memref<640xf32, #tpu.memory_space<vmem>>
      %dma_start3A_94 = tpu.memref_slice %arg9[%add3A_88] : memref<163840xf32, #tpu.memory_space<vmem_shared>> -> memref<640xf32, #tpu.memory_space<vmem_shared>>
      tpu.enqueue_dma source(%dma_start3A_94 : memref<640xf32, #tpu.memory_space<vmem_shared>>) target(%dma_start3A_93 : memref<640xf32, #tpu.memory_space<vmem>>) target_semaphore(%arg10 : memref<!tpu.dma_semaphore, #tpu.memory_space<semaphore_mem>>)
      %mul3A_95 = arith.constant 640 : i32
      %mul3A_96 = arith.muli %arg1, %mul3A_95 : i32
      %add3A_97 = arith.constant 71680 : i32
      %add3A_98 = arith.addi %add3A_97, %mul3A_96 : i32
      %dma_start3A_99 = arith.constant 4480 : i32
      %dma_start3A_100 = tpu.memref_slice %arg8[%dma_start3A_99] : memref<10240xf32, #tpu.memory_space<vmem>> -> memref<640xf32, #tpu.memory_space<vmem>>
      %dma_start3A_101 = tpu.memref_slice %arg9[%add3A_98] : memref<163840xf32, #tpu.memory_space<vmem_shared>> -> memref<640xf32, #tpu.memory_space<vmem_shared>>
      %dma_start3A_102 = arith.constant 4480 : i32
      %dma_start3A_103 = tpu.memref_slice %arg8[%dma_start3A_102] : memref<10240xf32, #tpu.memory_space<vmem>> -> memref<640xf32, #tpu.memory_space<vmem>>
      %dma_start3A_104 = tpu.memref_slice %arg9[%add3A_98] : memref<163840xf32, #tpu.memory_space<vmem_shared>> -> memref<640xf32, #tpu.memory_space<vmem_shared>>
      tpu.enqueue_dma source(%dma_start3A_104 : memref<640xf32, #tpu.memory_space<vmem_shared>>) target(%dma_start3A_103 : memref<640xf32, #tpu.memory_space<vmem>>) target_semaphore(%arg10 : memref<!tpu.dma_semaphore, #tpu.memory_space<semaphore_mem>>)
      %mul3A_105 = arith.constant 640 : i32
      %mul3A_106 = arith.muli %arg1, %mul3A_105 : i32
      %add3A_107 = arith.constant 81920 : i32
      %add3A_108 = arith.addi %add3A_107, %mul3A_106 : i32
      %dma_start3A_109 = arith.constant 5120 : i32
      %dma_start3A_110 = tpu.memref_slice %arg8[%dma_start3A_109] : memref<10240xf32, #tpu.memory_space<vmem>> -> memref<640xf32, #tpu.memory_space<vmem>>
      %dma_start3A_111 = tpu.memref_slice %arg9[%add3A_108] : memref<163840xf32, #tpu.memory_space<vmem_shared>> -> memref<640xf32, #tpu.memory_space<vmem_shared>>
      %dma_start3A_112 = arith.constant 5120 : i32
      %dma_start3A_113 = tpu.memref_slice %arg8[%dma_start3A_112] : memref<10240xf32, #tpu.memory_space<vmem>> -> memref<640xf32, #tpu.memory_space<vmem>>
      %dma_start3A_114 = tpu.memref_slice %arg9[%add3A_108] : memref<163840xf32, #tpu.memory_space<vmem_shared>> -> memref<640xf32, #tpu.memory_space<vmem_shared>>
      tpu.enqueue_dma source(%dma_start3A_114 : memref<640xf32, #tpu.memory_space<vmem_shared>>) target(%dma_start3A_113 : memref<640xf32, #tpu.memory_space<vmem>>) target_semaphore(%arg10 : memref<!tpu.dma_semaphore, #tpu.memory_space<semaphore_mem>>)
      %mul3A_115 = arith.constant 640 : i32
      %mul3A_116 = arith.muli %arg1, %mul3A_115 : i32
      %add3A_117 = arith.constant 92160 : i32
      %add3A_118 = arith.addi %add3A_117, %mul3A_116 : i32
      %dma_start3A_119 = arith.constant 5760 : i32
      %dma_start3A_120 = tpu.memref_slice %arg8[%dma_start3A_119] : memref<10240xf32, #tpu.memory_space<vmem>> -> memref<640xf32, #tpu.memory_space<vmem>>
      %dma_start3A_121 = tpu.memref_slice %arg9[%add3A_118] : memref<163840xf32, #tpu.memory_space<vmem_shared>> -> memref<640xf32, #tpu.memory_space<vmem_shared>>
      %dma_start3A_122 = arith.constant 5760 : i32
      %dma_start3A_123 = tpu.memref_slice %arg8[%dma_start3A_122] : memref<10240xf32, #tpu.memory_space<vmem>> -> memref<640xf32, #tpu.memory_space<vmem>>
      %dma_start3A_124 = tpu.memref_slice %arg9[%add3A_118] : memref<163840xf32, #tpu.memory_space<vmem_shared>> -> memref<640xf32, #tpu.memory_space<vmem_shared>>
      tpu.enqueue_dma source(%dma_start3A_124 : memref<640xf32, #tpu.memory_space<vmem_shared>>) target(%dma_start3A_123 : memref<640xf32, #tpu.memory_space<vmem>>) target_semaphore(%arg10 : memref<!tpu.dma_semaphore, #tpu.memory_space<semaphore_mem>>)
      %mul3A_125 = arith.constant 640 : i32
      %mul3A_126 = arith.muli %arg1, %mul3A_125 : i32
      %add3A_127 = arith.constant 102400 : i32
      %add3A_128 = arith.addi %add3A_127, %mul3A_126 : i32
      %dma_start3A_129 = arith.constant 6400 : i32
      %dma_start3A_130 = tpu.memref_slice %arg8[%dma_start3A_129] : memref<10240xf32, #tpu.memory_space<vmem>> -> memref<640xf32, #tpu.memory_space<vmem>>
      %dma_start3A_131 = tpu.memref_slice %arg9[%add3A_128] : memref<163840xf32, #tpu.memory_space<vmem_shared>> -> memref<640xf32, #tpu.memory_space<vmem_shared>>
      %dma_start3A_132 = arith.constant 6400 : i32
      %dma_start3A_133 = tpu.memref_slice %arg8[%dma_start3A_132] : memref<10240xf32, #tpu.memory_space<vmem>> -> memref<640xf32, #tpu.memory_space<vmem>>
      %dma_start3A_134 = tpu.memref_slice %arg9[%add3A_128] : memref<163840xf32, #tpu.memory_space<vmem_shared>> -> memref<640xf32, #tpu.memory_space<vmem_shared>>
      tpu.enqueue_dma source(%dma_start3A_134 : memref<640xf32, #tpu.memory_space<vmem_shared>>) target(%dma_start3A_133 : memref<640xf32, #tpu.memory_space<vmem>>) target_semaphore(%arg10 : memref<!tpu.dma_semaphore, #tpu.memory_space<semaphore_mem>>)
      %mul3A_135 = arith.constant 640 : i32
      %mul3A_136 = arith.muli %arg1, %mul3A_135 : i32
      %add3A_137 = arith.constant 112640 : i32
      %add3A_138 = arith.addi %add3A_137, %mul3A_136 : i32
      %dma_start3A_139 = arith.constant 7040 : i32
      %dma_start3A_140 = tpu.memref_slice %arg8[%dma_start3A_139] : memref<10240xf32, #tpu.memory_space<vmem>> -> memref<640xf32, #tpu.memory_space<vmem>>
      %dma_start3A_141 = tpu.memref_slice %arg9[%add3A_138] : memref<163840xf32, #tpu.memory_space<vmem_shared>> -> memref<640xf32, #tpu.memory_space<vmem_shared>>
      %dma_start3A_142 = arith.constant 7040 : i32
      %dma_start3A_143 = tpu.memref_slice %arg8[%dma_start3A_142] : memref<10240xf32, #tpu.memory_space<vmem>> -> memref<640xf32, #tpu.memory_space<vmem>>
      %dma_start3A_144 = tpu.memref_slice %arg9[%add3A_138] : memref<163840xf32, #tpu.memory_space<vmem_shared>> -> memref<640xf32, #tpu.memory_space<vmem_shared>>
      tpu.enqueue_dma source(%dma_start3A_144 : memref<640xf32, #tpu.memory_space<vmem_shared>>) target(%dma_start3A_143 : memref<640xf32, #tpu.memory_space<vmem>>) target_semaphore(%arg10 : memref<!tpu.dma_semaphore, #tpu.memory_space<semaphore_mem>>)
      %mul3A_145 = arith.constant 640 : i32
      %mul3A_146 = arith.muli %arg1, %mul3A_145 : i32
      %add3A_147 = arith.constant 122880 : i32
      %add3A_148 = arith.addi %add3A_147, %mul3A_146 : i32
      %dma_start3A_149 = arith.constant 7680 : i32
      %dma_start3A_150 = tpu.memref_slice %arg8[%dma_start3A_149] : memref<10240xf32, #tpu.memory_space<vmem>> -> memref<640xf32, #tpu.memory_space<vmem>>
      %dma_start3A_151 = tpu.memref_slice %arg9[%add3A_148] : memref<163840xf32, #tpu.memory_space<vmem_shared>> -> memref<640xf32, #tpu.memory_space<vmem_shared>>
      %dma_start3A_152 = arith.constant 7680 : i32
      %dma_start3A_153 = tpu.memref_slice %arg8[%dma_start3A_152] : memref<10240xf32, #tpu.memory_space<vmem>> -> memref<640xf32, #tpu.memory_space<vmem>>
      %dma_start3A_154 = tpu.memref_slice %arg9[%add3A_148] : memref<163840xf32, #tpu.memory_space<vmem_shared>> -> memref<640xf32, #tpu.memory_space<vmem_shared>>
      tpu.enqueue_dma source(%dma_start3A_154 : memref<640xf32, #tpu.memory_space<vmem_shared>>) target(%dma_start3A_153 : memref<640xf32, #tpu.memory_space<vmem>>) target_semaphore(%arg10 : memref<!tpu.dma_semaphore, #tpu.memory_space<semaphore_mem>>)
      %mul3A_155 = arith.constant 640 : i32
      %mul3A_156 = arith.muli %arg1, %mul3A_155 : i32
      %add3A_157 = arith.constant 133120 : i32
      %add3A_158 = arith.addi %add3A_157, %mul3A_156 : i32
      %dma_start3A_159 = arith.constant 8320 : i32
      %dma_start3A_160 = tpu.memref_slice %arg8[%dma_start3A_159] : memref<10240xf32, #tpu.memory_space<vmem>> -> memref<640xf32, #tpu.memory_space<vmem>>
      %dma_start3A_161 = tpu.memref_slice %arg9[%add3A_158] : memref<163840xf32, #tpu.memory_space<vmem_shared>> -> memref<640xf32, #tpu.memory_space<vmem_shared>>
      %dma_start3A_162 = arith.constant 8320 : i32
      %dma_start3A_163 = tpu.memref_slice %arg8[%dma_start3A_162] : memref<10240xf32, #tpu.memory_space<vmem>> -> memref<640xf32, #tpu.memory_space<vmem>>
      %dma_start3A_164 = tpu.memref_slice %arg9[%add3A_158] : memref<163840xf32, #tpu.memory_space<vmem_shared>> -> memref<640xf32, #tpu.memory_space<vmem_shared>>
      tpu.enqueue_dma source(%dma_start3A_164 : memref<640xf32, #tpu.memory_space<vmem_shared>>) target(%dma_start3A_163 : memref<640xf32, #tpu.memory_space<vmem>>) target_semaphore(%arg10 : memref<!tpu.dma_semaphore, #tpu.memory_space<semaphore_mem>>)
      %mul3A_165 = arith.constant 640 : i32
      %mul3A_166 = arith.muli %arg1, %mul3A_165 : i32
      %add3A_167 = arith.constant 143360 : i32
      %add3A_168 = arith.addi %add3A_167, %mul3A_166 : i32
      %dma_start3A_169 = arith.constant 8960 : i32
      %dma_start3A_170 = tpu.memref_slice %arg8[%dma_start3A_169] : memref<10240xf32, #tpu.memory_space<vmem>> -> memref<640xf32, #tpu.memory_space<vmem>>
      %dma_start3A_171 = tpu.memref_slice %arg9[%add3A_168] : memref<163840xf32, #tpu.memory_space<vmem_shared>> -> memref<640xf32, #tpu.memory_space<vmem_shared>>
      %dma_start3A_172 = arith.constant 8960 : i32
      %dma_start3A_173 = tpu.memref_slice %arg8[%dma_start3A_172] : memref<10240xf32, #tpu.memory_space<vmem>> -> memref<640xf32, #tpu.memory_space<vmem>>
      %dma_start3A_174 = tpu.memref_slice %arg9[%add3A_168] : memref<163840xf32, #tpu.memory_space<vmem_shared>> -> memref<640xf32, #tpu.memory_space<vmem_shared>>
      tpu.enqueue_dma source(%dma_start3A_174 : memref<640xf32, #tpu.memory_space<vmem_shared>>) target(%dma_start3A_173 : memref<640xf32, #tpu.memory_space<vmem>>) target_semaphore(%arg10 : memref<!tpu.dma_semaphore, #tpu.memory_space<semaphore_mem>>)
      %mul3A_175 = arith.constant 640 : i32
      %mul3A_176 = arith.muli %arg1, %mul3A_175 : i32
      %add3A_177 = arith.constant 153600 : i32
      %add3A_178 = arith.addi %add3A_177, %mul3A_176 : i32
      %dma_start3A_179 = arith.constant 9600 : i32
      %dma_start3A_180 = tpu.memref_slice %arg8[%dma_start3A_179] : memref<10240xf32, #tpu.memory_space<vmem>> -> memref<640xf32, #tpu.memory_space<vmem>>
      %dma_start3A_181 = tpu.memref_slice %arg9[%add3A_178] : memref<163840xf32, #tpu.memory_space<vmem_shared>> -> memref<640xf32, #tpu.memory_space<vmem_shared>>
      %dma_start3A_182 = arith.constant 9600 : i32
      %dma_start3A_183 = tpu.memref_slice %arg8[%dma_start3A_182] : memref<10240xf32, #tpu.memory_space<vmem>> -> memref<640xf32, #tpu.memory_space<vmem>>
      %dma_start3A_184 = tpu.memref_slice %arg9[%add3A_178] : memref<163840xf32, #tpu.memory_space<vmem_shared>> -> memref<640xf32, #tpu.memory_space<vmem_shared>>
      tpu.enqueue_dma source(%dma_start3A_184 : memref<640xf32, #tpu.memory_space<vmem_shared>>) target(%dma_start3A_183 : memref<640xf32, #tpu.memory_space<vmem>>) target_semaphore(%arg10 : memref<!tpu.dma_semaphore, #tpu.memory_space<semaphore_mem>>)
      %mul3A_185 = arith.constant 640 : i32
      %mul3A_186 = arith.muli %arg1, %mul3A_185 : i32
      %add3A_187 = arith.constant 0 : i32
      %add3A_188 = arith.addi %add3A_187, %mul3A_186 : i32
      %dma_wait3A_189 = arith.constant 0 : i32
      %dma_wait3A_190 = tpu.memref_slice %arg8[%dma_wait3A_189] : memref<10240xf32, #tpu.memory_space<vmem>> -> memref<640xf32, #tpu.memory_space<vmem>>
      %dma_wait3A_191 = tpu.memref_slice %arg9[%add3A_188] : memref<163840xf32, #tpu.memory_space<vmem_shared>> -> memref<640xf32, #tpu.memory_space<vmem_shared>>
      %dma_wait3A_192 = arith.constant 0 : i32
      %dma_wait3A_193 = tpu.memref_slice %arg8[%dma_wait3A_192] : memref<10240xf32, #tpu.memory_space<vmem>> -> memref<640xf32, #tpu.memory_space<vmem>>
      %dma_wait3A_194 = tpu.memref_slice %arg9[%add3A_188] : memref<163840xf32, #tpu.memory_space<vmem_shared>> -> memref<640xf32, #tpu.memory_space<vmem_shared>>
      tpu.wait_dma2 semaphore(%arg10 : memref<!tpu.dma_semaphore, #tpu.memory_space<semaphore_mem>>) src(%dma_wait3A_194 : memref<640xf32, #tpu.memory_space<vmem_shared>>) dst(%dma_wait3A_193 : memref<640xf32, #tpu.memory_space<vmem>>)
      %mul3A_195 = arith.constant 640 : i32
      %mul3A_196 = arith.muli %arg1, %mul3A_195 : i32
      %add3A_197 = arith.constant 10240 : i32
      %add3A_198 = arith.addi %add3A_197, %mul3A_196 : i32
      %dma_wait3A_199 = arith.constant 640 : i32
      %dma_wait3A_200 = tpu.memref_slice %arg8[%dma_wait3A_199] : memref<10240xf32, #tpu.memory_space<vmem>> -> memref<640xf32, #tpu.memory_space<vmem>>
      %dma_wait3A_201 = tpu.memref_slice %arg9[%add3A_198] : memref<163840xf32, #tpu.memory_space<vmem_shared>> -> memref<640xf32, #tpu.memory_space<vmem_shared>>
      %dma_wait3A_202 = arith.constant 640 : i32
      %dma_wait3A_203 = tpu.memref_slice %arg8[%dma_wait3A_202] : memref<10240xf32, #tpu.memory_space<vmem>> -> memref<640xf32, #tpu.memory_space<vmem>>
      %dma_wait3A_204 = tpu.memref_slice %arg9[%add3A_198] : memref<163840xf32, #tpu.memory_space<vmem_shared>> -> memref<640xf32, #tpu.memory_space<vmem_shared>>
      tpu.wait_dma2 semaphore(%arg10 : memref<!tpu.dma_semaphore, #tpu.memory_space<semaphore_mem>>) src(%dma_wait3A_204 : memref<640xf32, #tpu.memory_space<vmem_shared>>) dst(%dma_wait3A_203 : memref<640xf32, #tpu.memory_space<vmem>>)
      %mul3A_205 = arith.constant 640 : i32
      %mul3A_206 = arith.muli %arg1, %mul3A_205 : i32
      %add3A_207 = arith.constant 20480 : i32
      %add3A_208 = arith.addi %add3A_207, %mul3A_206 : i32
      %dma_wait3A_209 = arith.constant 1280 : i32
      %dma_wait3A_210 = tpu.memref_slice %arg8[%dma_wait3A_209] : memref<10240xf32, #tpu.memory_space<vmem>> -> memref<640xf32, #tpu.memory_space<vmem>>
      %dma_wait3A_211 = tpu.memref_slice %arg9[%add3A_208] : memref<163840xf32, #tpu.memory_space<vmem_shared>> -> memref<640xf32, #tpu.memory_space<vmem_shared>>
      %dma_wait3A_212 = arith.constant 1280 : i32
      %dma_wait3A_213 = tpu.memref_slice %arg8[%dma_wait3A_212] : memref<10240xf32, #tpu.memory_space<vmem>> -> memref<640xf32, #tpu.memory_space<vmem>>
      %dma_wait3A_214 = tpu.memref_slice %arg9[%add3A_208] : memref<163840xf32, #tpu.memory_space<vmem_shared>> -> memref<640xf32, #tpu.memory_space<vmem_shared>>
      tpu.wait_dma2 semaphore(%arg10 : memref<!tpu.dma_semaphore, #tpu.memory_space<semaphore_mem>>) src(%dma_wait3A_214 : memref<640xf32, #tpu.memory_space<vmem_shared>>) dst(%dma_wait3A_213 : memref<640xf32, #tpu.memory_space<vmem>>)
      %mul3A_215 = arith.constant 640 : i32
      %mul3A_216 = arith.muli %arg1, %mul3A_215 : i32
      %add3A_217 = arith.constant 30720 : i32
      %add3A_218 = arith.addi %add3A_217, %mul3A_216 : i32
      %dma_wait3A_219 = arith.constant 1920 : i32
      %dma_wait3A_220 = tpu.memref_slice %arg8[%dma_wait3A_219] : memref<10240xf32, #tpu.memory_space<vmem>> -> memref<640xf32, #tpu.memory_space<vmem>>
      %dma_wait3A_221 = tpu.memref_slice %arg9[%add3A_218] : memref<163840xf32, #tpu.memory_space<vmem_shared>> -> memref<640xf32, #tpu.memory_space<vmem_shared>>
      %dma_wait3A_222 = arith.constant 1920 : i32
      %dma_wait3A_223 = tpu.memref_slice %arg8[%dma_wait3A_222] : memref<10240xf32, #tpu.memory_space<vmem>> -> memref<640xf32, #tpu.memory_space<vmem>>
      %dma_wait3A_224 = tpu.memref_slice %arg9[%add3A_218] : memref<163840xf32, #tpu.memory_space<vmem_shared>> -> memref<640xf32, #tpu.memory_space<vmem_shared>>
      tpu.wait_dma2 semaphore(%arg10 : memref<!tpu.dma_semaphore, #tpu.memory_space<semaphore_mem>>) src(%dma_wait3A_224 : memref<640xf32, #tpu.memory_space<vmem_shared>>) dst(%dma_wait3A_223 : memref<640xf32, #tpu.memory_space<vmem>>)
      %mul3A_225 = arith.constant 640 : i32
      %mul3A_226 = arith.muli %arg1, %mul3A_225 : i32
      %add3A_227 = arith.constant 40960 : i32
      %add3A_228 = arith.addi %add3A_227, %mul3A_226 : i32
      %dma_wait3A_229 = arith.constant 2560 : i32
      %dma_wait3A_230 = tpu.memref_slice %arg8[%dma_wait3A_229] : memref<10240xf32, #tpu.memory_space<vmem>> -> memref<640xf32, #tpu.memory_space<vmem>>
      %dma_wait3A_231 = tpu.memref_slice %arg9[%add3A_228] : memref<163840xf32, #tpu.memory_space<vmem_shared>> -> memref<640xf32, #tpu.memory_space<vmem_shared>>
      %dma_wait3A_232 = arith.constant 2560 : i32
      %dma_wait3A_233 = tpu.memref_slice %arg8[%dma_wait3A_232] : memref<10240xf32, #tpu.memory_space<vmem>> -> memref<640xf32, #tpu.memory_space<vmem>>
      %dma_wait3A_234 = tpu.memref_slice %arg9[%add3A_228] : memref<163840xf32, #tpu.memory_space<vmem_shared>> -> memref<640xf32, #tpu.memory_space<vmem_shared>>
      tpu.wait_dma2 semaphore(%arg10 : memref<!tpu.dma_semaphore, #tpu.memory_space<semaphore_mem>>) src(%dma_wait3A_234 : memref<640xf32, #tpu.memory_space<vmem_shared>>) dst(%dma_wait3A_233 : memref<640xf32, #tpu.memory_space<vmem>>)
      %mul3A_235 = arith.constant 640 : i32
      %mul3A_236 = arith.muli %arg1, %mul3A_235 : i32
      %add3A_237 = arith.constant 51200 : i32
      %add3A_238 = arith.addi %add3A_237, %mul3A_236 : i32
      %dma_wait3A_239 = arith.constant 3200 : i32
      %dma_wait3A_240 = tpu.memref_slice %arg8[%dma_wait3A_239] : memref<10240xf32, #tpu.memory_space<vmem>> -> memref<640xf32, #tpu.memory_space<vmem>>
      %dma_wait3A_241 = tpu.memref_slice %arg9[%add3A_238] : memref<163840xf32, #tpu.memory_space<vmem_shared>> -> memref<640xf32, #tpu.memory_space<vmem_shared>>
      %dma_wait3A_242 = arith.constant 3200 : i32
      %dma_wait3A_243 = tpu.memref_slice %arg8[%dma_wait3A_242] : memref<10240xf32, #tpu.memory_space<vmem>> -> memref<640xf32, #tpu.memory_space<vmem>>
      %dma_wait3A_244 = tpu.memref_slice %arg9[%add3A_238] : memref<163840xf32, #tpu.memory_space<vmem_shared>> -> memref<640xf32, #tpu.memory_space<vmem_shared>>
      tpu.wait_dma2 semaphore(%arg10 : memref<!tpu.dma_semaphore, #tpu.memory_space<semaphore_mem>>) src(%dma_wait3A_244 : memref<640xf32, #tpu.memory_space<vmem_shared>>) dst(%dma_wait3A_243 : memref<640xf32, #tpu.memory_space<vmem>>)
      %mul3A_245 = arith.constant 640 : i32
      %mul3A_246 = arith.muli %arg1, %mul3A_245 : i32
      %add3A_247 = arith.constant 61440 : i32
      %add3A_248 = arith.addi %add3A_247, %mul3A_246 : i32
      %dma_wait3A_249 = arith.constant 3840 : i32
      %dma_wait3A_250 = tpu.memref_slice %arg8[%dma_wait3A_249] : memref<10240xf32, #tpu.memory_space<vmem>> -> memref<640xf32, #tpu.memory_space<vmem>>
      %dma_wait3A_251 = tpu.memref_slice %arg9[%add3A_248] : memref<163840xf32, #tpu.memory_space<vmem_shared>> -> memref<640xf32, #tpu.memory_space<vmem_shared>>
      %dma_wait3A_252 = arith.constant 3840 : i32
      %dma_wait3A_253 = tpu.memref_slice %arg8[%dma_wait3A_252] : memref<10240xf32, #tpu.memory_space<vmem>> -> memref<640xf32, #tpu.memory_space<vmem>>
      %dma_wait3A_254 = tpu.memref_slice %arg9[%add3A_248] : memref<163840xf32, #tpu.memory_space<vmem_shared>> -> memref<640xf32, #tpu.memory_space<vmem_shared>>
      tpu.wait_dma2 semaphore(%arg10 : memref<!tpu.dma_semaphore, #tpu.memory_space<semaphore_mem>>) src(%dma_wait3A_254 : memref<640xf32, #tpu.memory_space<vmem_shared>>) dst(%dma_wait3A_253 : memref<640xf32, #tpu.memory_space<vmem>>)
      %mul3A_255 = arith.constant 640 : i32
      %mul3A_256 = arith.muli %arg1, %mul3A_255 : i32
      %add3A_257 = arith.constant 71680 : i32
      %add3A_258 = arith.addi %add3A_257, %mul3A_256 : i32
      %dma_wait3A_259 = arith.constant 4480 : i32
      %dma_wait3A_260 = tpu.memref_slice %arg8[%dma_wait3A_259] : memref<10240xf32, #tpu.memory_space<vmem>> -> memref<640xf32, #tpu.memory_space<vmem>>
      %dma_wait3A_261 = tpu.memref_slice %arg9[%add3A_258] : memref<163840xf32, #tpu.memory_space<vmem_shared>> -> memref<640xf32, #tpu.memory_space<vmem_shared>>
      %dma_wait3A_262 = arith.constant 4480 : i32
      %dma_wait3A_263 = tpu.memref_slice %arg8[%dma_wait3A_262] : memref<10240xf32, #tpu.memory_space<vmem>> -> memref<640xf32, #tpu.memory_space<vmem>>
      %dma_wait3A_264 = tpu.memref_slice %arg9[%add3A_258] : memref<163840xf32, #tpu.memory_space<vmem_shared>> -> memref<640xf32, #tpu.memory_space<vmem_shared>>
      tpu.wait_dma2 semaphore(%arg10 : memref<!tpu.dma_semaphore, #tpu.memory_space<semaphore_mem>>) src(%dma_wait3A_264 : memref<640xf32, #tpu.memory_space<vmem_shared>>) dst(%dma_wait3A_263 : memref<640xf32, #tpu.memory_space<vmem>>)
      %mul3A_265 = arith.constant 640 : i32
      %mul3A_266 = arith.muli %arg1, %mul3A_265 : i32
      %add3A_267 = arith.constant 81920 : i32
      %add3A_268 = arith.addi %add3A_267, %mul3A_266 : i32
      %dma_wait3A_269 = arith.constant 5120 : i32
      %dma_wait3A_270 = tpu.memref_slice %arg8[%dma_wait3A_269] : memref<10240xf32, #tpu.memory_space<vmem>> -> memref<640xf32, #tpu.memory_space<vmem>>
      %dma_wait3A_271 = tpu.memref_slice %arg9[%add3A_268] : memref<163840xf32, #tpu.memory_space<vmem_shared>> -> memref<640xf32, #tpu.memory_space<vmem_shared>>
      %dma_wait3A_272 = arith.constant 5120 : i32
      %dma_wait3A_273 = tpu.memref_slice %arg8[%dma_wait3A_272] : memref<10240xf32, #tpu.memory_space<vmem>> -> memref<640xf32, #tpu.memory_space<vmem>>
      %dma_wait3A_274 = tpu.memref_slice %arg9[%add3A_268] : memref<163840xf32, #tpu.memory_space<vmem_shared>> -> memref<640xf32, #tpu.memory_space<vmem_shared>>
      tpu.wait_dma2 semaphore(%arg10 : memref<!tpu.dma_semaphore, #tpu.memory_space<semaphore_mem>>) src(%dma_wait3A_274 : memref<640xf32, #tpu.memory_space<vmem_shared>>) dst(%dma_wait3A_273 : memref<640xf32, #tpu.memory_space<vmem>>)
      %mul3A_275 = arith.constant 640 : i32
      %mul3A_276 = arith.muli %arg1, %mul3A_275 : i32
      %add3A_277 = arith.constant 92160 : i32
      %add3A_278 = arith.addi %add3A_277, %mul3A_276 : i32
      %dma_wait3A_279 = arith.constant 5760 : i32
      %dma_wait3A_280 = tpu.memref_slice %arg8[%dma_wait3A_279] : memref<10240xf32, #tpu.memory_space<vmem>> -> memref<640xf32, #tpu.memory_space<vmem>>
      %dma_wait3A_281 = tpu.memref_slice %arg9[%add3A_278] : memref<163840xf32, #tpu.memory_space<vmem_shared>> -> memref<640xf32, #tpu.memory_space<vmem_shared>>
      %dma_wait3A_282 = arith.constant 5760 : i32
      %dma_wait3A_283 = tpu.memref_slice %arg8[%dma_wait3A_282] : memref<10240xf32, #tpu.memory_space<vmem>> -> memref<640xf32, #tpu.memory_space<vmem>>
      %dma_wait3A_284 = tpu.memref_slice %arg9[%add3A_278] : memref<163840xf32, #tpu.memory_space<vmem_shared>> -> memref<640xf32, #tpu.memory_space<vmem_shared>>
      tpu.wait_dma2 semaphore(%arg10 : memref<!tpu.dma_semaphore, #tpu.memory_space<semaphore_mem>>) src(%dma_wait3A_284 : memref<640xf32, #tpu.memory_space<vmem_shared>>) dst(%dma_wait3A_283 : memref<640xf32, #tpu.memory_space<vmem>>)
      %mul3A_285 = arith.constant 640 : i32
      %mul3A_286 = arith.muli %arg1, %mul3A_285 : i32
      %add3A_287 = arith.constant 102400 : i32
      %add3A_288 = arith.addi %add3A_287, %mul3A_286 : i32
      %dma_wait3A_289 = arith.constant 6400 : i32
      %dma_wait3A_290 = tpu.memref_slice %arg8[%dma_wait3A_289] : memref<10240xf32, #tpu.memory_space<vmem>> -> memref<640xf32, #tpu.memory_space<vmem>>
      %dma_wait3A_291 = tpu.memref_slice %arg9[%add3A_288] : memref<163840xf32, #tpu.memory_space<vmem_shared>> -> memref<640xf32, #tpu.memory_space<vmem_shared>>
      %dma_wait3A_292 = arith.constant 6400 : i32
      %dma_wait3A_293 = tpu.memref_slice %arg8[%dma_wait3A_292] : memref<10240xf32, #tpu.memory_space<vmem>> -> memref<640xf32, #tpu.memory_space<vmem>>
      %dma_wait3A_294 = tpu.memref_slice %arg9[%add3A_288] : memref<163840xf32, #tpu.memory_space<vmem_shared>> -> memref<640xf32, #tpu.memory_space<vmem_shared>>
      tpu.wait_dma2 semaphore(%arg10 : memref<!tpu.dma_semaphore, #tpu.memory_space<semaphore_mem>>) src(%dma_wait3A_294 : memref<640xf32, #tpu.memory_space<vmem_shared>>) dst(%dma_wait3A_293 : memref<640xf32, #tpu.memory_space<vmem>>)
      %mul3A_295 = arith.constant 640 : i32
      %mul3A_296 = arith.muli %arg1, %mul3A_295 : i32
      %add3A_297 = arith.constant 112640 : i32
      %add3A_298 = arith.addi %add3A_297, %mul3A_296 : i32
      %dma_wait3A_299 = arith.constant 7040 : i32
      %dma_wait3A_300 = tpu.memref_slice %arg8[%dma_wait3A_299] : memref<10240xf32, #tpu.memory_space<vmem>> -> memref<640xf32, #tpu.memory_space<vmem>>
      %dma_wait3A_301 = tpu.memref_slice %arg9[%add3A_298] : memref<163840xf32, #tpu.memory_space<vmem_shared>> -> memref<640xf32, #tpu.memory_space<vmem_shared>>
      %dma_wait3A_302 = arith.constant 7040 : i32
      %dma_wait3A_303 = tpu.memref_slice %arg8[%dma_wait3A_302] : memref<10240xf32, #tpu.memory_space<vmem>> -> memref<640xf32, #tpu.memory_space<vmem>>
      %dma_wait3A_304 = tpu.memref_slice %arg9[%add3A_298] : memref<163840xf32, #tpu.memory_space<vmem_shared>> -> memref<640xf32, #tpu.memory_space<vmem_shared>>
      tpu.wait_dma2 semaphore(%arg10 : memref<!tpu.dma_semaphore, #tpu.memory_space<semaphore_mem>>) src(%dma_wait3A_304 : memref<640xf32, #tpu.memory_space<vmem_shared>>) dst(%dma_wait3A_303 : memref<640xf32, #tpu.memory_space<vmem>>)
      %mul3A_305 = arith.constant 640 : i32
      %mul3A_306 = arith.muli %arg1, %mul3A_305 : i32
      %add3A_307 = arith.constant 122880 : i32
      %add3A_308 = arith.addi %add3A_307, %mul3A_306 : i32
      %dma_wait3A_309 = arith.constant 7680 : i32
      %dma_wait3A_310 = tpu.memref_slice %arg8[%dma_wait3A_309] : memref<10240xf32, #tpu.memory_space<vmem>> -> memref<640xf32, #tpu.memory_space<vmem>>
      %dma_wait3A_311 = tpu.memref_slice %arg9[%add3A_308] : memref<163840xf32, #tpu.memory_space<vmem_shared>> -> memref<640xf32, #tpu.memory_space<vmem_shared>>
      %dma_wait3A_312 = arith.constant 7680 : i32
      %dma_wait3A_313 = tpu.memref_slice %arg8[%dma_wait3A_312] : memref<10240xf32, #tpu.memory_space<vmem>> -> memref<640xf32, #tpu.memory_space<vmem>>
      %dma_wait3A_314 = tpu.memref_slice %arg9[%add3A_308] : memref<163840xf32, #tpu.memory_space<vmem_shared>> -> memref<640xf32, #tpu.memory_space<vmem_shared>>
      tpu.wait_dma2 semaphore(%arg10 : memref<!tpu.dma_semaphore, #tpu.memory_space<semaphore_mem>>) src(%dma_wait3A_314 : memref<640xf32, #tpu.memory_space<vmem_shared>>) dst(%dma_wait3A_313 : memref<640xf32, #tpu.memory_space<vmem>>)
      %mul3A_315 = arith.constant 640 : i32
      %mul3A_316 = arith.muli %arg1, %mul3A_315 : i32
      %add3A_317 = arith.constant 133120 : i32
      %add3A_318 = arith.addi %add3A_317, %mul3A_316 : i32
      %dma_wait3A_319 = arith.constant 8320 : i32
      %dma_wait3A_320 = tpu.memref_slice %arg8[%dma_wait3A_319] : memref<10240xf32, #tpu.memory_space<vmem>> -> memref<640xf32, #tpu.memory_space<vmem>>
      %dma_wait3A_321 = tpu.memref_slice %arg9[%add3A_318] : memref<163840xf32, #tpu.memory_space<vmem_shared>> -> memref<640xf32, #tpu.memory_space<vmem_shared>>
      %dma_wait3A_322 = arith.constant 8320 : i32
      %dma_wait3A_323 = tpu.memref_slice %arg8[%dma_wait3A_322] : memref<10240xf32, #tpu.memory_space<vmem>> -> memref<640xf32, #tpu.memory_space<vmem>>
      %dma_wait3A_324 = tpu.memref_slice %arg9[%add3A_318] : memref<163840xf32, #tpu.memory_space<vmem_shared>> -> memref<640xf32, #tpu.memory_space<vmem_shared>>
      tpu.wait_dma2 semaphore(%arg10 : memref<!tpu.dma_semaphore, #tpu.memory_space<semaphore_mem>>) src(%dma_wait3A_324 : memref<640xf32, #tpu.memory_space<vmem_shared>>) dst(%dma_wait3A_323 : memref<640xf32, #tpu.memory_space<vmem>>)
      %mul3A_325 = arith.constant 640 : i32
      %mul3A_326 = arith.muli %arg1, %mul3A_325 : i32
      %add3A_327 = arith.constant 143360 : i32
      %add3A_328 = arith.addi %add3A_327, %mul3A_326 : i32
      %dma_wait3A_329 = arith.constant 8960 : i32
      %dma_wait3A_330 = tpu.memref_slice %arg8[%dma_wait3A_329] : memref<10240xf32, #tpu.memory_space<vmem>> -> memref<640xf32, #tpu.memory_space<vmem>>
      %dma_wait3A_331 = tpu.memref_slice %arg9[%add3A_328] : memref<163840xf32, #tpu.memory_space<vmem_shared>> -> memref<640xf32, #tpu.memory_space<vmem_shared>>
      %dma_wait3A_332 = arith.constant 8960 : i32
      %dma_wait3A_333 = tpu.memref_slice %arg8[%dma_wait3A_332] : memref<10240xf32, #tpu.memory_space<vmem>> -> memref<640xf32, #tpu.memory_space<vmem>>
      %dma_wait3A_334 = tpu.memref_slice %arg9[%add3A_328] : memref<163840xf32, #tpu.memory_space<vmem_shared>> -> memref<640xf32, #tpu.memory_space<vmem_shared>>
      tpu.wait_dma2 semaphore(%arg10 : memref<!tpu.dma_semaphore, #tpu.memory_space<semaphore_mem>>) src(%dma_wait3A_334 : memref<640xf32, #tpu.memory_space<vmem_shared>>) dst(%dma_wait3A_333 : memref<640xf32, #tpu.memory_space<vmem>>)
      %mul3A_335 = arith.constant 640 : i32
      %mul3A_336 = arith.muli %arg1, %mul3A_335 : i32
      %add3A_337 = arith.constant 153600 : i32
      %add3A_338 = arith.addi %add3A_337, %mul3A_336 : i32
      %dma_wait3A_339 = arith.constant 9600 : i32
      %dma_wait3A_340 = tpu.memref_slice %arg8[%dma_wait3A_339] : memref<10240xf32, #tpu.memory_space<vmem>> -> memref<640xf32, #tpu.memory_space<vmem>>
      %dma_wait3A_341 = tpu.memref_slice %arg9[%add3A_338] : memref<163840xf32, #tpu.memory_space<vmem_shared>> -> memref<640xf32, #tpu.memory_space<vmem_shared>>
      %dma_wait3A_342 = arith.constant 9600 : i32
      %dma_wait3A_343 = tpu.memref_slice %arg8[%dma_wait3A_342] : memref<10240xf32, #tpu.memory_space<vmem>> -> memref<640xf32, #tpu.memory_space<vmem>>
      %dma_wait3A_344 = tpu.memref_slice %arg9[%add3A_338] : memref<163840xf32, #tpu.memory_space<vmem_shared>> -> memref<640xf32, #tpu.memory_space<vmem_shared>>
      tpu.wait_dma2 semaphore(%arg10 : memref<!tpu.dma_semaphore, #tpu.memory_space<semaphore_mem>>) src(%dma_wait3A_344 : memref<640xf32, #tpu.memory_space<vmem_shared>>) dst(%dma_wait3A_343 : memref<640xf32, #tpu.memory_space<vmem>>)
      %scan3A_345 = arith.constant 0 : i32
      %scan3A_346 = arith.constant 40 : i32
      %scan3A_347 = arith.addi %scan3A_345, %scan3A_346 : i32
      %scan3A_348 = arith.constant 1 : i32
      scf.for %scan3A_352 = %scan3A_345 to %scan3A_347 step %scan3A_348  : i32 {
        %mul3A_353 = arith.constant 1 : i32
        %mul3A_354 = arith.muli %scan3A_352, %mul3A_353 : i32
        %add3A_355 = arith.constant 0 : i32
        %add3A_356 = arith.addi %add3A_355, %mul3A_354 : i32
        %mul3A_357 = arith.constant 16 : i32
        %mul3A_358 = arith.muli %add3A_356, %mul3A_357 : i32
        %get3A = arith.index_cast %mul3A_358 : i32 to index
        %get3A_359 = tpu.vector_load %arg8[%get3A] {strides = array<i32>} : memref<10240xf32, #tpu.memory_space<vmem>>, vector<16xf32>,
        %mul3A_360 = arith.constant 16 : i32
        %mul3A_361 = arith.muli %add3A_356, %mul3A_360 : i32
        %add3A_362 = arith.constant 640 : i32
        %add3A_363 = arith.addi %add3A_362, %mul3A_361 : i32
        %get3A_364 = arith.index_cast %add3A_363 : i32 to index
        %get3A_365 = tpu.vector_load %arg8[%get3A_364] {strides = array<i32>} : memref<10240xf32, #tpu.memory_space<vmem>>, vector<16xf32>,
        %add3A_366 = arith.addf %get3A_359, %get3A_365 : vector<16xf32>
        %mul3A_367 = arith.constant 16 : i32
        %mul3A_368 = arith.muli %add3A_356, %mul3A_367 : i32
        %add3A_369 = arith.constant 1280 : i32
        %add3A_370 = arith.addi %add3A_369, %mul3A_368 : i32
        %get3A_371 = arith.index_cast %add3A_370 : i32 to index
        %get3A_372 = tpu.vector_load %arg8[%get3A_371] {strides = array<i32>} : memref<10240xf32, #tpu.memory_space<vmem>>, vector<16xf32>,
        %add3A_373 = arith.addf %add3A_366, %get3A_372 : vector<16xf32>
        %mul3A_374 = arith.constant 16 : i32
        %mul3A_375 = arith.muli %add3A_356, %mul3A_374 : i32
        %add3A_376 = arith.constant 1920 : i32
        %add3A_377 = arith.addi %add3A_376, %mul3A_375 : i32
        %get3A_378 = arith.index_cast %add3A_377 : i32 to index
        %get3A_379 = tpu.vector_load %arg8[%get3A_378] {strides = array<i32>} : memref<10240xf32, #tpu.memory_space<vmem>>, vector<16xf32>,
        %add3A_380 = arith.addf %add3A_373, %get3A_379 : vector<16xf32>
        %mul3A_381 = arith.constant 16 : i32
        %mul3A_382 = arith.muli %add3A_356, %mul3A_381 : i32
        %add3A_383 = arith.constant 2560 : i32
        %add3A_384 = arith.addi %add3A_383, %mul3A_382 : i32
        %get3A_385 = arith.index_cast %add3A_384 : i32 to index
        %get3A_386 = tpu.vector_load %arg8[%get3A_385] {strides = array<i32>} : memref<10240xf32, #tpu.memory_space<vmem>>, vector<16xf32>,
        %add3A_387 = arith.addf %add3A_380, %get3A_386 : vector<16xf32>
        %mul3A_388 = arith.constant 16 : i32
        %mul3A_389 = arith.muli %add3A_356, %mul3A_388 : i32
        %add3A_390 = arith.constant 3200 : i32
        %add3A_391 = arith.addi %add3A_390, %mul3A_389 : i32
        %get3A_392 = arith.index_cast %add3A_391 : i32 to index
        %get3A_393 = tpu.vector_load %arg8[%get3A_392] {strides = array<i32>} : memref<10240xf32, #tpu.memory_space<vmem>>, vector<16xf32>,
        %add3A_394 = arith.addf %add3A_387, %get3A_393 : vector<16xf32>
        %mul3A_395 = arith.constant 16 : i32
        %mul3A_396 = arith.muli %add3A_356, %mul3A_395 : i32
        %add3A_397 = arith.constant 3840 : i32
        %add3A_398 = arith.addi %add3A_397, %mul3A_396 : i32
        %get3A_399 = arith.index_cast %add3A_398 : i32 to index
        %get3A_400 = tpu.vector_load %arg8[%get3A_399] {strides = array<i32>} : memref<10240xf32, #tpu.memory_space<vmem>>, vector<16xf32>,
        %add3A_401 = arith.addf %add3A_394, %get3A_400 : vector<16xf32>
        %mul3A_402 = arith.constant 16 : i32
        %mul3A_403 = arith.muli %add3A_356, %mul3A_402 : i32
        %add3A_404 = arith.constant 4480 : i32
        %add3A_405 = arith.addi %add3A_404, %mul3A_403 : i32
        %get3A_406 = arith.index_cast %add3A_405 : i32 to index
        %get3A_407 = tpu.vector_load %arg8[%get3A_406] {strides = array<i32>} : memref<10240xf32, #tpu.memory_space<vmem>>, vector<16xf32>,
        %add3A_408 = arith.addf %add3A_401, %get3A_407 : vector<16xf32>
        %mul3A_409 = arith.constant 16 : i32
        %mul3A_410 = arith.muli %add3A_356, %mul3A_409 : i32
        %add3A_411 = arith.constant 5120 : i32
        %add3A_412 = arith.addi %add3A_411, %mul3A_410 : i32
        %get3A_413 = arith.index_cast %add3A_412 : i32 to index
        %get3A_414 = tpu.vector_load %arg8[%get3A_413] {strides = array<i32>} : memref<10240xf32, #tpu.memory_space<vmem>>, vector<16xf32>,
        %add3A_415 = arith.addf %add3A_408, %get3A_414 : vector<16xf32>
        %mul3A_416 = arith.constant 16 : i32
        %mul3A_417 = arith.muli %add3A_356, %mul3A_416 : i32
        %add3A_418 = arith.constant 5760 : i32
        %add3A_419 = arith.addi %add3A_418, %mul3A_417 : i32
        %get3A_420 = arith.index_cast %add3A_419 : i32 to index
        %get3A_421 = tpu.vector_load %arg8[%get3A_420] {strides = array<i32>} : memref<10240xf32, #tpu.memory_space<vmem>>, vector<16xf32>,
        %add3A_422 = arith.addf %add3A_415, %get3A_421 : vector<16xf32>
        %mul3A_423 = arith.constant 16 : i32
        %mul3A_424 = arith.muli %add3A_356, %mul3A_423 : i32
        %add3A_425 = arith.constant 6400 : i32
        %add3A_426 = arith.addi %add3A_425, %mul3A_424 : i32
        %get3A_427 = arith.index_cast %add3A_426 : i32 to index
        %get3A_428 = tpu.vector_load %arg8[%get3A_427] {strides = array<i32>} : memref<10240xf32, #tpu.memory_space<vmem>>, vector<16xf32>,
        %add3A_429 = arith.addf %add3A_422, %get3A_428 : vector<16xf32>
        %mul3A_430 = arith.constant 16 : i32
        %mul3A_431 = arith.muli %add3A_356, %mul3A_430 : i32
        %add3A_432 = arith.constant 7040 : i32
        %add3A_433 = arith.addi %add3A_432, %mul3A_431 : i32
        %get3A_434 = arith.index_cast %add3A_433 : i32 to index
        %get3A_435 = tpu.vector_load %arg8[%get3A_434] {strides = array<i32>} : memref<10240xf32, #tpu.memory_space<vmem>>, vector<16xf32>,
        %add3A_436 = arith.addf %add3A_429, %get3A_435 : vector<16xf32>
        %mul3A_437 = arith.constant 16 : i32
        %mul3A_438 = arith.muli %add3A_356, %mul3A_437 : i32
        %add3A_439 = arith.constant 7680 : i32
        %add3A_440 = arith.addi %add3A_439, %mul3A_438 : i32
        %get3A_441 = arith.index_cast %add3A_440 : i32 to index
        %get3A_442 = tpu.vector_load %arg8[%get3A_441] {strides = array<i32>} : memref<10240xf32, #tpu.memory_space<vmem>>, vector<16xf32>,
        %add3A_443 = arith.addf %add3A_436, %get3A_442 : vector<16xf32>
        %mul3A_444 = arith.constant 16 : i32
        %mul3A_445 = arith.muli %add3A_356, %mul3A_444 : i32
        %add3A_446 = arith.constant 8320 : i32
        %add3A_447 = arith.addi %add3A_446, %mul3A_445 : i32
        %get3A_448 = arith.index_cast %add3A_447 : i32 to index
        %get3A_449 = tpu.vector_load %arg8[%get3A_448] {strides = array<i32>} : memref<10240xf32, #tpu.memory_space<vmem>>, vector<16xf32>,
        %add3A_450 = arith.addf %add3A_443, %get3A_449 : vector<16xf32>
        %mul3A_451 = arith.constant 16 : i32
        %mul3A_452 = arith.muli %add3A_356, %mul3A_451 : i32
        %add3A_453 = arith.constant 8960 : i32
        %add3A_454 = arith.addi %add3A_453, %mul3A_452 : i32
        %get3A_455 = arith.index_cast %add3A_454 : i32 to index
        %get3A_456 = tpu.vector_load %arg8[%get3A_455] {strides = array<i32>} : memref<10240xf32, #tpu.memory_space<vmem>>, vector<16xf32>,
        %add3A_457 = arith.addf %add3A_450, %get3A_456 : vector<16xf32>
        %mul3A_458 = arith.constant 16 : i32
        %mul3A_459 = arith.muli %add3A_356, %mul3A_458 : i32
        %add3A_460 = arith.constant 9600 : i32
        %add3A_461 = arith.addi %add3A_460, %mul3A_459 : i32
        %get3A_462 = arith.index_cast %add3A_461 : i32 to index
        %get3A_463 = tpu.vector_load %arg8[%get3A_462] {strides = array<i32>} : memref<10240xf32, #tpu.memory_space<vmem>>, vector<16xf32>,
        %add3A_464 = arith.addf %add3A_457, %get3A_463 : vector<16xf32>
        %mul3A_465 = arith.constant 16 : i32
        %mul3A_466 = arith.muli %add3A_356, %mul3A_465 : i32
        %swap3A = arith.index_cast %mul3A_466 : i32 to index
        %swap3A_467 = tpu.vector_load %arg7[%swap3A] {strides = array<i32>} : memref<10240xf32, #tpu.memory_space<vmem>>, vector<16xf32>,
        tpu.vector_store %arg7[%swap3A], %add3A_464 {strides = array<i32>} : memref<10240xf32, #tpu.memory_space<vmem>>, vector<16xf32>,
      }
      %scan3A_349 = arith.constant 40 : i32
      %mul3A_350 = arith.constant 640 : i32
      %mul3A_351 = arith.muli %arg1, %mul3A_350 : i32
      "tpu.region"() ({
        %run_scoped3A = tpu.sem_alloc : memref<!tpu.dma_semaphore, #tpu.memory_space<semaphore_mem>>
        %dma_start3A_352 = arith.constant 0 : i32
        %dma_start3A_353 = tpu.memref_slice %arg7[%dma_start3A_352] : memref<10240xf32, #tpu.memory_space<vmem>> -> memref<640xf32, #tpu.memory_space<vmem>>
        %dma_start3A_354 = tpu.memref_slice %arg5[%mul3A_351] : memref<10240xf32, #tpu.memory_space<hbm>> -> memref<640xf32, #tpu.memory_space<hbm>>
        %dma_start3A_355 = tpu.memref_slice %arg5[%mul3A_351] : memref<10240xf32, #tpu.memory_space<hbm>> -> memref<640xf32, #tpu.memory_space<hbm>>
        %dma_start3A_356 = arith.constant 0 : i32
        %dma_start3A_357 = tpu.memref_slice %arg7[%dma_start3A_356] : memref<10240xf32, #tpu.memory_space<vmem>> -> memref<640xf32, #tpu.memory_space<vmem>>
        tpu.enqueue_dma source(%dma_start3A_357 : memref<640xf32, #tpu.memory_space<vmem>>) target(%dma_start3A_355 : memref<640xf32, #tpu.memory_space<hbm>>) target_semaphore(%run_scoped3A : memref<!tpu.dma_semaphore, #tpu.memory_space<semaphore_mem>>)
        %dma_wait3A_358 = arith.constant 0 : i32
        %dma_wait3A_359 = tpu.memref_slice %arg7[%dma_wait3A_358] : memref<10240xf32, #tpu.memory_space<vmem>> -> memref<640xf32, #tpu.memory_space<vmem>>
        %dma_wait3A_360 = tpu.memref_slice %arg5[%mul3A_351] : memref<10240xf32, #tpu.memory_space<hbm>> -> memref<640xf32, #tpu.memory_space<hbm>>
        %dma_wait3A_361 = tpu.memref_slice %arg5[%mul3A_351] : memref<10240xf32, #tpu.memory_space<hbm>> -> memref<640xf32, #tpu.memory_space<hbm>>
        %dma_wait3A_362 = arith.constant 0 : i32
        %dma_wait3A_363 = tpu.memref_slice %arg7[%dma_wait3A_362] : memref<10240xf32, #tpu.memory_space<vmem>> -> memref<640xf32, #tpu.memory_space<vmem>>
        tpu.wait_dma2 semaphore(%run_scoped3A : memref<!tpu.dma_semaphore, #tpu.memory_space<semaphore_mem>>) src(%dma_wait3A_363 : memref<640xf32, #tpu.memory_space<vmem>>) dst(%dma_wait3A_361 : memref<640xf32, #tpu.memory_space<hbm>>)
        tpu.yield
      }) : () -> ()
    } else {
    }
    return
  }
}

#map = affine_map<(d0, d1) -> (0, 0)>
#map1 = affine_map<(d0, d1) -> (0, 0, 0)>
module attributes {stable_mosaic.version = 14 : i64} {
  func.func @_pay_body(%arg0: i32, %arg1: i32, %arg2: memref<10000x128xf32, #tpu.memory_space<hbm>>, %arg3: memref<10000x128xf32, #tpu.memory_space<hbm>>, %arg4: memref<2x3200x100xi32, #tpu.memory_space<hbm>>, %arg5: memref<2x3200x100xi32, #tpu.memory_space<hbm>>, %arg6: memref<640x128xf32, #tpu.memory_space<hbm>>, %arg7: memref<10240x128xf32, #tpu.memory_space<hbm>>, %arg8: memref<10240x128xf32, #tpu.memory_space<hbm>>, %arg9: memref<8x100xi32, #tpu.memory_space<vmem>>, %arg10: memref<8x100xi32, #tpu.memory_space<vmem>>, %arg11: memref<8x100xi32, #tpu.memory_space<vmem>>, %arg12: memref<8x100xi32, #tpu.memory_space<vmem>>, %arg13: memref<100x128xf32, #tpu.memory_space<vmem>>, %arg14: memref<100x128xf32, #tpu.memory_space<vmem>>, %arg15: memref<10240x128xf32, #tpu.memory_space<vmem_shared>>, %arg16: memref<!tpu.dma_semaphore, #tpu.memory_space<semaphore_mem>>, %arg17: memref<!tpu.dma_semaphore, #tpu.memory_space<semaphore_mem>>, %arg18: memref<!tpu.dma_semaphore, #tpu.memory_space<semaphore_mem>>, %arg19: memref<!tpu.dma_semaphore, #tpu.memory_space<semaphore_mem>>, %arg20: memref<!tpu.dma_semaphore, #tpu.memory_space<semaphore_mem>>) attributes {dimension_semantics = [#tpu.dimension_semantics<core_parallel>, #tpu.dimension_semantics<subcore_parallel>], iteration_bounds = array<i64: 2, 16>, scalar_prefetch = 0 : i64, scratch_operands = 12 : i64, tpu.core_type = #tpu.core_type<sc_vector_subcore>, window_params = [{transform_indices = #map}, {transform_indices = #map}, {transform_indices = #map1}, {transform_indices = #map1}, {transform_indices = #map}, {transform_indices = #map}, {transform_indices = #map}]} {
    %eq3A = arith.constant 0 : i32
    %eq3A_0 = arith.cmpi eq, %arg0, %eq3A : i32
    %convert_element_type3A = arith.extui %eq3A_0 : i1 to i32
    %cond3A = arith.constant 0 : i32
    %cond3A_1 = arith.cmpi ne, %convert_element_type3A, %cond3A : i32
    scf.if %cond3A_1 {
      %mul3A = arith.constant 200 : i32
      %mul3A_7 = arith.muli %arg1, %mul3A : i32
      %mul3A_8 = arith.constant 640 : i32
      %mul3A_9 = arith.muli %arg1, %mul3A_8 : i32
      "tpu.region"() ({
        %run_scoped3A_47 = tpu.sem_alloc : memref<!tpu.dma_semaphore, #tpu.memory_space<semaphore_mem>>
        %dma_start3A_48 = arith.constant 0 : i32
        %dma_start3A_49 = tpu.memref_slice %arg15[%mul3A_9, %dma_start3A_48] : memref<10240x128xf32, #tpu.memory_space<vmem_shared>> -> memref<640x128xf32, #tpu.memory_space<vmem_shared>>
        tpu.enqueue_dma source(%arg6 : memref<640x128xf32, #tpu.memory_space<hbm>>) target(%dma_start3A_49 : memref<640x128xf32, #tpu.memory_space<vmem_shared>>) target_semaphore(%run_scoped3A_47 : memref<!tpu.dma_semaphore, #tpu.memory_space<semaphore_mem>>)
        %dma_wait3A_50 = arith.constant 0 : i32
        %dma_wait3A_51 = tpu.memref_slice %arg15[%mul3A_9, %dma_wait3A_50] : memref<10240x128xf32, #tpu.memory_space<vmem_shared>> -> memref<640x128xf32, #tpu.memory_space<vmem_shared>>
        tpu.wait_dma2 semaphore(%run_scoped3A_47 : memref<!tpu.dma_semaphore, #tpu.memory_space<semaphore_mem>>) src(%arg6 : memref<640x128xf32, #tpu.memory_space<hbm>>) dst(%dma_wait3A_51 : memref<640x128xf32, #tpu.memory_space<vmem_shared>>)
        tpu.yield
      }) : () -> ()
      %run_scoped3A = arith.constant 0 : i32
      "tpu.region"() ({
        %run_scoped3A_47 = tpu.sem_alloc : memref<!tpu.dma_semaphore, #tpu.memory_space<semaphore_mem>>
        %dma_start3A_48 = arith.constant 0 : i32
        %dma_start3A_49 = tpu.memref_slice %arg4[%run_scoped3A, %mul3A_7, %dma_start3A_48] : memref<2x3200x100xi32, #tpu.memory_space<hbm>> -> memref<1x8x100xi32, #tpu.memory_space<hbm>>
        %dma_start3A_50 = tpu.memref_squeeze %dma_start3A_49 : memref<1x8x100xi32, #tpu.memory_space<hbm>> -> memref<8x100xi32, #tpu.memory_space<hbm>>
        %dma_start3A_51 = arith.constant 0 : i32
        %dma_start3A_52 = tpu.memref_slice %arg4[%run_scoped3A, %mul3A_7, %dma_start3A_51] : memref<2x3200x100xi32, #tpu.memory_space<hbm>> -> memref<1x8x100xi32, #tpu.memory_space<hbm>>
        %dma_start3A_53 = tpu.memref_squeeze %dma_start3A_52 : memref<1x8x100xi32, #tpu.memory_space<hbm>> -> memref<8x100xi32, #tpu.memory_space<hbm>>
        tpu.enqueue_dma source(%dma_start3A_53 : memref<8x100xi32, #tpu.memory_space<hbm>>) target(%arg9 : memref<8x100xi32, #tpu.memory_space<vmem>>) target_semaphore(%run_scoped3A_47 : memref<!tpu.dma_semaphore, #tpu.memory_space<semaphore_mem>>)
        %dma_wait3A_54 = arith.constant 0 : i32
        %dma_wait3A_55 = tpu.memref_slice %arg4[%run_scoped3A, %mul3A_7, %dma_wait3A_54] : memref<2x3200x100xi32, #tpu.memory_space<hbm>> -> memref<1x8x100xi32, #tpu.memory_space<hbm>>
        %dma_wait3A_56 = tpu.memref_squeeze %dma_wait3A_55 : memref<1x8x100xi32, #tpu.memory_space<hbm>> -> memref<8x100xi32, #tpu.memory_space<hbm>>
        %dma_wait3A_57 = arith.constant 0 : i32
        %dma_wait3A_58 = tpu.memref_slice %arg4[%run_scoped3A, %mul3A_7, %dma_wait3A_57] : memref<2x3200x100xi32, #tpu.memory_space<hbm>> -> memref<1x8x100xi32, #tpu.memory_space<hbm>>
        %dma_wait3A_59 = tpu.memref_squeeze %dma_wait3A_58 : memref<1x8x100xi32, #tpu.memory_space<hbm>> -> memref<8x100xi32, #tpu.memory_space<hbm>>
        tpu.wait_dma2 semaphore(%run_scoped3A_47 : memref<!tpu.dma_semaphore, #tpu.memory_space<semaphore_mem>>) src(%dma_wait3A_59 : memref<8x100xi32, #tpu.memory_space<hbm>>) dst(%arg9 : memref<8x100xi32, #tpu.memory_space<vmem>>)
        tpu.yield
      }) : () -> ()
      %run_scoped3A_10 = arith.constant 1 : i32
      "tpu.region"() ({
        %run_scoped3A_47 = tpu.sem_alloc : memref<!tpu.dma_semaphore, #tpu.memory_space<semaphore_mem>>
        %dma_start3A_48 = arith.constant 0 : i32
        %dma_start3A_49 = tpu.memref_slice %arg4[%run_scoped3A_10, %mul3A_7, %dma_start3A_48] : memref<2x3200x100xi32, #tpu.memory_space<hbm>> -> memref<1x8x100xi32, #tpu.memory_space<hbm>>
        %dma_start3A_50 = tpu.memref_squeeze %dma_start3A_49 : memref<1x8x100xi32, #tpu.memory_space<hbm>> -> memref<8x100xi32, #tpu.memory_space<hbm>>
        %dma_start3A_51 = arith.constant 0 : i32
        %dma_start3A_52 = tpu.memref_slice %arg4[%run_scoped3A_10, %mul3A_7, %dma_start3A_51] : memref<2x3200x100xi32, #tpu.memory_space<hbm>> -> memref<1x8x100xi32, #tpu.memory_space<hbm>>
        %dma_start3A_53 = tpu.memref_squeeze %dma_start3A_52 : memref<1x8x100xi32, #tpu.memory_space<hbm>> -> memref<8x100xi32, #tpu.memory_space<hbm>>
        tpu.enqueue_dma source(%dma_start3A_53 : memref<8x100xi32, #tpu.memory_space<hbm>>) target(%arg10 : memref<8x100xi32, #tpu.memory_space<vmem>>) target_semaphore(%run_scoped3A_47 : memref<!tpu.dma_semaphore, #tpu.memory_space<semaphore_mem>>)
        %dma_wait3A_54 = arith.constant 0 : i32
        %dma_wait3A_55 = tpu.memref_slice %arg4[%run_scoped3A_10, %mul3A_7, %dma_wait3A_54] : memref<2x3200x100xi32, #tpu.memory_space<hbm>> -> memref<1x8x100xi32, #tpu.memory_space<hbm>>
        %dma_wait3A_56 = tpu.memref_squeeze %dma_wait3A_55 : memref<1x8x100xi32, #tpu.memory_space<hbm>> -> memref<8x100xi32, #tpu.memory_space<hbm>>
        %dma_wait3A_57 = arith.constant 0 : i32
        %dma_wait3A_58 = tpu.memref_slice %arg4[%run_scoped3A_10, %mul3A_7, %dma_wait3A_57] : memref<2x3200x100xi32, #tpu.memory_space<hbm>> -> memref<1x8x100xi32, #tpu.memory_space<hbm>>
        %dma_wait3A_59 = tpu.memref_squeeze %dma_wait3A_58 : memref<1x8x100xi32, #tpu.memory_space<hbm>> -> memref<8x100xi32, #tpu.memory_space<hbm>>
        tpu.wait_dma2 semaphore(%run_scoped3A_47 : memref<!tpu.dma_semaphore, #tpu.memory_space<semaphore_mem>>) src(%dma_wait3A_59 : memref<8x100xi32, #tpu.memory_space<hbm>>) dst(%arg10 : memref<8x100xi32, #tpu.memory_space<vmem>>)
        tpu.yield
      }) : () -> ()
      %add3A = arith.constant 8 : i32
      %add3A_11 = arith.addi %mul3A_7, %add3A : i32
      %dma_start3A = arith.constant 0 : i32
      %dma_start3A_12 = arith.constant 0 : i32
      %dma_start3A_13 = tpu.memref_slice %arg4[%dma_start3A, %add3A_11, %dma_start3A_12] : memref<2x3200x100xi32, #tpu.memory_space<hbm>> -> memref<1x8x100xi32, #tpu.memory_space<hbm>>
      %dma_start3A_14 = tpu.memref_squeeze %dma_start3A_13 : memref<1x8x100xi32, #tpu.memory_space<hbm>> -> memref<8x100xi32, #tpu.memory_space<hbm>>
      %dma_start3A_15 = arith.constant 0 : i32
      %dma_start3A_16 = tpu.memref_slice %arg4[%dma_start3A, %add3A_11, %dma_start3A_15] : memref<2x3200x100xi32, #tpu.memory_space<hbm>> -> memref<1x8x100xi32, #tpu.memory_space<hbm>>
      %dma_start3A_17 = tpu.memref_squeeze %dma_start3A_16 : memref<1x8x100xi32, #tpu.memory_space<hbm>> -> memref<8x100xi32, #tpu.memory_space<hbm>>
      tpu.enqueue_dma source(%dma_start3A_17 : memref<8x100xi32, #tpu.memory_space<hbm>>) target(%arg11 : memref<8x100xi32, #tpu.memory_space<vmem>>) target_semaphore(%arg20 : memref<!tpu.dma_semaphore, #tpu.memory_space<semaphore_mem>>)
      %add3A_18 = arith.constant 8 : i32
      %add3A_19 = arith.addi %mul3A_7, %add3A_18 : i32
      %dma_start3A_20 = arith.constant 1 : i32
      %dma_start3A_21 = arith.constant 0 : i32
      %dma_start3A_22 = tpu.memref_slice %arg4[%dma_start3A_20, %add3A_19, %dma_start3A_21] : memref<2x3200x100xi32, #tpu.memory_space<hbm>> -> memref<1x8x100xi32, #tpu.memory_space<hbm>>
      %dma_start3A_23 = tpu.memref_squeeze %dma_start3A_22 : memref<1x8x100xi32, #tpu.memory_space<hbm>> -> memref<8x100xi32, #tpu.memory_space<hbm>>
      %dma_start3A_24 = arith.constant 0 : i32
      %dma_start3A_25 = tpu.memref_slice %arg4[%dma_start3A_20, %add3A_19, %dma_start3A_24] : memref<2x3200x100xi32, #tpu.memory_space<hbm>> -> memref<1x8x100xi32, #tpu.memory_space<hbm>>
      %dma_start3A_26 = tpu.memref_squeeze %dma_start3A_25 : memref<1x8x100xi32, #tpu.memory_space<hbm>> -> memref<8x100xi32, #tpu.memory_space<hbm>>
      tpu.enqueue_dma source(%dma_start3A_26 : memref<8x100xi32, #tpu.memory_space<hbm>>) target(%arg12 : memref<8x100xi32, #tpu.memory_space<vmem>>) target_semaphore(%arg20 : memref<!tpu.dma_semaphore, #tpu.memory_space<semaphore_mem>>)
      %barrier3A = arith.constant 0 : index
      tpu.barrier barrier_id(%barrier3A)
      %dma_start3A_27 = arith.constant 0 : i32
      %dma_start3A_28 = arith.constant 0 : i32
      %dma_start3A_29 = tpu.memref_slice %arg9[%dma_start3A_27, %dma_start3A_28] : memref<8x100xi32, #tpu.memory_space<vmem>> -> memref<1x100xi32, #tpu.memory_space<vmem>>
      %dma_start3A_30 = tpu.memref_squeeze %dma_start3A_29 : memref<1x100xi32, #tpu.memory_space<vmem>> -> memref<100xi32, #tpu.memory_space<vmem>>
      %dma_start3A_31 = arith.constant 0 : i32
      %dma_start3A_32 = arith.constant 0 : i32
      %dma_start3A_33 = tpu.memref_slice %arg2[%dma_start3A_31, %dma_start3A_32] : memref<10000x128xf32, #tpu.memory_space<hbm>> -> memref<10000x128xf32, #tpu.memory_space<hbm>>
      tpu.enqueue_indirect_dma source(%dma_start3A_33 : memref<10000x128xf32, #tpu.memory_space<hbm>>) target(%arg13 : memref<100x128xf32, #tpu.memory_space<vmem>>) offsets(%dma_start3A_30 : memref<100xi32, #tpu.memory_space<vmem>>) semaphore(%arg16 : memref<!tpu.dma_semaphore, #tpu.memory_space<semaphore_mem>>)
      %scan3A = arith.constant 0 : i32
      %scan3A_34 = arith.constant 100 : i32
      %scan3A_35 = arith.addi %scan3A, %scan3A_34 : i32
      %scan3A_36 = arith.constant 1 : i32
      scf.for %scan3A_47 = %scan3A to %scan3A_35 step %scan3A_36  : i32 {
        %mul3A_48 = arith.constant 1 : i32
        %mul3A_49 = arith.muli %scan3A_47, %mul3A_48 : i32
        %add3A_50 = arith.constant 0 : i32
        %add3A_51 = arith.addi %add3A_50, %mul3A_49 : i32
        %jit3A = arith.constant 4 : i32
        %div3A = arith.divsi %add3A_51, %jit3A : i32
        %sign3A = arith.constant 0 : i32
        %sign3A_52 = arith.cmpi sgt, %add3A_51, %sign3A : i32
        %sign3A_53 = arith.extui %sign3A_52 : i1 to i32
        %sign3A_54 = arith.constant 0 : i32
        %sign3A_55 = arith.cmpi slt, %add3A_51, %sign3A_54 : i32
        %sign3A_56 = arith.extui %sign3A_55 : i1 to i32
        %sign3A_57 = arith.subi %sign3A_53, %sign3A_56 : i32
        %sign3A_58 = arith.constant 0 : i32
        %sign3A_59 = arith.cmpi sgt, %jit3A, %sign3A_58 : i32
        %sign3A_60 = arith.extui %sign3A_59 : i1 to i32
        %sign3A_61 = arith.constant 0 : i32
        %sign3A_62 = arith.cmpi slt, %jit3A, %sign3A_61 : i32
        %sign3A_63 = arith.extui %sign3A_62 : i1 to i32
        %sign3A_64 = arith.subi %sign3A_60, %sign3A_63 : i32
        %ne3A = arith.cmpi ne, %sign3A_57, %sign3A_64 : i32
        %rem3A = arith.remsi %add3A_51, %jit3A : i32
        %ne3A_65 = arith.constant 0 : i32
        %ne3A_66 = arith.cmpi ne, %rem3A, %ne3A_65 : i32
        %and3A = arith.andi %ne3A, %ne3A_66 : i1
        %sub3A = arith.constant 1 : i32
        %sub3A_67 = arith.subi %div3A, %sub3A : i32
        %select_n3A = arith.select %and3A, %sub3A_67, %div3A : i32
        %jit3A_68 = arith.constant 2 : i32
        %eq3A_69 = arith.constant 0 : i32
        %eq3A_70 = arith.cmpi eq, %jit3A_68, %eq3A_69 : i32
        %jit3A_71 = arith.constant 1 : i32
        %select_n3A_72 = arith.select %eq3A_70, %jit3A_71, %jit3A_68 : i32
        %rem3A_73 = arith.remsi %select_n3A, %select_n3A_72 : i32
        %ne3A_74 = arith.constant 0 : i32
        %ne3A_75 = arith.cmpi ne, %rem3A_73, %ne3A_74 : i32
        %lt3A = arith.constant 0 : i32
        %lt3A_76 = arith.cmpi slt, %rem3A_73, %lt3A : i32
        %lt3A_77 = arith.constant 0 : i32
        %lt3A_78 = arith.cmpi slt, %select_n3A_72, %lt3A_77 : i32
        %ne3A_79 = arith.xori %lt3A_76, %lt3A_78 : i1
        %and3A_80 = arith.andi %ne3A_79, %ne3A_75 : i1
        %add3A_81 = arith.addi %rem3A_73, %select_n3A_72 : i32
        %select_n3A_82 = arith.select %and3A_80, %add3A_81, %rem3A_73 : i32
        %eq3A_83 = arith.constant 0 : i32
        %eq3A_84 = arith.cmpi eq, %select_n3A_82, %eq3A_83 : i32
        %convert_element_type3A_85 = arith.extui %eq3A_84 : i1 to i32
        %cond3A_86 = arith.constant 0 : i32
        %cond3A_87 = arith.cmpi ne, %convert_element_type3A_85, %cond3A_86 : i32
        scf.if %cond3A_87 {
          %jit3A_93 = arith.constant 4 : i32
          %eq3A_94 = arith.constant 0 : i32
          %eq3A_95 = arith.cmpi eq, %jit3A_93, %eq3A_94 : i32
          %jit3A_96 = arith.constant 1 : i32
          %select_n3A_97 = arith.select %eq3A_95, %jit3A_96, %jit3A_93 : i32
          %rem3A_98 = arith.remsi %add3A_51, %select_n3A_97 : i32
          %ne3A_99 = arith.constant 0 : i32
          %ne3A_100 = arith.cmpi ne, %rem3A_98, %ne3A_99 : i32
          %lt3A_101 = arith.constant 0 : i32
          %lt3A_102 = arith.cmpi slt, %rem3A_98, %lt3A_101 : i32
          %lt3A_103 = arith.constant 0 : i32
          %lt3A_104 = arith.cmpi slt, %select_n3A_97, %lt3A_103 : i32
          %ne3A_105 = arith.xori %lt3A_102, %lt3A_104 : i1
          %and3A_106 = arith.andi %ne3A_105, %ne3A_100 : i1
          %add3A_107 = arith.addi %rem3A_98, %select_n3A_97 : i32
          %select_n3A_108 = arith.select %and3A_106, %add3A_107, %rem3A_98 : i32
          %mul3A_109 = arith.constant 2 : i32
          %mul3A_110 = arith.muli %select_n3A_108, %mul3A_109 : i32
          %mul3A_111 = arith.constant 2 : i32
          %mul3A_112 = arith.muli %select_n3A_108, %mul3A_111 : i32
          %add3A_113 = arith.constant 1 : i32
          %add3A_114 = arith.addi %mul3A_112, %add3A_113 : i32
          %jit3A_115 = arith.constant 4 : i32
          %div3A_116 = arith.divsi %add3A_51, %jit3A_115 : i32
          %sign3A_117 = arith.constant 0 : i32
          %sign3A_118 = arith.cmpi sgt, %add3A_51, %sign3A_117 : i32
          %sign3A_119 = arith.extui %sign3A_118 : i1 to i32
          %sign3A_120 = arith.constant 0 : i32
          %sign3A_121 = arith.cmpi slt, %add3A_51, %sign3A_120 : i32
          %sign3A_122 = arith.extui %sign3A_121 : i1 to i32
          %sign3A_123 = arith.subi %sign3A_119, %sign3A_122 : i32
          %sign3A_124 = arith.constant 0 : i32
          %sign3A_125 = arith.cmpi sgt, %jit3A_115, %sign3A_124 : i32
          %sign3A_126 = arith.extui %sign3A_125 : i1 to i32
          %sign3A_127 = arith.constant 0 : i32
          %sign3A_128 = arith.cmpi slt, %jit3A_115, %sign3A_127 : i32
          %sign3A_129 = arith.extui %sign3A_128 : i1 to i32
          %sign3A_130 = arith.subi %sign3A_126, %sign3A_129 : i32
          %ne3A_131 = arith.cmpi ne, %sign3A_123, %sign3A_130 : i32
          %rem3A_132 = arith.remsi %add3A_51, %jit3A_115 : i32
          %ne3A_133 = arith.constant 0 : i32
          %ne3A_134 = arith.cmpi ne, %rem3A_132, %ne3A_133 : i32
          %and3A_135 = arith.andi %ne3A_131, %ne3A_134 : i1
          %sub3A_136 = arith.constant 1 : i32
          %sub3A_137 = arith.subi %div3A_116, %sub3A_136 : i32
          %select_n3A_138 = arith.select %and3A_135, %sub3A_137, %div3A_116 : i32
          %ge3A = arith.constant 1 : i32
          %ge3A_139 = arith.cmpi sge, %add3A_51, %ge3A : i32
          %ge3A_140 = arith.constant 1 : i32
          %ge3A_141 = arith.cmpi sge, %select_n3A_108, %ge3A_140 : i32
          %and3A_142 = arith.andi %ge3A_139, %ge3A_141 : i1
          %convert_element_type3A_143 = arith.extui %and3A_142 : i1 to i32
          %cond3A_144 = arith.constant 0 : i32
          %cond3A_145 = arith.cmpi ne, %convert_element_type3A_143, %cond3A_144 : i32
          scf.if %cond3A_145 {
            %sub3A_215 = arith.constant 2 : i32
            %sub3A_216 = arith.subi %add3A_114, %sub3A_215 : i32
            %dma_wait3A_217 = arith.constant 0 : i32
            %dma_wait3A_218 = tpu.memref_slice %arg10[%sub3A_216, %dma_wait3A_217] : memref<8x100xi32, #tpu.memory_space<vmem>> -> memref<1x100xi32, #tpu.memory_space<vmem>>
            %dma_wait3A_219 = tpu.memref_squeeze %dma_wait3A_218 : memref<1x100xi32, #tpu.memory_space<vmem>> -> memref<100xi32, #tpu.memory_space<vmem>>
            %dma_wait3A_220 = arith.constant 0 : i32
            %dma_wait3A_221 = arith.constant 0 : i32
            %dma_wait3A_222 = tpu.memref_slice %arg15[%dma_wait3A_220, %dma_wait3A_221] : memref<10240x128xf32, #tpu.memory_space<vmem_shared>> -> memref<10240x128xf32, #tpu.memory_space<vmem_shared>>
            tpu.wait_indirect_dma semaphore(%arg19 : memref<!tpu.dma_semaphore, #tpu.memory_space<semaphore_mem>>) src(%arg14 : memref<100x128xf32, #tpu.memory_space<vmem>>) dst(%dma_wait3A_222 : memref<10240x128xf32, #tpu.memory_space<vmem_shared>>)
          } else {
          }
          %ge3A_146 = arith.constant 1 : i32
          %ge3A_147 = arith.cmpi sge, %add3A_51, %ge3A_146 : i32
          %eq3A_148 = arith.constant 0 : i32
          %eq3A_149 = arith.cmpi eq, %select_n3A_108, %eq3A_148 : i32
          %and3A_150 = arith.andi %ge3A_147, %eq3A_149 : i1
          %convert_element_type3A_151 = arith.extui %and3A_150 : i1 to i32
          %cond3A_152 = arith.constant 0 : i32
          %cond3A_153 = arith.cmpi ne, %convert_element_type3A_151, %cond3A_152 : i32
          scf.if %cond3A_153 {
            %dma_wait3A_215 = arith.constant 7 : i32
            %dma_wait3A_216 = arith.constant 0 : i32
            %dma_wait3A_217 = tpu.memref_slice %arg12[%dma_wait3A_215, %dma_wait3A_216] : memref<8x100xi32, #tpu.memory_space<vmem>> -> memref<1x100xi32, #tpu.memory_space<vmem>>
            %dma_wait3A_218 = tpu.memref_squeeze %dma_wait3A_217 : memref<1x100xi32, #tpu.memory_space<vmem>> -> memref<100xi32, #tpu.memory_space<vmem>>
            %dma_wait3A_219 = arith.constant 0 : i32
            %dma_wait3A_220 = arith.constant 0 : i32
            %dma_wait3A_221 = tpu.memref_slice %arg15[%dma_wait3A_219, %dma_wait3A_220] : memref<10240x128xf32, #tpu.memory_space<vmem_shared>> -> memref<10240x128xf32, #tpu.memory_space<vmem_shared>>
            tpu.wait_indirect_dma semaphore(%arg19 : memref<!tpu.dma_semaphore, #tpu.memory_space<semaphore_mem>>) src(%arg14 : memref<100x128xf32, #tpu.memory_space<vmem>>) dst(%dma_wait3A_221 : memref<10240x128xf32, #tpu.memory_space<vmem_shared>>)
          } else {
          }
          %eq3A_154 = arith.constant 0 : i32
          %eq3A_155 = arith.cmpi eq, %select_n3A_108, %eq3A_154 : i32
          %add3A_156 = arith.constant 1 : i32
          %add3A_157 = arith.addi %select_n3A_138, %add3A_156 : i32
          %le3A = arith.constant 24 : i32
          %le3A_158 = arith.cmpi sle, %add3A_157, %le3A : i32
          %and3A_159 = arith.andi %eq3A_155, %le3A_158 : i1
          %convert_element_type3A_160 = arith.extui %and3A_159 : i1 to i32
          %cond3A_161 = arith.constant 0 : i32
          %cond3A_162 = arith.cmpi ne, %convert_element_type3A_160, %cond3A_161 : i32
          scf.if %cond3A_162 {
            %ge3A_215 = arith.constant 4 : i32
            %ge3A_216 = arith.cmpi sge, %add3A_51, %ge3A_215 : i32
            %convert_element_type3A_217 = arith.extui %ge3A_216 : i1 to i32
            %cond3A_218 = arith.constant 0 : i32
            %cond3A_219 = arith.cmpi ne, %convert_element_type3A_217, %cond3A_218 : i32
            scf.if %cond3A_219 {
              %add3A_220 = arith.constant 1 : i32
              %add3A_221 = arith.addi %select_n3A_138, %add3A_220 : i32
              %mul3A_222 = arith.constant 8 : i32
              %mul3A_223 = arith.muli %add3A_221, %mul3A_222 : i32
              %add3A_224 = arith.addi %mul3A_7, %mul3A_223 : i32
              %dma_start3A_225 = arith.constant 0 : i32
              %dma_start3A_226 = arith.constant 0 : i32
              %dma_start3A_227 = tpu.memref_slice %arg4[%dma_start3A_225, %add3A_224, %dma_start3A_226] : memref<2x3200x100xi32, #tpu.memory_space<hbm>> -> memref<1x8x100xi32, #tpu.memory_space<hbm>>
              %dma_start3A_228 = tpu.memref_squeeze %dma_start3A_227 : memref<1x8x100xi32, #tpu.memory_space<hbm>> -> memref<8x100xi32, #tpu.memory_space<hbm>>
              %dma_start3A_229 = arith.constant 0 : i32
              %dma_start3A_230 = tpu.memref_slice %arg4[%dma_start3A_225, %add3A_224, %dma_start3A_229] : memref<2x3200x100xi32, #tpu.memory_space<hbm>> -> memref<1x8x100xi32, #tpu.memory_space<hbm>>
              %dma_start3A_231 = tpu.memref_squeeze %dma_start3A_230 : memref<1x8x100xi32, #tpu.memory_space<hbm>> -> memref<8x100xi32, #tpu.memory_space<hbm>>
              tpu.enqueue_dma source(%dma_start3A_231 : memref<8x100xi32, #tpu.memory_space<hbm>>) target(%arg11 : memref<8x100xi32, #tpu.memory_space<vmem>>) target_semaphore(%arg20 : memref<!tpu.dma_semaphore, #tpu.memory_space<semaphore_mem>>)
              %mul3A_232 = arith.constant 8 : i32
              %mul3A_233 = arith.muli %add3A_221, %mul3A_232 : i32
              %add3A_234 = arith.addi %mul3A_7, %mul3A_233 : i32
              %dma_start3A_235 = arith.constant 1 : i32
              %dma_start3A_236 = arith.constant 0 : i32
              %dma_start3A_237 = tpu.memref_slice %arg4[%dma_start3A_235, %add3A_234, %dma_start3A_236] : memref<2x3200x100xi32, #tpu.memory_space<hbm>> -> memref<1x8x100xi32, #tpu.memory_space<hbm>>
              %dma_start3A_238 = tpu.memref_squeeze %dma_start3A_237 : memref<1x8x100xi32, #tpu.memory_space<hbm>> -> memref<8x100xi32, #tpu.memory_space<hbm>>
              %dma_start3A_239 = arith.constant 0 : i32
              %dma_start3A_240 = tpu.memref_slice %arg4[%dma_start3A_235, %add3A_234, %dma_start3A_239] : memref<2x3200x100xi32, #tpu.memory_space<hbm>> -> memref<1x8x100xi32, #tpu.memory_space<hbm>>
              %dma_start3A_241 = tpu.memref_squeeze %dma_start3A_240 : memref<1x8x100xi32, #tpu.memory_space<hbm>> -> memref<8x100xi32, #tpu.memory_space<hbm>>
              tpu.enqueue_dma source(%dma_start3A_241 : memref<8x100xi32, #tpu.memory_space<hbm>>) target(%arg12 : memref<8x100xi32, #tpu.memory_space<vmem>>) target_semaphore(%arg20 : memref<!tpu.dma_semaphore, #tpu.memory_space<semaphore_mem>>)
            } else {
            }
          } else {
          }
          %dma_start3A_163 = arith.constant 0 : i32
          %dma_start3A_164 = tpu.memref_slice %arg9[%add3A_114, %dma_start3A_163] : memref<8x100xi32, #tpu.memory_space<vmem>> -> memref<1x100xi32, #tpu.memory_space<vmem>>
          %dma_start3A_165 = tpu.memref_squeeze %dma_start3A_164 : memref<1x100xi32, #tpu.memory_space<vmem>> -> memref<100xi32, #tpu.memory_space<vmem>>
          %dma_start3A_166 = arith.constant 0 : i32
          %dma_start3A_167 = arith.constant 0 : i32
          %dma_start3A_168 = tpu.memref_slice %arg2[%dma_start3A_166, %dma_start3A_167] : memref<10000x128xf32, #tpu.memory_space<hbm>> -> memref<10000x128xf32, #tpu.memory_space<hbm>>
          tpu.enqueue_indirect_dma source(%dma_start3A_168 : memref<10000x128xf32, #tpu.memory_space<hbm>>) target(%arg14 : memref<100x128xf32, #tpu.memory_space<vmem>>) offsets(%dma_start3A_165 : memref<100xi32, #tpu.memory_space<vmem>>) semaphore(%arg17 : memref<!tpu.dma_semaphore, #tpu.memory_space<semaphore_mem>>)
          %dma_wait3A_169 = arith.constant 0 : i32
          %dma_wait3A_170 = tpu.memref_slice %arg9[%mul3A_110, %dma_wait3A_169] : memref<8x100xi32, #tpu.memory_space<vmem>> -> memref<1x100xi32, #tpu.memory_space<vmem>>
          %dma_wait3A_171 = tpu.memref_squeeze %dma_wait3A_170 : memref<1x100xi32, #tpu.memory_space<vmem>> -> memref<100xi32, #tpu.memory_space<vmem>>
          %dma_wait3A_172 = arith.constant 0 : i32
          %dma_wait3A_173 = arith.constant 0 : i32
          %dma_wait3A_174 = tpu.memref_slice %arg2[%dma_wait3A_172, %dma_wait3A_173] : memref<10000x128xf32, #tpu.memory_space<hbm>> -> memref<10000x128xf32, #tpu.memory_space<hbm>>
          tpu.wait_indirect_dma semaphore(%arg16 : memref<!tpu.dma_semaphore, #tpu.memory_space<semaphore_mem>>) src(%dma_wait3A_174 : memref<10000x128xf32, #tpu.memory_space<hbm>>) dst(%arg13 : memref<100x128xf32, #tpu.memory_space<vmem>>)
          %dma_start3A_175 = arith.constant 0 : i32
          %dma_start3A_176 = tpu.memref_slice %arg10[%mul3A_110, %dma_start3A_175] : memref<8x100xi32, #tpu.memory_space<vmem>> -> memref<1x100xi32, #tpu.memory_space<vmem>>
          %dma_start3A_177 = tpu.memref_squeeze %dma_start3A_176 : memref<1x100xi32, #tpu.memory_space<vmem>> -> memref<100xi32, #tpu.memory_space<vmem>>
          %dma_start3A_178 = arith.constant 0 : i32
          %dma_start3A_179 = arith.constant 0 : i32
          %dma_start3A_180 = tpu.memref_slice %arg15[%dma_start3A_178, %dma_start3A_179] : memref<10240x128xf32, #tpu.memory_space<vmem_shared>> -> memref<10240x128xf32, #tpu.memory_space<vmem_shared>>
          tpu.enqueue_indirect_dma source(%arg13 : memref<100x128xf32, #tpu.memory_space<vmem>>) target(%dma_start3A_180 : memref<10240x128xf32, #tpu.memory_space<vmem_shared>>) offsets(%dma_start3A_177 : memref<100xi32, #tpu.memory_space<vmem>>) semaphore(%arg18 : memref<!tpu.dma_semaphore, #tpu.memory_space<semaphore_mem>>) {add = true}
          %dma_wait3A_181 = arith.constant 0 : i32
          %dma_wait3A_182 = tpu.memref_slice %arg10[%mul3A_110, %dma_wait3A_181] : memref<8x100xi32, #tpu.memory_space<vmem>> -> memref<1x100xi32, #tpu.memory_space<vmem>>
          %dma_wait3A_183 = tpu.memref_squeeze %dma_wait3A_182 : memref<1x100xi32, #tpu.memory_space<vmem>> -> memref<100xi32, #tpu.memory_space<vmem>>
          %dma_wait3A_184 = arith.constant 0 : i32
          %dma_wait3A_185 = arith.constant 0 : i32
          %dma_wait3A_186 = tpu.memref_slice %arg15[%dma_wait3A_184, %dma_wait3A_185] : memref<10240x128xf32, #tpu.memory_space<vmem_shared>> -> memref<10240x128xf32, #tpu.memory_space<vmem_shared>>
          tpu.wait_indirect_dma semaphore(%arg18 : memref<!tpu.dma_semaphore, #tpu.memory_space<semaphore_mem>>) src(%arg13 : memref<100x128xf32, #tpu.memory_space<vmem>>) dst(%dma_wait3A_186 : memref<10240x128xf32, #tpu.memory_space<vmem_shared>>)
          %lt3A_187 = arith.constant 3 : i32
          %lt3A_188 = arith.cmpi slt, %select_n3A_108, %lt3A_187 : i32
          %lt3A_189 = arith.constant 99 : i32
          %lt3A_190 = arith.cmpi slt, %add3A_51, %lt3A_189 : i32
          %and3A_191 = arith.andi %lt3A_188, %lt3A_190 : i1
          %convert_element_type3A_192 = arith.extui %and3A_191 : i1 to i32
          %cond3A_193 = arith.constant 0 : i32
          %cond3A_194 = arith.cmpi ne, %convert_element_type3A_192, %cond3A_193 : i32
          scf.if %cond3A_194 {
            %add3A_215 = arith.constant 2 : i32
            %add3A_216 = arith.addi %mul3A_110, %add3A_215 : i32
            %dma_start3A_217 = arith.constant 0 : i32
            %dma_start3A_218 = tpu.memref_slice %arg9[%add3A_216, %dma_start3A_217] : memref<8x100xi32, #tpu.memory_space<vmem>> -> memref<1x100xi32, #tpu.memory_space<vmem>>
            %dma_start3A_219 = tpu.memref_squeeze %dma_start3A_218 : memref<1x100xi32, #tpu.memory_space<vmem>> -> memref<100xi32, #tpu.memory_space<vmem>>
            %dma_start3A_220 = arith.constant 0 : i32
            %dma_start3A_221 = arith.constant 0 : i32
            %dma_start3A_222 = tpu.memref_slice %arg2[%dma_start3A_220, %dma_start3A_221] : memref<10000x128xf32, #tpu.memory_space<hbm>> -> memref<10000x128xf32, #tpu.memory_space<hbm>>
            tpu.enqueue_indirect_dma source(%dma_start3A_222 : memref<10000x128xf32, #tpu.memory_space<hbm>>) target(%arg13 : memref<100x128xf32, #tpu.memory_space<vmem>>) offsets(%dma_start3A_219 : memref<100xi32, #tpu.memory_space<vmem>>) semaphore(%arg16 : memref<!tpu.dma_semaphore, #tpu.memory_space<semaphore_mem>>)
          } else {
          }
          %eq3A_195 = arith.constant 3 : i32
          %eq3A_196 = arith.cmpi eq, %select_n3A_108, %eq3A_195 : i32
          %lt3A_197 = arith.constant 99 : i32
          %lt3A_198 = arith.cmpi slt, %add3A_51, %lt3A_197 : i32
          %and3A_199 = arith.andi %eq3A_196, %lt3A_198 : i1
          %convert_element_type3A_200 = arith.extui %and3A_199 : i1 to i32
          %cond3A_201 = arith.constant 0 : i32
          %cond3A_202 = arith.cmpi ne, %convert_element_type3A_200, %cond3A_201 : i32
          scf.if %cond3A_202 {
            %add3A_215 = arith.constant 1 : i32
            %add3A_216 = arith.addi %select_n3A_138, %add3A_215 : i32
            %mul3A_217 = arith.constant 8 : i32
            %mul3A_218 = arith.muli %add3A_216, %mul3A_217 : i32
            %add3A_219 = arith.addi %mul3A_7, %mul3A_218 : i32
            %dma_wait3A_220 = arith.constant 0 : i32
            %dma_wait3A_221 = arith.constant 0 : i32
            %dma_wait3A_222 = tpu.memref_slice %arg4[%dma_wait3A_220, %add3A_219, %dma_wait3A_221] : memref<2x3200x100xi32, #tpu.memory_space<hbm>> -> memref<1x8x100xi32, #tpu.memory_space<hbm>>
            %dma_wait3A_223 = tpu.memref_squeeze %dma_wait3A_222 : memref<1x8x100xi32, #tpu.memory_space<hbm>> -> memref<8x100xi32, #tpu.memory_space<hbm>>
            %dma_wait3A_224 = arith.constant 0 : i32
            %dma_wait3A_225 = tpu.memref_slice %arg4[%dma_wait3A_220, %add3A_219, %dma_wait3A_224] : memref<2x3200x100xi32, #tpu.memory_space<hbm>> -> memref<1x8x100xi32, #tpu.memory_space<hbm>>
            %dma_wait3A_226 = tpu.memref_squeeze %dma_wait3A_225 : memref<1x8x100xi32, #tpu.memory_space<hbm>> -> memref<8x100xi32, #tpu.memory_space<hbm>>
            tpu.wait_dma2 semaphore(%arg20 : memref<!tpu.dma_semaphore, #tpu.memory_space<semaphore_mem>>) src(%dma_wait3A_226 : memref<8x100xi32, #tpu.memory_space<hbm>>) dst(%arg11 : memref<8x100xi32, #tpu.memory_space<vmem>>)
            %mul3A_227 = arith.constant 8 : i32
            %mul3A_228 = arith.muli %add3A_216, %mul3A_227 : i32
            %add3A_229 = arith.addi %mul3A_7, %mul3A_228 : i32
            %dma_wait3A_230 = arith.constant 1 : i32
            %dma_wait3A_231 = arith.constant 0 : i32
            %dma_wait3A_232 = tpu.memref_slice %arg4[%dma_wait3A_230, %add3A_229, %dma_wait3A_231] : memref<2x3200x100xi32, #tpu.memory_space<hbm>> -> memref<1x8x100xi32, #tpu.memory_space<hbm>>
            %dma_wait3A_233 = tpu.memref_squeeze %dma_wait3A_232 : memref<1x8x100xi32, #tpu.memory_space<hbm>> -> memref<8x100xi32, #tpu.memory_space<hbm>>
            %dma_wait3A_234 = arith.constant 0 : i32
            %dma_wait3A_235 = tpu.memref_slice %arg4[%dma_wait3A_230, %add3A_229, %dma_wait3A_234] : memref<2x3200x100xi32, #tpu.memory_space<hbm>> -> memref<1x8x100xi32, #tpu.memory_space<hbm>>
            %dma_wait3A_236 = tpu.memref_squeeze %dma_wait3A_235 : memref<1x8x100xi32, #tpu.memory_space<hbm>> -> memref<8x100xi32, #tpu.memory_space<hbm>>
            tpu.wait_dma2 semaphore(%arg20 : memref<!tpu.dma_semaphore, #tpu.memory_space<semaphore_mem>>) src(%dma_wait3A_236 : memref<8x100xi32, #tpu.memory_space<hbm>>) dst(%arg12 : memref<8x100xi32, #tpu.memory_space<vmem>>)
            %dma_start3A_237 = arith.constant 0 : i32
            %dma_start3A_238 = arith.constant 0 : i32
            %dma_start3A_239 = tpu.memref_slice %arg11[%dma_start3A_237, %dma_start3A_238] : memref<8x100xi32, #tpu.memory_space<vmem>> -> memref<1x100xi32, #tpu.memory_space<vmem>>
            %dma_start3A_240 = tpu.memref_squeeze %dma_start3A_239 : memref<1x100xi32, #tpu.memory_space<vmem>> -> memref<100xi32, #tpu.memory_space<vmem>>
            %dma_start3A_241 = arith.constant 0 : i32
            %dma_start3A_242 = arith.constant 0 : i32
            %dma_start3A_243 = tpu.memref_slice %arg2[%dma_start3A_241, %dma_start3A_242] : memref<10000x128xf32, #tpu.memory_space<hbm>> -> memref<10000x128xf32, #tpu.memory_space<hbm>>
            tpu.enqueue_indirect_dma source(%dma_start3A_243 : memref<10000x128xf32, #tpu.memory_space<hbm>>) target(%arg13 : memref<100x128xf32, #tpu.memory_space<vmem>>) offsets(%dma_start3A_240 : memref<100xi32, #tpu.memory_space<vmem>>) semaphore(%arg16 : memref<!tpu.dma_semaphore, #tpu.memory_space<semaphore_mem>>)
          } else {
          }
          %dma_wait3A_203 = arith.constant 0 : i32
          %dma_wait3A_204 = tpu.memref_slice %arg9[%add3A_114, %dma_wait3A_203] : memref<8x100xi32, #tpu.memory_space<vmem>> -> memref<1x100xi32, #tpu.memory_space<vmem>>
          %dma_wait3A_205 = tpu.memref_squeeze %dma_wait3A_204 : memref<1x100xi32, #tpu.memory_space<vmem>> -> memref<100xi32, #tpu.memory_space<vmem>>
          %dma_wait3A_206 = arith.constant 0 : i32
          %dma_wait3A_207 = arith.constant 0 : i32
          %dma_wait3A_208 = tpu.memref_slice %arg2[%dma_wait3A_206, %dma_wait3A_207] : memref<10000x128xf32, #tpu.memory_space<hbm>> -> memref<10000x128xf32, #tpu.memory_space<hbm>>
          tpu.wait_indirect_dma semaphore(%arg17 : memref<!tpu.dma_semaphore, #tpu.memory_space<semaphore_mem>>) src(%dma_wait3A_208 : memref<10000x128xf32, #tpu.memory_space<hbm>>) dst(%arg14 : memref<100x128xf32, #tpu.memory_space<vmem>>)
          %dma_start3A_209 = arith.constant 0 : i32
          %dma_start3A_210 = tpu.memref_slice %arg10[%add3A_114, %dma_start3A_209] : memref<8x100xi32, #tpu.memory_space<vmem>> -> memref<1x100xi32, #tpu.memory_space<vmem>>
          %dma_start3A_211 = tpu.memref_squeeze %dma_start3A_210 : memref<1x100xi32, #tpu.memory_space<vmem>> -> memref<100xi32, #tpu.memory_space<vmem>>
          %dma_start3A_212 = arith.constant 0 : i32
          %dma_start3A_213 = arith.constant 0 : i32
          %dma_start3A_214 = tpu.memref_slice %arg15[%dma_start3A_212, %dma_start3A_213] : memref<10240x128xf32, #tpu.memory_space<vmem_shared>> -> memref<10240x128xf32, #tpu.memory_space<vmem_shared>>
          tpu.enqueue_indirect_dma source(%arg14 : memref<100x128xf32, #tpu.memory_space<vmem>>) target(%dma_start3A_214 : memref<10240x128xf32, #tpu.memory_space<vmem_shared>>) offsets(%dma_start3A_211 : memref<100xi32, #tpu.memory_space<vmem>>) semaphore(%arg19 : memref<!tpu.dma_semaphore, #tpu.memory_space<semaphore_mem>>) {add = true}
        } else {
        }
        %eq3A_88 = arith.constant 1 : i32
        %eq3A_89 = arith.cmpi eq, %select_n3A_82, %eq3A_88 : i32
        %convert_element_type3A_90 = arith.extui %eq3A_89 : i1 to i32
        %cond3A_91 = arith.constant 0 : i32
        %cond3A_92 = arith.cmpi ne, %convert_element_type3A_90, %cond3A_91 : i32
        scf.if %cond3A_92 {
          %jit3A_93 = arith.constant 4 : i32
          %eq3A_94 = arith.constant 0 : i32
          %eq3A_95 = arith.cmpi eq, %jit3A_93, %eq3A_94 : i32
          %jit3A_96 = arith.constant 1 : i32
          %select_n3A_97 = arith.select %eq3A_95, %jit3A_96, %jit3A_93 : i32
          %rem3A_98 = arith.remsi %add3A_51, %select_n3A_97 : i32
          %ne3A_99 = arith.constant 0 : i32
          %ne3A_100 = arith.cmpi ne, %rem3A_98, %ne3A_99 : i32
          %lt3A_101 = arith.constant 0 : i32
          %lt3A_102 = arith.cmpi slt, %rem3A_98, %lt3A_101 : i32
          %lt3A_103 = arith.constant 0 : i32
          %lt3A_104 = arith.cmpi slt, %select_n3A_97, %lt3A_103 : i32
          %ne3A_105 = arith.xori %lt3A_102, %lt3A_104 : i1
          %and3A_106 = arith.andi %ne3A_105, %ne3A_100 : i1
          %add3A_107 = arith.addi %rem3A_98, %select_n3A_97 : i32
          %select_n3A_108 = arith.select %and3A_106, %add3A_107, %rem3A_98 : i32
          %mul3A_109 = arith.constant 2 : i32
          %mul3A_110 = arith.muli %select_n3A_108, %mul3A_109 : i32
          %mul3A_111 = arith.constant 2 : i32
          %mul3A_112 = arith.muli %select_n3A_108, %mul3A_111 : i32
          %add3A_113 = arith.constant 1 : i32
          %add3A_114 = arith.addi %mul3A_112, %add3A_113 : i32
          %jit3A_115 = arith.constant 4 : i32
          %div3A_116 = arith.divsi %add3A_51, %jit3A_115 : i32
          %sign3A_117 = arith.constant 0 : i32
          %sign3A_118 = arith.cmpi sgt, %add3A_51, %sign3A_117 : i32
          %sign3A_119 = arith.extui %sign3A_118 : i1 to i32
          %sign3A_120 = arith.constant 0 : i32
          %sign3A_121 = arith.cmpi slt, %add3A_51, %sign3A_120 : i32
          %sign3A_122 = arith.extui %sign3A_121 : i1 to i32
          %sign3A_123 = arith.subi %sign3A_119, %sign3A_122 : i32
          %sign3A_124 = arith.constant 0 : i32
          %sign3A_125 = arith.cmpi sgt, %jit3A_115, %sign3A_124 : i32
          %sign3A_126 = arith.extui %sign3A_125 : i1 to i32
          %sign3A_127 = arith.constant 0 : i32
          %sign3A_128 = arith.cmpi slt, %jit3A_115, %sign3A_127 : i32
          %sign3A_129 = arith.extui %sign3A_128 : i1 to i32
          %sign3A_130 = arith.subi %sign3A_126, %sign3A_129 : i32
          %ne3A_131 = arith.cmpi ne, %sign3A_123, %sign3A_130 : i32
          %rem3A_132 = arith.remsi %add3A_51, %jit3A_115 : i32
          %ne3A_133 = arith.constant 0 : i32
          %ne3A_134 = arith.cmpi ne, %rem3A_132, %ne3A_133 : i32
          %and3A_135 = arith.andi %ne3A_131, %ne3A_134 : i1
          %sub3A_136 = arith.constant 1 : i32
          %sub3A_137 = arith.subi %div3A_116, %sub3A_136 : i32
          %select_n3A_138 = arith.select %and3A_135, %sub3A_137, %div3A_116 : i32
          %ge3A = arith.constant 1 : i32
          %ge3A_139 = arith.cmpi sge, %add3A_51, %ge3A : i32
          %ge3A_140 = arith.constant 1 : i32
          %ge3A_141 = arith.cmpi sge, %select_n3A_108, %ge3A_140 : i32
          %and3A_142 = arith.andi %ge3A_139, %ge3A_141 : i1
          %convert_element_type3A_143 = arith.extui %and3A_142 : i1 to i32
          %cond3A_144 = arith.constant 0 : i32
          %cond3A_145 = arith.cmpi ne, %convert_element_type3A_143, %cond3A_144 : i32
          scf.if %cond3A_145 {
            %sub3A_215 = arith.constant 2 : i32
            %sub3A_216 = arith.subi %add3A_114, %sub3A_215 : i32
            %dma_wait3A_217 = arith.constant 0 : i32
            %dma_wait3A_218 = tpu.memref_slice %arg12[%sub3A_216, %dma_wait3A_217] : memref<8x100xi32, #tpu.memory_space<vmem>> -> memref<1x100xi32, #tpu.memory_space<vmem>>
            %dma_wait3A_219 = tpu.memref_squeeze %dma_wait3A_218 : memref<1x100xi32, #tpu.memory_space<vmem>> -> memref<100xi32, #tpu.memory_space<vmem>>
            %dma_wait3A_220 = arith.constant 0 : i32
            %dma_wait3A_221 = arith.constant 0 : i32
            %dma_wait3A_222 = tpu.memref_slice %arg15[%dma_wait3A_220, %dma_wait3A_221] : memref<10240x128xf32, #tpu.memory_space<vmem_shared>> -> memref<10240x128xf32, #tpu.memory_space<vmem_shared>>
            tpu.wait_indirect_dma semaphore(%arg19 : memref<!tpu.dma_semaphore, #tpu.memory_space<semaphore_mem>>) src(%arg14 : memref<100x128xf32, #tpu.memory_space<vmem>>) dst(%dma_wait3A_222 : memref<10240x128xf32, #tpu.memory_space<vmem_shared>>)
          } else {
          }
          %ge3A_146 = arith.constant 1 : i32
          %ge3A_147 = arith.cmpi sge, %add3A_51, %ge3A_146 : i32
          %eq3A_148 = arith.constant 0 : i32
          %eq3A_149 = arith.cmpi eq, %select_n3A_108, %eq3A_148 : i32
          %and3A_150 = arith.andi %ge3A_147, %eq3A_149 : i1
          %convert_element_type3A_151 = arith.extui %and3A_150 : i1 to i32
          %cond3A_152 = arith.constant 0 : i32
          %cond3A_153 = arith.cmpi ne, %convert_element_type3A_151, %cond3A_152 : i32
          scf.if %cond3A_153 {
            %dma_wait3A_215 = arith.constant 7 : i32
            %dma_wait3A_216 = arith.constant 0 : i32
            %dma_wait3A_217 = tpu.memref_slice %arg10[%dma_wait3A_215, %dma_wait3A_216] : memref<8x100xi32, #tpu.memory_space<vmem>> -> memref<1x100xi32, #tpu.memory_space<vmem>>
            %dma_wait3A_218 = tpu.memref_squeeze %dma_wait3A_217 : memref<1x100xi32, #tpu.memory_space<vmem>> -> memref<100xi32, #tpu.memory_space<vmem>>
            %dma_wait3A_219 = arith.constant 0 : i32
            %dma_wait3A_220 = arith.constant 0 : i32
            %dma_wait3A_221 = tpu.memref_slice %arg15[%dma_wait3A_219, %dma_wait3A_220] : memref<10240x128xf32, #tpu.memory_space<vmem_shared>> -> memref<10240x128xf32, #tpu.memory_space<vmem_shared>>
            tpu.wait_indirect_dma semaphore(%arg19 : memref<!tpu.dma_semaphore, #tpu.memory_space<semaphore_mem>>) src(%arg14 : memref<100x128xf32, #tpu.memory_space<vmem>>) dst(%dma_wait3A_221 : memref<10240x128xf32, #tpu.memory_space<vmem_shared>>)
          } else {
          }
          %eq3A_154 = arith.constant 0 : i32
          %eq3A_155 = arith.cmpi eq, %select_n3A_108, %eq3A_154 : i32
          %add3A_156 = arith.constant 1 : i32
          %add3A_157 = arith.addi %select_n3A_138, %add3A_156 : i32
          %le3A = arith.constant 24 : i32
          %le3A_158 = arith.cmpi sle, %add3A_157, %le3A : i32
          %and3A_159 = arith.andi %eq3A_155, %le3A_158 : i1
          %convert_element_type3A_160 = arith.extui %and3A_159 : i1 to i32
          %cond3A_161 = arith.constant 0 : i32
          %cond3A_162 = arith.cmpi ne, %convert_element_type3A_160, %cond3A_161 : i32
          scf.if %cond3A_162 {
            %ge3A_215 = arith.constant 4 : i32
            %ge3A_216 = arith.cmpi sge, %add3A_51, %ge3A_215 : i32
            %convert_element_type3A_217 = arith.extui %ge3A_216 : i1 to i32
            %cond3A_218 = arith.constant 0 : i32
            %cond3A_219 = arith.cmpi ne, %convert_element_type3A_217, %cond3A_218 : i32
            scf.if %cond3A_219 {
              %add3A_220 = arith.constant 1 : i32
              %add3A_221 = arith.addi %select_n3A_138, %add3A_220 : i32
              %mul3A_222 = arith.constant 8 : i32
              %mul3A_223 = arith.muli %add3A_221, %mul3A_222 : i32
              %add3A_224 = arith.addi %mul3A_7, %mul3A_223 : i32
              %dma_start3A_225 = arith.constant 0 : i32
              %dma_start3A_226 = arith.constant 0 : i32
              %dma_start3A_227 = tpu.memref_slice %arg4[%dma_start3A_225, %add3A_224, %dma_start3A_226] : memref<2x3200x100xi32, #tpu.memory_space<hbm>> -> memref<1x8x100xi32, #tpu.memory_space<hbm>>
              %dma_start3A_228 = tpu.memref_squeeze %dma_start3A_227 : memref<1x8x100xi32, #tpu.memory_space<hbm>> -> memref<8x100xi32, #tpu.memory_space<hbm>>
              %dma_start3A_229 = arith.constant 0 : i32
              %dma_start3A_230 = tpu.memref_slice %arg4[%dma_start3A_225, %add3A_224, %dma_start3A_229] : memref<2x3200x100xi32, #tpu.memory_space<hbm>> -> memref<1x8x100xi32, #tpu.memory_space<hbm>>
              %dma_start3A_231 = tpu.memref_squeeze %dma_start3A_230 : memref<1x8x100xi32, #tpu.memory_space<hbm>> -> memref<8x100xi32, #tpu.memory_space<hbm>>
              tpu.enqueue_dma source(%dma_start3A_231 : memref<8x100xi32, #tpu.memory_space<hbm>>) target(%arg9 : memref<8x100xi32, #tpu.memory_space<vmem>>) target_semaphore(%arg20 : memref<!tpu.dma_semaphore, #tpu.memory_space<semaphore_mem>>)
              %mul3A_232 = arith.constant 8 : i32
              %mul3A_233 = arith.muli %add3A_221, %mul3A_232 : i32
              %add3A_234 = arith.addi %mul3A_7, %mul3A_233 : i32
              %dma_start3A_235 = arith.constant 1 : i32
              %dma_start3A_236 = arith.constant 0 : i32
              %dma_start3A_237 = tpu.memref_slice %arg4[%dma_start3A_235, %add3A_234, %dma_start3A_236] : memref<2x3200x100xi32, #tpu.memory_space<hbm>> -> memref<1x8x100xi32, #tpu.memory_space<hbm>>
              %dma_start3A_238 = tpu.memref_squeeze %dma_start3A_237 : memref<1x8x100xi32, #tpu.memory_space<hbm>> -> memref<8x100xi32, #tpu.memory_space<hbm>>
              %dma_start3A_239 = arith.constant 0 : i32
              %dma_start3A_240 = tpu.memref_slice %arg4[%dma_start3A_235, %add3A_234, %dma_start3A_239] : memref<2x3200x100xi32, #tpu.memory_space<hbm>> -> memref<1x8x100xi32, #tpu.memory_space<hbm>>
              %dma_start3A_241 = tpu.memref_squeeze %dma_start3A_240 : memref<1x8x100xi32, #tpu.memory_space<hbm>> -> memref<8x100xi32, #tpu.memory_space<hbm>>
              tpu.enqueue_dma source(%dma_start3A_241 : memref<8x100xi32, #tpu.memory_space<hbm>>) target(%arg10 : memref<8x100xi32, #tpu.memory_space<vmem>>) target_semaphore(%arg20 : memref<!tpu.dma_semaphore, #tpu.memory_space<semaphore_mem>>)
            } else {
            }
          } else {
          }
          %dma_start3A_163 = arith.constant 0 : i32
          %dma_start3A_164 = tpu.memref_slice %arg11[%add3A_114, %dma_start3A_163] : memref<8x100xi32, #tpu.memory_space<vmem>> -> memref<1x100xi32, #tpu.memory_space<vmem>>
          %dma_start3A_165 = tpu.memref_squeeze %dma_start3A_164 : memref<1x100xi32, #tpu.memory_space<vmem>> -> memref<100xi32, #tpu.memory_space<vmem>>
          %dma_start3A_166 = arith.constant 0 : i32
          %dma_start3A_167 = arith.constant 0 : i32
          %dma_start3A_168 = tpu.memref_slice %arg2[%dma_start3A_166, %dma_start3A_167] : memref<10000x128xf32, #tpu.memory_space<hbm>> -> memref<10000x128xf32, #tpu.memory_space<hbm>>
          tpu.enqueue_indirect_dma source(%dma_start3A_168 : memref<10000x128xf32, #tpu.memory_space<hbm>>) target(%arg14 : memref<100x128xf32, #tpu.memory_space<vmem>>) offsets(%dma_start3A_165 : memref<100xi32, #tpu.memory_space<vmem>>) semaphore(%arg17 : memref<!tpu.dma_semaphore, #tpu.memory_space<semaphore_mem>>)
          %dma_wait3A_169 = arith.constant 0 : i32
          %dma_wait3A_170 = tpu.memref_slice %arg11[%mul3A_110, %dma_wait3A_169] : memref<8x100xi32, #tpu.memory_space<vmem>> -> memref<1x100xi32, #tpu.memory_space<vmem>>
          %dma_wait3A_171 = tpu.memref_squeeze %dma_wait3A_170 : memref<1x100xi32, #tpu.memory_space<vmem>> -> memref<100xi32, #tpu.memory_space<vmem>>
          %dma_wait3A_172 = arith.constant 0 : i32
          %dma_wait3A_173 = arith.constant 0 : i32
          %dma_wait3A_174 = tpu.memref_slice %arg2[%dma_wait3A_172, %dma_wait3A_173] : memref<10000x128xf32, #tpu.memory_space<hbm>> -> memref<10000x128xf32, #tpu.memory_space<hbm>>
          tpu.wait_indirect_dma semaphore(%arg16 : memref<!tpu.dma_semaphore, #tpu.memory_space<semaphore_mem>>) src(%dma_wait3A_174 : memref<10000x128xf32, #tpu.memory_space<hbm>>) dst(%arg13 : memref<100x128xf32, #tpu.memory_space<vmem>>)
          %dma_start3A_175 = arith.constant 0 : i32
          %dma_start3A_176 = tpu.memref_slice %arg12[%mul3A_110, %dma_start3A_175] : memref<8x100xi32, #tpu.memory_space<vmem>> -> memref<1x100xi32, #tpu.memory_space<vmem>>
          %dma_start3A_177 = tpu.memref_squeeze %dma_start3A_176 : memref<1x100xi32, #tpu.memory_space<vmem>> -> memref<100xi32, #tpu.memory_space<vmem>>
          %dma_start3A_178 = arith.constant 0 : i32
          %dma_start3A_179 = arith.constant 0 : i32
          %dma_start3A_180 = tpu.memref_slice %arg15[%dma_start3A_178, %dma_start3A_179] : memref<10240x128xf32, #tpu.memory_space<vmem_shared>> -> memref<10240x128xf32, #tpu.memory_space<vmem_shared>>
          tpu.enqueue_indirect_dma source(%arg13 : memref<100x128xf32, #tpu.memory_space<vmem>>) target(%dma_start3A_180 : memref<10240x128xf32, #tpu.memory_space<vmem_shared>>) offsets(%dma_start3A_177 : memref<100xi32, #tpu.memory_space<vmem>>) semaphore(%arg18 : memref<!tpu.dma_semaphore, #tpu.memory_space<semaphore_mem>>) {add = true}
          %dma_wait3A_181 = arith.constant 0 : i32
          %dma_wait3A_182 = tpu.memref_slice %arg12[%mul3A_110, %dma_wait3A_181] : memref<8x100xi32, #tpu.memory_space<vmem>> -> memref<1x100xi32, #tpu.memory_space<vmem>>
          %dma_wait3A_183 = tpu.memref_squeeze %dma_wait3A_182 : memref<1x100xi32, #tpu.memory_space<vmem>> -> memref<100xi32, #tpu.memory_space<vmem>>
          %dma_wait3A_184 = arith.constant 0 : i32
          %dma_wait3A_185 = arith.constant 0 : i32
          %dma_wait3A_186 = tpu.memref_slice %arg15[%dma_wait3A_184, %dma_wait3A_185] : memref<10240x128xf32, #tpu.memory_space<vmem_shared>> -> memref<10240x128xf32, #tpu.memory_space<vmem_shared>>
          tpu.wait_indirect_dma semaphore(%arg18 : memref<!tpu.dma_semaphore, #tpu.memory_space<semaphore_mem>>) src(%arg13 : memref<100x128xf32, #tpu.memory_space<vmem>>) dst(%dma_wait3A_186 : memref<10240x128xf32, #tpu.memory_space<vmem_shared>>)
          %lt3A_187 = arith.constant 3 : i32
          %lt3A_188 = arith.cmpi slt, %select_n3A_108, %lt3A_187 : i32
          %lt3A_189 = arith.constant 99 : i32
          %lt3A_190 = arith.cmpi slt, %add3A_51, %lt3A_189 : i32
          %and3A_191 = arith.andi %lt3A_188, %lt3A_190 : i1
          %convert_element_type3A_192 = arith.extui %and3A_191 : i1 to i32
          %cond3A_193 = arith.constant 0 : i32
          %cond3A_194 = arith.cmpi ne, %convert_element_type3A_192, %cond3A_193 : i32
          scf.if %cond3A_194 {
            %add3A_215 = arith.constant 2 : i32
            %add3A_216 = arith.addi %mul3A_110, %add3A_215 : i32
            %dma_start3A_217 = arith.constant 0 : i32
            %dma_start3A_218 = tpu.memref_slice %arg11[%add3A_216, %dma_start3A_217] : memref<8x100xi32, #tpu.memory_space<vmem>> -> memref<1x100xi32, #tpu.memory_space<vmem>>
            %dma_start3A_219 = tpu.memref_squeeze %dma_start3A_218 : memref<1x100xi32, #tpu.memory_space<vmem>> -> memref<100xi32, #tpu.memory_space<vmem>>
            %dma_start3A_220 = arith.constant 0 : i32
            %dma_start3A_221 = arith.constant 0 : i32
            %dma_start3A_222 = tpu.memref_slice %arg2[%dma_start3A_220, %dma_start3A_221] : memref<10000x128xf32, #tpu.memory_space<hbm>> -> memref<10000x128xf32, #tpu.memory_space<hbm>>
            tpu.enqueue_indirect_dma source(%dma_start3A_222 : memref<10000x128xf32, #tpu.memory_space<hbm>>) target(%arg13 : memref<100x128xf32, #tpu.memory_space<vmem>>) offsets(%dma_start3A_219 : memref<100xi32, #tpu.memory_space<vmem>>) semaphore(%arg16 : memref<!tpu.dma_semaphore, #tpu.memory_space<semaphore_mem>>)
          } else {
          }
          %eq3A_195 = arith.constant 3 : i32
          %eq3A_196 = arith.cmpi eq, %select_n3A_108, %eq3A_195 : i32
          %lt3A_197 = arith.constant 99 : i32
          %lt3A_198 = arith.cmpi slt, %add3A_51, %lt3A_197 : i32
          %and3A_199 = arith.andi %eq3A_196, %lt3A_198 : i1
          %convert_element_type3A_200 = arith.extui %and3A_199 : i1 to i32
          %cond3A_201 = arith.constant 0 : i32
          %cond3A_202 = arith.cmpi ne, %convert_element_type3A_200, %cond3A_201 : i32
          scf.if %cond3A_202 {
            %add3A_215 = arith.constant 1 : i32
            %add3A_216 = arith.addi %select_n3A_138, %add3A_215 : i32
            %mul3A_217 = arith.constant 8 : i32
            %mul3A_218 = arith.muli %add3A_216, %mul3A_217 : i32
            %add3A_219 = arith.addi %mul3A_7, %mul3A_218 : i32
            %dma_wait3A_220 = arith.constant 0 : i32
            %dma_wait3A_221 = arith.constant 0 : i32
            %dma_wait3A_222 = tpu.memref_slice %arg4[%dma_wait3A_220, %add3A_219, %dma_wait3A_221] : memref<2x3200x100xi32, #tpu.memory_space<hbm>> -> memref<1x8x100xi32, #tpu.memory_space<hbm>>
            %dma_wait3A_223 = tpu.memref_squeeze %dma_wait3A_222 : memref<1x8x100xi32, #tpu.memory_space<hbm>> -> memref<8x100xi32, #tpu.memory_space<hbm>>
            %dma_wait3A_224 = arith.constant 0 : i32
            %dma_wait3A_225 = tpu.memref_slice %arg4[%dma_wait3A_220, %add3A_219, %dma_wait3A_224] : memref<2x3200x100xi32, #tpu.memory_space<hbm>> -> memref<1x8x100xi32, #tpu.memory_space<hbm>>
            %dma_wait3A_226 = tpu.memref_squeeze %dma_wait3A_225 : memref<1x8x100xi32, #tpu.memory_space<hbm>> -> memref<8x100xi32, #tpu.memory_space<hbm>>
            tpu.wait_dma2 semaphore(%arg20 : memref<!tpu.dma_semaphore, #tpu.memory_space<semaphore_mem>>) src(%dma_wait3A_226 : memref<8x100xi32, #tpu.memory_space<hbm>>) dst(%arg9 : memref<8x100xi32, #tpu.memory_space<vmem>>)
            %mul3A_227 = arith.constant 8 : i32
            %mul3A_228 = arith.muli %add3A_216, %mul3A_227 : i32
            %add3A_229 = arith.addi %mul3A_7, %mul3A_228 : i32
            %dma_wait3A_230 = arith.constant 1 : i32
            %dma_wait3A_231 = arith.constant 0 : i32
            %dma_wait3A_232 = tpu.memref_slice %arg4[%dma_wait3A_230, %add3A_229, %dma_wait3A_231] : memref<2x3200x100xi32, #tpu.memory_space<hbm>> -> memref<1x8x100xi32, #tpu.memory_space<hbm>>
            %dma_wait3A_233 = tpu.memref_squeeze %dma_wait3A_232 : memref<1x8x100xi32, #tpu.memory_space<hbm>> -> memref<8x100xi32, #tpu.memory_space<hbm>>
            %dma_wait3A_234 = arith.constant 0 : i32
            %dma_wait3A_235 = tpu.memref_slice %arg4[%dma_wait3A_230, %add3A_229, %dma_wait3A_234] : memref<2x3200x100xi32, #tpu.memory_space<hbm>> -> memref<1x8x100xi32, #tpu.memory_space<hbm>>
            %dma_wait3A_236 = tpu.memref_squeeze %dma_wait3A_235 : memref<1x8x100xi32, #tpu.memory_space<hbm>> -> memref<8x100xi32, #tpu.memory_space<hbm>>
            tpu.wait_dma2 semaphore(%arg20 : memref<!tpu.dma_semaphore, #tpu.memory_space<semaphore_mem>>) src(%dma_wait3A_236 : memref<8x100xi32, #tpu.memory_space<hbm>>) dst(%arg10 : memref<8x100xi32, #tpu.memory_space<vmem>>)
            %dma_start3A_237 = arith.constant 0 : i32
            %dma_start3A_238 = arith.constant 0 : i32
            %dma_start3A_239 = tpu.memref_slice %arg9[%dma_start3A_237, %dma_start3A_238] : memref<8x100xi32, #tpu.memory_space<vmem>> -> memref<1x100xi32, #tpu.memory_space<vmem>>
            %dma_start3A_240 = tpu.memref_squeeze %dma_start3A_239 : memref<1x100xi32, #tpu.memory_space<vmem>> -> memref<100xi32, #tpu.memory_space<vmem>>
            %dma_start3A_241 = arith.constant 0 : i32
            %dma_start3A_242 = arith.constant 0 : i32
            %dma_start3A_243 = tpu.memref_slice %arg2[%dma_start3A_241, %dma_start3A_242] : memref<10000x128xf32, #tpu.memory_space<hbm>> -> memref<10000x128xf32, #tpu.memory_space<hbm>>
            tpu.enqueue_indirect_dma source(%dma_start3A_243 : memref<10000x128xf32, #tpu.memory_space<hbm>>) target(%arg13 : memref<100x128xf32, #tpu.memory_space<vmem>>) offsets(%dma_start3A_240 : memref<100xi32, #tpu.memory_space<vmem>>) semaphore(%arg16 : memref<!tpu.dma_semaphore, #tpu.memory_space<semaphore_mem>>)
          } else {
          }
          %dma_wait3A_203 = arith.constant 0 : i32
          %dma_wait3A_204 = tpu.memref_slice %arg11[%add3A_114, %dma_wait3A_203] : memref<8x100xi32, #tpu.memory_space<vmem>> -> memref<1x100xi32, #tpu.memory_space<vmem>>
          %dma_wait3A_205 = tpu.memref_squeeze %dma_wait3A_204 : memref<1x100xi32, #tpu.memory_space<vmem>> -> memref<100xi32, #tpu.memory_space<vmem>>
          %dma_wait3A_206 = arith.constant 0 : i32
          %dma_wait3A_207 = arith.constant 0 : i32
          %dma_wait3A_208 = tpu.memref_slice %arg2[%dma_wait3A_206, %dma_wait3A_207] : memref<10000x128xf32, #tpu.memory_space<hbm>> -> memref<10000x128xf32, #tpu.memory_space<hbm>>
          tpu.wait_indirect_dma semaphore(%arg17 : memref<!tpu.dma_semaphore, #tpu.memory_space<semaphore_mem>>) src(%dma_wait3A_208 : memref<10000x128xf32, #tpu.memory_space<hbm>>) dst(%arg14 : memref<100x128xf32, #tpu.memory_space<vmem>>)
          %dma_start3A_209 = arith.constant 0 : i32
          %dma_start3A_210 = tpu.memref_slice %arg12[%add3A_114, %dma_start3A_209] : memref<8x100xi32, #tpu.memory_space<vmem>> -> memref<1x100xi32, #tpu.memory_space<vmem>>
          %dma_start3A_211 = tpu.memref_squeeze %dma_start3A_210 : memref<1x100xi32, #tpu.memory_space<vmem>> -> memref<100xi32, #tpu.memory_space<vmem>>
          %dma_start3A_212 = arith.constant 0 : i32
          %dma_start3A_213 = arith.constant 0 : i32
          %dma_start3A_214 = tpu.memref_slice %arg15[%dma_start3A_212, %dma_start3A_213] : memref<10240x128xf32, #tpu.memory_space<vmem_shared>> -> memref<10240x128xf32, #tpu.memory_space<vmem_shared>>
          tpu.enqueue_indirect_dma source(%arg14 : memref<100x128xf32, #tpu.memory_space<vmem>>) target(%dma_start3A_214 : memref<10240x128xf32, #tpu.memory_space<vmem_shared>>) offsets(%dma_start3A_211 : memref<100xi32, #tpu.memory_space<vmem>>) semaphore(%arg19 : memref<!tpu.dma_semaphore, #tpu.memory_space<semaphore_mem>>) {add = true}
        } else {
        }
      }
      %scan3A_37 = arith.constant 100 : i32
      %dma_wait3A = arith.constant 7 : i32
      %dma_wait3A_38 = arith.constant 0 : i32
      %dma_wait3A_39 = tpu.memref_slice %arg10[%dma_wait3A, %dma_wait3A_38] : memref<8x100xi32, #tpu.memory_space<vmem>> -> memref<1x100xi32, #tpu.memory_space<vmem>>
      %dma_wait3A_40 = tpu.memref_squeeze %dma_wait3A_39 : memref<1x100xi32, #tpu.memory_space<vmem>> -> memref<100xi32, #tpu.memory_space<vmem>>
      %dma_wait3A_41 = arith.constant 0 : i32
      %dma_wait3A_42 = arith.constant 0 : i32
      %dma_wait3A_43 = tpu.memref_slice %arg15[%dma_wait3A_41, %dma_wait3A_42] : memref<10240x128xf32, #tpu.memory_space<vmem_shared>> -> memref<10240x128xf32, #tpu.memory_space<vmem_shared>>
      tpu.wait_indirect_dma semaphore(%arg19 : memref<!tpu.dma_semaphore, #tpu.memory_space<semaphore_mem>>) src(%arg14 : memref<100x128xf32, #tpu.memory_space<vmem>>) dst(%dma_wait3A_43 : memref<10240x128xf32, #tpu.memory_space<vmem_shared>>)
      %barrier3A_44 = arith.constant 0 : index
      tpu.barrier barrier_id(%barrier3A_44)
      %mul3A_45 = arith.constant 640 : i32
      %mul3A_46 = arith.muli %arg1, %mul3A_45 : i32
      "tpu.region"() ({
        %run_scoped3A_47 = tpu.sem_alloc : memref<!tpu.dma_semaphore, #tpu.memory_space<semaphore_mem>>
        %dma_start3A_48 = arith.constant 0 : i32
        %dma_start3A_49 = tpu.memref_slice %arg7[%mul3A_46, %dma_start3A_48] : memref<10240x128xf32, #tpu.memory_space<hbm>> -> memref<640x128xf32, #tpu.memory_space<hbm>>
        %dma_start3A_50 = arith.constant 0 : i32
        %dma_start3A_51 = tpu.memref_slice %arg15[%mul3A_46, %dma_start3A_50] : memref<10240x128xf32, #tpu.memory_space<vmem_shared>> -> memref<640x128xf32, #tpu.memory_space<vmem_shared>>
        tpu.enqueue_dma source(%dma_start3A_51 : memref<640x128xf32, #tpu.memory_space<vmem_shared>>) target(%dma_start3A_49 : memref<640x128xf32, #tpu.memory_space<hbm>>) target_semaphore(%run_scoped3A_47 : memref<!tpu.dma_semaphore, #tpu.memory_space<semaphore_mem>>)
        %dma_wait3A_52 = arith.constant 0 : i32
        %dma_wait3A_53 = tpu.memref_slice %arg7[%mul3A_46, %dma_wait3A_52] : memref<10240x128xf32, #tpu.memory_space<hbm>> -> memref<640x128xf32, #tpu.memory_space<hbm>>
        %dma_wait3A_54 = arith.constant 0 : i32
        %dma_wait3A_55 = tpu.memref_slice %arg15[%mul3A_46, %dma_wait3A_54] : memref<10240x128xf32, #tpu.memory_space<vmem_shared>> -> memref<640x128xf32, #tpu.memory_space<vmem_shared>>
        tpu.wait_dma2 semaphore(%run_scoped3A_47 : memref<!tpu.dma_semaphore, #tpu.memory_space<semaphore_mem>>) src(%dma_wait3A_55 : memref<640x128xf32, #tpu.memory_space<vmem_shared>>) dst(%dma_wait3A_53 : memref<640x128xf32, #tpu.memory_space<hbm>>)
        tpu.yield
      }) : () -> ()
    } else {
    }
    %eq3A_2 = arith.constant 1 : i32
    %eq3A_3 = arith.cmpi eq, %arg0, %eq3A_2 : i32
    %convert_element_type3A_4 = arith.extui %eq3A_3 : i1 to i32
    %cond3A_5 = arith.constant 0 : i32
    %cond3A_6 = arith.cmpi ne, %convert_element_type3A_4, %cond3A_5 : i32
    scf.if %cond3A_6 {
      %mul3A = arith.constant 200 : i32
      %mul3A_7 = arith.muli %arg1, %mul3A : i32
      %mul3A_8 = arith.constant 640 : i32
      %mul3A_9 = arith.muli %arg1, %mul3A_8 : i32
      "tpu.region"() ({
        %run_scoped3A_47 = tpu.sem_alloc : memref<!tpu.dma_semaphore, #tpu.memory_space<semaphore_mem>>
        %dma_start3A_48 = arith.constant 0 : i32
        %dma_start3A_49 = tpu.memref_slice %arg15[%mul3A_9, %dma_start3A_48] : memref<10240x128xf32, #tpu.memory_space<vmem_shared>> -> memref<640x128xf32, #tpu.memory_space<vmem_shared>>
        tpu.enqueue_dma source(%arg6 : memref<640x128xf32, #tpu.memory_space<hbm>>) target(%dma_start3A_49 : memref<640x128xf32, #tpu.memory_space<vmem_shared>>) target_semaphore(%run_scoped3A_47 : memref<!tpu.dma_semaphore, #tpu.memory_space<semaphore_mem>>)
        %dma_wait3A_50 = arith.constant 0 : i32
        %dma_wait3A_51 = tpu.memref_slice %arg15[%mul3A_9, %dma_wait3A_50] : memref<10240x128xf32, #tpu.memory_space<vmem_shared>> -> memref<640x128xf32, #tpu.memory_space<vmem_shared>>
        tpu.wait_dma2 semaphore(%run_scoped3A_47 : memref<!tpu.dma_semaphore, #tpu.memory_space<semaphore_mem>>) src(%arg6 : memref<640x128xf32, #tpu.memory_space<hbm>>) dst(%dma_wait3A_51 : memref<640x128xf32, #tpu.memory_space<vmem_shared>>)
        tpu.yield
      }) : () -> ()
      %run_scoped3A = arith.constant 0 : i32
      "tpu.region"() ({
        %run_scoped3A_47 = tpu.sem_alloc : memref<!tpu.dma_semaphore, #tpu.memory_space<semaphore_mem>>
        %dma_start3A_48 = arith.constant 0 : i32
        %dma_start3A_49 = tpu.memref_slice %arg5[%run_scoped3A, %mul3A_7, %dma_start3A_48] : memref<2x3200x100xi32, #tpu.memory_space<hbm>> -> memref<1x8x100xi32, #tpu.memory_space<hbm>>
        %dma_start3A_50 = tpu.memref_squeeze %dma_start3A_49 : memref<1x8x100xi32, #tpu.memory_space<hbm>> -> memref<8x100xi32, #tpu.memory_space<hbm>>
        %dma_start3A_51 = arith.constant 0 : i32
        %dma_start3A_52 = tpu.memref_slice %arg5[%run_scoped3A, %mul3A_7, %dma_start3A_51] : memref<2x3200x100xi32, #tpu.memory_space<hbm>> -> memref<1x8x100xi32, #tpu.memory_space<hbm>>
        %dma_start3A_53 = tpu.memref_squeeze %dma_start3A_52 : memref<1x8x100xi32, #tpu.memory_space<hbm>> -> memref<8x100xi32, #tpu.memory_space<hbm>>
        tpu.enqueue_dma source(%dma_start3A_53 : memref<8x100xi32, #tpu.memory_space<hbm>>) target(%arg9 : memref<8x100xi32, #tpu.memory_space<vmem>>) target_semaphore(%run_scoped3A_47 : memref<!tpu.dma_semaphore, #tpu.memory_space<semaphore_mem>>)
        %dma_wait3A_54 = arith.constant 0 : i32
        %dma_wait3A_55 = tpu.memref_slice %arg5[%run_scoped3A, %mul3A_7, %dma_wait3A_54] : memref<2x3200x100xi32, #tpu.memory_space<hbm>> -> memref<1x8x100xi32, #tpu.memory_space<hbm>>
        %dma_wait3A_56 = tpu.memref_squeeze %dma_wait3A_55 : memref<1x8x100xi32, #tpu.memory_space<hbm>> -> memref<8x100xi32, #tpu.memory_space<hbm>>
        %dma_wait3A_57 = arith.constant 0 : i32
        %dma_wait3A_58 = tpu.memref_slice %arg5[%run_scoped3A, %mul3A_7, %dma_wait3A_57] : memref<2x3200x100xi32, #tpu.memory_space<hbm>> -> memref<1x8x100xi32, #tpu.memory_space<hbm>>
        %dma_wait3A_59 = tpu.memref_squeeze %dma_wait3A_58 : memref<1x8x100xi32, #tpu.memory_space<hbm>> -> memref<8x100xi32, #tpu.memory_space<hbm>>
        tpu.wait_dma2 semaphore(%run_scoped3A_47 : memref<!tpu.dma_semaphore, #tpu.memory_space<semaphore_mem>>) src(%dma_wait3A_59 : memref<8x100xi32, #tpu.memory_space<hbm>>) dst(%arg9 : memref<8x100xi32, #tpu.memory_space<vmem>>)
        tpu.yield
      }) : () -> ()
      %run_scoped3A_10 = arith.constant 1 : i32
      "tpu.region"() ({
        %run_scoped3A_47 = tpu.sem_alloc : memref<!tpu.dma_semaphore, #tpu.memory_space<semaphore_mem>>
        %dma_start3A_48 = arith.constant 0 : i32
        %dma_start3A_49 = tpu.memref_slice %arg5[%run_scoped3A_10, %mul3A_7, %dma_start3A_48] : memref<2x3200x100xi32, #tpu.memory_space<hbm>> -> memref<1x8x100xi32, #tpu.memory_space<hbm>>
        %dma_start3A_50 = tpu.memref_squeeze %dma_start3A_49 : memref<1x8x100xi32, #tpu.memory_space<hbm>> -> memref<8x100xi32, #tpu.memory_space<hbm>>
        %dma_start3A_51 = arith.constant 0 : i32
        %dma_start3A_52 = tpu.memref_slice %arg5[%run_scoped3A_10, %mul3A_7, %dma_start3A_51] : memref<2x3200x100xi32, #tpu.memory_space<hbm>> -> memref<1x8x100xi32, #tpu.memory_space<hbm>>
        %dma_start3A_53 = tpu.memref_squeeze %dma_start3A_52 : memref<1x8x100xi32, #tpu.memory_space<hbm>> -> memref<8x100xi32, #tpu.memory_space<hbm>>
        tpu.enqueue_dma source(%dma_start3A_53 : memref<8x100xi32, #tpu.memory_space<hbm>>) target(%arg10 : memref<8x100xi32, #tpu.memory_space<vmem>>) target_semaphore(%run_scoped3A_47 : memref<!tpu.dma_semaphore, #tpu.memory_space<semaphore_mem>>)
        %dma_wait3A_54 = arith.constant 0 : i32
        %dma_wait3A_55 = tpu.memref_slice %arg5[%run_scoped3A_10, %mul3A_7, %dma_wait3A_54] : memref<2x3200x100xi32, #tpu.memory_space<hbm>> -> memref<1x8x100xi32, #tpu.memory_space<hbm>>
        %dma_wait3A_56 = tpu.memref_squeeze %dma_wait3A_55 : memref<1x8x100xi32, #tpu.memory_space<hbm>> -> memref<8x100xi32, #tpu.memory_space<hbm>>
        %dma_wait3A_57 = arith.constant 0 : i32
        %dma_wait3A_58 = tpu.memref_slice %arg5[%run_scoped3A_10, %mul3A_7, %dma_wait3A_57] : memref<2x3200x100xi32, #tpu.memory_space<hbm>> -> memref<1x8x100xi32, #tpu.memory_space<hbm>>
        %dma_wait3A_59 = tpu.memref_squeeze %dma_wait3A_58 : memref<1x8x100xi32, #tpu.memory_space<hbm>> -> memref<8x100xi32, #tpu.memory_space<hbm>>
        tpu.wait_dma2 semaphore(%run_scoped3A_47 : memref<!tpu.dma_semaphore, #tpu.memory_space<semaphore_mem>>) src(%dma_wait3A_59 : memref<8x100xi32, #tpu.memory_space<hbm>>) dst(%arg10 : memref<8x100xi32, #tpu.memory_space<vmem>>)
        tpu.yield
      }) : () -> ()
      %add3A = arith.constant 8 : i32
      %add3A_11 = arith.addi %mul3A_7, %add3A : i32
      %dma_start3A = arith.constant 0 : i32
      %dma_start3A_12 = arith.constant 0 : i32
      %dma_start3A_13 = tpu.memref_slice %arg5[%dma_start3A, %add3A_11, %dma_start3A_12] : memref<2x3200x100xi32, #tpu.memory_space<hbm>> -> memref<1x8x100xi32, #tpu.memory_space<hbm>>
      %dma_start3A_14 = tpu.memref_squeeze %dma_start3A_13 : memref<1x8x100xi32, #tpu.memory_space<hbm>> -> memref<8x100xi32, #tpu.memory_space<hbm>>
      %dma_start3A_15 = arith.constant 0 : i32
      %dma_start3A_16 = tpu.memref_slice %arg5[%dma_start3A, %add3A_11, %dma_start3A_15] : memref<2x3200x100xi32, #tpu.memory_space<hbm>> -> memref<1x8x100xi32, #tpu.memory_space<hbm>>
      %dma_start3A_17 = tpu.memref_squeeze %dma_start3A_16 : memref<1x8x100xi32, #tpu.memory_space<hbm>> -> memref<8x100xi32, #tpu.memory_space<hbm>>
      tpu.enqueue_dma source(%dma_start3A_17 : memref<8x100xi32, #tpu.memory_space<hbm>>) target(%arg11 : memref<8x100xi32, #tpu.memory_space<vmem>>) target_semaphore(%arg20 : memref<!tpu.dma_semaphore, #tpu.memory_space<semaphore_mem>>)
      %add3A_18 = arith.constant 8 : i32
      %add3A_19 = arith.addi %mul3A_7, %add3A_18 : i32
      %dma_start3A_20 = arith.constant 1 : i32
      %dma_start3A_21 = arith.constant 0 : i32
      %dma_start3A_22 = tpu.memref_slice %arg5[%dma_start3A_20, %add3A_19, %dma_start3A_21] : memref<2x3200x100xi32, #tpu.memory_space<hbm>> -> memref<1x8x100xi32, #tpu.memory_space<hbm>>
      %dma_start3A_23 = tpu.memref_squeeze %dma_start3A_22 : memref<1x8x100xi32, #tpu.memory_space<hbm>> -> memref<8x100xi32, #tpu.memory_space<hbm>>
      %dma_start3A_24 = arith.constant 0 : i32
      %dma_start3A_25 = tpu.memref_slice %arg5[%dma_start3A_20, %add3A_19, %dma_start3A_24] : memref<2x3200x100xi32, #tpu.memory_space<hbm>> -> memref<1x8x100xi32, #tpu.memory_space<hbm>>
      %dma_start3A_26 = tpu.memref_squeeze %dma_start3A_25 : memref<1x8x100xi32, #tpu.memory_space<hbm>> -> memref<8x100xi32, #tpu.memory_space<hbm>>
      tpu.enqueue_dma source(%dma_start3A_26 : memref<8x100xi32, #tpu.memory_space<hbm>>) target(%arg12 : memref<8x100xi32, #tpu.memory_space<vmem>>) target_semaphore(%arg20 : memref<!tpu.dma_semaphore, #tpu.memory_space<semaphore_mem>>)
      %barrier3A = arith.constant 0 : index
      tpu.barrier barrier_id(%barrier3A)
      %dma_start3A_27 = arith.constant 0 : i32
      %dma_start3A_28 = arith.constant 0 : i32
      %dma_start3A_29 = tpu.memref_slice %arg9[%dma_start3A_27, %dma_start3A_28] : memref<8x100xi32, #tpu.memory_space<vmem>> -> memref<1x100xi32, #tpu.memory_space<vmem>>
      %dma_start3A_30 = tpu.memref_squeeze %dma_start3A_29 : memref<1x100xi32, #tpu.memory_space<vmem>> -> memref<100xi32, #tpu.memory_space<vmem>>
      %dma_start3A_31 = arith.constant 0 : i32
      %dma_start3A_32 = arith.constant 0 : i32
      %dma_start3A_33 = tpu.memref_slice %arg3[%dma_start3A_31, %dma_start3A_32] : memref<10000x128xf32, #tpu.memory_space<hbm>> -> memref<10000x128xf32, #tpu.memory_space<hbm>>
      tpu.enqueue_indirect_dma source(%dma_start3A_33 : memref<10000x128xf32, #tpu.memory_space<hbm>>) target(%arg13 : memref<100x128xf32, #tpu.memory_space<vmem>>) offsets(%dma_start3A_30 : memref<100xi32, #tpu.memory_space<vmem>>) semaphore(%arg16 : memref<!tpu.dma_semaphore, #tpu.memory_space<semaphore_mem>>)
      %scan3A = arith.constant 0 : i32
      %scan3A_34 = arith.constant 100 : i32
      %scan3A_35 = arith.addi %scan3A, %scan3A_34 : i32
      %scan3A_36 = arith.constant 1 : i32
      scf.for %scan3A_47 = %scan3A to %scan3A_35 step %scan3A_36  : i32 {
        %mul3A_48 = arith.constant 1 : i32
        %mul3A_49 = arith.muli %scan3A_47, %mul3A_48 : i32
        %add3A_50 = arith.constant 0 : i32
        %add3A_51 = arith.addi %add3A_50, %mul3A_49 : i32
        %jit3A = arith.constant 4 : i32
        %div3A = arith.divsi %add3A_51, %jit3A : i32
        %sign3A = arith.constant 0 : i32
        %sign3A_52 = arith.cmpi sgt, %add3A_51, %sign3A : i32
        %sign3A_53 = arith.extui %sign3A_52 : i1 to i32
        %sign3A_54 = arith.constant 0 : i32
        %sign3A_55 = arith.cmpi slt, %add3A_51, %sign3A_54 : i32
        %sign3A_56 = arith.extui %sign3A_55 : i1 to i32
        %sign3A_57 = arith.subi %sign3A_53, %sign3A_56 : i32
        %sign3A_58 = arith.constant 0 : i32
        %sign3A_59 = arith.cmpi sgt, %jit3A, %sign3A_58 : i32
        %sign3A_60 = arith.extui %sign3A_59 : i1 to i32
        %sign3A_61 = arith.constant 0 : i32
        %sign3A_62 = arith.cmpi slt, %jit3A, %sign3A_61 : i32
        %sign3A_63 = arith.extui %sign3A_62 : i1 to i32
        %sign3A_64 = arith.subi %sign3A_60, %sign3A_63 : i32
        %ne3A = arith.cmpi ne, %sign3A_57, %sign3A_64 : i32
        %rem3A = arith.remsi %add3A_51, %jit3A : i32
        %ne3A_65 = arith.constant 0 : i32
        %ne3A_66 = arith.cmpi ne, %rem3A, %ne3A_65 : i32
        %and3A = arith.andi %ne3A, %ne3A_66 : i1
        %sub3A = arith.constant 1 : i32
        %sub3A_67 = arith.subi %div3A, %sub3A : i32
        %select_n3A = arith.select %and3A, %sub3A_67, %div3A : i32
        %jit3A_68 = arith.constant 2 : i32
        %eq3A_69 = arith.constant 0 : i32
        %eq3A_70 = arith.cmpi eq, %jit3A_68, %eq3A_69 : i32
        %jit3A_71 = arith.constant 1 : i32
        %select_n3A_72 = arith.select %eq3A_70, %jit3A_71, %jit3A_68 : i32
        %rem3A_73 = arith.remsi %select_n3A, %select_n3A_72 : i32
        %ne3A_74 = arith.constant 0 : i32
        %ne3A_75 = arith.cmpi ne, %rem3A_73, %ne3A_74 : i32
        %lt3A = arith.constant 0 : i32
        %lt3A_76 = arith.cmpi slt, %rem3A_73, %lt3A : i32
        %lt3A_77 = arith.constant 0 : i32
        %lt3A_78 = arith.cmpi slt, %select_n3A_72, %lt3A_77 : i32
        %ne3A_79 = arith.xori %lt3A_76, %lt3A_78 : i1
        %and3A_80 = arith.andi %ne3A_79, %ne3A_75 : i1
        %add3A_81 = arith.addi %rem3A_73, %select_n3A_72 : i32
        %select_n3A_82 = arith.select %and3A_80, %add3A_81, %rem3A_73 : i32
        %eq3A_83 = arith.constant 0 : i32
        %eq3A_84 = arith.cmpi eq, %select_n3A_82, %eq3A_83 : i32
        %convert_element_type3A_85 = arith.extui %eq3A_84 : i1 to i32
        %cond3A_86 = arith.constant 0 : i32
        %cond3A_87 = arith.cmpi ne, %convert_element_type3A_85, %cond3A_86 : i32
        scf.if %cond3A_87 {
          %jit3A_93 = arith.constant 4 : i32
          %eq3A_94 = arith.constant 0 : i32
          %eq3A_95 = arith.cmpi eq, %jit3A_93, %eq3A_94 : i32
          %jit3A_96 = arith.constant 1 : i32
          %select_n3A_97 = arith.select %eq3A_95, %jit3A_96, %jit3A_93 : i32
          %rem3A_98 = arith.remsi %add3A_51, %select_n3A_97 : i32
          %ne3A_99 = arith.constant 0 : i32
          %ne3A_100 = arith.cmpi ne, %rem3A_98, %ne3A_99 : i32
          %lt3A_101 = arith.constant 0 : i32
          %lt3A_102 = arith.cmpi slt, %rem3A_98, %lt3A_101 : i32
          %lt3A_103 = arith.constant 0 : i32
          %lt3A_104 = arith.cmpi slt, %select_n3A_97, %lt3A_103 : i32
          %ne3A_105 = arith.xori %lt3A_102, %lt3A_104 : i1
          %and3A_106 = arith.andi %ne3A_105, %ne3A_100 : i1
          %add3A_107 = arith.addi %rem3A_98, %select_n3A_97 : i32
          %select_n3A_108 = arith.select %and3A_106, %add3A_107, %rem3A_98 : i32
          %mul3A_109 = arith.constant 2 : i32
          %mul3A_110 = arith.muli %select_n3A_108, %mul3A_109 : i32
          %mul3A_111 = arith.constant 2 : i32
          %mul3A_112 = arith.muli %select_n3A_108, %mul3A_111 : i32
          %add3A_113 = arith.constant 1 : i32
          %add3A_114 = arith.addi %mul3A_112, %add3A_113 : i32
          %jit3A_115 = arith.constant 4 : i32
          %div3A_116 = arith.divsi %add3A_51, %jit3A_115 : i32
          %sign3A_117 = arith.constant 0 : i32
          %sign3A_118 = arith.cmpi sgt, %add3A_51, %sign3A_117 : i32
          %sign3A_119 = arith.extui %sign3A_118 : i1 to i32
          %sign3A_120 = arith.constant 0 : i32
          %sign3A_121 = arith.cmpi slt, %add3A_51, %sign3A_120 : i32
          %sign3A_122 = arith.extui %sign3A_121 : i1 to i32
          %sign3A_123 = arith.subi %sign3A_119, %sign3A_122 : i32
          %sign3A_124 = arith.constant 0 : i32
          %sign3A_125 = arith.cmpi sgt, %jit3A_115, %sign3A_124 : i32
          %sign3A_126 = arith.extui %sign3A_125 : i1 to i32
          %sign3A_127 = arith.constant 0 : i32
          %sign3A_128 = arith.cmpi slt, %jit3A_115, %sign3A_127 : i32
          %sign3A_129 = arith.extui %sign3A_128 : i1 to i32
          %sign3A_130 = arith.subi %sign3A_126, %sign3A_129 : i32
          %ne3A_131 = arith.cmpi ne, %sign3A_123, %sign3A_130 : i32
          %rem3A_132 = arith.remsi %add3A_51, %jit3A_115 : i32
          %ne3A_133 = arith.constant 0 : i32
          %ne3A_134 = arith.cmpi ne, %rem3A_132, %ne3A_133 : i32
          %and3A_135 = arith.andi %ne3A_131, %ne3A_134 : i1
          %sub3A_136 = arith.constant 1 : i32
          %sub3A_137 = arith.subi %div3A_116, %sub3A_136 : i32
          %select_n3A_138 = arith.select %and3A_135, %sub3A_137, %div3A_116 : i32
          %ge3A = arith.constant 1 : i32
          %ge3A_139 = arith.cmpi sge, %add3A_51, %ge3A : i32
          %ge3A_140 = arith.constant 1 : i32
          %ge3A_141 = arith.cmpi sge, %select_n3A_108, %ge3A_140 : i32
          %and3A_142 = arith.andi %ge3A_139, %ge3A_141 : i1
          %convert_element_type3A_143 = arith.extui %and3A_142 : i1 to i32
          %cond3A_144 = arith.constant 0 : i32
          %cond3A_145 = arith.cmpi ne, %convert_element_type3A_143, %cond3A_144 : i32
          scf.if %cond3A_145 {
            %sub3A_215 = arith.constant 2 : i32
            %sub3A_216 = arith.subi %add3A_114, %sub3A_215 : i32
            %dma_wait3A_217 = arith.constant 0 : i32
            %dma_wait3A_218 = tpu.memref_slice %arg10[%sub3A_216, %dma_wait3A_217] : memref<8x100xi32, #tpu.memory_space<vmem>> -> memref<1x100xi32, #tpu.memory_space<vmem>>
            %dma_wait3A_219 = tpu.memref_squeeze %dma_wait3A_218 : memref<1x100xi32, #tpu.memory_space<vmem>> -> memref<100xi32, #tpu.memory_space<vmem>>
            %dma_wait3A_220 = arith.constant 0 : i32
            %dma_wait3A_221 = arith.constant 0 : i32
            %dma_wait3A_222 = tpu.memref_slice %arg15[%dma_wait3A_220, %dma_wait3A_221] : memref<10240x128xf32, #tpu.memory_space<vmem_shared>> -> memref<10240x128xf32, #tpu.memory_space<vmem_shared>>
            tpu.wait_indirect_dma semaphore(%arg19 : memref<!tpu.dma_semaphore, #tpu.memory_space<semaphore_mem>>) src(%arg14 : memref<100x128xf32, #tpu.memory_space<vmem>>) dst(%dma_wait3A_222 : memref<10240x128xf32, #tpu.memory_space<vmem_shared>>)
          } else {
          }
          %ge3A_146 = arith.constant 1 : i32
          %ge3A_147 = arith.cmpi sge, %add3A_51, %ge3A_146 : i32
          %eq3A_148 = arith.constant 0 : i32
          %eq3A_149 = arith.cmpi eq, %select_n3A_108, %eq3A_148 : i32
          %and3A_150 = arith.andi %ge3A_147, %eq3A_149 : i1
          %convert_element_type3A_151 = arith.extui %and3A_150 : i1 to i32
          %cond3A_152 = arith.constant 0 : i32
          %cond3A_153 = arith.cmpi ne, %convert_element_type3A_151, %cond3A_152 : i32
          scf.if %cond3A_153 {
            %dma_wait3A_215 = arith.constant 7 : i32
            %dma_wait3A_216 = arith.constant 0 : i32
            %dma_wait3A_217 = tpu.memref_slice %arg12[%dma_wait3A_215, %dma_wait3A_216] : memref<8x100xi32, #tpu.memory_space<vmem>> -> memref<1x100xi32, #tpu.memory_space<vmem>>
            %dma_wait3A_218 = tpu.memref_squeeze %dma_wait3A_217 : memref<1x100xi32, #tpu.memory_space<vmem>> -> memref<100xi32, #tpu.memory_space<vmem>>
            %dma_wait3A_219 = arith.constant 0 : i32
            %dma_wait3A_220 = arith.constant 0 : i32
            %dma_wait3A_221 = tpu.memref_slice %arg15[%dma_wait3A_219, %dma_wait3A_220] : memref<10240x128xf32, #tpu.memory_space<vmem_shared>> -> memref<10240x128xf32, #tpu.memory_space<vmem_shared>>
            tpu.wait_indirect_dma semaphore(%arg19 : memref<!tpu.dma_semaphore, #tpu.memory_space<semaphore_mem>>) src(%arg14 : memref<100x128xf32, #tpu.memory_space<vmem>>) dst(%dma_wait3A_221 : memref<10240x128xf32, #tpu.memory_space<vmem_shared>>)
          } else {
          }
          %eq3A_154 = arith.constant 0 : i32
          %eq3A_155 = arith.cmpi eq, %select_n3A_108, %eq3A_154 : i32
          %add3A_156 = arith.constant 1 : i32
          %add3A_157 = arith.addi %select_n3A_138, %add3A_156 : i32
          %le3A = arith.constant 24 : i32
          %le3A_158 = arith.cmpi sle, %add3A_157, %le3A : i32
          %and3A_159 = arith.andi %eq3A_155, %le3A_158 : i1
          %convert_element_type3A_160 = arith.extui %and3A_159 : i1 to i32
          %cond3A_161 = arith.constant 0 : i32
          %cond3A_162 = arith.cmpi ne, %convert_element_type3A_160, %cond3A_161 : i32
          scf.if %cond3A_162 {
            %ge3A_215 = arith.constant 4 : i32
            %ge3A_216 = arith.cmpi sge, %add3A_51, %ge3A_215 : i32
            %convert_element_type3A_217 = arith.extui %ge3A_216 : i1 to i32
            %cond3A_218 = arith.constant 0 : i32
            %cond3A_219 = arith.cmpi ne, %convert_element_type3A_217, %cond3A_218 : i32
            scf.if %cond3A_219 {
              %add3A_220 = arith.constant 1 : i32
              %add3A_221 = arith.addi %select_n3A_138, %add3A_220 : i32
              %mul3A_222 = arith.constant 8 : i32
              %mul3A_223 = arith.muli %add3A_221, %mul3A_222 : i32
              %add3A_224 = arith.addi %mul3A_7, %mul3A_223 : i32
              %dma_start3A_225 = arith.constant 0 : i32
              %dma_start3A_226 = arith.constant 0 : i32
              %dma_start3A_227 = tpu.memref_slice %arg5[%dma_start3A_225, %add3A_224, %dma_start3A_226] : memref<2x3200x100xi32, #tpu.memory_space<hbm>> -> memref<1x8x100xi32, #tpu.memory_space<hbm>>
              %dma_start3A_228 = tpu.memref_squeeze %dma_start3A_227 : memref<1x8x100xi32, #tpu.memory_space<hbm>> -> memref<8x100xi32, #tpu.memory_space<hbm>>
              %dma_start3A_229 = arith.constant 0 : i32
              %dma_start3A_230 = tpu.memref_slice %arg5[%dma_start3A_225, %add3A_224, %dma_start3A_229] : memref<2x3200x100xi32, #tpu.memory_space<hbm>> -> memref<1x8x100xi32, #tpu.memory_space<hbm>>
              %dma_start3A_231 = tpu.memref_squeeze %dma_start3A_230 : memref<1x8x100xi32, #tpu.memory_space<hbm>> -> memref<8x100xi32, #tpu.memory_space<hbm>>
              tpu.enqueue_dma source(%dma_start3A_231 : memref<8x100xi32, #tpu.memory_space<hbm>>) target(%arg11 : memref<8x100xi32, #tpu.memory_space<vmem>>) target_semaphore(%arg20 : memref<!tpu.dma_semaphore, #tpu.memory_space<semaphore_mem>>)
              %mul3A_232 = arith.constant 8 : i32
              %mul3A_233 = arith.muli %add3A_221, %mul3A_232 : i32
              %add3A_234 = arith.addi %mul3A_7, %mul3A_233 : i32
              %dma_start3A_235 = arith.constant 1 : i32
              %dma_start3A_236 = arith.constant 0 : i32
              %dma_start3A_237 = tpu.memref_slice %arg5[%dma_start3A_235, %add3A_234, %dma_start3A_236] : memref<2x3200x100xi32, #tpu.memory_space<hbm>> -> memref<1x8x100xi32, #tpu.memory_space<hbm>>
              %dma_start3A_238 = tpu.memref_squeeze %dma_start3A_237 : memref<1x8x100xi32, #tpu.memory_space<hbm>> -> memref<8x100xi32, #tpu.memory_space<hbm>>
              %dma_start3A_239 = arith.constant 0 : i32
              %dma_start3A_240 = tpu.memref_slice %arg5[%dma_start3A_235, %add3A_234, %dma_start3A_239] : memref<2x3200x100xi32, #tpu.memory_space<hbm>> -> memref<1x8x100xi32, #tpu.memory_space<hbm>>
              %dma_start3A_241 = tpu.memref_squeeze %dma_start3A_240 : memref<1x8x100xi32, #tpu.memory_space<hbm>> -> memref<8x100xi32, #tpu.memory_space<hbm>>
              tpu.enqueue_dma source(%dma_start3A_241 : memref<8x100xi32, #tpu.memory_space<hbm>>) target(%arg12 : memref<8x100xi32, #tpu.memory_space<vmem>>) target_semaphore(%arg20 : memref<!tpu.dma_semaphore, #tpu.memory_space<semaphore_mem>>)
            } else {
            }
          } else {
          }
          %dma_start3A_163 = arith.constant 0 : i32
          %dma_start3A_164 = tpu.memref_slice %arg9[%add3A_114, %dma_start3A_163] : memref<8x100xi32, #tpu.memory_space<vmem>> -> memref<1x100xi32, #tpu.memory_space<vmem>>
          %dma_start3A_165 = tpu.memref_squeeze %dma_start3A_164 : memref<1x100xi32, #tpu.memory_space<vmem>> -> memref<100xi32, #tpu.memory_space<vmem>>
          %dma_start3A_166 = arith.constant 0 : i32
          %dma_start3A_167 = arith.constant 0 : i32
          %dma_start3A_168 = tpu.memref_slice %arg3[%dma_start3A_166, %dma_start3A_167] : memref<10000x128xf32, #tpu.memory_space<hbm>> -> memref<10000x128xf32, #tpu.memory_space<hbm>>
          tpu.enqueue_indirect_dma source(%dma_start3A_168 : memref<10000x128xf32, #tpu.memory_space<hbm>>) target(%arg14 : memref<100x128xf32, #tpu.memory_space<vmem>>) offsets(%dma_start3A_165 : memref<100xi32, #tpu.memory_space<vmem>>) semaphore(%arg17 : memref<!tpu.dma_semaphore, #tpu.memory_space<semaphore_mem>>)
          %dma_wait3A_169 = arith.constant 0 : i32
          %dma_wait3A_170 = tpu.memref_slice %arg9[%mul3A_110, %dma_wait3A_169] : memref<8x100xi32, #tpu.memory_space<vmem>> -> memref<1x100xi32, #tpu.memory_space<vmem>>
          %dma_wait3A_171 = tpu.memref_squeeze %dma_wait3A_170 : memref<1x100xi32, #tpu.memory_space<vmem>> -> memref<100xi32, #tpu.memory_space<vmem>>
          %dma_wait3A_172 = arith.constant 0 : i32
          %dma_wait3A_173 = arith.constant 0 : i32
          %dma_wait3A_174 = tpu.memref_slice %arg3[%dma_wait3A_172, %dma_wait3A_173] : memref<10000x128xf32, #tpu.memory_space<hbm>> -> memref<10000x128xf32, #tpu.memory_space<hbm>>
          tpu.wait_indirect_dma semaphore(%arg16 : memref<!tpu.dma_semaphore, #tpu.memory_space<semaphore_mem>>) src(%dma_wait3A_174 : memref<10000x128xf32, #tpu.memory_space<hbm>>) dst(%arg13 : memref<100x128xf32, #tpu.memory_space<vmem>>)
          %dma_start3A_175 = arith.constant 0 : i32
          %dma_start3A_176 = tpu.memref_slice %arg10[%mul3A_110, %dma_start3A_175] : memref<8x100xi32, #tpu.memory_space<vmem>> -> memref<1x100xi32, #tpu.memory_space<vmem>>
          %dma_start3A_177 = tpu.memref_squeeze %dma_start3A_176 : memref<1x100xi32, #tpu.memory_space<vmem>> -> memref<100xi32, #tpu.memory_space<vmem>>
          %dma_start3A_178 = arith.constant 0 : i32
          %dma_start3A_179 = arith.constant 0 : i32
          %dma_start3A_180 = tpu.memref_slice %arg15[%dma_start3A_178, %dma_start3A_179] : memref<10240x128xf32, #tpu.memory_space<vmem_shared>> -> memref<10240x128xf32, #tpu.memory_space<vmem_shared>>
          tpu.enqueue_indirect_dma source(%arg13 : memref<100x128xf32, #tpu.memory_space<vmem>>) target(%dma_start3A_180 : memref<10240x128xf32, #tpu.memory_space<vmem_shared>>) offsets(%dma_start3A_177 : memref<100xi32, #tpu.memory_space<vmem>>) semaphore(%arg18 : memref<!tpu.dma_semaphore, #tpu.memory_space<semaphore_mem>>) {add = true}
          %dma_wait3A_181 = arith.constant 0 : i32
          %dma_wait3A_182 = tpu.memref_slice %arg10[%mul3A_110, %dma_wait3A_181] : memref<8x100xi32, #tpu.memory_space<vmem>> -> memref<1x100xi32, #tpu.memory_space<vmem>>
          %dma_wait3A_183 = tpu.memref_squeeze %dma_wait3A_182 : memref<1x100xi32, #tpu.memory_space<vmem>> -> memref<100xi32, #tpu.memory_space<vmem>>
          %dma_wait3A_184 = arith.constant 0 : i32
          %dma_wait3A_185 = arith.constant 0 : i32
          %dma_wait3A_186 = tpu.memref_slice %arg15[%dma_wait3A_184, %dma_wait3A_185] : memref<10240x128xf32, #tpu.memory_space<vmem_shared>> -> memref<10240x128xf32, #tpu.memory_space<vmem_shared>>
          tpu.wait_indirect_dma semaphore(%arg18 : memref<!tpu.dma_semaphore, #tpu.memory_space<semaphore_mem>>) src(%arg13 : memref<100x128xf32, #tpu.memory_space<vmem>>) dst(%dma_wait3A_186 : memref<10240x128xf32, #tpu.memory_space<vmem_shared>>)
          %lt3A_187 = arith.constant 3 : i32
          %lt3A_188 = arith.cmpi slt, %select_n3A_108, %lt3A_187 : i32
          %lt3A_189 = arith.constant 99 : i32
          %lt3A_190 = arith.cmpi slt, %add3A_51, %lt3A_189 : i32
          %and3A_191 = arith.andi %lt3A_188, %lt3A_190 : i1
          %convert_element_type3A_192 = arith.extui %and3A_191 : i1 to i32
          %cond3A_193 = arith.constant 0 : i32
          %cond3A_194 = arith.cmpi ne, %convert_element_type3A_192, %cond3A_193 : i32
          scf.if %cond3A_194 {
            %add3A_215 = arith.constant 2 : i32
            %add3A_216 = arith.addi %mul3A_110, %add3A_215 : i32
            %dma_start3A_217 = arith.constant 0 : i32
            %dma_start3A_218 = tpu.memref_slice %arg9[%add3A_216, %dma_start3A_217] : memref<8x100xi32, #tpu.memory_space<vmem>> -> memref<1x100xi32, #tpu.memory_space<vmem>>
            %dma_start3A_219 = tpu.memref_squeeze %dma_start3A_218 : memref<1x100xi32, #tpu.memory_space<vmem>> -> memref<100xi32, #tpu.memory_space<vmem>>
            %dma_start3A_220 = arith.constant 0 : i32
            %dma_start3A_221 = arith.constant 0 : i32
            %dma_start3A_222 = tpu.memref_slice %arg3[%dma_start3A_220, %dma_start3A_221] : memref<10000x128xf32, #tpu.memory_space<hbm>> -> memref<10000x128xf32, #tpu.memory_space<hbm>>
            tpu.enqueue_indirect_dma source(%dma_start3A_222 : memref<10000x128xf32, #tpu.memory_space<hbm>>) target(%arg13 : memref<100x128xf32, #tpu.memory_space<vmem>>) offsets(%dma_start3A_219 : memref<100xi32, #tpu.memory_space<vmem>>) semaphore(%arg16 : memref<!tpu.dma_semaphore, #tpu.memory_space<semaphore_mem>>)
          } else {
          }
          %eq3A_195 = arith.constant 3 : i32
          %eq3A_196 = arith.cmpi eq, %select_n3A_108, %eq3A_195 : i32
          %lt3A_197 = arith.constant 99 : i32
          %lt3A_198 = arith.cmpi slt, %add3A_51, %lt3A_197 : i32
          %and3A_199 = arith.andi %eq3A_196, %lt3A_198 : i1
          %convert_element_type3A_200 = arith.extui %and3A_199 : i1 to i32
          %cond3A_201 = arith.constant 0 : i32
          %cond3A_202 = arith.cmpi ne, %convert_element_type3A_200, %cond3A_201 : i32
          scf.if %cond3A_202 {
            %add3A_215 = arith.constant 1 : i32
            %add3A_216 = arith.addi %select_n3A_138, %add3A_215 : i32
            %mul3A_217 = arith.constant 8 : i32
            %mul3A_218 = arith.muli %add3A_216, %mul3A_217 : i32
            %add3A_219 = arith.addi %mul3A_7, %mul3A_218 : i32
            %dma_wait3A_220 = arith.constant 0 : i32
            %dma_wait3A_221 = arith.constant 0 : i32
            %dma_wait3A_222 = tpu.memref_slice %arg5[%dma_wait3A_220, %add3A_219, %dma_wait3A_221] : memref<2x3200x100xi32, #tpu.memory_space<hbm>> -> memref<1x8x100xi32, #tpu.memory_space<hbm>>
            %dma_wait3A_223 = tpu.memref_squeeze %dma_wait3A_222 : memref<1x8x100xi32, #tpu.memory_space<hbm>> -> memref<8x100xi32, #tpu.memory_space<hbm>>
            %dma_wait3A_224 = arith.constant 0 : i32
            %dma_wait3A_225 = tpu.memref_slice %arg5[%dma_wait3A_220, %add3A_219, %dma_wait3A_224] : memref<2x3200x100xi32, #tpu.memory_space<hbm>> -> memref<1x8x100xi32, #tpu.memory_space<hbm>>
            %dma_wait3A_226 = tpu.memref_squeeze %dma_wait3A_225 : memref<1x8x100xi32, #tpu.memory_space<hbm>> -> memref<8x100xi32, #tpu.memory_space<hbm>>
            tpu.wait_dma2 semaphore(%arg20 : memref<!tpu.dma_semaphore, #tpu.memory_space<semaphore_mem>>) src(%dma_wait3A_226 : memref<8x100xi32, #tpu.memory_space<hbm>>) dst(%arg11 : memref<8x100xi32, #tpu.memory_space<vmem>>)
            %mul3A_227 = arith.constant 8 : i32
            %mul3A_228 = arith.muli %add3A_216, %mul3A_227 : i32
            %add3A_229 = arith.addi %mul3A_7, %mul3A_228 : i32
            %dma_wait3A_230 = arith.constant 1 : i32
            %dma_wait3A_231 = arith.constant 0 : i32
            %dma_wait3A_232 = tpu.memref_slice %arg5[%dma_wait3A_230, %add3A_229, %dma_wait3A_231] : memref<2x3200x100xi32, #tpu.memory_space<hbm>> -> memref<1x8x100xi32, #tpu.memory_space<hbm>>
            %dma_wait3A_233 = tpu.memref_squeeze %dma_wait3A_232 : memref<1x8x100xi32, #tpu.memory_space<hbm>> -> memref<8x100xi32, #tpu.memory_space<hbm>>
            %dma_wait3A_234 = arith.constant 0 : i32
            %dma_wait3A_235 = tpu.memref_slice %arg5[%dma_wait3A_230, %add3A_229, %dma_wait3A_234] : memref<2x3200x100xi32, #tpu.memory_space<hbm>> -> memref<1x8x100xi32, #tpu.memory_space<hbm>>
            %dma_wait3A_236 = tpu.memref_squeeze %dma_wait3A_235 : memref<1x8x100xi32, #tpu.memory_space<hbm>> -> memref<8x100xi32, #tpu.memory_space<hbm>>
            tpu.wait_dma2 semaphore(%arg20 : memref<!tpu.dma_semaphore, #tpu.memory_space<semaphore_mem>>) src(%dma_wait3A_236 : memref<8x100xi32, #tpu.memory_space<hbm>>) dst(%arg12 : memref<8x100xi32, #tpu.memory_space<vmem>>)
            %dma_start3A_237 = arith.constant 0 : i32
            %dma_start3A_238 = arith.constant 0 : i32
            %dma_start3A_239 = tpu.memref_slice %arg11[%dma_start3A_237, %dma_start3A_238] : memref<8x100xi32, #tpu.memory_space<vmem>> -> memref<1x100xi32, #tpu.memory_space<vmem>>
            %dma_start3A_240 = tpu.memref_squeeze %dma_start3A_239 : memref<1x100xi32, #tpu.memory_space<vmem>> -> memref<100xi32, #tpu.memory_space<vmem>>
            %dma_start3A_241 = arith.constant 0 : i32
            %dma_start3A_242 = arith.constant 0 : i32
            %dma_start3A_243 = tpu.memref_slice %arg3[%dma_start3A_241, %dma_start3A_242] : memref<10000x128xf32, #tpu.memory_space<hbm>> -> memref<10000x128xf32, #tpu.memory_space<hbm>>
            tpu.enqueue_indirect_dma source(%dma_start3A_243 : memref<10000x128xf32, #tpu.memory_space<hbm>>) target(%arg13 : memref<100x128xf32, #tpu.memory_space<vmem>>) offsets(%dma_start3A_240 : memref<100xi32, #tpu.memory_space<vmem>>) semaphore(%arg16 : memref<!tpu.dma_semaphore, #tpu.memory_space<semaphore_mem>>)
          } else {
          }
          %dma_wait3A_203 = arith.constant 0 : i32
          %dma_wait3A_204 = tpu.memref_slice %arg9[%add3A_114, %dma_wait3A_203] : memref<8x100xi32, #tpu.memory_space<vmem>> -> memref<1x100xi32, #tpu.memory_space<vmem>>
          %dma_wait3A_205 = tpu.memref_squeeze %dma_wait3A_204 : memref<1x100xi32, #tpu.memory_space<vmem>> -> memref<100xi32, #tpu.memory_space<vmem>>
          %dma_wait3A_206 = arith.constant 0 : i32
          %dma_wait3A_207 = arith.constant 0 : i32
          %dma_wait3A_208 = tpu.memref_slice %arg3[%dma_wait3A_206, %dma_wait3A_207] : memref<10000x128xf32, #tpu.memory_space<hbm>> -> memref<10000x128xf32, #tpu.memory_space<hbm>>
          tpu.wait_indirect_dma semaphore(%arg17 : memref<!tpu.dma_semaphore, #tpu.memory_space<semaphore_mem>>) src(%dma_wait3A_208 : memref<10000x128xf32, #tpu.memory_space<hbm>>) dst(%arg14 : memref<100x128xf32, #tpu.memory_space<vmem>>)
          %dma_start3A_209 = arith.constant 0 : i32
          %dma_start3A_210 = tpu.memref_slice %arg10[%add3A_114, %dma_start3A_209] : memref<8x100xi32, #tpu.memory_space<vmem>> -> memref<1x100xi32, #tpu.memory_space<vmem>>
          %dma_start3A_211 = tpu.memref_squeeze %dma_start3A_210 : memref<1x100xi32, #tpu.memory_space<vmem>> -> memref<100xi32, #tpu.memory_space<vmem>>
          %dma_start3A_212 = arith.constant 0 : i32
          %dma_start3A_213 = arith.constant 0 : i32
          %dma_start3A_214 = tpu.memref_slice %arg15[%dma_start3A_212, %dma_start3A_213] : memref<10240x128xf32, #tpu.memory_space<vmem_shared>> -> memref<10240x128xf32, #tpu.memory_space<vmem_shared>>
          tpu.enqueue_indirect_dma source(%arg14 : memref<100x128xf32, #tpu.memory_space<vmem>>) target(%dma_start3A_214 : memref<10240x128xf32, #tpu.memory_space<vmem_shared>>) offsets(%dma_start3A_211 : memref<100xi32, #tpu.memory_space<vmem>>) semaphore(%arg19 : memref<!tpu.dma_semaphore, #tpu.memory_space<semaphore_mem>>) {add = true}
        } else {
        }
        %eq3A_88 = arith.constant 1 : i32
        %eq3A_89 = arith.cmpi eq, %select_n3A_82, %eq3A_88 : i32
        %convert_element_type3A_90 = arith.extui %eq3A_89 : i1 to i32
        %cond3A_91 = arith.constant 0 : i32
        %cond3A_92 = arith.cmpi ne, %convert_element_type3A_90, %cond3A_91 : i32
        scf.if %cond3A_92 {
          %jit3A_93 = arith.constant 4 : i32
          %eq3A_94 = arith.constant 0 : i32
          %eq3A_95 = arith.cmpi eq, %jit3A_93, %eq3A_94 : i32
          %jit3A_96 = arith.constant 1 : i32
          %select_n3A_97 = arith.select %eq3A_95, %jit3A_96, %jit3A_93 : i32
          %rem3A_98 = arith.remsi %add3A_51, %select_n3A_97 : i32
          %ne3A_99 = arith.constant 0 : i32
          %ne3A_100 = arith.cmpi ne, %rem3A_98, %ne3A_99 : i32
          %lt3A_101 = arith.constant 0 : i32
          %lt3A_102 = arith.cmpi slt, %rem3A_98, %lt3A_101 : i32
          %lt3A_103 = arith.constant 0 : i32
          %lt3A_104 = arith.cmpi slt, %select_n3A_97, %lt3A_103 : i32
          %ne3A_105 = arith.xori %lt3A_102, %lt3A_104 : i1
          %and3A_106 = arith.andi %ne3A_105, %ne3A_100 : i1
          %add3A_107 = arith.addi %rem3A_98, %select_n3A_97 : i32
          %select_n3A_108 = arith.select %and3A_106, %add3A_107, %rem3A_98 : i32
          %mul3A_109 = arith.constant 2 : i32
          %mul3A_110 = arith.muli %select_n3A_108, %mul3A_109 : i32
          %mul3A_111 = arith.constant 2 : i32
          %mul3A_112 = arith.muli %select_n3A_108, %mul3A_111 : i32
          %add3A_113 = arith.constant 1 : i32
          %add3A_114 = arith.addi %mul3A_112, %add3A_113 : i32
          %jit3A_115 = arith.constant 4 : i32
          %div3A_116 = arith.divsi %add3A_51, %jit3A_115 : i32
          %sign3A_117 = arith.constant 0 : i32
          %sign3A_118 = arith.cmpi sgt, %add3A_51, %sign3A_117 : i32
          %sign3A_119 = arith.extui %sign3A_118 : i1 to i32
          %sign3A_120 = arith.constant 0 : i32
          %sign3A_121 = arith.cmpi slt, %add3A_51, %sign3A_120 : i32
          %sign3A_122 = arith.extui %sign3A_121 : i1 to i32
          %sign3A_123 = arith.subi %sign3A_119, %sign3A_122 : i32
          %sign3A_124 = arith.constant 0 : i32
          %sign3A_125 = arith.cmpi sgt, %jit3A_115, %sign3A_124 : i32
          %sign3A_126 = arith.extui %sign3A_125 : i1 to i32
          %sign3A_127 = arith.constant 0 : i32
          %sign3A_128 = arith.cmpi slt, %jit3A_115, %sign3A_127 : i32
          %sign3A_129 = arith.extui %sign3A_128 : i1 to i32
          %sign3A_130 = arith.subi %sign3A_126, %sign3A_129 : i32
          %ne3A_131 = arith.cmpi ne, %sign3A_123, %sign3A_130 : i32
          %rem3A_132 = arith.remsi %add3A_51, %jit3A_115 : i32
          %ne3A_133 = arith.constant 0 : i32
          %ne3A_134 = arith.cmpi ne, %rem3A_132, %ne3A_133 : i32
          %and3A_135 = arith.andi %ne3A_131, %ne3A_134 : i1
          %sub3A_136 = arith.constant 1 : i32
          %sub3A_137 = arith.subi %div3A_116, %sub3A_136 : i32
          %select_n3A_138 = arith.select %and3A_135, %sub3A_137, %div3A_116 : i32
          %ge3A = arith.constant 1 : i32
          %ge3A_139 = arith.cmpi sge, %add3A_51, %ge3A : i32
          %ge3A_140 = arith.constant 1 : i32
          %ge3A_141 = arith.cmpi sge, %select_n3A_108, %ge3A_140 : i32
          %and3A_142 = arith.andi %ge3A_139, %ge3A_141 : i1
          %convert_element_type3A_143 = arith.extui %and3A_142 : i1 to i32
          %cond3A_144 = arith.constant 0 : i32
          %cond3A_145 = arith.cmpi ne, %convert_element_type3A_143, %cond3A_144 : i32
          scf.if %cond3A_145 {
            %sub3A_215 = arith.constant 2 : i32
            %sub3A_216 = arith.subi %add3A_114, %sub3A_215 : i32
            %dma_wait3A_217 = arith.constant 0 : i32
            %dma_wait3A_218 = tpu.memref_slice %arg12[%sub3A_216, %dma_wait3A_217] : memref<8x100xi32, #tpu.memory_space<vmem>> -> memref<1x100xi32, #tpu.memory_space<vmem>>
            %dma_wait3A_219 = tpu.memref_squeeze %dma_wait3A_218 : memref<1x100xi32, #tpu.memory_space<vmem>> -> memref<100xi32, #tpu.memory_space<vmem>>
            %dma_wait3A_220 = arith.constant 0 : i32
            %dma_wait3A_221 = arith.constant 0 : i32
            %dma_wait3A_222 = tpu.memref_slice %arg15[%dma_wait3A_220, %dma_wait3A_221] : memref<10240x128xf32, #tpu.memory_space<vmem_shared>> -> memref<10240x128xf32, #tpu.memory_space<vmem_shared>>
            tpu.wait_indirect_dma semaphore(%arg19 : memref<!tpu.dma_semaphore, #tpu.memory_space<semaphore_mem>>) src(%arg14 : memref<100x128xf32, #tpu.memory_space<vmem>>) dst(%dma_wait3A_222 : memref<10240x128xf32, #tpu.memory_space<vmem_shared>>)
          } else {
          }
          %ge3A_146 = arith.constant 1 : i32
          %ge3A_147 = arith.cmpi sge, %add3A_51, %ge3A_146 : i32
          %eq3A_148 = arith.constant 0 : i32
          %eq3A_149 = arith.cmpi eq, %select_n3A_108, %eq3A_148 : i32
          %and3A_150 = arith.andi %ge3A_147, %eq3A_149 : i1
          %convert_element_type3A_151 = arith.extui %and3A_150 : i1 to i32
          %cond3A_152 = arith.constant 0 : i32
          %cond3A_153 = arith.cmpi ne, %convert_element_type3A_151, %cond3A_152 : i32
          scf.if %cond3A_153 {
            %dma_wait3A_215 = arith.constant 7 : i32
            %dma_wait3A_216 = arith.constant 0 : i32
            %dma_wait3A_217 = tpu.memref_slice %arg10[%dma_wait3A_215, %dma_wait3A_216] : memref<8x100xi32, #tpu.memory_space<vmem>> -> memref<1x100xi32, #tpu.memory_space<vmem>>
            %dma_wait3A_218 = tpu.memref_squeeze %dma_wait3A_217 : memref<1x100xi32, #tpu.memory_space<vmem>> -> memref<100xi32, #tpu.memory_space<vmem>>
            %dma_wait3A_219 = arith.constant 0 : i32
            %dma_wait3A_220 = arith.constant 0 : i32
            %dma_wait3A_221 = tpu.memref_slice %arg15[%dma_wait3A_219, %dma_wait3A_220] : memref<10240x128xf32, #tpu.memory_space<vmem_shared>> -> memref<10240x128xf32, #tpu.memory_space<vmem_shared>>
            tpu.wait_indirect_dma semaphore(%arg19 : memref<!tpu.dma_semaphore, #tpu.memory_space<semaphore_mem>>) src(%arg14 : memref<100x128xf32, #tpu.memory_space<vmem>>) dst(%dma_wait3A_221 : memref<10240x128xf32, #tpu.memory_space<vmem_shared>>)
          } else {
          }
          %eq3A_154 = arith.constant 0 : i32
          %eq3A_155 = arith.cmpi eq, %select_n3A_108, %eq3A_154 : i32
          %add3A_156 = arith.constant 1 : i32
          %add3A_157 = arith.addi %select_n3A_138, %add3A_156 : i32
          %le3A = arith.constant 24 : i32
          %le3A_158 = arith.cmpi sle, %add3A_157, %le3A : i32
          %and3A_159 = arith.andi %eq3A_155, %le3A_158 : i1
          %convert_element_type3A_160 = arith.extui %and3A_159 : i1 to i32
          %cond3A_161 = arith.constant 0 : i32
          %cond3A_162 = arith.cmpi ne, %convert_element_type3A_160, %cond3A_161 : i32
          scf.if %cond3A_162 {
            %ge3A_215 = arith.constant 4 : i32
            %ge3A_216 = arith.cmpi sge, %add3A_51, %ge3A_215 : i32
            %convert_element_type3A_217 = arith.extui %ge3A_216 : i1 to i32
            %cond3A_218 = arith.constant 0 : i32
            %cond3A_219 = arith.cmpi ne, %convert_element_type3A_217, %cond3A_218 : i32
            scf.if %cond3A_219 {
              %add3A_220 = arith.constant 1 : i32
              %add3A_221 = arith.addi %select_n3A_138, %add3A_220 : i32
              %mul3A_222 = arith.constant 8 : i32
              %mul3A_223 = arith.muli %add3A_221, %mul3A_222 : i32
              %add3A_224 = arith.addi %mul3A_7, %mul3A_223 : i32
              %dma_start3A_225 = arith.constant 0 : i32
              %dma_start3A_226 = arith.constant 0 : i32
              %dma_start3A_227 = tpu.memref_slice %arg5[%dma_start3A_225, %add3A_224, %dma_start3A_226] : memref<2x3200x100xi32, #tpu.memory_space<hbm>> -> memref<1x8x100xi32, #tpu.memory_space<hbm>>
              %dma_start3A_228 = tpu.memref_squeeze %dma_start3A_227 : memref<1x8x100xi32, #tpu.memory_space<hbm>> -> memref<8x100xi32, #tpu.memory_space<hbm>>
              %dma_start3A_229 = arith.constant 0 : i32
              %dma_start3A_230 = tpu.memref_slice %arg5[%dma_start3A_225, %add3A_224, %dma_start3A_229] : memref<2x3200x100xi32, #tpu.memory_space<hbm>> -> memref<1x8x100xi32, #tpu.memory_space<hbm>>
              %dma_start3A_231 = tpu.memref_squeeze %dma_start3A_230 : memref<1x8x100xi32, #tpu.memory_space<hbm>> -> memref<8x100xi32, #tpu.memory_space<hbm>>
              tpu.enqueue_dma source(%dma_start3A_231 : memref<8x100xi32, #tpu.memory_space<hbm>>) target(%arg9 : memref<8x100xi32, #tpu.memory_space<vmem>>) target_semaphore(%arg20 : memref<!tpu.dma_semaphore, #tpu.memory_space<semaphore_mem>>)
              %mul3A_232 = arith.constant 8 : i32
              %mul3A_233 = arith.muli %add3A_221, %mul3A_232 : i32
              %add3A_234 = arith.addi %mul3A_7, %mul3A_233 : i32
              %dma_start3A_235 = arith.constant 1 : i32
              %dma_start3A_236 = arith.constant 0 : i32
              %dma_start3A_237 = tpu.memref_slice %arg5[%dma_start3A_235, %add3A_234, %dma_start3A_236] : memref<2x3200x100xi32, #tpu.memory_space<hbm>> -> memref<1x8x100xi32, #tpu.memory_space<hbm>>
              %dma_start3A_238 = tpu.memref_squeeze %dma_start3A_237 : memref<1x8x100xi32, #tpu.memory_space<hbm>> -> memref<8x100xi32, #tpu.memory_space<hbm>>
              %dma_start3A_239 = arith.constant 0 : i32
              %dma_start3A_240 = tpu.memref_slice %arg5[%dma_start3A_235, %add3A_234, %dma_start3A_239] : memref<2x3200x100xi32, #tpu.memory_space<hbm>> -> memref<1x8x100xi32, #tpu.memory_space<hbm>>
              %dma_start3A_241 = tpu.memref_squeeze %dma_start3A_240 : memref<1x8x100xi32, #tpu.memory_space<hbm>> -> memref<8x100xi32, #tpu.memory_space<hbm>>
              tpu.enqueue_dma source(%dma_start3A_241 : memref<8x100xi32, #tpu.memory_space<hbm>>) target(%arg10 : memref<8x100xi32, #tpu.memory_space<vmem>>) target_semaphore(%arg20 : memref<!tpu.dma_semaphore, #tpu.memory_space<semaphore_mem>>)
            } else {
            }
          } else {
          }
          %dma_start3A_163 = arith.constant 0 : i32
          %dma_start3A_164 = tpu.memref_slice %arg11[%add3A_114, %dma_start3A_163] : memref<8x100xi32, #tpu.memory_space<vmem>> -> memref<1x100xi32, #tpu.memory_space<vmem>>
          %dma_start3A_165 = tpu.memref_squeeze %dma_start3A_164 : memref<1x100xi32, #tpu.memory_space<vmem>> -> memref<100xi32, #tpu.memory_space<vmem>>
          %dma_start3A_166 = arith.constant 0 : i32
          %dma_start3A_167 = arith.constant 0 : i32
          %dma_start3A_168 = tpu.memref_slice %arg3[%dma_start3A_166, %dma_start3A_167] : memref<10000x128xf32, #tpu.memory_space<hbm>> -> memref<10000x128xf32, #tpu.memory_space<hbm>>
          tpu.enqueue_indirect_dma source(%dma_start3A_168 : memref<10000x128xf32, #tpu.memory_space<hbm>>) target(%arg14 : memref<100x128xf32, #tpu.memory_space<vmem>>) offsets(%dma_start3A_165 : memref<100xi32, #tpu.memory_space<vmem>>) semaphore(%arg17 : memref<!tpu.dma_semaphore, #tpu.memory_space<semaphore_mem>>)
          %dma_wait3A_169 = arith.constant 0 : i32
          %dma_wait3A_170 = tpu.memref_slice %arg11[%mul3A_110, %dma_wait3A_169] : memref<8x100xi32, #tpu.memory_space<vmem>> -> memref<1x100xi32, #tpu.memory_space<vmem>>
          %dma_wait3A_171 = tpu.memref_squeeze %dma_wait3A_170 : memref<1x100xi32, #tpu.memory_space<vmem>> -> memref<100xi32, #tpu.memory_space<vmem>>
          %dma_wait3A_172 = arith.constant 0 : i32
          %dma_wait3A_173 = arith.constant 0 : i32
          %dma_wait3A_174 = tpu.memref_slice %arg3[%dma_wait3A_172, %dma_wait3A_173] : memref<10000x128xf32, #tpu.memory_space<hbm>> -> memref<10000x128xf32, #tpu.memory_space<hbm>>
          tpu.wait_indirect_dma semaphore(%arg16 : memref<!tpu.dma_semaphore, #tpu.memory_space<semaphore_mem>>) src(%dma_wait3A_174 : memref<10000x128xf32, #tpu.memory_space<hbm>>) dst(%arg13 : memref<100x128xf32, #tpu.memory_space<vmem>>)
          %dma_start3A_175 = arith.constant 0 : i32
          %dma_start3A_176 = tpu.memref_slice %arg12[%mul3A_110, %dma_start3A_175] : memref<8x100xi32, #tpu.memory_space<vmem>> -> memref<1x100xi32, #tpu.memory_space<vmem>>
          %dma_start3A_177 = tpu.memref_squeeze %dma_start3A_176 : memref<1x100xi32, #tpu.memory_space<vmem>> -> memref<100xi32, #tpu.memory_space<vmem>>
          %dma_start3A_178 = arith.constant 0 : i32
          %dma_start3A_179 = arith.constant 0 : i32
          %dma_start3A_180 = tpu.memref_slice %arg15[%dma_start3A_178, %dma_start3A_179] : memref<10240x128xf32, #tpu.memory_space<vmem_shared>> -> memref<10240x128xf32, #tpu.memory_space<vmem_shared>>
          tpu.enqueue_indirect_dma source(%arg13 : memref<100x128xf32, #tpu.memory_space<vmem>>) target(%dma_start3A_180 : memref<10240x128xf32, #tpu.memory_space<vmem_shared>>) offsets(%dma_start3A_177 : memref<100xi32, #tpu.memory_space<vmem>>) semaphore(%arg18 : memref<!tpu.dma_semaphore, #tpu.memory_space<semaphore_mem>>) {add = true}
          %dma_wait3A_181 = arith.constant 0 : i32
          %dma_wait3A_182 = tpu.memref_slice %arg12[%mul3A_110, %dma_wait3A_181] : memref<8x100xi32, #tpu.memory_space<vmem>> -> memref<1x100xi32, #tpu.memory_space<vmem>>
          %dma_wait3A_183 = tpu.memref_squeeze %dma_wait3A_182 : memref<1x100xi32, #tpu.memory_space<vmem>> -> memref<100xi32, #tpu.memory_space<vmem>>
          %dma_wait3A_184 = arith.constant 0 : i32
          %dma_wait3A_185 = arith.constant 0 : i32
          %dma_wait3A_186 = tpu.memref_slice %arg15[%dma_wait3A_184, %dma_wait3A_185] : memref<10240x128xf32, #tpu.memory_space<vmem_shared>> -> memref<10240x128xf32, #tpu.memory_space<vmem_shared>>
          tpu.wait_indirect_dma semaphore(%arg18 : memref<!tpu.dma_semaphore, #tpu.memory_space<semaphore_mem>>) src(%arg13 : memref<100x128xf32, #tpu.memory_space<vmem>>) dst(%dma_wait3A_186 : memref<10240x128xf32, #tpu.memory_space<vmem_shared>>)
          %lt3A_187 = arith.constant 3 : i32
          %lt3A_188 = arith.cmpi slt, %select_n3A_108, %lt3A_187 : i32
          %lt3A_189 = arith.constant 99 : i32
          %lt3A_190 = arith.cmpi slt, %add3A_51, %lt3A_189 : i32
          %and3A_191 = arith.andi %lt3A_188, %lt3A_190 : i1
          %convert_element_type3A_192 = arith.extui %and3A_191 : i1 to i32
          %cond3A_193 = arith.constant 0 : i32
          %cond3A_194 = arith.cmpi ne, %convert_element_type3A_192, %cond3A_193 : i32
          scf.if %cond3A_194 {
            %add3A_215 = arith.constant 2 : i32
            %add3A_216 = arith.addi %mul3A_110, %add3A_215 : i32
            %dma_start3A_217 = arith.constant 0 : i32
            %dma_start3A_218 = tpu.memref_slice %arg11[%add3A_216, %dma_start3A_217] : memref<8x100xi32, #tpu.memory_space<vmem>> -> memref<1x100xi32, #tpu.memory_space<vmem>>
            %dma_start3A_219 = tpu.memref_squeeze %dma_start3A_218 : memref<1x100xi32, #tpu.memory_space<vmem>> -> memref<100xi32, #tpu.memory_space<vmem>>
            %dma_start3A_220 = arith.constant 0 : i32
            %dma_start3A_221 = arith.constant 0 : i32
            %dma_start3A_222 = tpu.memref_slice %arg3[%dma_start3A_220, %dma_start3A_221] : memref<10000x128xf32, #tpu.memory_space<hbm>> -> memref<10000x128xf32, #tpu.memory_space<hbm>>
            tpu.enqueue_indirect_dma source(%dma_start3A_222 : memref<10000x128xf32, #tpu.memory_space<hbm>>) target(%arg13 : memref<100x128xf32, #tpu.memory_space<vmem>>) offsets(%dma_start3A_219 : memref<100xi32, #tpu.memory_space<vmem>>) semaphore(%arg16 : memref<!tpu.dma_semaphore, #tpu.memory_space<semaphore_mem>>)
          } else {
          }
          %eq3A_195 = arith.constant 3 : i32
          %eq3A_196 = arith.cmpi eq, %select_n3A_108, %eq3A_195 : i32
          %lt3A_197 = arith.constant 99 : i32
          %lt3A_198 = arith.cmpi slt, %add3A_51, %lt3A_197 : i32
          %and3A_199 = arith.andi %eq3A_196, %lt3A_198 : i1
          %convert_element_type3A_200 = arith.extui %and3A_199 : i1 to i32
          %cond3A_201 = arith.constant 0 : i32
          %cond3A_202 = arith.cmpi ne, %convert_element_type3A_200, %cond3A_201 : i32
          scf.if %cond3A_202 {
            %add3A_215 = arith.constant 1 : i32
            %add3A_216 = arith.addi %select_n3A_138, %add3A_215 : i32
            %mul3A_217 = arith.constant 8 : i32
            %mul3A_218 = arith.muli %add3A_216, %mul3A_217 : i32
            %add3A_219 = arith.addi %mul3A_7, %mul3A_218 : i32
            %dma_wait3A_220 = arith.constant 0 : i32
            %dma_wait3A_221 = arith.constant 0 : i32
            %dma_wait3A_222 = tpu.memref_slice %arg5[%dma_wait3A_220, %add3A_219, %dma_wait3A_221] : memref<2x3200x100xi32, #tpu.memory_space<hbm>> -> memref<1x8x100xi32, #tpu.memory_space<hbm>>
            %dma_wait3A_223 = tpu.memref_squeeze %dma_wait3A_222 : memref<1x8x100xi32, #tpu.memory_space<hbm>> -> memref<8x100xi32, #tpu.memory_space<hbm>>
            %dma_wait3A_224 = arith.constant 0 : i32
            %dma_wait3A_225 = tpu.memref_slice %arg5[%dma_wait3A_220, %add3A_219, %dma_wait3A_224] : memref<2x3200x100xi32, #tpu.memory_space<hbm>> -> memref<1x8x100xi32, #tpu.memory_space<hbm>>
            %dma_wait3A_226 = tpu.memref_squeeze %dma_wait3A_225 : memref<1x8x100xi32, #tpu.memory_space<hbm>> -> memref<8x100xi32, #tpu.memory_space<hbm>>
            tpu.wait_dma2 semaphore(%arg20 : memref<!tpu.dma_semaphore, #tpu.memory_space<semaphore_mem>>) src(%dma_wait3A_226 : memref<8x100xi32, #tpu.memory_space<hbm>>) dst(%arg9 : memref<8x100xi32, #tpu.memory_space<vmem>>)
            %mul3A_227 = arith.constant 8 : i32
            %mul3A_228 = arith.muli %add3A_216, %mul3A_227 : i32
            %add3A_229 = arith.addi %mul3A_7, %mul3A_228 : i32
            %dma_wait3A_230 = arith.constant 1 : i32
            %dma_wait3A_231 = arith.constant 0 : i32
            %dma_wait3A_232 = tpu.memref_slice %arg5[%dma_wait3A_230, %add3A_229, %dma_wait3A_231] : memref<2x3200x100xi32, #tpu.memory_space<hbm>> -> memref<1x8x100xi32, #tpu.memory_space<hbm>>
            %dma_wait3A_233 = tpu.memref_squeeze %dma_wait3A_232 : memref<1x8x100xi32, #tpu.memory_space<hbm>> -> memref<8x100xi32, #tpu.memory_space<hbm>>
            %dma_wait3A_234 = arith.constant 0 : i32
            %dma_wait3A_235 = tpu.memref_slice %arg5[%dma_wait3A_230, %add3A_229, %dma_wait3A_234] : memref<2x3200x100xi32, #tpu.memory_space<hbm>> -> memref<1x8x100xi32, #tpu.memory_space<hbm>>
            %dma_wait3A_236 = tpu.memref_squeeze %dma_wait3A_235 : memref<1x8x100xi32, #tpu.memory_space<hbm>> -> memref<8x100xi32, #tpu.memory_space<hbm>>
            tpu.wait_dma2 semaphore(%arg20 : memref<!tpu.dma_semaphore, #tpu.memory_space<semaphore_mem>>) src(%dma_wait3A_236 : memref<8x100xi32, #tpu.memory_space<hbm>>) dst(%arg10 : memref<8x100xi32, #tpu.memory_space<vmem>>)
            %dma_start3A_237 = arith.constant 0 : i32
            %dma_start3A_238 = arith.constant 0 : i32
            %dma_start3A_239 = tpu.memref_slice %arg9[%dma_start3A_237, %dma_start3A_238] : memref<8x100xi32, #tpu.memory_space<vmem>> -> memref<1x100xi32, #tpu.memory_space<vmem>>
            %dma_start3A_240 = tpu.memref_squeeze %dma_start3A_239 : memref<1x100xi32, #tpu.memory_space<vmem>> -> memref<100xi32, #tpu.memory_space<vmem>>
            %dma_start3A_241 = arith.constant 0 : i32
            %dma_start3A_242 = arith.constant 0 : i32
            %dma_start3A_243 = tpu.memref_slice %arg3[%dma_start3A_241, %dma_start3A_242] : memref<10000x128xf32, #tpu.memory_space<hbm>> -> memref<10000x128xf32, #tpu.memory_space<hbm>>
            tpu.enqueue_indirect_dma source(%dma_start3A_243 : memref<10000x128xf32, #tpu.memory_space<hbm>>) target(%arg13 : memref<100x128xf32, #tpu.memory_space<vmem>>) offsets(%dma_start3A_240 : memref<100xi32, #tpu.memory_space<vmem>>) semaphore(%arg16 : memref<!tpu.dma_semaphore, #tpu.memory_space<semaphore_mem>>)
          } else {
          }
          %dma_wait3A_203 = arith.constant 0 : i32
          %dma_wait3A_204 = tpu.memref_slice %arg11[%add3A_114, %dma_wait3A_203] : memref<8x100xi32, #tpu.memory_space<vmem>> -> memref<1x100xi32, #tpu.memory_space<vmem>>
          %dma_wait3A_205 = tpu.memref_squeeze %dma_wait3A_204 : memref<1x100xi32, #tpu.memory_space<vmem>> -> memref<100xi32, #tpu.memory_space<vmem>>
          %dma_wait3A_206 = arith.constant 0 : i32
          %dma_wait3A_207 = arith.constant 0 : i32
          %dma_wait3A_208 = tpu.memref_slice %arg3[%dma_wait3A_206, %dma_wait3A_207] : memref<10000x128xf32, #tpu.memory_space<hbm>> -> memref<10000x128xf32, #tpu.memory_space<hbm>>
          tpu.wait_indirect_dma semaphore(%arg17 : memref<!tpu.dma_semaphore, #tpu.memory_space<semaphore_mem>>) src(%dma_wait3A_208 : memref<10000x128xf32, #tpu.memory_space<hbm>>) dst(%arg14 : memref<100x128xf32, #tpu.memory_space<vmem>>)
          %dma_start3A_209 = arith.constant 0 : i32
          %dma_start3A_210 = tpu.memref_slice %arg12[%add3A_114, %dma_start3A_209] : memref<8x100xi32, #tpu.memory_space<vmem>> -> memref<1x100xi32, #tpu.memory_space<vmem>>
          %dma_start3A_211 = tpu.memref_squeeze %dma_start3A_210 : memref<1x100xi32, #tpu.memory_space<vmem>> -> memref<100xi32, #tpu.memory_space<vmem>>
          %dma_start3A_212 = arith.constant 0 : i32
          %dma_start3A_213 = arith.constant 0 : i32
          %dma_start3A_214 = tpu.memref_slice %arg15[%dma_start3A_212, %dma_start3A_213] : memref<10240x128xf32, #tpu.memory_space<vmem_shared>> -> memref<10240x128xf32, #tpu.memory_space<vmem_shared>>
          tpu.enqueue_indirect_dma source(%arg14 : memref<100x128xf32, #tpu.memory_space<vmem>>) target(%dma_start3A_214 : memref<10240x128xf32, #tpu.memory_space<vmem_shared>>) offsets(%dma_start3A_211 : memref<100xi32, #tpu.memory_space<vmem>>) semaphore(%arg19 : memref<!tpu.dma_semaphore, #tpu.memory_space<semaphore_mem>>) {add = true}
        } else {
        }
      }
      %scan3A_37 = arith.constant 100 : i32
      %dma_wait3A = arith.constant 7 : i32
      %dma_wait3A_38 = arith.constant 0 : i32
      %dma_wait3A_39 = tpu.memref_slice %arg10[%dma_wait3A, %dma_wait3A_38] : memref<8x100xi32, #tpu.memory_space<vmem>> -> memref<1x100xi32, #tpu.memory_space<vmem>>
      %dma_wait3A_40 = tpu.memref_squeeze %dma_wait3A_39 : memref<1x100xi32, #tpu.memory_space<vmem>> -> memref<100xi32, #tpu.memory_space<vmem>>
      %dma_wait3A_41 = arith.constant 0 : i32
      %dma_wait3A_42 = arith.constant 0 : i32
      %dma_wait3A_43 = tpu.memref_slice %arg15[%dma_wait3A_41, %dma_wait3A_42] : memref<10240x128xf32, #tpu.memory_space<vmem_shared>> -> memref<10240x128xf32, #tpu.memory_space<vmem_shared>>
      tpu.wait_indirect_dma semaphore(%arg19 : memref<!tpu.dma_semaphore, #tpu.memory_space<semaphore_mem>>) src(%arg14 : memref<100x128xf32, #tpu.memory_space<vmem>>) dst(%dma_wait3A_43 : memref<10240x128xf32, #tpu.memory_space<vmem_shared>>)
      %barrier3A_44 = arith.constant 0 : index
      tpu.barrier barrier_id(%barrier3A_44)
      %mul3A_45 = arith.constant 640 : i32
      %mul3A_46 = arith.muli %arg1, %mul3A_45 : i32
      "tpu.region"() ({
        %run_scoped3A_47 = tpu.sem_alloc : memref<!tpu.dma_semaphore, #tpu.memory_space<semaphore_mem>>
        %dma_start3A_48 = arith.constant 0 : i32
        %dma_start3A_49 = tpu.memref_slice %arg8[%mul3A_46, %dma_start3A_48] : memref<10240x128xf32, #tpu.memory_space<hbm>> -> memref<640x128xf32, #tpu.memory_space<hbm>>
        %dma_start3A_50 = arith.constant 0 : i32
        %dma_start3A_51 = tpu.memref_slice %arg15[%mul3A_46, %dma_start3A_50] : memref<10240x128xf32, #tpu.memory_space<vmem_shared>> -> memref<640x128xf32, #tpu.memory_space<vmem_shared>>
        tpu.enqueue_dma source(%dma_start3A_51 : memref<640x128xf32, #tpu.memory_space<vmem_shared>>) target(%dma_start3A_49 : memref<640x128xf32, #tpu.memory_space<hbm>>) target_semaphore(%run_scoped3A_47 : memref<!tpu.dma_semaphore, #tpu.memory_space<semaphore_mem>>)
        %dma_wait3A_52 = arith.constant 0 : i32
        %dma_wait3A_53 = tpu.memref_slice %arg8[%mul3A_46, %dma_wait3A_52] : memref<10240x128xf32, #tpu.memory_space<hbm>> -> memref<640x128xf32, #tpu.memory_space<hbm>>
        %dma_wait3A_54 = arith.constant 0 : i32
        %dma_wait3A_55 = tpu.memref_slice %arg15[%mul3A_46, %dma_wait3A_54] : memref<10240x128xf32, #tpu.memory_space<vmem_shared>> -> memref<640x128xf32, #tpu.memory_space<vmem_shared>>
        tpu.wait_dma2 semaphore(%run_scoped3A_47 : memref<!tpu.dma_semaphore, #tpu.memory_space<semaphore_mem>>) src(%dma_wait3A_55 : memref<640x128xf32, #tpu.memory_space<vmem_shared>>) dst(%dma_wait3A_53 : memref<640x128xf32, #tpu.memory_space<hbm>>)
        tpu.yield
      }) : () -> ()
    } else {
    }
    return
  }
}

module attributes {stable_mosaic.version = 14 : i64} {
  func.func @_prep_body(%arg0: i32, %arg1: memref<2000x128xf32, #tpu.memory_space<vmem>>, %arg2: memref<2000x128xf32, #tpu.memory_space<vmem>>, %arg3: memref<2000x128xf32, #tpu.memory_space<vmem>>, %arg4: memref<128x128xf32, #tpu.memory_space<vmem>>, %arg5: memref<1x128xf32, #tpu.memory_space<vmem>>, %arg6: memref<128x128xf32, #tpu.memory_space<vmem>>, %arg7: memref<128x128xf32, #tpu.memory_space<vmem>>, %arg8: memref<2000x1xf32, #tpu.memory_space<vmem>>, %arg9: memref<2000x1xf32, #tpu.memory_space<vmem>>, %arg10: memref<2000x128xf32, #tpu.memory_space<vmem>>, %arg11: memref<2000x128xf32, #tpu.memory_space<vmem>>, %arg12: memref<2000x128xf32, #tpu.memory_space<vmem>>) attributes {dimension_semantics = [#tpu.dimension_semantics<arbitrary>], iteration_bounds = array<i64: 5>, scalar_prefetch = 0 : i64, scratch_operands = 0 : i64, tpu.core_type = #tpu.core_type<tc>, window_params = [{transform_indices = @transform_0, window_bounds = array<i64: 2000, 128>}, {transform_indices = @transform_1, window_bounds = array<i64: 2000, 128>}, {transform_indices = @transform_2, window_bounds = array<i64: 2000, 128>}, {pipeline_mode = #tpu.pipeline_mode<synchronous>, transform_indices = @transform_3, window_bounds = array<i64: 128, 128>}, {pipeline_mode = #tpu.pipeline_mode<synchronous>, transform_indices = @transform_4, window_bounds = array<i64: 1, 128>}, {pipeline_mode = #tpu.pipeline_mode<synchronous>, transform_indices = @transform_5, window_bounds = array<i64: 128, 128>}, {pipeline_mode = #tpu.pipeline_mode<synchronous>, transform_indices = @transform_6, window_bounds = array<i64: 128, 128>}, {transform_indices = @transform_7, window_bounds = array<i64: 2000, 1>}, {transform_indices = @transform_8, window_bounds = array<i64: 2000, 1>}, {transform_indices = @transform_9, window_bounds = array<i64: 2000, 128>}, {transform_indices = @transform_10, window_bounds = array<i64: 2000, 128>}, {transform_indices = @transform_11, window_bounds = array<i64: 2000, 128>}]} {
    %get3A = arith.constant 0 : index
    %get3A_0 = arith.constant 0 : index
    %get3A_1 = vector.load %arg1[%get3A, %get3A_0] : memref<2000x128xf32, #tpu.memory_space<vmem>>, vector<2000x128xf32>
    %get3A_2 = arith.constant 0 : index
    %get3A_3 = arith.constant 0 : index
    %get3A_4 = vector.load %arg4[%get3A_2, %get3A_3] : memref<128x128xf32, #tpu.memory_space<vmem>>, vector<128x128xf32>
    %dot_general3A = arith.constant dense<0.000000e+00> : vector<2000x128xf32>
    %dot_general3A_5 = tpu.matmul %get3A_1, %get3A_4, %dot_general3A {dimension_numbers = #tpu.dot_dimension_numbers<[1], [0], [0], [1], [0, 0, 1, 1], [], []>, transpose_lhs_hint = false} : vector<2000x128xf32>, vector<128x128xf32>, vector<2000x128xf32> -> vector<2000x128xf32>
    %get3A_6 = arith.constant 0 : index
    %get3A_7 = arith.constant 0 : index
    %get3A_8 = vector.load %arg5[%get3A_6, %get3A_7] : memref<1x128xf32, #tpu.memory_space<vmem>>, vector<1x128xf32>
    %add3A = vector.broadcast %get3A_8 : vector<1x128xf32> to vector<2000x128xf32>
    %add3A_9 = arith.addf %dot_general3A_5, %add3A : vector<2000x128xf32>
    %swap3A = arith.constant 0 : index
    %swap3A_10 = arith.constant 0 : index
    %swap3A_11 = vector.load %arg10[%swap3A, %swap3A_10] : memref<2000x128xf32, #tpu.memory_space<vmem>>, vector<2000x128xf32>
    tpu.vector_store %arg10[%swap3A, %swap3A_10], %add3A_9 {strides = array<i32>} : memref<2000x128xf32, #tpu.memory_space<vmem>>, vector<2000x128xf32>,
    %get3A_12 = arith.constant 0 : index
    %get3A_13 = arith.constant 0 : index
    %get3A_14 = vector.load %arg8[%get3A_12, %get3A_13] : memref<2000x1xf32, #tpu.memory_space<vmem>>, vector<2000x1xf32>
    %add3A_15 = arith.constant 1.000000e+00 : f32
    %add3A_16 = vector.broadcast %add3A_15 : f32 to vector<2000x1xf32>
    %add3A_17 = arith.addf %get3A_14, %add3A_16 : vector<2000x1xf32>
    %rsqrt3A = math.rsqrt %add3A_17 : vector<2000x1xf32>
    %get3A_18 = arith.constant 0 : index
    %get3A_19 = arith.constant 0 : index
    %get3A_20 = vector.load %arg2[%get3A_18, %get3A_19] : memref<2000x128xf32, #tpu.memory_space<vmem>>, vector<2000x128xf32>
    %get3A_21 = arith.constant 0 : index
    %get3A_22 = arith.constant 0 : index
    %get3A_23 = vector.load %arg6[%get3A_21, %get3A_22] : memref<128x128xf32, #tpu.memory_space<vmem>>, vector<128x128xf32>
    %dot_general3A_24 = arith.constant dense<0.000000e+00> : vector<2000x128xf32>
    %dot_general3A_25 = tpu.matmul %get3A_20, %get3A_23, %dot_general3A_24 {dimension_numbers = #tpu.dot_dimension_numbers<[1], [0], [0], [1], [0, 0, 1, 1], [], []>, transpose_lhs_hint = false} : vector<2000x128xf32>, vector<128x128xf32>, vector<2000x128xf32> -> vector<2000x128xf32>
    %mul3A = vector.broadcast %rsqrt3A : vector<2000x1xf32> to vector<2000x128xf32>
    %mul3A_26 = arith.mulf %mul3A, %dot_general3A_25 : vector<2000x128xf32>
    %swap3A_27 = arith.constant 0 : index
    %swap3A_28 = arith.constant 0 : index
    %swap3A_29 = vector.load %arg11[%swap3A_27, %swap3A_28] : memref<2000x128xf32, #tpu.memory_space<vmem>>, vector<2000x128xf32>
    tpu.vector_store %arg11[%swap3A_27, %swap3A_28], %mul3A_26 {strides = array<i32>} : memref<2000x128xf32, #tpu.memory_space<vmem>>, vector<2000x128xf32>,
    %get3A_30 = arith.constant 0 : index
    %get3A_31 = arith.constant 0 : index
    %get3A_32 = vector.load %arg9[%get3A_30, %get3A_31] : memref<2000x1xf32, #tpu.memory_space<vmem>>, vector<2000x1xf32>
    %add3A_33 = arith.constant 1.000000e+00 : f32
    %add3A_34 = vector.broadcast %add3A_33 : f32 to vector<2000x1xf32>
    %add3A_35 = arith.addf %get3A_32, %add3A_34 : vector<2000x1xf32>
    %rsqrt3A_36 = math.rsqrt %add3A_35 : vector<2000x1xf32>
    %get3A_37 = arith.constant 0 : index
    %get3A_38 = arith.constant 0 : index
    %get3A_39 = vector.load %arg3[%get3A_37, %get3A_38] : memref<2000x128xf32, #tpu.memory_space<vmem>>, vector<2000x128xf32>
    %get3A_40 = arith.constant 0 : index
    %get3A_41 = arith.constant 0 : index
    %get3A_42 = vector.load %arg7[%get3A_40, %get3A_41] : memref<128x128xf32, #tpu.memory_space<vmem>>, vector<128x128xf32>
    %dot_general3A_43 = arith.constant dense<0.000000e+00> : vector<2000x128xf32>
    %dot_general3A_44 = tpu.matmul %get3A_39, %get3A_42, %dot_general3A_43 {dimension_numbers = #tpu.dot_dimension_numbers<[1], [0], [0], [1], [0, 0, 1, 1], [], []>, transpose_lhs_hint = false} : vector<2000x128xf32>, vector<128x128xf32>, vector<2000x128xf32> -> vector<2000x128xf32>
    %mul3A_45 = vector.broadcast %rsqrt3A_36 : vector<2000x1xf32> to vector<2000x128xf32>
    %mul3A_46 = arith.mulf %mul3A_45, %dot_general3A_44 : vector<2000x128xf32>
    %swap3A_47 = arith.constant 0 : index
    %swap3A_48 = arith.constant 0 : index
    %swap3A_49 = vector.load %arg12[%swap3A_47, %swap3A_48] : memref<2000x128xf32, #tpu.memory_space<vmem>>, vector<2000x128xf32>
    tpu.vector_store %arg12[%swap3A_47, %swap3A_48], %mul3A_46 {strides = array<i32>} : memref<2000x128xf32, #tpu.memory_space<vmem>>, vector<2000x128xf32>,
    return
  }
  func.func @transform_0(%arg0: i32) -> (i32, i32) {
    %c0_i32 = arith.constant 0 : i32
    %c0_i32_0 = arith.constant 0 : i32
    return %arg0, %c0_i32 : i32, i32
  }
  func.func @transform_1(%arg0: i32) -> (i32, i32) {
    %c0_i32 = arith.constant 0 : i32
    %c0_i32_0 = arith.constant 0 : i32
    return %arg0, %c0_i32 : i32, i32
  }
  func.func @transform_2(%arg0: i32) -> (i32, i32) {
    %c0_i32 = arith.constant 0 : i32
    %c0_i32_0 = arith.constant 0 : i32
    return %arg0, %c0_i32 : i32, i32
  }
  func.func @transform_3(%arg0: i32) -> (i32, i32) {
    %c0_i32 = arith.constant 0 : i32
    %c0_i32_0 = arith.constant 0 : i32
    %c0_i32_1 = arith.constant 0 : i32
    return %c0_i32, %c0_i32_0 : i32, i32
  }
  func.func @transform_4(%arg0: i32) -> (i32, i32) {
    %c0_i32 = arith.constant 0 : i32
    %c0_i32_0 = arith.constant 0 : i32
    %c0_i32_1 = arith.constant 0 : i32
    return %c0_i32, %c0_i32_0 : i32, i32
  }
  func.func @transform_5(%arg0: i32) -> (i32, i32) {
    %c0_i32 = arith.constant 0 : i32
    %c0_i32_0 = arith.constant 0 : i32
    %c0_i32_1 = arith.constant 0 : i32
    return %c0_i32, %c0_i32_0 : i32, i32
  }
  func.func @transform_6(%arg0: i32) -> (i32, i32) {
    %c0_i32 = arith.constant 0 : i32
    %c0_i32_0 = arith.constant 0 : i32
    %c0_i32_1 = arith.constant 0 : i32
    return %c0_i32, %c0_i32_0 : i32, i32
  }
  func.func @transform_7(%arg0: i32) -> (i32, i32) {
    %c0_i32 = arith.constant 0 : i32
    %c0_i32_0 = arith.constant 0 : i32
    return %arg0, %c0_i32 : i32, i32
  }
  func.func @transform_8(%arg0: i32) -> (i32, i32) {
    %c0_i32 = arith.constant 0 : i32
    %c0_i32_0 = arith.constant 0 : i32
    return %arg0, %c0_i32 : i32, i32
  }
  func.func @transform_9(%arg0: i32) -> (i32, i32) {
    %c0_i32 = arith.constant 0 : i32
    %c0_i32_0 = arith.constant 0 : i32
    return %arg0, %c0_i32 : i32, i32
  }
  func.func @transform_10(%arg0: i32) -> (i32, i32) {
    %c0_i32 = arith.constant 0 : i32
    %c0_i32_0 = arith.constant 0 : i32
    return %arg0, %c0_i32 : i32, i32
  }
  func.func @transform_11(%arg0: i32) -> (i32, i32) {
    %c0_i32 = arith.constant 0 : i32
    %c0_i32_0 = arith.constant 0 : i32
    return %arg0, %c0_i32 : i32, i32
  }
}

module attributes {stable_mosaic.version = 14 : i64} {
  func.func @_final_body(%arg0: i32, %arg1: memref<2000x128xf32, #tpu.memory_space<vmem>>, %arg2: memref<2000x128xf32, #tpu.memory_space<vmem>>, %arg3: memref<2000x128xf32, #tpu.memory_space<vmem>>, %arg4: memref<2000x128xf32, #tpu.memory_space<vmem>>, %arg5: memref<2000x128xf32, #tpu.memory_space<vmem>>, %arg6: memref<2000x1xf32, #tpu.memory_space<vmem>>, %arg7: memref<2000x1xf32, #tpu.memory_space<vmem>>, %arg8: memref<1x128xf32, #tpu.memory_space<vmem>>, %arg9: memref<1x128xf32, #tpu.memory_space<vmem>>, %arg10: memref<2000x128xf32, #tpu.memory_space<vmem>>) attributes {dimension_semantics = [#tpu.dimension_semantics<arbitrary>], iteration_bounds = array<i64: 5>, scalar_prefetch = 0 : i64, scratch_operands = 0 : i64, tpu.core_type = #tpu.core_type<tc>, window_params = [{transform_indices = @transform_0, window_bounds = array<i64: 2000, 128>}, {transform_indices = @transform_1, window_bounds = array<i64: 2000, 128>}, {transform_indices = @transform_2, window_bounds = array<i64: 2000, 128>}, {transform_indices = @transform_3, window_bounds = array<i64: 2000, 128>}, {transform_indices = @transform_4, window_bounds = array<i64: 2000, 128>}, {transform_indices = @transform_5, window_bounds = array<i64: 2000, 1>}, {transform_indices = @transform_6, window_bounds = array<i64: 2000, 1>}, {pipeline_mode = #tpu.pipeline_mode<synchronous>, transform_indices = @transform_7, window_bounds = array<i64: 1, 128>}, {pipeline_mode = #tpu.pipeline_mode<synchronous>, transform_indices = @transform_8, window_bounds = array<i64: 1, 128>}, {transform_indices = @transform_9, window_bounds = array<i64: 2000, 128>}]} {
    %get3A = arith.constant 0 : index
    %get3A_0 = arith.constant 0 : index
    %get3A_1 = vector.load %arg6[%get3A, %get3A_0] : memref<2000x1xf32, #tpu.memory_space<vmem>>, vector<2000x1xf32>
    %add3A = arith.constant 1.000000e+00 : f32
    %add3A_2 = vector.broadcast %add3A : f32 to vector<2000x1xf32>
    %add3A_3 = arith.addf %get3A_1, %add3A_2 : vector<2000x1xf32>
    %rsqrt3A = math.rsqrt %add3A_3 : vector<2000x1xf32>
    %get3A_4 = arith.constant 0 : index
    %get3A_5 = arith.constant 0 : index
    %get3A_6 = vector.load %arg4[%get3A_4, %get3A_5] : memref<2000x128xf32, #tpu.memory_space<vmem>>, vector<2000x128xf32>
    %get3A_7 = arith.constant 0 : index
    %get3A_8 = arith.constant 0 : index
    %get3A_9 = vector.load %arg2[%get3A_7, %get3A_8] : memref<2000x128xf32, #tpu.memory_space<vmem>>, vector<2000x128xf32>
    %add3A_10 = arith.addf %get3A_6, %get3A_9 : vector<2000x128xf32>
    %mul3A = vector.broadcast %rsqrt3A : vector<2000x1xf32> to vector<2000x128xf32>
    %mul3A_11 = arith.mulf %mul3A, %add3A_10 : vector<2000x128xf32>
    %get3A_12 = arith.constant 0 : index
    %get3A_13 = arith.constant 0 : index
    %get3A_14 = vector.load %arg8[%get3A_12, %get3A_13] : memref<1x128xf32, #tpu.memory_space<vmem>>, vector<1x128xf32>
    %add3A_15 = vector.broadcast %get3A_14 : vector<1x128xf32> to vector<2000x128xf32>
    %add3A_16 = arith.addf %mul3A_11, %add3A_15 : vector<2000x128xf32>
    %get3A_17 = arith.constant 0 : index
    %get3A_18 = arith.constant 0 : index
    %get3A_19 = vector.load %arg7[%get3A_17, %get3A_18] : memref<2000x1xf32, #tpu.memory_space<vmem>>, vector<2000x1xf32>
    %add3A_20 = arith.constant 1.000000e+00 : f32
    %add3A_21 = vector.broadcast %add3A_20 : f32 to vector<2000x1xf32>
    %add3A_22 = arith.addf %get3A_19, %add3A_21 : vector<2000x1xf32>
    %rsqrt3A_23 = math.rsqrt %add3A_22 : vector<2000x1xf32>
    %get3A_24 = arith.constant 0 : index
    %get3A_25 = arith.constant 0 : index
    %get3A_26 = vector.load %arg5[%get3A_24, %get3A_25] : memref<2000x128xf32, #tpu.memory_space<vmem>>, vector<2000x128xf32>
    %get3A_27 = arith.constant 0 : index
    %get3A_28 = arith.constant 0 : index
    %get3A_29 = vector.load %arg3[%get3A_27, %get3A_28] : memref<2000x128xf32, #tpu.memory_space<vmem>>, vector<2000x128xf32>
    %add3A_30 = arith.addf %get3A_26, %get3A_29 : vector<2000x128xf32>
    %mul3A_31 = vector.broadcast %rsqrt3A_23 : vector<2000x1xf32> to vector<2000x128xf32>
    %mul3A_32 = arith.mulf %mul3A_31, %add3A_30 : vector<2000x128xf32>
    %get3A_33 = arith.constant 0 : index
    %get3A_34 = arith.constant 0 : index
    %get3A_35 = vector.load %arg9[%get3A_33, %get3A_34] : memref<1x128xf32, #tpu.memory_space<vmem>>, vector<1x128xf32>
    %add3A_36 = vector.broadcast %get3A_35 : vector<1x128xf32> to vector<2000x128xf32>
    %add3A_37 = arith.addf %mul3A_32, %add3A_36 : vector<2000x128xf32>
    %get3A_38 = arith.constant 0 : index
    %get3A_39 = arith.constant 0 : index
    %get3A_40 = vector.load %arg1[%get3A_38, %get3A_39] : memref<2000x128xf32, #tpu.memory_space<vmem>>, vector<2000x128xf32>
    %max3A = arith.constant 0.000000e+00 : f32
    %max3A_41 = vector.broadcast %max3A : f32 to vector<2000x128xf32>
    %max3A_42 = arith.maximumf %add3A_16, %max3A_41 : vector<2000x128xf32>
    %add3A_43 = arith.addf %get3A_40, %max3A_42 : vector<2000x128xf32>
    %max3A_44 = arith.constant 0.000000e+00 : f32
    %max3A_45 = vector.broadcast %max3A_44 : f32 to vector<2000x128xf32>
    %max3A_46 = arith.maximumf %add3A_37, %max3A_45 : vector<2000x128xf32>
    %add3A_47 = arith.addf %add3A_43, %max3A_46 : vector<2000x128xf32>
    %swap3A = arith.constant 0 : index
    %swap3A_48 = arith.constant 0 : index
    %swap3A_49 = vector.load %arg10[%swap3A, %swap3A_48] : memref<2000x128xf32, #tpu.memory_space<vmem>>, vector<2000x128xf32>
    tpu.vector_store %arg10[%swap3A, %swap3A_48], %add3A_47 {strides = array<i32>} : memref<2000x128xf32, #tpu.memory_space<vmem>>, vector<2000x128xf32>,
    return
  }
  func.func @transform_0(%arg0: i32) -> (i32, i32) {
    %c0_i32 = arith.constant 0 : i32
    %c0_i32_0 = arith.constant 0 : i32
    return %arg0, %c0_i32 : i32, i32
  }
  func.func @transform_1(%arg0: i32) -> (i32, i32) {
    %c0_i32 = arith.constant 0 : i32
    %c0_i32_0 = arith.constant 0 : i32
    return %arg0, %c0_i32 : i32, i32
  }
  func.func @transform_2(%arg0: i32) -> (i32, i32) {
    %c0_i32 = arith.constant 0 : i32
    %c0_i32_0 = arith.constant 0 : i32
    return %arg0, %c0_i32 : i32, i32
  }
  func.func @transform_3(%arg0: i32) -> (i32, i32) {
    %c0_i32 = arith.constant 0 : i32
    %c0_i32_0 = arith.constant 0 : i32
    return %arg0, %c0_i32 : i32, i32
  }
  func.func @transform_4(%arg0: i32) -> (i32, i32) {
    %c0_i32 = arith.constant 0 : i32
    %c0_i32_0 = arith.constant 0 : i32
    return %arg0, %c0_i32 : i32, i32
  }
  func.func @transform_5(%arg0: i32) -> (i32, i32) {
    %c0_i32 = arith.constant 0 : i32
    %c0_i32_0 = arith.constant 0 : i32
    return %arg0, %c0_i32 : i32, i32
  }
  func.func @transform_6(%arg0: i32) -> (i32, i32) {
    %c0_i32 = arith.constant 0 : i32
    %c0_i32_0 = arith.constant 0 : i32
    return %arg0, %c0_i32 : i32, i32
  }
  func.func @transform_7(%arg0: i32) -> (i32, i32) {
    %c0_i32 = arith.constant 0 : i32
    %c0_i32_0 = arith.constant 0 : i32
    %c0_i32_1 = arith.constant 0 : i32
    return %c0_i32, %c0_i32_0 : i32, i32
  }
  func.func @transform_8(%arg0: i32) -> (i32, i32) {
    %c0_i32 = arith.constant 0 : i32
    %c0_i32_0 = arith.constant 0 : i32
    %c0_i32_1 = arith.constant 0 : i32
    return %c0_i32, %c0_i32_0 : i32, i32
  }
  func.func @transform_9(%arg0: i32) -> (i32, i32) {
    %c0_i32 = arith.constant 0 : i32
    %c0_i32_0 = arith.constant 0 : i32
    return %arg0, %c0_i32 : i32, i32
  }
}

</mosaic_0001>

<sc_bundles>
// kernel: kernel.6.cloned.1.call-start
scs
__scs_entry_jumppad:
0x0: {  	(pc) =	sbr.rel $0x88, $3  }
0x1: {  	(tag) =	ssettag $0x0;
	lr =	simm.s32 $0x1  }
0x2: {  	[smem:$0x3F96] =	sst lr;
	_ =	strace $0xD0000000  }
0x3: {  	_ = 	snop  }
0x4: {  	_ = 	snop  }
0x5: {  	_ = 	snop  }
0x6: {  	_ = 	snop  }
0x7: {  	_ = 	snop  }
__scs_overlays_trampoline_lowered:
0x8: {  	[smem:$0x3FA5] =	sst s0  }
0x9: {  	[smem:$0x3FA6] =	sst s1  }
0xa: {  	[smem:$0x3FA7] =	sst s2  }
0xb: {  	[smem:$0x3FA8] =	sst s3  }
0xc: {  	[smem:$0x3FA9] =	sst s4  }
0xd: {  	[smem:$0x3FAA] =	sst s5  }
0xe: {  	[smem:$0x3FAB] =	sst s6  }
0xf: {  	[smem:$0x3FAC] =	sst s7  }
0x10: {  	[smem:$0x3FAD] =	sst s8  }
0x11: {  	[smem:$0x3FAE] =	sst s9;
	s0 =	simm.s32 @!p0 $0x0  }
0x12: {  	s1 =	sld [smem:$0x3F94];
	s0 =	simm.s32 @p0 $0x1  }
0x13: {  	[smem:$0x3FAF] =	sst s0;
	s0 =	simm.s32 @!p1 $0x0  }
0x14: {  	s2 =	sld [smem:$0x3F93];
	s0 =	simm.s32 @p1 $0x1  }
0x15: {  	[smem:$0x3FB0] =	sst s0;
	s0 =	simm.s32 @!p2 $0x0  }
0x16: {  	s3 =	sld [smem:$0x3FDB];
	s0 =	simm.s32 @p2 $0x1  }
0x17: {  	s4 =	simm.s32 $0x1BF5;
	[smem:$0x3FB2] =	sst s0  }
0x18: {  	s0 =	sld [smem:$0x3F95];
	_ =	swait.ge [sflag:s4], $0x0  }
0x19: {  	s7 =	sld [smem:$0x3F96]  }
0x1a: {  	s8 =	sadd.s32 $0xFFFFE003, lr  }
0x1b: {  	s9 =	sadd.s32 $0xFFFFFEF7, lr;
	s5 =	simm.s32 $0xFFFFFFFF;
	p2 =	slt.u32 s8, $0xFFFFF086  }
0x1c: {  	p1 =	slt.u32 s9, $0xF7A;
	s5 =	simm.s32 @!p2 $0x0  }
0x1d: {  	s5 =	simm.s32 @p1 $0x1;
	p0 =	seq.s32 s7, s2  }
0x1e: {  	s7 =	smul.u32 @!p0 $0xF7A, s2;
	p2 =	seq.s32 @!p0 s5, $0x0  }
0x1f: {  	s9 =	smul.u32 $0xF7A, s1;
	s8 =	simm.s32 @!p0 $0x1BF5;
	p2 =	por !p2, p0  }
0x20: {  	[sflag:s8] =	ssyncset.s32 @!p0 $0xFFFFF086;
	s6 =	sadd.s32 @!p0 s3, s7;
	s7 =	simm.s32 @!p0 $0x108  }
0x21: {  	s3 =	sadd.s32 s3, s9;
	s6 =	sadd.s32 @!p0 $0x88, s6;
	s7 =	simm.s32 @p2 $0x1082  }
0x22: {  	[simem:s7], [sflag:s8] =	dma.local @!p0 [hbm:s6], $0xF7A  }
0x23: {  	s9 =	sor.u32 $0xD0000000, s2;
	s6 =	simm.s32 $0x108;
	_ =	swait.ge @!p0 [sflag:s8], $0x0  }
0x24: {  	s3 =	sadd.s32 $0x88, s3;
	s6 =	simm.s32 @!p1 $0x1082;
	[sflag:s4] =	ssyncset.s32 $0xFFFFF086  }
0x25: {  	[simem:s6], [sflag:s4] =	dma.local [hbm:s3], $0xF7A  }
0x26: {  	[smem:$0x3F96] =	sst s1;
	(tag) =	ssettag s2;
	_ =	strace s9  }
0x27: {  	s1 =	sld [smem:$0x3FA6]  }
0x28: {  	s2 =	sld [smem:$0x3FA7]  }
0x29: {  	s4 =	sld [smem:$0x3FA9]  }
0x2a: {  	p0 =	seq.s32 s5, $0x0;
	s5 =	sld [smem:$0x3FAA]  }
0x2b: {  	s6 =	sld [smem:$0x3FAB]  }
0x2c: {  	s7 =	sld [smem:$0x3FAC]  }
0x2d: {  	s3 =	simm.s32 $0x108;
	s8 =	sld [smem:$0x3FAD]  }
0x2e: {  	s3 =	simm.s32 @!p0 $0x1082;
	s9 =	sld [smem:$0x3FAE]  }
0x2f: {  	lr =	sadd.s32 s0, s3;
	s0 =	sld [smem:$0x3FA5]  }
0x30: {  	s3 =	sld [smem:$0x3FA8]  }
0x31: {  	[smem:$0x3FB1] =	sst s10  }
0x32: {  	s10 =	sld [smem:$0x3FAF];
	_ =	sdelay $0x3  }
0x33: {  	p0 =	seq.s32 s10, $0x1;
	s10 =	sld [smem:$0x3FB1];
	_ =	sdelay $0x3  }
0x34: {  	[smem:$0x3FB1] =	sst s10  }
0x35: {  	s10 =	sld [smem:$0x3FB0];
	_ =	sdelay $0x3  }
0x36: {  	p1 =	seq.s32 s10, $0x1;
	s10 =	sld [smem:$0x3FB1];
	_ =	sdelay $0x3  }
0x37: {  	[smem:$0x3FB1] =	sst s10  }
0x38: {  	s10 =	sld [smem:$0x3FB2]  }
0x39: {  	_ = 	snop;
	(pc) =	sbr.ind lr, $3  }
0x3a: {  	_ = 	snop  }
0x3b: {  	_ = 	snop  }
0x3c: {  	p2 =	seq.s32 s10, $0x1;
	s10 =	sld [smem:$0x3FB1]  }
0x3d: {  	_ =	shalt  }
0x3e: {  	_ =	shalt  }
0x3f: {  	_ =	shalt  }
0x40: {  	_ =	shalt  }
0x41: {  	_ =	shalt  }
0x42: {  	_ =	shalt  }
0x43: {  	_ =	shalt  }
0x44: {  	_ =	shalt  }
0x45: {  	_ =	shalt  }
0x46: {  	_ =	shalt  }
0x47: {  	_ =	shalt  }
0x48: {  	_ =	shalt  }
0x49: {  	_ =	shalt  }
0x4a: {  	_ =	shalt  }
0x4b: {  	_ =	shalt  }
0x4c: {  	_ =	shalt  }
0x4d: {  	_ =	shalt  }
0x4e: {  	_ =	shalt  }
0x4f: {  	_ =	shalt  }
0x50: {  	_ =	shalt  }
0x51: {  	_ =	shalt  }
0x52: {  	_ =	shalt  }
0x53: {  	_ =	shalt  }
0x54: {  	_ =	shalt  }
0x55: {  	_ =	shalt  }
0x56: {  	_ =	shalt  }
0x57: {  	_ =	shalt  }
0x58: {  	_ =	shalt  }
0x59: {  	_ =	shalt  }
0x5a: {  	_ =	shalt  }
0x5b: {  	_ =	shalt  }
0x5c: {  	_ =	shalt  }
0x5d: {  	_ =	shalt  }
0x5e: {  	_ =	shalt  }
0x5f: {  	_ =	shalt  }
0x60: {  	_ =	shalt  }
0x61: {  	_ =	shalt  }
0x62: {  	_ =	shalt  }
0x63: {  	_ =	shalt  }
0x64: {  	_ =	shalt  }
0x65: {  	_ =	shalt  }
0x66: {  	_ =	shalt  }
0x67: {  	_ =	shalt  }
0x68: {  	_ =	shalt  }
0x69: {  	_ =	shalt  }
0x6a: {  	_ =	shalt  }
0x6b: {  	_ =	shalt  }
0x6c: {  	_ =	shalt  }
0x6d: {  	_ =	shalt  }
0x6e: {  	_ =	shalt  }
0x6f: {  	_ =	shalt  }
0x70: {  	_ =	shalt  }
0x71: {  	_ =	shalt  }
0x72: {  	_ =	shalt  }
0x73: {  	_ =	shalt  }
0x74: {  	_ =	shalt  }
0x75: {  	_ =	shalt  }
0x76: {  	_ =	shalt  }
0x77: {  	_ =	shalt  }
0x78: {  	_ =	shalt  }
0x79: {  	_ =	shalt  }
0x7a: {  	_ =	shalt  }
0x7b: {  	_ =	shalt  }
0x7c: {  	_ =	shalt  }
0x7d: {  	_ =	shalt  }
0x7e: {  	_ =	shalt  }
0x7f: {  	_ =	shalt  }
0x80: {  	_ =	shalt  }
0x81: {  	_ =	shalt  }
0x82: {  	_ =	shalt  }
0x83: {  	_ =	shalt  }
0x84: {  	_ =	shalt  }
0x85: {  	_ =	shalt  }
0x86: {  	_ =	shalt  }
0x87: {  	_ =	shalt  }
.Lfunc_end0:
.L_simem_size_0:
called_computation_lowered:
.L_overlay_start_0:
0x88: {  	s2 =	sld [smem:$0x3FD9]  }
0x89: {  	s3 =	sld [smem:$0x3FFE];
	_ =	sdelay $0x1  }
0x8a: {  	s1 =	srdreg.scid  }
0x8b: {  	s0 =	sand.u32 $0x1, s1  }
0x8c: {  	s17 =	sshll.u32 s0, $0xA;
	s2 =	sadd.s32 s3, s2  }
0x8d: {  	s2 =	sadd.s32 s2, s17  }
0x8e: {  	[smem:$0x3FBD] =	sst s2  }
0x8f: {  	_ = 	snop  }
0x90: {  	s2 =	sld [smem:$0x3FD0];
	(tm) =	ssettm $0x1  }
0x91: {  	s18 =	sld [smem:$0x3FFB];
	_ =	sdelay $0x3  }
0x92: {  	_ =	strace s18  }
0x93: {  	s3 =	sld [smem:$0x3FFC];
	_ =	sdelay $0x3  }
0x94: {  	_ =	strace s3  }
0x95: {  	s3 =	sld [smem:$0x3FFD];
	_ =	sdelay $0x3  }
0x96: {  	_ =	strace s3  }
0x97: {  	_ =	strace $0x8FFFFFFF  }
0x98: {  	s19 =	sld [smem:$0x3FDB];
	_ =	sdelay $0x1  }
0x99: {  	s4 =	simm.s32 $_scs_section_size  }
0x9a: {  	s5 =	simm.s32 $_size__tile_overlayer_lowered;
	s6 =	simm.s32 $_tile_overlayer_lowered  }
0x9b: {  	s22 =	simm.s32 $0x1BFF;
	s21 =	sshll.u32 s6, $0x1;
	s3 =	sadd.s32 s4, s19  }
0x9c: {  	s7 =	simm.s32 $0x0;
	s20 =	sshll.u32 s5, $0x1;
	s5 =	sadd.s32 s21, s3  }
0x9d: {  	[timem:s7], [sflag:s22] =	dma.local [hbm:s5], s20  }
0x9e: {  	_ =	swait.ge [sflag:s22], s20  }
0x9f: {  	s4 =	ssub.s32 $0x0, s20;
	[sflag:s22] =	ssyncset.done $0x0  }
0xa0: {  	[sflag:s22] =	ssyncadd.s32 s4;
	_ =	sdelay $0x1  }
0xa1: {  	s23 =	simm.s32 $0x1B8B  }
0xa2: {  	_ =	swait.ge [sflag:s23], $0x1  }
0xa3: {  	[sflag:s23] =	ssyncset.done $0x0  }
0xa4: {  	s25 =	simm.s32 $0x1B8E;
	s24 =	sld [smem:$0x3FFE];
	[sflag:s23] =	ssyncadd.s32 $0xFFFFFFFF  }
0xa5: {  	s26 =	simm.s32 $execute0_lowered;
	[smem:$0x3FD2] =	sst s25  }
0xa6: {  	s5 =	sshll.u32 s26, $0x1;
	_ =	strace $0x80000046;
	[dreg:$0x1] =	wrdreg $0xFFFFFFFF  }
0xa7: {  	s28 =	simm.s32 $_size_execute0_lowered;
	s3 =	sadd.s32 s3, s5;
	[dreg:$0x0] =	wrdreg $0x0  }
0xa8: {  	s5 =	sshll.u32 s28, $0x1;
	[dreg:$0x2] =	wrdreg s3  }
0xa9: {  	[dreg:$0x3] =	wrdreg s5  }
0xaa: {  	[dreg:$0x4] =	wrdreg $0xC0  }
0xab: {  	_ =	task [dreg:s7], $0x5FFFF  }
0xac: {  	[dreg:$0x1] =	wrdreg $0xFFFFFFFF  }
0xad: {  	[dreg:$0x0] =	wrdreg $0x60  }
0xae: {  	[dreg:$0x2] =	wrdreg s2  }
0xaf: {  	[dreg:$0x3] =	wrdreg s24  }
0xb0: {  	[dreg:$0x4] =	wrdreg $0x9E800  }
0xb1: {  	[dreg:$0x5] =	wrdreg $0x9  }
0xb2: {  	_ =	task.clear_ibuf [dreg:s7], $0x6FFFF;
	_ =	strace $0x90000046  }
0xb3: {  	s29 =	simm.s32 $0x9;
	_ =	strace $0x80000048  }
0xb4: {  	_ =	swait.ge [sflag:s29], $0x1  }
0xb5: {  	[sflag:s29] =	ssyncadd.s32 $0xFFFFFFFF  }
0xb6: {  	_ =	strace $0x90000048  }
0xb7: {  	_ =	sfence  }
0xb8: {  	s30 =	sld [smem:$0x0];
	_ =	sdelay $0x2  }
0xb9: {  	s31 =	sshll.u32 s1, $0xD;
	s1 =	sshrl.u32 s1, $0x2  }
0xba: {  	s3 =	sand.u32 $0x4000, s31;
	s1 =	sadd.s32 s1, s30  }
0xbb: {  	s0 =	sor.u32 s3, s0;
	s1 =	sshll.u32 s1, $0x11  }
0xbc: {  	s0 =	sor.u32 s1, s0  }
0xbd: {  	s0 =	sadd.s32 $0x8F2B, s0  }
0xbe: {  	[sflag:s0] =	ssyncadd.remote.s32 $0x1  }
0xbf: {  	_ =	sfence.sel $0xFFFF  }
0xc0: {  	[dreg:$0x0] =	wrdreg $0xFFFFFFFF;
	(pc) =	sbr.abs _section_cstart, $3  }
0xc1: {  	[dreg:$0x1] =	wrdreg $0xFFFFFFFF  }
0xc2: {  	_ =	task.clear_ibuf [dreg:s7], $0x2FFFF;
	_ =	strace $0x9FFFFFFF  }
0xc3: {  	(tm) =	ssettm $0x7FFFFFFF  }
tec
execute0_lowered:
.L_overlay_start_1:
0x0: {  	(tag) =	ssettag $0x1  }
0x1: {  	s0 =	rddreg [dreg:$0x0]  }
0x2: {  	s1 =	rddreg [dreg:$0x1]  }
0x3: {  	s2 =	rddreg [dreg:$0x2]  }
0x4: {  	s8 =	stileid.u32;
	s4 =	simm.s32 $0x0;
	s25 =	srdreg.scid  }
0x5: {  	s28 =	simm.s32 $0x4E80;
	s29 =	simm.s32 $0x2;
	s3 =	smul.u32 $0x4E20, s8  }
0x6: {  	[smem:$0x7FF] =	sst s4;
	s4 =	sand.u32 $0x1, s25;
	s6 =	smul.u32 $0xA000, s8  }
0x7: {  	s23 =	smul.u32 $0x280, s8;
	s26 =	sadd.s32 $0x17600, s1;
	_ =	strace $0x80000047  }
0x8: {  	s5 =	ssub.s32 $0x2, s4;
	[dreg:$0x4] =	wrdreg s26;
	p0 =	seq.s32 s4, $0x1  }
0x9: {  	s26 =	simm.s32 $0x1;
	s4 =	simm.s32 $0x0;
	s3 =	sshrl.u32 s3, $0x3  }
0xa: {  	s7 =	sshrl.u32 s5, $0x1;
	s31 =	sshrl.u32 s6, $0x2;
	s6 =	simm.s32 $0x9980  }
0xb: {  	s3 =	sadd.s32 $0x9C40, s3;
	s30 =	ssub.s32 s5, s7;
	s5 =	sadd.s32 s23, s2  }
0xc: {  	s7 =	sadd.s32 s31, s2;
	s23 =	sshrl.u32 s23, $0x3;
	s2 =	simm.s32 $0x9700  }
0xd: {  	s24 =	sadd.s32 s3, s1;
	s1 =	sadd.s32 $0x17000, s1;
	s0 =	sadd.s32 s0, s3  }
0xe: {  	s8 =	sadd.s32 $0x2800, s5;
	s9 =	sadd.s32 $0x5000, s5;
	s10 =	sadd.s32 $0x7800, s5  }
0xf: {  	s11 =	sadd.s32 $0xA000, s5;
	s12 =	sadd.s32 $0xC800, s5;
	s13 =	sadd.s32 $0xF000, s5  }
.Ltmp0:
0x10: {  	s14 =	sadd.s32 $0x11800, s5;
	s15 =	sadd.s32 $0x14000, s5;
	(pc) =	sbr.rel .LBB2_1-.Ltmp0, $4  }
0x11: {  	s16 =	sadd.s32 $0x16800, s5;
	s17 =	sadd.s32 $0x19000, s5;
	s18 =	sadd.s32 $0x1B800, s5  }
0x12: {  	s19 =	sadd.s32 $0x1E000, s5;
	s20 =	sadd.s32 $0x20800, s5;
	s21 =	sadd.s32 $0x23000, s5  }
0x13: {  	s22 =	sadd.s32 $0x25800, s5;
	s25 =	smax.u32 s30, $0x1;
	[dreg:$0x5] =	wrdreg s1  }
0x14: {  	v0 =	vimm.f32 $0.0e+00;
	v1 =	vimm.f32 $1.000000000e+00;
	s3 =	simm.s32 $0x9C00;
	[dreg:$0x6] =	wrdreg s0;
	s24 =	sadd.s32 $0x3600, s24  }
.LBB2_15:
0x15: {  	v3 =	vld [tilespmem:s0+$0x0];
	_ =	sdelay $0x1  }
0x16: {  	v4 =	vld [tilespmem:s31+$0x7B80];
	_ =	sdelay $0x1  }
0x17: {  	v5 =	vld [tilespmem:s31+$0x7E00]  }
0x18: {  	v2 =	vadd.f32 v2, v3  }
0x19: {  	v3 =	vld [tilespmem:s31+$0x8080]  }
0x1a: {  	v2 =	vadd.f32 v4, v2  }
0x1b: {  	v56 =	vld [tilespmem:s31+$0x8300]  }
0x1c: {  	v2 =	vadd.f32 v5, v2  }
0x1d: {  	v57 =	vld [tilespmem:s31+$0x8580]  }
0x1e: {  	v2 =	vadd.f32 v3, v2  }
0x1f: {  	v3 =	vld [tilespmem:s31+$0x8800]  }
0x20: {  	v2 =	vadd.f32 v56, v2  }
0x21: {  	v58 =	vld [tilespmem:s31+$0x8A80]  }
0x22: {  	v2 =	vadd.f32 v57, v2  }
0x23: {  	v59 =	vld [tilespmem:s31+$0x8D00]  }
0x24: {  	v2 =	vadd.f32 v3, v2  }
0x25: {  	v3 =	vld [tilespmem:s31+$0x8F80]  }
0x26: {  	v2 =	vadd.f32 v58, v2  }
0x27: {  	v60 =	vld [tilespmem:s31+$0x9200]  }
0x28: {  	v2 =	vadd.f32 v59, v2  }
0x29: {  	v61 =	vld [tilespmem:s31+$0x9480]  }
0x2a: {  	v2 =	vadd.f32 v3, v2  }
0x2b: {  	v3 =	vld [tilespmem:s31+$0x9700]  }
0x2c: {  	v2 =	vadd.f32 v60, v2  }
0x2d: {  	v62 =	vld [tilespmem:s31+$0x9980]  }
0x2e: {  	v2 =	vadd.f32 v61, v2  }
0x2f: {  	v63 =	vld [tilespmem:s31+$0x9C00]  }
0x30: {  	v2 =	vadd.f32 v3, v2;
	_ =	sdelay $0x1  }
0x31: {  	v2 =	vadd.f32 v62, v2;
	_ =	sdelay $0x1  }
0x32: {  	v2 =	vadd.f32 v63, v2  }
0x33: {  	s31 =	sadd.s32 $0x10, s30  }
0x34: {  	s0 =	rddreg [dreg:$0x5];
	[tilespmem:s31+$0x0] =	vst v2  }
.LBB2_16:
0x35: {  	s4 =	sadd.s32 $0x1, s4  }
0x36: {  	p1 =	sne.s32 s4, s25  }
.Ltmp1:
0x37: {  	s0 =	sadd.s32 s0, s23;
	s1 =	simm.s32 $0x0;
	(pc) =	sbr.rel @!p1 .LBB2_17-.Ltmp1, $4  }
0x38: {  	[hbm4b:s0+s1] =	stream.linear.scatter [tilespmem:s28], [sflag:$0x2], $0x280, $0x38;
	[tilespmem:$0xC680] =	vst v63  }
0x39: {  	_ =	swait.ge [sflag:s29], $0x280  }
0x3a: {  	[sflag:s29] =	ssyncset.done $0x0  }
0x3b: {  	[sflag:s29] =	ssyncadd.s32 $0xFFFFFD80  }
.LBB2_1:
.Ltmp2:
0x3c: {  	(pc) =	sbr.rel @!p0 .LBB2_2-.Ltmp2, $2  }
0x3d: {  	_ =	sdelay $0x2  }
0x3e: {  	s0 =	simm.s32 $0x0  }
0x3f: {  	[tilespmem:s0], [sflag:$0x1] =	stream.linear.gather [hbm4b:s24+s0], $0x4E20, $0x38;
	[tilespmem:$0xC680] =	vst v63  }
0x40: {  	s0 =	simm.s32 $0x40;
	s1 =	simm.s32 $0x0  }
.LBB2_10:
0x41: {  	p1 =	sne.s32 s0, $0x9FC0;
	[tilespmem:s1+$0x4E80] =	vst v0;
	s1 =	smov.u32 s0;
	s0 =	sadd.s32 $0x40, s0  }
.Ltmp3:
0x42: {  	(pc) =	sbr.rel @p1 .LBB2_10-.Ltmp3, $2  }
0x43: {  	_ =	sdelay $0x2  }
0x44: {  	s1 =	sshra.s32 s1, $0x2  }
0x45: {  	[tilespmem:s1+$0x4E80] =	vst v0  }
0x46: {  	_ =	swait.ge [sflag:s26], $0x4E20  }
0x47: {  	[sflag:s26] =	ssyncset.done $0x0  }
0x48: {  	s1 =	simm.s32 $0x0;
	s0 =	simm.s32 $0x40;
	[sflag:s26] =	ssyncadd.s32 $0xFFFFB1E0  }
.LBB2_12:
0x49: {  	p1 =	sne.s32 s0, $0x13840;
	v2 =	vld [tilespmem:s1+$0x0];
	_ =	sdelay $0x3  }
.Ltmp4:
0x4a: {  	(pc) =	sbr.rel @p1 .LBB2_12-.Ltmp4, $2  }
0x4b: {  	_ =	sdelay $0x2  }
0x4c: {  	s1 =	sshra.s32 s0, $0x2;
	s0 =	sadd.s32 $0x40, s0;
	[tilespmem:v2+s28+$0x0] =	vst.idx.add.f32.msk $0xffff, v1  }
0x4d: {  	v2 =	vld [tilespmem:s1+$0x0];
	_ =	sdelay $0x7  }
0x4e: {  	s30 =	simm.s32 $0x4E80;
	[tilespmem:v2+s28+$0x0] =	vst.idx.add.f32.msk $0xffff, v1  }
0x4f: {  	[spmem:s7] =	stream.linear.scatter [tilespmem:s30], [sflag:$0x2], $0x2800, $0x38;
	[tilespmem:$0xC680] =	vst v63  }
0x50: {  	_ =	swait.ge [sflag:s29], $0x2800  }
0x51: {  	[sflag:s29] =	ssyncset.done $0x0  }
0x52: {  	[sflag:s29] =	ssyncadd.s32 $0xFFFFD800  }
0x53: {  	s0 =	simm.s32 $0x7680;
	[bflag:$0x0] =	sbarrier.arrive $0xFFFF  }
0x54: {  	[tilespmem:s0], [sflag:$0x1] =	stream.linear.gather [spmem:s5], $0x280, $0x38;
	[tilespmem:$0xC680] =	vst v63  }
0x55: {  	s1 =	simm.s32 $0x7900  }
0x56: {  	[tilespmem:s1], [sflag:$0x1] =	stream.linear.gather [spmem:s8], $0x280, $0x38;
	[tilespmem:$0xC680] =	vst v63  }
0x57: {  	s1 =	simm.s32 $0x7B80  }
0x58: {  	[tilespmem:s1], [sflag:$0x1] =	stream.linear.gather [spmem:s9], $0x280, $0x38;
	[tilespmem:$0xC680] =	vst v63  }
0x59: {  	s1 =	simm.s32 $0x7E00  }
0x5a: {  	[tilespmem:s1], [sflag:$0x1] =	stream.linear.gather [spmem:s10], $0x280, $0x38;
	[tilespmem:$0xC680] =	vst v63  }
0x5b: {  	s1 =	simm.s32 $0x8080  }
0x5c: {  	[tilespmem:s1], [sflag:$0x1] =	stream.linear.gather [spmem:s11], $0x280, $0x38;
	[tilespmem:$0xC680] =	vst v63  }
0x5d: {  	s1 =	simm.s32 $0x8300  }
0x5e: {  	[tilespmem:s1], [sflag:$0x1] =	stream.linear.gather [spmem:s12], $0x280, $0x38;
	[tilespmem:$0xC680] =	vst v63  }
0x5f: {  	s1 =	simm.s32 $0x8580  }
0x60: {  	[tilespmem:s1], [sflag:$0x1] =	stream.linear.gather [spmem:s13], $0x280, $0x38;
	[tilespmem:$0xC680] =	vst v63  }
0x61: {  	s1 =	simm.s32 $0x8800  }
0x62: {  	[tilespmem:s1], [sflag:$0x1] =	stream.linear.gather [spmem:s14], $0x280, $0x38;
	[tilespmem:$0xC680] =	vst v63  }
0x63: {  	s1 =	simm.s32 $0x8A80  }
0x64: {  	[tilespmem:s1], [sflag:$0x1] =	stream.linear.gather [spmem:s15], $0x280, $0x38;
	[tilespmem:$0xC680] =	vst v63  }
0x65: {  	s1 =	simm.s32 $0x8D00  }
0x66: {  	[tilespmem:s1], [sflag:$0x1] =	stream.linear.gather [spmem:s16], $0x280, $0x38;
	[tilespmem:$0xC680] =	vst v63  }
0x67: {  	s1 =	simm.s32 $0x8F80  }
0x68: {  	[tilespmem:s1], [sflag:$0x1] =	stream.linear.gather [spmem:s17], $0x280, $0x38;
	[tilespmem:$0xC680] =	vst v63  }
0x69: {  	s1 =	simm.s32 $0x9200  }
0x6a: {  	[tilespmem:s1], [sflag:$0x1] =	stream.linear.gather [spmem:s18], $0x280, $0x38;
	[tilespmem:$0xC680] =	vst v63  }
0x6b: {  	s1 =	simm.s32 $0x9480  }
0x6c: {  	[tilespmem:s1], [sflag:$0x1] =	stream.linear.gather [spmem:s19], $0x280, $0x38;
	[tilespmem:$0xC680] =	vst v63  }
0x6d: {  	_ = 	snop  }
0x6e: {  	[tilespmem:s2], [sflag:$0x1] =	stream.linear.gather [spmem:s20], $0x280, $0x38;
	[tilespmem:$0xC680] =	vst v63  }
0x6f: {  	_ = 	snop  }
0x70: {  	[tilespmem:s6], [sflag:$0x1] =	stream.linear.gather [spmem:s21], $0x280, $0x38;
	[tilespmem:$0xC680] =	vst v63  }
0x71: {  	_ = 	snop  }
0x72: {  	[tilespmem:s3], [sflag:$0x1] =	stream.linear.gather [spmem:s22], $0x280, $0x38;
	[tilespmem:$0xC680] =	vst v63  }
0x73: {  	_ =	swait.ge [sflag:s26], $0x280  }
0x74: {  	[sflag:s26] =	ssyncset.done $0x0  }
0x75: {  	[sflag:s26] =	ssyncadd.s32 $0xFFFFFD80  }
0x76: {  	_ =	swait.ge [sflag:s26], $0x280  }
0x77: {  	[sflag:s26] =	ssyncset.done $0x0  }
0x78: {  	[sflag:s26] =	ssyncadd.s32 $0xFFFFFD80  }
0x79: {  	_ =	swait.ge [sflag:s26], $0x280  }
0x7a: {  	[sflag:s26] =	ssyncset.done $0x0  }
0x7b: {  	[sflag:s26] =	ssyncadd.s32 $0xFFFFFD80  }
0x7c: {  	_ =	swait.ge [sflag:s26], $0x280  }
0x7d: {  	[sflag:s26] =	ssyncset.done $0x0  }
0x7e: {  	[sflag:s26] =	ssyncadd.s32 $0xFFFFFD80  }
0x7f: {  	_ =	swait.ge [sflag:s26], $0x280  }
0x80: {  	[sflag:s26] =	ssyncset.done $0x0  }
0x81: {  	[sflag:s26] =	ssyncadd.s32 $0xFFFFFD80  }
0x82: {  	_ =	swait.ge [sflag:s26], $0x280  }
0x83: {  	[sflag:s26] =	ssyncset.done $0x0  }
0x84: {  	[sflag:s26] =	ssyncadd.s32 $0xFFFFFD80  }
0x85: {  	_ =	swait.ge [sflag:s26], $0x280  }
0x86: {  	[sflag:s26] =	ssyncset.done $0x0  }
0x87: {  	[sflag:s26] =	ssyncadd.s32 $0xFFFFFD80  }
0x88: {  	_ =	swait.ge [sflag:s26], $0x280  }
0x89: {  	[sflag:s26] =	ssyncset.done $0x0  }
0x8a: {  	[sflag:s26] =	ssyncadd.s32 $0xFFFFFD80  }
0x8b: {  	_ =	swait.ge [sflag:s26], $0x280  }
0x8c: {  	[sflag:s26] =	ssyncset.done $0x0  }
0x8d: {  	[sflag:s26] =	ssyncadd.s32 $0xFFFFFD80  }
0x8e: {  	_ =	swait.ge [sflag:s26], $0x280  }
0x8f: {  	[sflag:s26] =	ssyncset.done $0x0  }
0x90: {  	[sflag:s26] =	ssyncadd.s32 $0xFFFFFD80  }
0x91: {  	_ =	swait.ge [sflag:s26], $0x280  }
0x92: {  	[sflag:s26] =	ssyncset.done $0x0  }
0x93: {  	[sflag:s26] =	ssyncadd.s32 $0xFFFFFD80  }
0x94: {  	_ =	swait.ge [sflag:s26], $0x280  }
0x95: {  	[sflag:s26] =	ssyncset.done $0x0  }
0x96: {  	[sflag:s26] =	ssyncadd.s32 $0xFFFFFD80  }
0x97: {  	_ =	swait.ge [sflag:s26], $0x280  }
0x98: {  	[sflag:s26] =	ssyncset.done $0x0  }
0x99: {  	[sflag:s26] =	ssyncadd.s32 $0xFFFFFD80  }
0x9a: {  	_ =	swait.ge [sflag:s26], $0x280  }
0x9b: {  	[sflag:s26] =	ssyncset.done $0x0  }
0x9c: {  	[sflag:s26] =	ssyncadd.s32 $0xFFFFFD80  }
0x9d: {  	_ =	swait.ge [sflag:s26], $0x280  }
0x9e: {  	[sflag:s26] =	ssyncset.done $0x0  }
0x9f: {  	[sflag:s26] =	ssyncadd.s32 $0xFFFFFD80  }
0xa0: {  	_ =	swait.ge [sflag:s26], $0x280  }
0xa1: {  	s1 =	simm.s32 $0x0;
	[sflag:s26] =	ssyncset.done $0x0  }
0xa2: {  	s1 =	sand.u32 $0x3F0, s1;
	[sflag:s26] =	ssyncadd.s32 $0xFFFFFD80  }
0xa3: {  	v2 =	vld [tilespmem:s1+$0x7900]  }
0xa4: {  	v3 =	vld [tilespmem:s0+$0x0];
	_ =	sdelay $0x1  }
0xa5: {  	v4 =	vld [tilespmem:s1+$0x7B80];
	_ =	sdelay $0x1  }
0xa6: {  	v5 =	vld [tilespmem:s1+$0x7E00]  }
0xa7: {  	v2 =	vadd.f32 v2, v3  }
0xa8: {  	v3 =	vld [tilespmem:s1+$0x8080]  }
0xa9: {  	v2 =	vadd.f32 v4, v2  }
0xaa: {  	v56 =	vld [tilespmem:s1+$0x8300]  }
0xab: {  	v2 =	vadd.f32 v5, v2  }
0xac: {  	v57 =	vld [tilespmem:s1+$0x8580]  }
0xad: {  	v2 =	vadd.f32 v3, v2  }
0xae: {  	v3 =	vld [tilespmem:s1+$0x8800]  }
0xaf: {  	v2 =	vadd.f32 v56, v2  }
0xb0: {  	v58 =	vld [tilespmem:s1+$0x8A80]  }
0xb1: {  	v2 =	vadd.f32 v57, v2  }
0xb2: {  	v59 =	vld [tilespmem:s1+$0x8D00]  }
0xb3: {  	v2 =	vadd.f32 v3, v2  }
0xb4: {  	v3 =	vld [tilespmem:s1+$0x8F80]  }
0xb5: {  	v2 =	vadd.f32 v58, v2  }
0xb6: {  	v60 =	vld [tilespmem:s1+$0x9200]  }
0xb7: {  	v2 =	vadd.f32 v59, v2  }
0xb8: {  	v61 =	vld [tilespmem:s1+$0x9480]  }
0xb9: {  	v2 =	vadd.f32 v3, v2  }
0xba: {  	v3 =	vld [tilespmem:s1+$0x9700]  }
0xbb: {  	v2 =	vadd.f32 v60, v2  }
0xbc: {  	v62 =	vld [tilespmem:s1+$0x9980]  }
0xbd: {  	v2 =	vadd.f32 v61, v2  }
0xbe: {  	v63 =	vld [tilespmem:s1+$0x9C00]  }
0xbf: {  	v2 =	vadd.f32 v3, v2;
	_ =	sdelay $0x1  }
0xc0: {  	v2 =	vadd.f32 v62, v2;
	_ =	sdelay $0x1  }
0xc1: {  	v2 =	vadd.f32 v63, v2  }
0xc2: {  	s1 =	simm.s32 $0x10  }
0xc3: {  	s31 =	sand.u32 $0x3F0, s1;
	[tilespmem:s30+$0x0] =	vst v2  }
0xc4: {  	s0 =	simm.s32 $0x7690;
	s1 =	simm.s32 $0x20;
	v2 =	vld [tilespmem:s31+$0x7900]  }
.LBB2_14:
0xc5: {  	p1 =	sne.s32 s1, $0x270;
	v3 =	vld [tilespmem:s0+$0x0];
	_ =	sdelay $0x1  }
0xc6: {  	v4 =	vld [tilespmem:s31+$0x7B80];
	_ =	sdelay $0x1  }
0xc7: {  	v5 =	vld [tilespmem:s31+$0x7E00]  }
0xc8: {  	v2 =	vadd.f32 v2, v3  }
0xc9: {  	v3 =	vld [tilespmem:s31+$0x8080]  }
0xca: {  	v2 =	vadd.f32 v4, v2  }
0xcb: {  	v4 =	vld [tilespmem:s31+$0x8300]  }
0xcc: {  	v2 =	vadd.f32 v5, v2  }
0xcd: {  	v5 =	vld [tilespmem:s31+$0x8580]  }
0xce: {  	v2 =	vadd.f32 v3, v2  }
0xcf: {  	v3 =	vld [tilespmem:s31+$0x8800]  }
0xd0: {  	v2 =	vadd.f32 v4, v2  }
0xd1: {  	v4 =	vld [tilespmem:s31+$0x8A80]  }
0xd2: {  	v2 =	vadd.f32 v5, v2  }
0xd3: {  	v5 =	vld [tilespmem:s31+$0x8D00]  }
0xd4: {  	v2 =	vadd.f32 v3, v2  }
0xd5: {  	v3 =	vld [tilespmem:s31+$0x8F80]  }
0xd6: {  	v2 =	vadd.f32 v4, v2  }
0xd7: {  	v4 =	vld [tilespmem:s31+$0x9200]  }
0xd8: {  	v2 =	vadd.f32 v5, v2  }
0xd9: {  	v5 =	vld [tilespmem:s31+$0x9480]  }
0xda: {  	v2 =	vadd.f32 v3, v2  }
0xdb: {  	v3 =	vld [tilespmem:s31+$0x9700]  }
0xdc: {  	v2 =	vadd.f32 v4, v2  }
0xdd: {  	v4 =	vld [tilespmem:s31+$0x9980]  }
0xde: {  	v2 =	vadd.f32 v5, v2  }
0xdf: {  	v5 =	vld [tilespmem:s31+$0x9C00]  }
0xe0: {  	v2 =	vadd.f32 v3, v2;
	_ =	sdelay $0x1  }
0xe1: {  	v2 =	vadd.f32 v4, v2  }
.Ltmp5:
0xe2: {  	(pc) =	sbr.rel @p1 .LBB2_14-.Ltmp5, $4  }
0xe3: {  	v2 =	vadd.f32 v5, v2  }
0xe4: {  	s30 =	sadd.s32 $0x10, s30  }
0xe5: {  	s31 =	sand.u32 $0x3F0, s1;
	[tilespmem:s30+$0x0] =	vst v2  }
0xe6: {  	s0 =	sadd.s32 $0x10, s0;
	s1 =	sadd.s32 $0x10, s1;
	v2 =	vld [tilespmem:s31+$0x7900]  }
.Ltmp6:
0xe7: {  	_ = 	snop;
	(pc) =	sbr.rel .LBB2_15-.Ltmp6, $1  }
0xe8: {  	_ =	sdelay $0x3  }
.LBB2_2:
0xe9: {  	s1 =	rddreg [dreg:$0x6]  }
0xea: {  	[tilespmem:s0], [sflag:$0x1] =	stream.linear.gather [hbm4b:s1+s0], $0x4E20, $0x38;
	[tilespmem:$0xC680] =	vst v63  }
0xeb: {  	s0 =	simm.s32 $0x40;
	s1 =	simm.s32 $0x0  }
.LBB2_3:
0xec: {  	p1 =	sne.s32 s0, $0x9FC0;
	[tilespmem:s1+$0x4E80] =	vst v0;
	s1 =	smov.u32 s0;
	s0 =	sadd.s32 $0x40, s0  }
.Ltmp7:
0xed: {  	(pc) =	sbr.rel @p1 .LBB2_3-.Ltmp7, $2  }
0xee: {  	_ =	sdelay $0x2  }
0xef: {  	s1 =	sshra.s32 s1, $0x2  }
0xf0: {  	[tilespmem:s1+$0x4E80] =	vst v0  }
0xf1: {  	_ =	swait.ge [sflag:s26], $0x4E20  }
0xf2: {  	[sflag:s26] =	ssyncset.done $0x0  }
0xf3: {  	s1 =	simm.s32 $0x0;
	s0 =	simm.s32 $0x40;
	[sflag:s26] =	ssyncadd.s32 $0xFFFFB1E0  }
.LBB2_5:
0xf4: {  	p1 =	sne.s32 s0, $0x13840;
	v2 =	vld [tilespmem:s1+$0x0];
	_ =	sdelay $0x3  }
.Ltmp8:
0xf5: {  	(pc) =	sbr.rel @p1 .LBB2_5-.Ltmp8, $2  }
0xf6: {  	_ =	sdelay $0x2  }
0xf7: {  	s1 =	sshra.s32 s0, $0x2;
	s0 =	sadd.s32 $0x40, s0;
	[tilespmem:v2+s28+$0x0] =	vst.idx.add.f32.msk $0xffff, v1  }
0xf8: {  	v2 =	vld [tilespmem:s1+$0x0];
	_ =	sdelay $0x7  }
0xf9: {  	s30 =	simm.s32 $0x4E80;
	[tilespmem:v2+s28+$0x0] =	vst.idx.add.f32.msk $0xffff, v1  }
0xfa: {  	[spmem:s7] =	stream.linear.scatter [tilespmem:s30], [sflag:$0x2], $0x2800, $0x38;
	[tilespmem:$0xC680] =	vst v63  }
0xfb: {  	_ =	swait.ge [sflag:s29], $0x2800  }
0xfc: {  	[sflag:s29] =	ssyncset.done $0x0  }
0xfd: {  	[sflag:s29] =	ssyncadd.s32 $0xFFFFD800  }
0xfe: {  	s0 =	simm.s32 $0x7680;
	[bflag:$0x0] =	sbarrier.arrive $0xFFFF  }
0xff: {  	[tilespmem:s0], [sflag:$0x1] =	stream.linear.gather [spmem:s5], $0x280, $0x38;
	[tilespmem:$0xC680] =	vst v63  }
0x100: {  	s1 =	simm.s32 $0x7900  }
0x101: {  	[tilespmem:s1], [sflag:$0x1] =	stream.linear.gather [spmem:s8], $0x280, $0x38;
	[tilespmem:$0xC680] =	vst v63  }
0x102: {  	s1 =	simm.s32 $0x7B80  }
0x103: {  	[tilespmem:s1], [sflag:$0x1] =	stream.linear.gather [spmem:s9], $0x280, $0x38;
	[tilespmem:$0xC680] =	vst v63  }
0x104: {  	s1 =	simm.s32 $0x7E00  }
0x105: {  	[tilespmem:s1], [sflag:$0x1] =	stream.linear.gather [spmem:s10], $0x280, $0x38;
	[tilespmem:$0xC680] =	vst v63  }
0x106: {  	s1 =	simm.s32 $0x8080  }
0x107: {  	[tilespmem:s1], [sflag:$0x1] =	stream.linear.gather [spmem:s11], $0x280, $0x38;
	[tilespmem:$0xC680] =	vst v63  }
0x108: {  	s1 =	simm.s32 $0x8300  }
0x109: {  	[tilespmem:s1], [sflag:$0x1] =	stream.linear.gather [spmem:s12], $0x280, $0x38;
	[tilespmem:$0xC680] =	vst v63  }
0x10a: {  	s1 =	simm.s32 $0x8580  }
0x10b: {  	[tilespmem:s1], [sflag:$0x1] =	stream.linear.gather [spmem:s13], $0x280, $0x38;
	[tilespmem:$0xC680] =	vst v63  }
0x10c: {  	s1 =	simm.s32 $0x8800  }
0x10d: {  	[tilespmem:s1], [sflag:$0x1] =	stream.linear.gather [spmem:s14], $0x280, $0x38;
	[tilespmem:$0xC680] =	vst v63  }
0x10e: {  	s1 =	simm.s32 $0x8A80  }
0x10f: {  	[tilespmem:s1], [sflag:$0x1] =	stream.linear.gather [spmem:s15], $0x280, $0x38;
	[tilespmem:$0xC680] =	vst v63  }
0x110: {  	s1 =	simm.s32 $0x8D00  }
0x111: {  	[tilespmem:s1], [sflag:$0x1] =	stream.linear.gather [spmem:s16], $0x280, $0x38;
	[tilespmem:$0xC680] =	vst v63  }
0x112: {  	s1 =	simm.s32 $0x8F80  }
0x113: {  	[tilespmem:s1], [sflag:$0x1] =	stream.linear.gather [spmem:s17], $0x280, $0x38;
	[tilespmem:$0xC680] =	vst v63  }
0x114: {  	s1 =	simm.s32 $0x9200  }
0x115: {  	[tilespmem:s1], [sflag:$0x1] =	stream.linear.gather [spmem:s18], $0x280, $0x38;
	[tilespmem:$0xC680] =	vst v63  }
0x116: {  	s1 =	simm.s32 $0x9480  }
0x117: {  	[tilespmem:s1], [sflag:$0x1] =	stream.linear.gather [spmem:s19], $0x280, $0x38;
	[tilespmem:$0xC680] =	vst v63  }
0x118: {  	_ = 	snop  }
0x119: {  	[tilespmem:s2], [sflag:$0x1] =	stream.linear.gather [spmem:s20], $0x280, $0x38;
	[tilespmem:$0xC680] =	vst v63  }
0x11a: {  	_ = 	snop  }
0x11b: {  	[tilespmem:s6], [sflag:$0x1] =	stream.linear.gather [spmem:s21], $0x280, $0x38;
	[tilespmem:$0xC680] =	vst v63  }
0x11c: {  	_ = 	snop  }
0x11d: {  	[tilespmem:s3], [sflag:$0x1] =	stream.linear.gather [spmem:s22], $0x280, $0x38;
	[tilespmem:$0xC680] =	vst v63  }
0x11e: {  	_ =	swait.ge [sflag:s26], $0x280  }
0x11f: {  	[sflag:s26] =	ssyncset.done $0x0  }
0x120: {  	[sflag:s26] =	ssyncadd.s32 $0xFFFFFD80  }
0x121: {  	_ =	swait.ge [sflag:s26], $0x280  }
0x122: {  	[sflag:s26] =	ssyncset.done $0x0  }
0x123: {  	[sflag:s26] =	ssyncadd.s32 $0xFFFFFD80  }
0x124: {  	_ =	swait.ge [sflag:s26], $0x280  }
0x125: {  	[sflag:s26] =	ssyncset.done $0x0  }
0x126: {  	[sflag:s26] =	ssyncadd.s32 $0xFFFFFD80  }
0x127: {  	_ =	swait.ge [sflag:s26], $0x280  }
0x128: {  	[sflag:s26] =	ssyncset.done $0x0  }
0x129: {  	[sflag:s26] =	ssyncadd.s32 $0xFFFFFD80  }
0x12a: {  	_ =	swait.ge [sflag:s26], $0x280  }
0x12b: {  	[sflag:s26] =	ssyncset.done $0x0  }
0x12c: {  	[sflag:s26] =	ssyncadd.s32 $0xFFFFFD80  }
0x12d: {  	_ =	swait.ge [sflag:s26], $0x280  }
0x12e: {  	[sflag:s26] =	ssyncset.done $0x0  }
0x12f: {  	[sflag:s26] =	ssyncadd.s32 $0xFFFFFD80  }
0x130: {  	_ =	swait.ge [sflag:s26], $0x280  }
0x131: {  	[sflag:s26] =	ssyncset.done $0x0  }
0x132: {  	[sflag:s26] =	ssyncadd.s32 $0xFFFFFD80  }
0x133: {  	_ =	swait.ge [sflag:s26], $0x280  }
0x134: {  	[sflag:s26] =	ssyncset.done $0x0  }
0x135: {  	[sflag:s26] =	ssyncadd.s32 $0xFFFFFD80  }
0x136: {  	_ =	swait.ge [sflag:s26], $0x280  }
0x137: {  	[sflag:s26] =	ssyncset.done $0x0  }
0x138: {  	[sflag:s26] =	ssyncadd.s32 $0xFFFFFD80  }
0x139: {  	_ =	swait.ge [sflag:s26], $0x280  }
0x13a: {  	[sflag:s26] =	ssyncset.done $0x0  }
0x13b: {  	[sflag:s26] =	ssyncadd.s32 $0xFFFFFD80  }
0x13c: {  	_ =	swait.ge [sflag:s26], $0x280  }
0x13d: {  	[sflag:s26] =	ssyncset.done $0x0  }
0x13e: {  	[sflag:s26] =	ssyncadd.s32 $0xFFFFFD80  }
0x13f: {  	_ =	swait.ge [sflag:s26], $0x280  }
0x140: {  	[sflag:s26] =	ssyncset.done $0x0  }
0x141: {  	[sflag:s26] =	ssyncadd.s32 $0xFFFFFD80  }
0x142: {  	_ =	swait.ge [sflag:s26], $0x280  }
0x143: {  	[sflag:s26] =	ssyncset.done $0x0  }
0x144: {  	[sflag:s26] =	ssyncadd.s32 $0xFFFFFD80  }
0x145: {  	_ =	swait.ge [sflag:s26], $0x280  }
0x146: {  	[sflag:s26] =	ssyncset.done $0x0  }
0x147: {  	[sflag:s26] =	ssyncadd.s32 $0xFFFFFD80  }
0x148: {  	_ =	swait.ge [sflag:s26], $0x280  }
0x149: {  	[sflag:s26] =	ssyncset.done $0x0  }
0x14a: {  	[sflag:s26] =	ssyncadd.s32 $0xFFFFFD80  }
0x14b: {  	_ =	swait.ge [sflag:s26], $0x280  }
0x14c: {  	s1 =	simm.s32 $0x0;
	[sflag:s26] =	ssyncset.done $0x0  }
0x14d: {  	s1 =	sand.u32 $0x3F0, s1;
	[sflag:s26] =	ssyncadd.s32 $0xFFFFFD80  }
0x14e: {  	v2 =	vld [tilespmem:s1+$0x7900]  }
0x14f: {  	v3 =	vld [tilespmem:s0+$0x0];
	_ =	sdelay $0x1  }
0x150: {  	v4 =	vld [tilespmem:s1+$0x7B80];
	_ =	sdelay $0x1  }
0x151: {  	v5 =	vld [tilespmem:s1+$0x7E00]  }
0x152: {  	v2 =	vadd.f32 v2, v3  }
0x153: {  	v3 =	vld [tilespmem:s1+$0x8080]  }
0x154: {  	v2 =	vadd.f32 v4, v2  }
0x155: {  	v56 =	vld [tilespmem:s1+$0x8300]  }
0x156: {  	v2 =	vadd.f32 v5, v2  }
0x157: {  	v57 =	vld [tilespmem:s1+$0x8580]  }
0x158: {  	v2 =	vadd.f32 v3, v2  }
0x159: {  	v3 =	vld [tilespmem:s1+$0x8800]  }
0x15a: {  	v2 =	vadd.f32 v56, v2  }
0x15b: {  	v58 =	vld [tilespmem:s1+$0x8A80]  }
0x15c: {  	v2 =	vadd.f32 v57, v2  }
0x15d: {  	v59 =	vld [tilespmem:s1+$0x8D00]  }
0x15e: {  	v2 =	vadd.f32 v3, v2  }
0x15f: {  	v3 =	vld [tilespmem:s1+$0x8F80]  }
0x160: {  	v2 =	vadd.f32 v58, v2  }
0x161: {  	v60 =	vld [tilespmem:s1+$0x9200]  }
0x162: {  	v2 =	vadd.f32 v59, v2  }
0x163: {  	v61 =	vld [tilespmem:s1+$0x9480]  }
0x164: {  	v2 =	vadd.f32 v3, v2  }
0x165: {  	v3 =	vld [tilespmem:s1+$0x9700]  }
0x166: {  	v2 =	vadd.f32 v60, v2  }
0x167: {  	v62 =	vld [tilespmem:s1+$0x9980]  }
0x168: {  	v2 =	vadd.f32 v61, v2  }
0x169: {  	v63 =	vld [tilespmem:s1+$0x9C00]  }
0x16a: {  	v2 =	vadd.f32 v3, v2;
	_ =	sdelay $0x1  }
0x16b: {  	v2 =	vadd.f32 v62, v2;
	_ =	sdelay $0x1  }
0x16c: {  	v2 =	vadd.f32 v63, v2  }
0x16d: {  	s1 =	simm.s32 $0x10  }
0x16e: {  	s31 =	sand.u32 $0x3F0, s1;
	[tilespmem:s30+$0x0] =	vst v2  }
0x16f: {  	s0 =	simm.s32 $0x7690;
	s1 =	simm.s32 $0x20;
	v2 =	vld [tilespmem:s31+$0x7900]  }
.LBB2_7:
0x170: {  	p1 =	seq.s32 s1, $0x270;
	v3 =	vld [tilespmem:s0+$0x0];
	_ =	sdelay $0x1  }
0x171: {  	v4 =	vld [tilespmem:s31+$0x7B80];
	_ =	sdelay $0x1  }
0x172: {  	v5 =	vld [tilespmem:s31+$0x7E00]  }
0x173: {  	v2 =	vadd.f32 v2, v3  }
0x174: {  	v3 =	vld [tilespmem:s31+$0x8080]  }
0x175: {  	v2 =	vadd.f32 v4, v2  }
0x176: {  	v4 =	vld [tilespmem:s31+$0x8300]  }
0x177: {  	v2 =	vadd.f32 v5, v2  }
0x178: {  	v5 =	vld [tilespmem:s31+$0x8580]  }
0x179: {  	v2 =	vadd.f32 v3, v2  }
0x17a: {  	v3 =	vld [tilespmem:s31+$0x8800]  }
0x17b: {  	v2 =	vadd.f32 v4, v2  }
0x17c: {  	v4 =	vld [tilespmem:s31+$0x8A80]  }
0x17d: {  	v2 =	vadd.f32 v5, v2  }
0x17e: {  	v5 =	vld [tilespmem:s31+$0x8D00]  }
0x17f: {  	v2 =	vadd.f32 v3, v2  }
0x180: {  	v3 =	vld [tilespmem:s31+$0x8F80]  }
0x181: {  	v2 =	vadd.f32 v4, v2  }
0x182: {  	v4 =	vld [tilespmem:s31+$0x9200]  }
0x183: {  	v2 =	vadd.f32 v5, v2  }
0x184: {  	v5 =	vld [tilespmem:s31+$0x9480]  }
0x185: {  	v2 =	vadd.f32 v3, v2  }
0x186: {  	v3 =	vld [tilespmem:s31+$0x9700]  }
0x187: {  	v2 =	vadd.f32 v4, v2  }
0x188: {  	v4 =	vld [tilespmem:s31+$0x9980]  }
0x189: {  	v2 =	vadd.f32 v5, v2  }
0x18a: {  	v5 =	vld [tilespmem:s31+$0x9C00]  }
0x18b: {  	v2 =	vadd.f32 v3, v2;
	_ =	sdelay $0x1  }
0x18c: {  	v2 =	vadd.f32 v4, v2  }
.Ltmp9:
0x18d: {  	(pc) =	sbr.rel @!p1 .LBB2_7-.Ltmp9, $4  }
0x18e: {  	v2 =	vadd.f32 v5, v2  }
0x18f: {  	s30 =	sadd.s32 $0x10, s30  }
0x190: {  	s31 =	sand.u32 $0x3F0, s1;
	[tilespmem:s30+$0x0] =	vst v2  }
0x191: {  	s0 =	sadd.s32 $0x10, s0;
	s1 =	sadd.s32 $0x10, s1;
	v2 =	vld [tilespmem:s31+$0x7900]  }
0x192: {  	v3 =	vld [tilespmem:s0+$0x0];
	_ =	sdelay $0x1  }
0x193: {  	v4 =	vld [tilespmem:s31+$0x7B80];
	_ =	sdelay $0x1  }
0x194: {  	v5 =	vld [tilespmem:s31+$0x7E00]  }
0x195: {  	v2 =	vadd.f32 v2, v3  }
0x196: {  	v3 =	vld [tilespmem:s31+$0x8080]  }
0x197: {  	v2 =	vadd.f32 v4, v2  }
0x198: {  	v56 =	vld [tilespmem:s31+$0x8300]  }
0x199: {  	v2 =	vadd.f32 v5, v2  }
0x19a: {  	v57 =	vld [tilespmem:s31+$0x8580]  }
0x19b: {  	v2 =	vadd.f32 v3, v2  }
0x19c: {  	v3 =	vld [tilespmem:s31+$0x8800]  }
0x19d: {  	v2 =	vadd.f32 v56, v2  }
0x19e: {  	v58 =	vld [tilespmem:s31+$0x8A80]  }
0x19f: {  	v2 =	vadd.f32 v57, v2  }
0x1a0: {  	v59 =	vld [tilespmem:s31+$0x8D00]  }
0x1a1: {  	v2 =	vadd.f32 v3, v2  }
0x1a2: {  	v3 =	vld [tilespmem:s31+$0x8F80]  }
0x1a3: {  	v2 =	vadd.f32 v58, v2  }
0x1a4: {  	v60 =	vld [tilespmem:s31+$0x9200]  }
0x1a5: {  	v2 =	vadd.f32 v59, v2  }
0x1a6: {  	v61 =	vld [tilespmem:s31+$0x9480]  }
0x1a7: {  	v2 =	vadd.f32 v3, v2  }
0x1a8: {  	v3 =	vld [tilespmem:s31+$0x9700]  }
0x1a9: {  	v2 =	vadd.f32 v60, v2  }
0x1aa: {  	v62 =	vld [tilespmem:s31+$0x9980]  }
0x1ab: {  	v2 =	vadd.f32 v61, v2  }
0x1ac: {  	v63 =	vld [tilespmem:s31+$0x9C00]  }
0x1ad: {  	v2 =	vadd.f32 v3, v2;
	_ =	sdelay $0x1  }
.Ltmp10:
0x1ae: {  	v2 =	vadd.f32 v62, v2;
	(pc) =	sbr.rel .LBB2_16-.Ltmp10, $4  }
0x1af: {  	_ = 	snop  }
0x1b0: {  	v2 =	vadd.f32 v63, v2  }
0x1b1: {  	s31 =	sadd.s32 $0x10, s30  }
0x1b2: {  	s0 =	rddreg [dreg:$0x4];
	[tilespmem:s31+$0x0] =	vst v2  }
.LBB2_17:
0x1b3: {  	_ =	sfence.sel $0x180000  }
0x1b4: {  	[bflag:$0x0] =	sbarrier.arrive $0xFFFF  }
0x1b5: {  	_ =	strace $0x90000047  }
0x1b6: {  	s0 =	stileid.u32;
	[bflag:$0x2] =	sbarrier.arrive $0xFFFF  }
0x1b7: {  	p0 =	sne.s32 s0, $0x0;
	s0 =	rddreg [dreg:$0x3]  }
0x1b8: {  	s0 =	sadd.s32 @!p0 $0x100000, s0  }
0x1b9: {  	[sflag:s0] =	ssyncadd.tile.s32 @!p0 $0x1;
	_ =	shalt  }
.Lfunc_end2:
_tile_overlayer_lowered:
.L_overlay_start_2:
0x1ba: {  	(tag) =	ssettag $0x2  }
0x1bb: {  	s0 =	rddreg [dreg:$0x0];
	s2 =	stileid.u32  }
0x1bc: {  	s1 =	rddreg [dreg:$0x1];
	p0 =	sne.s32 s2, $0x0  }
0x1bd: {  	s3 =	rddreg [dreg:$0x2];
	[bflag:$0x3] =	sbarrier.arrive $0xFFFF;
	s2 =	simm.s32 @!p0 $0x1C02  }
0x1be: {  	[timem:s3], [sflag:s2] =	dma.local @!p0 [hbm:s0], s1  }
0x1bf: {  	s0 =	simm.s32 @!p0 $0x2  }
0x1c0: {  	_ =	swait.ge @!p0 [sflag:s0], s1  }
0x1c1: {  	s1 =	ssub.s32 @!p0 $0x0, s1;
	[sflag:s0] =	ssyncset.done @!p0 $0x0  }
0x1c2: {  	[sflag:s0] =	ssyncadd.s32 @!p0 s1  }
0x1c3: {  	[bflag:$0x3] =	sbarrier.arrive $0xFFFF  }
0x1c4: {  	_ =	shalt  }

// kernel: kernel.9.cloned.1.call-start
scs
__scs_entry_jumppad:
0x0: {  	(pc) =	sbr.rel $0x88, $3  }
0x1: {  	(tag) =	ssettag $0x0;
	lr =	simm.s32 $0x1  }
0x2: {  	[smem:$0x3F96] =	sst lr;
	_ =	strace $0xD0000000  }
0x3: {  	_ = 	snop  }
0x4: {  	_ = 	snop  }
0x5: {  	_ = 	snop  }
0x6: {  	_ = 	snop  }
0x7: {  	_ = 	snop  }
__scs_overlays_trampoline_lowered:
0x8: {  	[smem:$0x3FA5] =	sst s0  }
0x9: {  	[smem:$0x3FA6] =	sst s1  }
0xa: {  	[smem:$0x3FA7] =	sst s2  }
0xb: {  	[smem:$0x3FA8] =	sst s3  }
0xc: {  	[smem:$0x3FA9] =	sst s4  }
0xd: {  	[smem:$0x3FAA] =	sst s5  }
0xe: {  	[smem:$0x3FAB] =	sst s6  }
0xf: {  	[smem:$0x3FAC] =	sst s7  }
0x10: {  	[smem:$0x3FAD] =	sst s8  }
0x11: {  	[smem:$0x3FAE] =	sst s9;
	s0 =	simm.s32 @!p0 $0x0  }
0x12: {  	s1 =	sld [smem:$0x3F94];
	s0 =	simm.s32 @p0 $0x1  }
0x13: {  	[smem:$0x3FAF] =	sst s0;
	s0 =	simm.s32 @!p1 $0x0  }
0x14: {  	s2 =	sld [smem:$0x3F93];
	s0 =	simm.s32 @p1 $0x1  }
0x15: {  	[smem:$0x3FB0] =	sst s0;
	s0 =	simm.s32 @!p2 $0x0  }
0x16: {  	s3 =	sld [smem:$0x3FDB];
	s0 =	simm.s32 @p2 $0x1  }
0x17: {  	s4 =	simm.s32 $0x1BF5;
	[smem:$0x3FB2] =	sst s0  }
0x18: {  	s0 =	sld [smem:$0x3F95];
	_ =	swait.ge [sflag:s4], $0x0  }
0x19: {  	s7 =	sld [smem:$0x3F96]  }
0x1a: {  	s8 =	sadd.s32 $0xFFFFE003, lr  }
0x1b: {  	s9 =	sadd.s32 $0xFFFFFEF7, lr;
	s5 =	simm.s32 $0xFFFFFFFF;
	p2 =	slt.u32 s8, $0xFFFFF086  }
0x1c: {  	p1 =	slt.u32 s9, $0xF7A;
	s5 =	simm.s32 @!p2 $0x0  }
0x1d: {  	s5 =	simm.s32 @p1 $0x1;
	p0 =	seq.s32 s7, s2  }
0x1e: {  	s7 =	smul.u32 @!p0 $0xF7A, s2;
	p2 =	seq.s32 @!p0 s5, $0x0  }
0x1f: {  	s9 =	smul.u32 $0xF7A, s1;
	s8 =	simm.s32 @!p0 $0x1BF5;
	p2 =	por !p2, p0  }
0x20: {  	[sflag:s8] =	ssyncset.s32 @!p0 $0xFFFFF086;
	s6 =	sadd.s32 @!p0 s3, s7;
	s7 =	simm.s32 @!p0 $0x108  }
0x21: {  	s3 =	sadd.s32 s3, s9;
	s6 =	sadd.s32 @!p0 $0x88, s6;
	s7 =	simm.s32 @p2 $0x1082  }
0x22: {  	[simem:s7], [sflag:s8] =	dma.local @!p0 [hbm:s6], $0xF7A  }
0x23: {  	s9 =	sor.u32 $0xD0000000, s2;
	s6 =	simm.s32 $0x108;
	_ =	swait.ge @!p0 [sflag:s8], $0x0  }
0x24: {  	s3 =	sadd.s32 $0x88, s3;
	s6 =	simm.s32 @!p1 $0x1082;
	[sflag:s4] =	ssyncset.s32 $0xFFFFF086  }
0x25: {  	[simem:s6], [sflag:s4] =	dma.local [hbm:s3], $0xF7A  }
0x26: {  	[smem:$0x3F96] =	sst s1;
	(tag) =	ssettag s2;
	_ =	strace s9  }
0x27: {  	s1 =	sld [smem:$0x3FA6]  }
0x28: {  	s2 =	sld [smem:$0x3FA7]  }
0x29: {  	s4 =	sld [smem:$0x3FA9]  }
0x2a: {  	p0 =	seq.s32 s5, $0x0;
	s5 =	sld [smem:$0x3FAA]  }
0x2b: {  	s6 =	sld [smem:$0x3FAB]  }
0x2c: {  	s7 =	sld [smem:$0x3FAC]  }
0x2d: {  	s3 =	simm.s32 $0x108;
	s8 =	sld [smem:$0x3FAD]  }
0x2e: {  	s3 =	simm.s32 @!p0 $0x1082;
	s9 =	sld [smem:$0x3FAE]  }
0x2f: {  	lr =	sadd.s32 s0, s3;
	s0 =	sld [smem:$0x3FA5]  }
0x30: {  	s3 =	sld [smem:$0x3FA8]  }
0x31: {  	[smem:$0x3FB1] =	sst s10  }
0x32: {  	s10 =	sld [smem:$0x3FAF];
	_ =	sdelay $0x3  }
0x33: {  	p0 =	seq.s32 s10, $0x1;
	s10 =	sld [smem:$0x3FB1];
	_ =	sdelay $0x3  }
0x34: {  	[smem:$0x3FB1] =	sst s10  }
0x35: {  	s10 =	sld [smem:$0x3FB0];
	_ =	sdelay $0x3  }
0x36: {  	p1 =	seq.s32 s10, $0x1;
	s10 =	sld [smem:$0x3FB1];
	_ =	sdelay $0x3  }
0x37: {  	[smem:$0x3FB1] =	sst s10  }
0x38: {  	s10 =	sld [smem:$0x3FB2]  }
0x39: {  	_ = 	snop;
	(pc) =	sbr.ind lr, $3  }
0x3a: {  	_ = 	snop  }
0x3b: {  	_ = 	snop  }
0x3c: {  	p2 =	seq.s32 s10, $0x1;
	s10 =	sld [smem:$0x3FB1]  }
0x3d: {  	_ =	shalt  }
0x3e: {  	_ =	shalt  }
0x3f: {  	_ =	shalt  }
0x40: {  	_ =	shalt  }
0x41: {  	_ =	shalt  }
0x42: {  	_ =	shalt  }
0x43: {  	_ =	shalt  }
0x44: {  	_ =	shalt  }
0x45: {  	_ =	shalt  }
0x46: {  	_ =	shalt  }
0x47: {  	_ =	shalt  }
0x48: {  	_ =	shalt  }
0x49: {  	_ =	shalt  }
0x4a: {  	_ =	shalt  }
0x4b: {  	_ =	shalt  }
0x4c: {  	_ =	shalt  }
0x4d: {  	_ =	shalt  }
0x4e: {  	_ =	shalt  }
0x4f: {  	_ =	shalt  }
0x50: {  	_ =	shalt  }
0x51: {  	_ =	shalt  }
0x52: {  	_ =	shalt  }
0x53: {  	_ =	shalt  }
0x54: {  	_ =	shalt  }
0x55: {  	_ =	shalt  }
0x56: {  	_ =	shalt  }
0x57: {  	_ =	shalt  }
0x58: {  	_ =	shalt  }
0x59: {  	_ =	shalt  }
0x5a: {  	_ =	shalt  }
0x5b: {  	_ =	shalt  }
0x5c: {  	_ =	shalt  }
0x5d: {  	_ =	shalt  }
0x5e: {  	_ =	shalt  }
0x5f: {  	_ =	shalt  }
0x60: {  	_ =	shalt  }
0x61: {  	_ =	shalt  }
0x62: {  	_ =	shalt  }
0x63: {  	_ =	shalt  }
0x64: {  	_ =	shalt  }
0x65: {  	_ =	shalt  }
0x66: {  	_ =	shalt  }
0x67: {  	_ =	shalt  }
0x68: {  	_ =	shalt  }
0x69: {  	_ =	shalt  }
0x6a: {  	_ =	shalt  }
0x6b: {  	_ =	shalt  }
0x6c: {  	_ =	shalt  }
0x6d: {  	_ =	shalt  }
0x6e: {  	_ =	shalt  }
0x6f: {  	_ =	shalt  }
0x70: {  	_ =	shalt  }
0x71: {  	_ =	shalt  }
0x72: {  	_ =	shalt  }
0x73: {  	_ =	shalt  }
0x74: {  	_ =	shalt  }
0x75: {  	_ =	shalt  }
0x76: {  	_ =	shalt  }
0x77: {  	_ =	shalt  }
0x78: {  	_ =	shalt  }
0x79: {  	_ =	shalt  }
0x7a: {  	_ =	shalt  }
0x7b: {  	_ =	shalt  }
0x7c: {  	_ =	shalt  }
0x7d: {  	_ =	shalt  }
0x7e: {  	_ =	shalt  }
0x7f: {  	_ =	shalt  }
0x80: {  	_ =	shalt  }
0x81: {  	_ =	shalt  }
0x82: {  	_ =	shalt  }
0x83: {  	_ =	shalt  }
0x84: {  	_ =	shalt  }
0x85: {  	_ =	shalt  }
0x86: {  	_ =	shalt  }
0x87: {  	_ =	shalt  }
.Lfunc_end0:
.L_simem_size_0:
called_computation.1_lowered:
.L_overlay_start_0:
0x88: {  	s2 =	sld [smem:$0x3FD9]  }
0x89: {  	s3 =	sld [smem:$0x3FFE];
	_ =	sdelay $0x1  }
0x8a: {  	s1 =	srdreg.scid  }
0x8b: {  	s0 =	sand.u32 $0x1, s1  }
0x8c: {  	s17 =	sshll.u32 s0, $0xA;
	s2 =	sadd.s32 s3, s2  }
0x8d: {  	s2 =	sadd.s32 s2, s17  }
0x8e: {  	[smem:$0x3FBD] =	sst s2  }
0x8f: {  	_ = 	snop  }
0x90: {  	s2 =	sld [smem:$0x3FD0];
	(tm) =	ssettm $0x1  }
0x91: {  	s18 =	sld [smem:$0x3FFB];
	_ =	sdelay $0x3  }
0x92: {  	_ =	strace s18  }
0x93: {  	s3 =	sld [smem:$0x3FFC];
	_ =	sdelay $0x3  }
0x94: {  	_ =	strace s3  }
0x95: {  	s3 =	sld [smem:$0x3FFD];
	_ =	sdelay $0x3  }
0x96: {  	_ =	strace s3  }
0x97: {  	_ =	strace $0x8FFFFFFF  }
0x98: {  	s19 =	sld [smem:$0x3FDB];
	_ =	sdelay $0x1  }
0x99: {  	s4 =	simm.s32 $_scs_section_size  }
0x9a: {  	s5 =	simm.s32 $_size__tile_overlayer_lowered;
	s6 =	simm.s32 $_tile_overlayer_lowered  }
0x9b: {  	s22 =	simm.s32 $0x1BFF;
	s21 =	sshll.u32 s6, $0x1;
	s3 =	sadd.s32 s4, s19  }
0x9c: {  	s7 =	simm.s32 $0x0;
	s20 =	sshll.u32 s5, $0x1;
	s5 =	sadd.s32 s21, s3  }
0x9d: {  	[timem:s7], [sflag:s22] =	dma.local [hbm:s5], s20  }
0x9e: {  	_ =	swait.ge [sflag:s22], s20  }
0x9f: {  	s4 =	ssub.s32 $0x0, s20;
	[sflag:s22] =	ssyncset.done $0x0  }
0xa0: {  	[sflag:s22] =	ssyncadd.s32 s4;
	_ =	sdelay $0x1  }
0xa1: {  	s23 =	simm.s32 $0x1B8B  }
0xa2: {  	_ =	swait.ge [sflag:s23], $0x1  }
0xa3: {  	[sflag:s23] =	ssyncset.done $0x0  }
0xa4: {  	s25 =	simm.s32 $0x1B8E;
	s24 =	sld [smem:$0x3FFE];
	[sflag:s23] =	ssyncadd.s32 $0xFFFFFFFF  }
0xa5: {  	s26 =	simm.s32 $execute0_lowered;
	[smem:$0x3FD2] =	sst s25  }
0xa6: {  	s5 =	sshll.u32 s26, $0x1;
	_ =	strace $0x80000049;
	[dreg:$0x1] =	wrdreg $0xFFFFFFFF  }
0xa7: {  	s28 =	simm.s32 $_size_execute0_lowered;
	s3 =	sadd.s32 s3, s5;
	[dreg:$0x0] =	wrdreg $0x0  }
0xa8: {  	s5 =	sshll.u32 s28, $0x1;
	[dreg:$0x2] =	wrdreg s3  }
0xa9: {  	[dreg:$0x3] =	wrdreg s5  }
0xaa: {  	[dreg:$0x4] =	wrdreg $0xC0  }
0xab: {  	_ =	task [dreg:s7], $0x5FFFF  }
0xac: {  	[dreg:$0x1] =	wrdreg $0xFFFFFFFF  }
0xad: {  	[dreg:$0x0] =	wrdreg $0x60  }
0xae: {  	[dreg:$0x2] =	wrdreg s2  }
0xaf: {  	[dreg:$0x3] =	wrdreg s24  }
0xb0: {  	[dreg:$0x4] =	wrdreg $0x78000  }
0xb1: {  	[dreg:$0x5] =	wrdreg $0x9  }
0xb2: {  	_ =	task.clear_ibuf [dreg:s7], $0x6FFFF;
	_ =	strace $0x90000049  }
0xb3: {  	s29 =	simm.s32 $0x9;
	_ =	strace $0x8000004B  }
0xb4: {  	_ =	swait.ge [sflag:s29], $0x1  }
0xb5: {  	[sflag:s29] =	ssyncadd.s32 $0xFFFFFFFF  }
0xb6: {  	_ =	strace $0x9000004B  }
0xb7: {  	_ =	sfence  }
0xb8: {  	s30 =	sld [smem:$0x0];
	_ =	sdelay $0x2  }
0xb9: {  	s31 =	sshll.u32 s1, $0xD;
	s1 =	sshrl.u32 s1, $0x2  }
0xba: {  	s3 =	sand.u32 $0x4000, s31;
	s1 =	sadd.s32 s1, s30  }
0xbb: {  	s0 =	sor.u32 s3, s0;
	s1 =	sshll.u32 s1, $0x11  }
0xbc: {  	s0 =	sor.u32 s1, s0  }
0xbd: {  	s0 =	sadd.s32 $0x8F2B, s0  }
0xbe: {  	[sflag:s0] =	ssyncadd.remote.s32 $0x1  }
0xbf: {  	_ =	sfence.sel $0xFFFF  }
0xc0: {  	[dreg:$0x0] =	wrdreg $0xFFFFFFFF;
	(pc) =	sbr.abs _section_cstart, $3  }
0xc1: {  	[dreg:$0x1] =	wrdreg $0xFFFFFFFF  }
0xc2: {  	_ =	task.clear_ibuf [dreg:s7], $0x2FFFF;
	_ =	strace $0x9FFFFFFF  }
0xc3: {  	(tm) =	ssettm $0x7FFFFFFF  }
tec
execute0_lowered:
.L_overlay_start_1:
0x0: {  	(tag) =	ssettag $0x1  }
0x1: {  	s1 =	rddreg [dreg:$0x0]  }
0x2: {  	s0 =	rddreg [dreg:$0x1]  }
0x3: {  	s2 =	rddreg [dreg:$0x2]  }
0x4: {  	s3 =	simm.s32 $0x0;
	s4 =	srdreg.scid;
	s14 =	stileid.u32  }
0x5: {  	s31 =	simm.s32 $0x64;
	[smem:$0x7FF] =	sst s3;
	s5 =	sadd.s32 $0x99C00, s0  }
0x6: {  	s6 =	sadd.s32 $0x17C00, s0;
	s7 =	sadd.s32 $0x30C00, s0;
	s9 =	smul.u32 $0x50000, s14  }
0x7: {  	s4 =	sand.u32 $0x1, s4;
	s8 =	sadd.s32 $0x3600, s0;
	s11 =	smul.u32 $0x6400, s14  }
0x8: {  	s12 =	sadd.s32 $0xC0E00, s0;
	s18 =	sadd.s32 $0xE8E00, s0;
	s17 =	smul.u32 $0x2800, s14  }
0x9: {  	s16 =	sadd.s32 $0x24400, s0;
	s28 =	smul.u32 $0xC80, s14;
	s30 =	sshll.u32 s14, $0x6  }
0xa: {  	s14 =	simm.s32 $0x4;
	_ =	strace $0x8000004A;
	[dreg:$0x4] =	wrdreg s12  }
0xb: {  	s10 =	ssub.s32 $0x2, s4;
	[dreg:$0x5] =	wrdreg s18;
	p0 =	seq.s32 s4, $0x1  }
0xc: {  	s19 =	sshrl.u32 s10, $0x1;
	s9 =	sshrl.u32 s9, $0x2;
	s20 =	sshrl.u32 s11, $0x3  }
0xd: {  	s10 =	ssub.s32 s10, s19;
	s11 =	sadd.s32 s9, s2;
	s21 =	sadd.s32 s6, s20  }
0xe: {  	s22 =	sadd.s32 $0xC800, s20;
	s23 =	sadd.s32 $0x80, s20;
	s13 =	sadd.s32 $0xC880, s20  }
0xf: {  	s12 =	sadd.s32 s7, s20;
	s9 =	simm.s32 $0x1;
	[dreg:$0x6] =	wrdreg s21  }
0x10: {  	s15 =	sadd.s32 s6, s22;
	s24 =	sadd.s32 s6, s23;
	[dreg:$0xa] =	wrdreg s12  }
0x11: {  	s25 =	sadd.s32 s6, s13;
	s4 =	sadd.s32 s7, s22;
	[dreg:$0x7] =	wrdreg s15  }
0x12: {  	s26 =	sadd.s32 s7, s23;
	s29 =	sadd.s32 s7, s13;
	[dreg:$0x8] =	wrdreg s24  }
.Ltmp0:
0x13: {  	s22 =	sadd.s32 $0x3D400, s0;
	[dreg:$0x9] =	wrdreg s25;
	(pc) =	sbr.rel .LBB2_1-.Ltmp0, $4  }
0x14: {  	s23 =	smax.u32 s10, $0x1;
	s0 =	simm.s32 $0x1000;
	[dreg:$0xb] =	wrdreg s4  }
0x15: {  	s10 =	simm.s32 $0x3;
	s12 =	simm.s32 $0x5;
	[dreg:$0xc] =	wrdreg s26  }
0x16: {  	s13 =	simm.s32 $0x2;
	[dreg:$0xd] =	wrdreg s29;
	s24 =	sadd.s32 $0x80, s28  }
0x17: {  	s25 =	sor.u32 $0x1C06, s30;
	s26 =	simm.s32 $0x6;
	s4 =	simm.s32 $0x4400  }
.LBB2_33:
0x18: {  	s18 =	rddreg [dreg:$0x5]  }
.LBB2_34:
0x19: {  	_ =	swait.ge [sflag:s14], $0x3200  }
0x1a: {  	s3 =	sadd.s32 $0x1, s3;
	[sflag:s14] =	ssyncset.done $0x0  }
0x1b: {  	p1 =	sne.s32 s3, s23;
	[sflag:s14] =	ssyncadd.s32 $0xFFFFCE00  }
.Ltmp1:
0x1c: {  	s18 =	sadd.s32 s18, s17;
	[bflag:$0x0] =	sbarrier.arrive $0xFFFF;
	(pc) =	sbr.rel @!p1 .LBB2_35-.Ltmp1, $4  }
0x1d: {  	[hbm:s18], [sflag:s25] =	dma.local [spmem:s15], $0x2800  }
0x1e: {  	_ =	swait.ge [sflag:s26], $0x2800  }
0x1f: {  	[sflag:s26] =	ssyncset.done $0x0  }
0x20: {  	[sflag:s26] =	ssyncadd.s32 $0xFFFFD800  }
.LBB2_1:
.Ltmp2:
0x21: {  	s15 =	sshrl.u32 s11, $0x3;
	(pc) =	sbr.rel @!p0 .LBB2_2-.Ltmp2, $4  }
0x22: {  	[spmem:s15], [sflag:s25] =	dma.local [hbm:s8], $0x2800  }
0x23: {  	_ =	swait.ge [sflag:s26], $0x2800  }
0x24: {  	[sflag:s26] =	ssyncset.done $0x0  }
0x25: {  	s28 =	simm.s32 $0x0;
	[sflag:s26] =	ssyncadd.s32 $0xFFFFD800  }
0x26: {  	s18 =	rddreg [dreg:$0xa]  }
0x27: {  	[tilespmem:s28], [sflag:$0x6] =	stream.linear.gather [hbm4b:s18+s28], $0x400, $0x38;
	[tilespmem:$0x1B800] =	vst v63  }
0x28: {  	_ =	swait.ge [sflag:s26], $0x400  }
0x29: {  	[sflag:s26] =	ssyncset.done $0x0  }
0x2a: {  	s19 =	simm.s32 $0x400;
	s30 =	rddreg [dreg:$0xb];
	[sflag:s26] =	ssyncadd.s32 $0xFFFFFC00  }
0x2b: {  	[tilespmem:s19], [sflag:$0x6] =	stream.linear.gather [hbm4b:s30+s28], $0x400, $0x38;
	[tilespmem:$0x1B800] =	vst v63  }
0x2c: {  	_ =	swait.ge [sflag:s26], $0x400  }
0x2d: {  	[sflag:s26] =	ssyncset.done $0x0  }
0x2e: {  	s21 =	simm.s32 $0x800;
	s20 =	rddreg [dreg:$0xc];
	[sflag:s26] =	ssyncadd.s32 $0xFFFFFC00  }
0x2f: {  	[tilespmem:s21], [sflag:$0x5] =	stream.linear.gather [hbm4b:s20+s28], $0x400, $0x38;
	[tilespmem:$0x1B800] =	vst v63  }
.Ltmp3:
0x30: {  	_ = 	snop;
	(pc) =	sbr.rel .LBB2_19-.Ltmp3, $4  }
0x31: {  	s30 =	simm.s32 $0xC00;
	s29 =	rddreg [dreg:$0xd]  }
0x32: {  	[tilespmem:s30], [sflag:$0x5] =	stream.linear.gather [hbm4b:s29+s28], $0x400, $0x38;
	[tilespmem:$0x1B800] =	vst v63  }
0x33: {  	[bflag:$0x0] =	sbarrier.arrive $0xFFFF  }
0x34: {  	[tilespmem:s0], [sflag:$0x1] =	stream.indirect.gather [hbm4b:s5+s31], $0x80, s28, s31, $0xb8;
	[tilespmem:$0x1B800] =	vst v63  }
.LBB2_27:
0x35: {  	s18 =	sadd.s32 $0x900, s29  }
.LBB2_30:
0x36: {  	[tilespmem:s0], [sflag:$0x1] =	stream.indirect.gather [hbm4b:s5+s31], $0x80, s18, s31, $0xb8;
	[tilespmem:$0x1B800] =	vst v63  }
.LBB2_31:
0x37: {  	_ =	swait.ge [sflag:s13], $0x3200  }
0x38: {  	s18 =	sor.u32 $0x80, s19;
	[sflag:s13] =	ssyncset.done $0x0  }
0x39: {  	s18 =	sor.u32 $0xC00, s18;
	[sflag:s13] =	ssyncadd.s32 $0xFFFFCE00  }
0x3a: {  	[spmem:s2] =	stream.indirect.scatter.add.f32 [tilespmem:s4], [sflag:$0x4], $0x80, s18, s31, $0xb8;
	[tilespmem:$0x1B800] =	vst v63  }
.LBB2_32:
0x3b: {  	s28 =	sadd.s32 $0x1, s28  }
0x3c: {  	p1 =	sne.s32 s28, $0x64  }
.Ltmp4:
0x3d: {  	_ = 	snop;
	(pc) =	sbr.rel @!p1 .LBB2_33-.Ltmp4, $1  }
0x3e: {  	_ =	sdelay $0x3  }
.LBB2_19:
0x3f: {  	s29 =	sshrl.u32 s28, $0x2  }
0x40: {  	s18 =	sand.u32 $0x1, s29  }
0x41: {  	p1 =	seq.s32 s18, $0x1  }
.Ltmp5:
0x42: {  	_ = 	snop;
	(pc) =	sbr.rel @p1 .LBB2_26-.Ltmp5, $2  }
0x43: {  	_ =	sdelay $0x2  }
0x44: {  	s18 =	sand.u32 $0x3, s28  }
0x45: {  	p1 =	seq.s32 s18, $0x0  }
0x46: {  	p2 =	seq.s32 @p1 s28, $0x0  }
0x47: {  	p3 =	por p2, !p1  }
0x48: {  	s19 =	sadd.s32 @!p3 $0xFFFFFFFC, s28  }
0x49: {  	p4 =	sgt.u32 @!p3 s19, $0x5B  }
0x4a: {  	s19 =	simm.s32 @!p3 $0x4;
	p2 =	por @p1 p4, p2  }
0x4b: {  	_ =	swait.ge @!p3 [sflag:s19], $0x3200;
	p2 =	por p2, !p1  }
0x4c: {  	[sflag:s19] =	ssyncset.done @!p3 $0x0;
	s20 =	sshll.u32 @!p2 s29, $0x7  }
0x4d: {  	[sflag:s19] =	ssyncadd.s32 @!p3 $0xFFFFCE00;
	s19 =	sadd.s32 @!p2 s24, s20  }
0x4e: {  	s21 =	simm.s32 @!p2 $0x0;
	s30 =	simm.s32 @!p2 $0x800;
	s20 =	sadd.s32 @!p2 s7, s19  }
0x4f: {  	[tilespmem:s30], [sflag:$0x5] =	stream.linear.gather @!p2 [hbm4b:s20+s21], $0x400, $0x38;
	[tilespmem:$0x1B800] =	vst v63  }
0x50: {  	s19 =	sadd.s32 @!p2 s19, s22;
	s20 =	simm.s32 @!p2 $0xC00  }
0x51: {  	[tilespmem:s20], [sflag:$0x5] =	stream.linear.gather @!p2 [hbm4b:s19+s21], $0x400, $0x38;
	[tilespmem:$0x1B800] =	vst v63  }
0x52: {  	s19 =	simm.s32 @!p1 $0x4  }
0x53: {  	_ =	swait.ge @!p1 [sflag:s19], $0x3200  }
0x54: {  	s21 =	sshll.u32 s18, $0x8;
	[sflag:s19] =	ssyncset.done @!p1 $0x0  }
0x55: {  	[sflag:s19] =	ssyncadd.s32 @!p1 $0xFFFFCE00;
	s19 =	sor.u32 $0x80, s21  }
0x56: {  	[tilespmem:s4], [sflag:$0x2] =	stream.indirect.gather [hbm4b:s5+s31], $0x80, s19, s31, $0xb8;
	[tilespmem:$0x1B800] =	vst v63  }
0x57: {  	s21 =	sshll.u32 s18, $0xA;
	_ =	swait.ge [sflag:s9], $0x3200  }
0x58: {  	p1 =	seq.s32 s18, $0x3;
	s30 =	sshrl.u32 s21, $0x2;
	[sflag:s9] =	ssyncset.done $0x0  }
.Ltmp6:
0x59: {  	s20 =	sor.u32 $0x400, s30;
	[sflag:s9] =	ssyncadd.s32 $0xFFFFCE00;
	(pc) =	sbr.rel @!p1 .LBB2_21-.Ltmp6, $4  }
0x5a: {  	[spmem:s2] =	stream.indirect.scatter.add.f32 [tilespmem:s0], [sflag:$0x3], $0x80, s20, s31, $0xb8;
	[tilespmem:$0x1B800] =	vst v63  }
0x5b: {  	_ =	swait.ge [sflag:s10], $0x3200  }
0x5c: {  	[sflag:s10] =	ssyncset.done $0x0  }
0x5d: {  	[sflag:s10] =	ssyncadd.s32 $0xFFFFCE00  }
0x5e: {  	p1 =	seq.s32 s28, $0x63  }
.Ltmp7:
0x5f: {  	_ = 	snop;
	(pc) =	sbr.rel @p1 .LBB2_25-.Ltmp7, $1  }
0x60: {  	_ =	sdelay $0x3  }
0x61: {  	_ =	swait.ge [sflag:s12], $0x400  }
.Ltmp8:
0x62: {  	[sflag:s12] =	ssyncset.done $0x0;
	(pc) =	sbr.rel .LBB2_24-.Ltmp8, $4  }
0x63: {  	[sflag:s12] =	ssyncadd.s32 $0xFFFFFC00  }
0x64: {  	_ =	swait.ge [sflag:s12], $0x400  }
0x65: {  	[sflag:s12] =	ssyncset.done $0x0  }
0x66: {  	s30 =	simm.s32 $0x800;
	[sflag:s12] =	ssyncadd.s32 $0xFFFFFC00  }
.LBB2_21:
0x67: {  	s30 =	sadd.s32 $0x100, s30  }
.LBB2_24:
0x68: {  	[tilespmem:s0], [sflag:$0x1] =	stream.indirect.gather [hbm4b:s5+s31], $0x80, s30, s31, $0xb8;
	[tilespmem:$0x1B800] =	vst v63  }
.LBB2_25:
0x69: {  	s30 =	sand.u32 $0x4, s28  }
0x6a: {  	p1 =	seq.s32 s30, $0x0  }
.Ltmp9:
0x6b: {  	_ = 	snop;
	(pc) =	sbr.rel @p1 .LBB2_32-.Ltmp9, $4  }
0x6c: {  	_ =	swait.ge [sflag:s13], $0x3200  }
0x6d: {  	[sflag:s13] =	ssyncset.done $0x0  }
0x6e: {  	s19 =	sor.u32 $0x400, s19;
	[sflag:s13] =	ssyncadd.s32 $0xFFFFCE00  }
0x6f: {  	[spmem:s2] =	stream.indirect.scatter.add.f32 [tilespmem:s4], [sflag:$0x4], $0x80, s19, s31, $0xb8;
	[tilespmem:$0x1B800] =	vst v63  }
.LBB2_26:
0x70: {  	p1 =	seq.s32 s18, $0x0  }
0x71: {  	p2 =	seq.s32 @p1 s28, $0x0  }
0x72: {  	p3 =	por p2, !p1  }
0x73: {  	s19 =	sadd.s32 @!p3 $0xFFFFFFFC, s28  }
0x74: {  	p4 =	sgt.u32 @!p3 s19, $0x5B  }
0x75: {  	p2 =	por @p1 p4, p2  }
0x76: {  	s19 =	simm.s32 @!p3 $0x4;
	p2 =	por p2, !p1  }
0x77: {  	_ =	swait.ge @!p3 [sflag:s19], $0x3200;
	s20 =	sshll.u32 @!p2 s29, $0x7  }
0x78: {  	[sflag:s19] =	ssyncset.done @!p3 $0x0;
	s20 =	sadd.s32 @!p2 s24, s20  }
0x79: {  	[sflag:s19] =	ssyncadd.s32 @!p3 $0xFFFFCE00;
	s21 =	simm.s32 @!p2 $0x0;
	s19 =	sadd.s32 @!p2 s7, s20  }
0x7a: {  	[tilespmem:s21], [sflag:$0x5] =	stream.linear.gather @!p2 [hbm4b:s19+s21], $0x400, $0x38;
	[tilespmem:$0x1B800] =	vst v63  }
0x7b: {  	s19 =	sadd.s32 @!p2 s20, s22;
	s20 =	simm.s32 @!p2 $0x400  }
0x7c: {  	[tilespmem:s20], [sflag:$0x5] =	stream.linear.gather @!p2 [hbm4b:s19+s21], $0x400, $0x38;
	[tilespmem:$0x1B800] =	vst v63  }
0x7d: {  	s20 =	simm.s32 @!p1 $0x4  }
0x7e: {  	_ =	swait.ge @!p1 [sflag:s20], $0x3200  }
0x7f: {  	s19 =	sshll.u32 s18, $0x8;
	[sflag:s20] =	ssyncset.done @!p1 $0x0  }
0x80: {  	s21 =	sor.u32 $0x880, s19;
	[sflag:s20] =	ssyncadd.s32 @!p1 $0xFFFFCE00  }
0x81: {  	[tilespmem:s4], [sflag:$0x2] =	stream.indirect.gather [hbm4b:s5+s31], $0x80, s21, s31, $0xb8;
	[tilespmem:$0x1B800] =	vst v63  }
0x82: {  	s30 =	sshll.u32 s18, $0xA;
	_ =	swait.ge [sflag:s9], $0x3200  }
0x83: {  	s29 =	sshrl.u32 s30, $0x2;
	p1 =	seq.s32 s18, $0x3;
	[sflag:s9] =	ssyncset.done $0x0  }
.Ltmp10:
0x84: {  	s20 =	sor.u32 $0xC00, s29;
	[sflag:s9] =	ssyncadd.s32 $0xFFFFCE00;
	(pc) =	sbr.rel @!p1 .LBB2_27-.Ltmp10, $4  }
0x85: {  	[spmem:s2] =	stream.indirect.scatter.add.f32 [tilespmem:s0], [sflag:$0x3], $0x80, s20, s31, $0xb8;
	[tilespmem:$0x1B800] =	vst v63  }
0x86: {  	_ =	swait.ge [sflag:s10], $0x3200  }
0x87: {  	[sflag:s10] =	ssyncset.done $0x0  }
0x88: {  	[sflag:s10] =	ssyncadd.s32 $0xFFFFCE00  }
0x89: {  	p1 =	seq.s32 s28, $0x63  }
.Ltmp11:
0x8a: {  	_ = 	snop;
	(pc) =	sbr.rel @p1 .LBB2_31-.Ltmp11, $1  }
0x8b: {  	_ =	sdelay $0x3  }
0x8c: {  	_ =	swait.ge [sflag:s12], $0x400  }
.Ltmp12:
0x8d: {  	[sflag:s12] =	ssyncset.done $0x0;
	(pc) =	sbr.rel .LBB2_30-.Ltmp12, $4  }
0x8e: {  	[sflag:s12] =	ssyncadd.s32 $0xFFFFFC00  }
0x8f: {  	_ =	swait.ge [sflag:s12], $0x400  }
0x90: {  	[sflag:s12] =	ssyncset.done $0x0  }
0x91: {  	s18 =	simm.s32 $0x0;
	[sflag:s12] =	ssyncadd.s32 $0xFFFFFC00  }
.LBB2_2:
0x92: {  	s18 =	rddreg [dreg:$0x6]  }
0x93: {  	[tilespmem:s28], [sflag:$0x6] =	stream.linear.gather [hbm4b:s18+s28], $0x400, $0x38;
	[tilespmem:$0x1B800] =	vst v63  }
0x94: {  	_ =	swait.ge [sflag:s26], $0x400  }
0x95: {  	[sflag:s26] =	ssyncset.done $0x0  }
0x96: {  	s19 =	simm.s32 $0x400;
	s30 =	rddreg [dreg:$0x7];
	[sflag:s26] =	ssyncadd.s32 $0xFFFFFC00  }
0x97: {  	[tilespmem:s19], [sflag:$0x6] =	stream.linear.gather [hbm4b:s30+s28], $0x400, $0x38;
	[tilespmem:$0x1B800] =	vst v63  }
0x98: {  	_ =	swait.ge [sflag:s26], $0x400  }
0x99: {  	[sflag:s26] =	ssyncset.done $0x0  }
0x9a: {  	s21 =	simm.s32 $0x800;
	s20 =	rddreg [dreg:$0x8];
	[sflag:s26] =	ssyncadd.s32 $0xFFFFFC00  }
0x9b: {  	[tilespmem:s21], [sflag:$0x5] =	stream.linear.gather [hbm4b:s20+s28], $0x400, $0x38;
	[tilespmem:$0x1B800] =	vst v63  }
.Ltmp13:
0x9c: {  	_ = 	snop;
	(pc) =	sbr.rel .LBB2_3-.Ltmp13, $4  }
0x9d: {  	s30 =	simm.s32 $0xC00;
	s29 =	rddreg [dreg:$0x9]  }
0x9e: {  	[tilespmem:s30], [sflag:$0x5] =	stream.linear.gather [hbm4b:s29+s28], $0x400, $0x38;
	[tilespmem:$0x1B800] =	vst v63  }
0x9f: {  	[bflag:$0x0] =	sbarrier.arrive $0xFFFF  }
0xa0: {  	[tilespmem:s0], [sflag:$0x1] =	stream.indirect.gather [hbm4b:s1+s31], $0x80, s28, s31, $0xb8;
	[tilespmem:$0x1B800] =	vst v63  }
.LBB2_11:
0xa1: {  	s18 =	sadd.s32 $0x900, s29  }
.LBB2_14:
0xa2: {  	[tilespmem:s0], [sflag:$0x1] =	stream.indirect.gather [hbm4b:s1+s31], $0x80, s18, s31, $0xb8;
	[tilespmem:$0x1B800] =	vst v63  }
.LBB2_15:
0xa3: {  	_ =	swait.ge [sflag:s13], $0x3200  }
0xa4: {  	s18 =	sor.u32 $0x80, s19;
	[sflag:s13] =	ssyncset.done $0x0  }
0xa5: {  	s18 =	sor.u32 $0xC00, s18;
	[sflag:s13] =	ssyncadd.s32 $0xFFFFCE00  }
0xa6: {  	[spmem:s2] =	stream.indirect.scatter.add.f32 [tilespmem:s4], [sflag:$0x4], $0x80, s18, s31, $0xb8;
	[tilespmem:$0x1B800] =	vst v63  }
.LBB2_16:
0xa7: {  	s28 =	sadd.s32 $0x1, s28  }
0xa8: {  	p1 =	seq.s32 s28, $0x64  }
.Ltmp14:
0xa9: {  	_ = 	snop;
	(pc) =	sbr.rel @p1 .LBB2_17-.Ltmp14, $1  }
0xaa: {  	_ =	sdelay $0x3  }
.LBB2_3:
0xab: {  	s29 =	sshrl.u32 s28, $0x2  }
0xac: {  	s18 =	sand.u32 $0x1, s29  }
0xad: {  	p1 =	seq.s32 s18, $0x1  }
.Ltmp15:
0xae: {  	_ = 	snop;
	(pc) =	sbr.rel @p1 .LBB2_10-.Ltmp15, $2  }
0xaf: {  	_ =	sdelay $0x2  }
0xb0: {  	s18 =	sand.u32 $0x3, s28  }
0xb1: {  	p1 =	seq.s32 s18, $0x0  }
0xb2: {  	p2 =	seq.s32 @p1 s28, $0x0  }
0xb3: {  	p3 =	por p2, !p1  }
0xb4: {  	s19 =	sadd.s32 @!p3 $0xFFFFFFFC, s28  }
0xb5: {  	p4 =	sgt.u32 @!p3 s19, $0x5B  }
0xb6: {  	s19 =	simm.s32 @!p3 $0x4;
	p2 =	por @p1 p4, p2  }
0xb7: {  	_ =	swait.ge @!p3 [sflag:s19], $0x3200;
	p2 =	por p2, !p1  }
0xb8: {  	[sflag:s19] =	ssyncset.done @!p3 $0x0;
	s30 =	sshll.u32 @!p2 s29, $0x7  }
0xb9: {  	[sflag:s19] =	ssyncadd.s32 @!p3 $0xFFFFCE00;
	s19 =	sadd.s32 @!p2 s24, s30  }
0xba: {  	s20 =	simm.s32 @!p2 $0x0;
	s21 =	simm.s32 @!p2 $0x800;
	s30 =	sadd.s32 @!p2 s6, s19  }
0xbb: {  	[tilespmem:s21], [sflag:$0x5] =	stream.linear.gather @!p2 [hbm4b:s30+s20], $0x400, $0x38;
	[tilespmem:$0x1B800] =	vst v63  }
0xbc: {  	s19 =	sadd.s32 @!p2 s19, s16;
	s21 =	simm.s32 @!p2 $0xC00  }
0xbd: {  	[tilespmem:s21], [sflag:$0x5] =	stream.linear.gather @!p2 [hbm4b:s19+s20], $0x400, $0x38;
	[tilespmem:$0x1B800] =	vst v63  }
0xbe: {  	s19 =	simm.s32 @!p1 $0x4  }
0xbf: {  	_ =	swait.ge @!p1 [sflag:s19], $0x3200  }
0xc0: {  	s21 =	sshll.u32 s18, $0x8;
	[sflag:s19] =	ssyncset.done @!p1 $0x0  }
0xc1: {  	[sflag:s19] =	ssyncadd.s32 @!p1 $0xFFFFCE00;
	s19 =	sor.u32 $0x80, s21  }
0xc2: {  	[tilespmem:s4], [sflag:$0x2] =	stream.indirect.gather [hbm4b:s1+s31], $0x80, s19, s31, $0xb8;
	[tilespmem:$0x1B800] =	vst v63  }
0xc3: {  	s21 =	sshll.u32 s18, $0xA;
	_ =	swait.ge [sflag:s9], $0x3200  }
0xc4: {  	p1 =	seq.s32 s18, $0x3;
	s30 =	sshrl.u32 s21, $0x2;
	[sflag:s9] =	ssyncset.done $0x0  }
.Ltmp16:
0xc5: {  	s20 =	sor.u32 $0x400, s30;
	[sflag:s9] =	ssyncadd.s32 $0xFFFFCE00;
	(pc) =	sbr.rel @!p1 .LBB2_5-.Ltmp16, $4  }
0xc6: {  	[spmem:s2] =	stream.indirect.scatter.add.f32 [tilespmem:s0], [sflag:$0x3], $0x80, s20, s31, $0xb8;
	[tilespmem:$0x1B800] =	vst v63  }
0xc7: {  	_ =	swait.ge [sflag:s10], $0x3200  }
0xc8: {  	[sflag:s10] =	ssyncset.done $0x0  }
0xc9: {  	[sflag:s10] =	ssyncadd.s32 $0xFFFFCE00  }
0xca: {  	p1 =	seq.s32 s28, $0x63  }
.Ltmp17:
0xcb: {  	_ = 	snop;
	(pc) =	sbr.rel @p1 .LBB2_9-.Ltmp17, $1  }
0xcc: {  	_ =	sdelay $0x3  }
0xcd: {  	_ =	swait.ge [sflag:s12], $0x400  }
.Ltmp18:
0xce: {  	[sflag:s12] =	ssyncset.done $0x0;
	(pc) =	sbr.rel .LBB2_8-.Ltmp18, $4  }
0xcf: {  	[sflag:s12] =	ssyncadd.s32 $0xFFFFFC00  }
0xd0: {  	_ =	swait.ge [sflag:s12], $0x400  }
0xd1: {  	[sflag:s12] =	ssyncset.done $0x0  }
0xd2: {  	s30 =	simm.s32 $0x800;
	[sflag:s12] =	ssyncadd.s32 $0xFFFFFC00  }
.LBB2_5:
0xd3: {  	s30 =	sadd.s32 $0x100, s30  }
.LBB2_8:
0xd4: {  	[tilespmem:s0], [sflag:$0x1] =	stream.indirect.gather [hbm4b:s1+s31], $0x80, s30, s31, $0xb8;
	[tilespmem:$0x1B800] =	vst v63  }
.LBB2_9:
0xd5: {  	s30 =	sand.u32 $0x4, s28  }
0xd6: {  	p1 =	seq.s32 s30, $0x0  }
.Ltmp19:
0xd7: {  	_ = 	snop;
	(pc) =	sbr.rel @p1 .LBB2_16-.Ltmp19, $4  }
0xd8: {  	_ =	swait.ge [sflag:s13], $0x3200  }
0xd9: {  	[sflag:s13] =	ssyncset.done $0x0  }
0xda: {  	s19 =	sor.u32 $0x400, s19;
	[sflag:s13] =	ssyncadd.s32 $0xFFFFCE00  }
0xdb: {  	[spmem:s2] =	stream.indirect.scatter.add.f32 [tilespmem:s4], [sflag:$0x4], $0x80, s19, s31, $0xb8;
	[tilespmem:$0x1B800] =	vst v63  }
.LBB2_10:
0xdc: {  	p1 =	seq.s32 s18, $0x0  }
0xdd: {  	p2 =	seq.s32 @p1 s28, $0x0  }
0xde: {  	p3 =	por p2, !p1  }
0xdf: {  	s19 =	sadd.s32 @!p3 $0xFFFFFFFC, s28  }
0xe0: {  	p4 =	sgt.u32 @!p3 s19, $0x5B  }
0xe1: {  	p2 =	por @p1 p4, p2  }
0xe2: {  	s19 =	simm.s32 @!p3 $0x4;
	p2 =	por p2, !p1  }
0xe3: {  	_ =	swait.ge @!p3 [sflag:s19], $0x3200;
	s20 =	sshll.u32 @!p2 s29, $0x7  }
0xe4: {  	[sflag:s19] =	ssyncset.done @!p3 $0x0;
	s20 =	sadd.s32 @!p2 s24, s20  }
0xe5: {  	[sflag:s19] =	ssyncadd.s32 @!p3 $0xFFFFCE00;
	s21 =	simm.s32 @!p2 $0x0;
	s19 =	sadd.s32 @!p2 s6, s20  }
0xe6: {  	[tilespmem:s21], [sflag:$0x5] =	stream.linear.gather @!p2 [hbm4b:s19+s21], $0x400, $0x38;
	[tilespmem:$0x1B800] =	vst v63  }
0xe7: {  	s19 =	sadd.s32 @!p2 s20, s16;
	s20 =	simm.s32 @!p2 $0x400  }
0xe8: {  	[tilespmem:s20], [sflag:$0x5] =	stream.linear.gather @!p2 [hbm4b:s19+s21], $0x400, $0x38;
	[tilespmem:$0x1B800] =	vst v63  }
0xe9: {  	s20 =	simm.s32 @!p1 $0x4  }
0xea: {  	_ =	swait.ge @!p1 [sflag:s20], $0x3200  }
0xeb: {  	s19 =	sshll.u32 s18, $0x8;
	[sflag:s20] =	ssyncset.done @!p1 $0x0  }
0xec: {  	s21 =	sor.u32 $0x880, s19;
	[sflag:s20] =	ssyncadd.s32 @!p1 $0xFFFFCE00  }
0xed: {  	[tilespmem:s4], [sflag:$0x2] =	stream.indirect.gather [hbm4b:s1+s31], $0x80, s21, s31, $0xb8;
	[tilespmem:$0x1B800] =	vst v63  }
0xee: {  	s30 =	sshll.u32 s18, $0xA;
	_ =	swait.ge [sflag:s9], $0x3200  }
0xef: {  	s29 =	sshrl.u32 s30, $0x2;
	p1 =	seq.s32 s18, $0x3;
	[sflag:s9] =	ssyncset.done $0x0  }
.Ltmp20:
0xf0: {  	s20 =	sor.u32 $0xC00, s29;
	[sflag:s9] =	ssyncadd.s32 $0xFFFFCE00;
	(pc) =	sbr.rel @!p1 .LBB2_11-.Ltmp20, $4  }
0xf1: {  	[spmem:s2] =	stream.indirect.scatter.add.f32 [tilespmem:s0], [sflag:$0x3], $0x80, s20, s31, $0xb8;
	[tilespmem:$0x1B800] =	vst v63  }
0xf2: {  	_ =	swait.ge [sflag:s10], $0x3200  }
0xf3: {  	[sflag:s10] =	ssyncset.done $0x0  }
0xf4: {  	[sflag:s10] =	ssyncadd.s32 $0xFFFFCE00  }
0xf5: {  	p1 =	seq.s32 s28, $0x63  }
.Ltmp21:
0xf6: {  	_ = 	snop;
	(pc) =	sbr.rel @p1 .LBB2_15-.Ltmp21, $1  }
0xf7: {  	_ =	sdelay $0x3  }
0xf8: {  	_ =	swait.ge [sflag:s12], $0x400  }
.Ltmp22:
0xf9: {  	[sflag:s12] =	ssyncset.done $0x0;
	(pc) =	sbr.rel .LBB2_14-.Ltmp22, $4  }
0xfa: {  	[sflag:s12] =	ssyncadd.s32 $0xFFFFFC00  }
0xfb: {  	_ =	swait.ge [sflag:s12], $0x400  }
0xfc: {  	[sflag:s12] =	ssyncset.done $0x0  }
0xfd: {  	s18 =	simm.s32 $0x0;
	[sflag:s12] =	ssyncadd.s32 $0xFFFFFC00  }
.LBB2_17:
.Ltmp23:
0xfe: {  	(pc) =	sbr.rel .LBB2_34-.Ltmp23, $2  }
0xff: {  	_ =	sdelay $0x2  }
0x100: {  	s18 =	rddreg [dreg:$0x4]  }
.LBB2_35:
0x101: {  	_ =	sfence.sel $0x180000  }
0x102: {  	[bflag:$0x0] =	sbarrier.arrive $0xFFFF  }
0x103: {  	_ =	strace $0x9000004A  }
0x104: {  	s0 =	stileid.u32;
	[bflag:$0x2] =	sbarrier.arrive $0xFFFF  }
0x105: {  	p0 =	sne.s32 s0, $0x0;
	s0 =	rddreg [dreg:$0x3]  }
0x106: {  	s0 =	sadd.s32 @!p0 $0x100000, s0  }
0x107: {  	[sflag:s0] =	ssyncadd.tile.s32 @!p0 $0x1;
	_ =	shalt  }
.Lfunc_end2:
_tile_overlayer_lowered:
.L_overlay_start_2:
0x108: {  	(tag) =	ssettag $0x2  }
0x109: {  	s0 =	rddreg [dreg:$0x0];
	s2 =	stileid.u32  }
0x10a: {  	s1 =	rddreg [dreg:$0x1];
	p0 =	sne.s32 s2, $0x0  }
0x10b: {  	s3 =	rddreg [dreg:$0x2];
	[bflag:$0x3] =	sbarrier.arrive $0xFFFF;
	s2 =	simm.s32 @!p0 $0x1C06  }
0x10c: {  	[timem:s3], [sflag:s2] =	dma.local @!p0 [hbm:s0], s1  }
0x10d: {  	s0 =	simm.s32 @!p0 $0x6  }
0x10e: {  	_ =	swait.ge @!p0 [sflag:s0], s1  }
0x10f: {  	s1 =	ssub.s32 @!p0 $0x0, s1;
	[sflag:s0] =	ssyncset.done @!p0 $0x0  }
0x110: {  	[sflag:s0] =	ssyncadd.s32 @!p0 s1  }
0x111: {  	[bflag:$0x3] =	sbarrier.arrive $0xFFFF  }
0x112: {  	_ =	shalt  }

</sc_bundles>
